<compile_context>
chip_gen: v7x
topology: tpu7x:2x2x1
jax: 0.10.2.dev20260603
libtpu: 0.0.44.dev20260713+nightly
codegen_flags: <defaults>
</compile_context>

<pallas_src>
import functools

import jax
import jax.numpy as jnp
import numpy as np
from jax import lax
from jax.experimental import pallas as pl
from jax.experimental.pallas import tpu as pltpu
from jax.experimental.pallas import tpu_sc as plsc

NWAVE = 8
NANG = 9
NORB = 32
CUTOFF = 4.0

NT = 10240
W = 128
EP = 163840
NWORK = 32
CPW = EP // (NWORK * 128)
RPS = NT // 16
PW = 80

_SPH0 = 0.28209479177387814
_SPH1 = 0.4886025119029199
_SPH2 = 1.0925484305920792
_SPH3 = 0.31539156525252005
_SPH4 = 0.5462742152960396

def _lane_iota(shape, dim):
    return lax.broadcasted_iota(jnp.int32, shape, dim)


def _spread_mask(k):
    l = _lane_iota((1, 128), 1)
    return ((l >= k * 8) & (l < k * 8 + 8)).astype(jnp.float32)


def _tile_mat():
    l = _lane_iota((NWAVE, 128), 1)
    r = _lane_iota((NWAVE, 128), 0)
    return ((l % 8 == r) & (l < 72)).astype(jnp.float32)


def _co_mask():
    return (_lane_iota((1, 128), 1) < 72).astype(jnp.float32)



def _sc_mesh():
    return plsc.VectorSubcoreMesh(core_axis_name="c", subcore_axis_name="s")


def _sc_gather(table, idx2d):

    @functools.partial(
        pl.kernel,
        out_type=jax.ShapeDtypeStruct((EP, W), jnp.float32),
        mesh=_sc_mesh(),
        scratch_types=[
            pltpu.VMEM((CPW, 128), jnp.int32),
            pltpu.VMEM((128, W), jnp.float32),
            pltpu.VMEM((128, W), jnp.float32),
            pltpu.SemaphoreType.DMA,
            pltpu.SemaphoreType.DMA,
        ],
    )
    def k(table_hbm, idx_hbm, out_hbm, idx_v, buf0, buf1, sem0, sem1):
        c = lax.axis_index("c")
        s = lax.axis_index("s")
        wid = s * 2 + c
        base = wid * CPW
        pltpu.sync_copy(idx_hbm.at[pl.ds(base, CPW)], idx_v)

        def start(i, buf, sem):
            pltpu.async_copy(table_hbm.at[idx_v.at[i]], buf, sem)

        def drain(i, buf, sem):
            pltpu.make_async_copy(table_hbm.at[idx_v.at[i]], buf, sem).wait()
            pltpu.sync_copy(buf, out_hbm.at[pl.ds((base + i) * 128, 128)])

        start(0, buf0, sem0)

        def pair(j, _):
            i = 2 * j
            start(i + 1, buf1, sem1)
            drain(i, buf0, sem0)

            @pl.when(i + 2 < CPW)
            def _():
                start(i + 2, buf0, sem0)

            drain(i + 1, buf1, sem1)
            return 0

        lax.fori_loop(0, CPW // 2, pair, 0)

    return k(table, idx2d)


def _sc_warm(x):

    @functools.partial(
        pl.kernel,
        out_type=jax.ShapeDtypeStruct((8, W), jnp.float32),
        mesh=_sc_mesh(),
        scratch_types=[
            pltpu.VMEM((8, W), jnp.float32),
            pltpu.SemaphoreType.DMA,
        ],
    )
    def k(x_hbm, out_hbm, buf, sem):
        c = lax.axis_index("c")
        s = lax.axis_index("s")

        @pl.when((c == 0) & (s == 0))
        def _():
            pltpu.async_copy(x_hbm, buf, sem).wait()
            pltpu.sync_copy(buf, out_hbm)

    return k(x)


def _sc_gather2(table, idx2d_a, idx2d_b):

    @functools.partial(
        pl.kernel,
        out_type=(jax.ShapeDtypeStruct((EP, W), jnp.float32),
                  jax.ShapeDtypeStruct((EP, W), jnp.float32)),
        mesh=_sc_mesh(),
        scratch_types=[
            pltpu.VMEM((CPW, 128), jnp.int32),
            pltpu.VMEM((CPW, 128), jnp.int32),
            pltpu.VMEM((128, W), jnp.float32),
            pltpu.VMEM((128, W), jnp.float32),
            pltpu.SemaphoreType.DMA,
            pltpu.SemaphoreType.DMA,
        ],
    )
    def k(table_hbm, ia_hbm, ib_hbm, outa_hbm, outb_hbm, ia_v, ib_v,
          buf0, buf1, sem0, sem1):
        c = lax.axis_index("c")
        s = lax.axis_index("s")
        wid = s * 2 + c
        base = wid * CPW
        pltpu.sync_copy(ia_hbm.at[pl.ds(base, CPW)], ia_v)
        pltpu.sync_copy(ib_hbm.at[pl.ds(base, CPW)], ib_v)

        def start(i, iv, buf, sem):
            pltpu.async_copy(table_hbm.at[iv.at[i]], buf, sem)

        def drain(i, iv, out, buf, sem):
            pltpu.make_async_copy(table_hbm.at[iv.at[i]], buf, sem).wait()
            pltpu.sync_copy(buf, out.at[pl.ds((base + i) * 128, 128)])

        start(0, ia_v, buf0, sem0)

        def body(i, _):
            start(i, ib_v, buf1, sem1)
            drain(i, ia_v, outa_hbm, buf0, sem0)

            @pl.when(i + 1 < CPW)
            def _():
                start(i + 1, ia_v, buf0, sem0)

            drain(i, ib_v, outb_hbm, buf1, sem1)
            return 0

        lax.fori_loop(0, CPW, body, 0)

    return k(table, idx2d_a, idx2d_b)


def _sc_scatter(payload, idx2d):

    @functools.partial(
        pl.kernel,
        out_type=jax.ShapeDtypeStruct((2, NT, W), jnp.float32),
        mesh=_sc_mesh(),
        scratch_types=[
            pltpu.VMEM_SHARED((NT, W), jnp.float32),
            pltpu.VMEM((CPW, 128), jnp.int32),
            pltpu.VMEM((128, W), jnp.float32),
            pltpu.VMEM((128, W), jnp.float32),
            pltpu.SemaphoreType.DMA,
            pltpu.SemaphoreType.DMA,
            pltpu.SemaphoreType.DMA,
            pltpu.SemaphoreType.DMA,
        ],
    )
    def k(p_hbm, idx_hbm, d_hbm, shared, idx_v, buf0, buf1, sem0, sem1,
          ssem0, ssem1):
        c = lax.axis_index("c")
        s = lax.axis_index("s")
        wid = s * 2 + c
        base = wid * CPW

        def zrow(r, _):
            for s16 in range(W // 16):
                buf0[r, pl.ds(s16 * 16, 16)] = jnp.zeros((16,), jnp.float32)
            return 0

        lax.fori_loop(0, 128, zrow, 0)

        def zchunk(i, _):
            pltpu.sync_copy(buf0, shared.at[pl.ds(s * RPS + i * 128, 128)])
            return 0

        lax.fori_loop(0, RPS // 128, zchunk, 0)
        pltpu.sync_copy(idx_hbm.at[pl.ds(base, CPW)], idx_v)
        plsc.subcore_barrier()

        def start(i, buf, sem):
            pltpu.async_copy(p_hbm.at[pl.ds((base + i) * 128, 128)], buf, sem)

        def sc_start(i, buf, ssem):
            pltpu.async_copy(buf, shared.at[idx_v.at[i]], ssem, add=True)

        def sc_wait(i, buf, ssem):
            pltpu.make_async_copy(buf, shared.at[idx_v.at[i]], ssem).wait()

        start(0, buf0, sem0)

        def pair(j, _):
            i = 2 * j
            pltpu.make_async_copy(
                p_hbm.at[pl.ds((base + i) * 128, 128)], buf0, sem0).wait()

            @pl.when(j > 0)
            def _():
                sc_wait(i - 1, buf1, ssem1)

            start(i + 1, buf1, sem1)
            sc_start(i, buf0, ssem0)
            pltpu.make_async_copy(
                p_hbm.at[pl.ds((base + i + 1) * 128, 128)], buf1, sem1).wait()
            sc_wait(i, buf0, ssem0)

            @pl.when(i + 2 < CPW)
            def _():
                start(i + 2, buf0, sem0)

            sc_start(i + 1, buf1, ssem1)
            return 0

        lax.fori_loop(0, CPW // 2, pair, 0)
        sc_wait(CPW - 1, buf1, ssem1)
        plsc.subcore_barrier()

        pltpu.sync_copy(shared.at[pl.ds(s * RPS, RPS)], d_hbm.at[c, pl.ds(s * RPS, RPS)])

    return k(payload, idx2d)



def _layernorm(h):
    m = jnp.mean(h, axis=-1, keepdims=True)
    v = jnp.mean((h - m) * (h - m), axis=-1, keepdims=True)
    return (h - m) / jnp.sqrt(v + 1e-5)


def _silu(x):
    return x * jax.nn.sigmoid(x)


def _full_spec(shape):
    nd = len(shape)
    return pl.BlockSpec(shape, lambda i, _nd=nd: (0,) * _nd)



def _node_table(species_p, cart_p, emb_ws):
    BN = 2048
    grid = NT // BN

    def body(sp_ref, cart_ref, *rest):
        wrefs = rest[:-1]
        out_ref = rest[-1]
        sp = sp_ref[...]

        outs = []
        for m in range(3):
            w1, b1, w2, b2, wo, bo = wrefs[m * 6:(m + 1) * 6]
            h = sp * w1[...] + b1[...]
            h = _silu(_layernorm(h))
            h = jnp.dot(h, w2[...], preferred_element_type=jnp.float32) + b2[...]
            h = _silu(_layernorm(h))
            h = jnp.dot(h, wo[...], preferred_element_type=jnp.float32) + bo[...]
            outs.append(h)

        blk = jnp.concatenate(
            [cart_ref[...][:, 0:3], outs[0], outs[1], outs[2],
             jnp.zeros((BN, W - 27), jnp.float32)], axis=1)
        out_ref[...] = blk

    in_specs = [
        pl.BlockSpec((BN, 1), lambda i: (i, 0)),
        pl.BlockSpec((BN, 4), lambda i: (i, 0)),
    ] + [_full_spec(w.shape) for w in emb_ws]
    return pl.pallas_call(
        body,
        grid=(grid,),
        in_specs=in_specs,
        out_specs=pl.BlockSpec((BN, W), lambda i: (i, 0)),
        out_shape=jax.ShapeDtypeStruct((NT, W), jnp.float32),
    )(species_p, cart_p, *emb_ws)



def _stage_shifts(shifts):
    BE = 1280
    grid = EP // BE
    nsb = (160000 // BE) - 1

    def body(sh_ref, out_ref):
        sh = sh_ref[...]
        out_ref[...] = jnp.concatenate(
            [sh, jnp.zeros((BE, 1), jnp.float32)], axis=1)

    return pl.pallas_call(
        body,
        grid=(grid,),
        in_specs=[pl.BlockSpec((BE, 3), lambda i: (jnp.minimum(i, nsb), 0))],
        out_specs=pl.BlockSpec((BE, 4), lambda i: (i, 0)),
        out_shape=jax.ShapeDtypeStruct((EP, 4), jnp.float32),
    )(shifts)



def _edge_features(g0, g1, shifts_p, nf_p):
    BE = 2048
    grid = EP // BE

    def body(g0_ref, g1_ref, sh_ref, nf_ref, orb_ref, ef_ref):
        a0 = g0_ref[...]
        a1 = g1_ref[...]
        sh = sh_ref[...]
        nf = nf_ref[...]

        dv = a1[:, 0:3] - a0[:, 0:3] + sh[:, 0:3]
        x = dv[:, 0:1]
        y = dv[:, 1:2]
        z = dv[:, 2:3]
        r2 = x * x + y * y + z * z
        d = jnp.sqrt(r2)

        cc0 = a0[:, 3:11]
        cc1 = a1[:, 3:11]
        al = a1[:, 11:19]
        rs = a1[:, 19:27]

        t = 0.5 * jnp.cos(d * (np.pi / CUTOFF)) + 0.5
        cut = nf * t * t
        g = al * (d - rs)
        rad2 = cut * jnp.exp(-g * g) * cc0 * cc1

        sph = [
            jnp.full_like(x, _SPH0),
            _SPH1 * y,
            _SPH1 * z,
            _SPH1 * x,
            _SPH2 * x * y,
            _SPH2 * y * z,
            _SPH3 * (3.0 * z * z - r2),
            _SPH2 * x * z,
            _SPH4 * (x * x - y * y),
        ]
        spread = jnp.zeros((BE, W), jnp.float32)
        for k in range(NANG):
            spread = spread + sph[k] * _spread_mask(k)
        rad_tile = jnp.dot(rad2, _tile_mat(), preferred_element_type=jnp.float32)
        orb_ref[...] = spread * rad_tile
        ef_ref[...] = jnp.concatenate(
            [cc0, cut, jnp.zeros((BE, 7), jnp.float32)], axis=1)

    return pl.pallas_call(
        body,
        grid=(grid,),
        in_specs=[
            pl.BlockSpec((BE, W), lambda i: (i, 0)),
            pl.BlockSpec((BE, W), lambda i: (i, 0)),
            pl.BlockSpec((BE, 4), lambda i: (i, 0)),
            pl.BlockSpec((BE, 1), lambda i: (i, 0)),
        ],
        out_specs=[
            pl.BlockSpec((BE, W), lambda i: (i, 0)),
            pl.BlockSpec((BE, 16), lambda i: (i, 0)),
        ],
        out_shape=[
            jax.ShapeDtypeStruct((EP, W), jnp.float32),
            jax.ShapeDtypeStruct((EP, 16), jnp.float32),
        ],
    )(g0, g1, shifts_p, nf_p)



def _payload(u_rows, orb, ef):
    BE = 2048
    grid = EP // BE

    def body(u_ref, orb_ref, ef_ref, p_ref):
        u = u_ref[...]
        o = orb_ref[...]
        e = ef_ref[...]
        wv = u[:, 72:80] * e[:, 0:8]
        cut = e[:, 8:9]
        wt = jnp.dot(wv, _tile_mat(), preferred_element_type=jnp.float32)
        p_ref[...] = wt * o + cut * (u * _co_mask())

    return pl.pallas_call(
        body,
        grid=(grid,),
        in_specs=[
            pl.BlockSpec((BE, W), lambda i: (i, 0)),
            pl.BlockSpec((BE, W), lambda i: (i, 0)),
            pl.BlockSpec((BE, 16), lambda i: (i, 0)),
        ],
        out_specs=pl.BlockSpec((BE, W), lambda i: (i, 0)),
        out_shape=jax.ShapeDtypeStruct((EP, W), jnp.float32),
    )(u_rows, orb, ef)



def _mlp_block(h, w1, b1, w2, b2, wo, bo):
    h = jnp.dot(h, w1[...], preferred_element_type=jnp.float32) + b1[...]
    h = _silu(_layernorm(h))
    h = jnp.dot(h, w2[...], preferred_element_type=jnp.float32) + b2[...]
    h = _silu(_layernorm(h))
    return jnp.dot(h, wo[...], preferred_element_type=jnp.float32) + bo[...]


def _update(d, u_prev, dens_prev, cc, mlp_ws):
    BN = 1024
    grid = NT // BN

    def body(d_ref, up_ref, dp_ref, cc_ref, w1, b1, w2, b2, wo, bo,
             u_ref, dens_ref):
        dd = d_ref[...]
        co = up_ref[...][:, 0:72] + dd[0, :, 0:72] + dd[1, :, 0:72]
        ccm = cc_ref[...]
        acc = jnp.zeros((BN, NORB), jnp.float32)
        for k in range(NANG):
            ck = jnp.dot(co[:, k * 8:(k + 1) * 8], ccm,
                         preferred_element_type=jnp.float32)
            acc = acc + ck * ck
        dens = dp_ref[...] + acc
        itc = _mlp_block(dens, w1, b1, w2, b2, wo, bo)
        u_ref[...] = jnp.concatenate(
            [co, itc, jnp.zeros((BN, W - 80), jnp.float32)], axis=1)
        dens_ref[...] = dens

    in_specs = [
        pl.BlockSpec((2, BN, W), lambda i: (0, i, 0)),
        pl.BlockSpec((BN, W), lambda i: (i, 0)),
        pl.BlockSpec((BN, NORB), lambda i: (i, 0)),
        _full_spec(cc.shape),
    ] + [_full_spec(w.shape) for w in mlp_ws]
    return pl.pallas_call(
        body,
        grid=(grid,),
        in_specs=in_specs,
        out_specs=[
            pl.BlockSpec((BN, W), lambda i: (i, 0)),
            pl.BlockSpec((BN, NORB), lambda i: (i, 0)),
        ],
        out_shape=[
            jax.ShapeDtypeStruct((NT, W), jnp.float32),
            jax.ShapeDtypeStruct((NT, NORB), jnp.float32),
        ],
    )(d, u_prev, dens_prev, cc, *mlp_ws)



def _final(d, u_prev, dens_prev, cc, out_ws, cf_p):
    BN = 1024
    grid = NT // BN

    def body(d_ref, up_ref, dp_ref, cc_ref, w1, b1, w2, b2, wo, bo, cf_ref,
             e_ref):
        dd = d_ref[...]
        co = up_ref[...][:, 0:72] + dd[0, :, 0:72] + dd[1, :, 0:72]
        ccm = cc_ref[...]
        acc = jnp.zeros((BN, NORB), jnp.float32)
        for k in range(NANG):
            ck = jnp.dot(co[:, k * 8:(k + 1) * 8], ccm,
                         preferred_element_type=jnp.float32)
            acc = acc + ck * ck
        dens = dp_ref[...] + acc
        out = _mlp_block(dens, w1, b1, w2, b2, wo, bo)
        part = jnp.sum(out * cf_ref[...])

        @pl.when(pl.program_id(0) == 0)
        def _():
            e_ref[...] = jnp.zeros((1, 1), jnp.float32)

        e_ref[...] = e_ref[...] + part

    in_specs = [
        pl.BlockSpec((2, BN, W), lambda i: (0, i, 0)),
        pl.BlockSpec((BN, W), lambda i: (i, 0)),
        pl.BlockSpec((BN, NORB), lambda i: (i, 0)),
        _full_spec(cc.shape),
    ] + [_full_spec(w.shape) for w in out_ws] + [
        pl.BlockSpec((BN, 1), lambda i: (i, 0)),
    ]
    return pl.pallas_call(
        body,
        grid=(grid,),
        in_specs=in_specs,
        out_specs=pl.BlockSpec((1, 1), lambda i: (0, 0)),
        out_shape=jax.ShapeDtypeStruct((1, 1), jnp.float32),
    )(d, u_prev, dens_prev, cc, *out_ws, cf_p)



def _flat_mlp(p):
    (w1, b1), (w2, b2) = p["hidden"]
    return [w1, b1.reshape(1, -1), w2, b2.reshape(1, -1),
            p["Wout"], p["bout"].reshape(1, -1)]


def kernel(cart, neighlist, shifts, center_factor, neigh_factor, species, params):
    n = cart.shape[0]
    e = neighlist.shape[1]
    pad_e = EP - e
    pad_n = NT - n

    nl0 = neighlist[0].astype(jnp.int32)
    nl1 = neighlist[1].astype(jnp.int32)
    idx0 = jnp.concatenate([nl0, jnp.full((pad_e,), n, jnp.int32)]
                           ).reshape(EP // 128, 128)
    idx1 = jnp.concatenate([nl1, jnp.full((pad_e,), n, jnp.int32)]
                           ).reshape(EP // 128, 128)
    nf_p = jnp.pad(neigh_factor, (0, pad_e)).reshape(EP, 1)
    species_p = jnp.pad(species, ((0, pad_n), (0, 0)))
    cart_p = jnp.pad(cart, ((0, pad_n), (0, 1)))
    cf_p = jnp.pad(center_factor, (0, pad_n)).reshape(NT, 1)

    emb_ws = (_flat_mlp(params["embnn"]) + _flat_mlp(params["embalphann"])
              + _flat_mlp(params["embrsnn"]))
    cc = params["contracted_coeff"]

    warm = _sc_warm(jnp.zeros((8, W), jnp.float32))
    shifts_p = _stage_shifts(shifts)
    tbl = _node_table(species_p, cart_p, emb_ws)
    g0, g1 = _sc_gather2(tbl, idx0, idx1)
    orb, ef = _edge_features(g0, g1, shifts_p, nf_p)

    d = _sc_scatter(orb, idx0)
    zeros_u = jnp.zeros((NT, W), jnp.float32)
    zeros_d = jnp.zeros((NT, NORB), jnp.float32)
    u, dens = _update(d, zeros_u, zeros_d, cc, _flat_mlp(params["iters"][0]))

    for t in (1, 2):
        u_rows = _sc_gather(u, idx1)
        p = _payload(u_rows, orb, ef)
        d = _sc_scatter(p, idx0)
        u, dens = _update(d, u, dens, cc, _flat_mlp(params["iters"][t]))

    u_rows = _sc_gather(u, idx1)
    p = _payload(u_rows, orb, ef)
    d = _sc_scatter(p, idx0)
    energy = _final(d, u, dens, cc, _flat_mlp(params["outnn"]), cf_p)
    return energy[0, 0] + jnp.sum(warm) * jnp.float32(1e-38)

# --- scband reference (transcript-rebuilt; emitter-appended) ---
"""Pipeline reference for scband-mpnn-91027536871870 (READ-ONLY COPY).

The authoritative reference and input builder live on the scoring server;
editing this copy changes nothing except your own understanding.
"""

import jax, jax.numpy as jnp
import numpy as np

N = 10000
E = 160000
NWAVE = 8
MAXL = 2
NANG = (MAXL + 1) ** 2
NORB = 32
CUTOFF = 4.0
INITPOT = 0.0
ITER_LOOP = 3


def _xavier(key, shape):
    lim = np.sqrt(6.0 / (shape[0] + shape[1]))
    return jax.random.uniform(key, shape, jnp.float32, -lim, lim)


def _make_mlp(key, nl, outdim, initbias):
    ks = jax.random.split(key, len(nl))
    hidden = []
    for i in range(len(nl) - 1):
        W = _xavier(ks[i], (nl[i], nl[i + 1]))
        b = jnp.zeros((nl[i + 1],), jnp.float32)
        hidden.append((W, b))
    Wout = _xavier(ks[-1], (nl[-1], outdim))
    bout = jnp.broadcast_to(jnp.asarray(initbias, jnp.float32), (outdim,))
    return {"hidden": hidden, "Wout": Wout, "bout": bout}


def _layernorm(h):
    m = jnp.mean(h, axis=-1, keepdims=True)
    v = jnp.var(h, axis=-1, keepdims=True)
    return (h - m) / jnp.sqrt(v + 1e-5)


def _mlp_apply(params, x):
    h = x
    for W, b in params["hidden"]:
        h = h @ W + b
        h = _layernorm(h)
        h = jax.nn.silu(h)
    return h @ params["Wout"] + params["bout"]


def _sph_cal(v):
    x, y, z = v[0], v[1], v[2]
    r2 = x * x + y * y + z * z
    return jnp.stack([
        jnp.full_like(x, 0.28209479177387814),
        0.4886025119029199 * y,
        0.4886025119029199 * z,
        0.4886025119029199 * x,
        1.0925484305920792 * x * y,
        1.0925484305920792 * y * z,
        0.31539156525252005 * (3.0 * z * z - r2),
        1.0925484305920792 * x * z,
        0.5462742152960396 * (x * x - y * y),
    ])


def _cutoff_cosine(d):
    t = 0.5 * jnp.cos(d * (np.pi / CUTOFF)) + 0.5
    return t * t


def setup_inputs(seed: int = 0):
    key = jax.random.key(seed)
    ks = jax.random.split(key, 16)
    cart = jax.random.uniform(ks[0], (N, 3), jnp.float32)
    neighlist = jax.random.randint(ks[1], (2, E), 0, N)
    shifts = jax.random.normal(ks[2], (E, 3), jnp.float32)
    center_factor = jnp.ones((N,), jnp.float32)
    neigh_factor = jnp.ones((E,), jnp.float32)
    species = jax.random.uniform(ks[3], (N, 1), jnp.float32)
    alpha0 = jax.random.uniform(ks[4], (NWAVE,), jnp.float32) + 0.2
    rs0 = jax.random.uniform(ks[5], (NWAVE,), jnp.float32) * CUTOFF
    params = {
        "contracted_coeff": _xavier(ks[6], (NWAVE, NORB)),
        "embnn": _make_mlp(ks[7], [1, 8, 8], NWAVE, 1.0),
        "embrsnn": _make_mlp(ks[8], [1, 8, 8], NWAVE, rs0),
        "embalphann": _make_mlp(ks[9], [1, 8, 8], NWAVE, alpha0),
        "iters": [_make_mlp(ks[10 + i], [NORB, 64, 64], NWAVE, 0.0) for i in range(ITER_LOOP)],
        "outnn": _make_mlp(ks[13], [NORB, 64, 64], 1, INITPOT),
    }
    return {"cart": cart, "neighlist": neighlist, "shifts": shifts, "center_factor": center_factor, "neigh_factor": neigh_factor, "species": species, "params": params}


def reference(cart, neighlist, shifts, center_factor, neigh_factor, species, params):
    nl0 = neighlist[0]
    nl1 = neighlist[1]
    distvec = cart[nl1] - cart[nl0] + shifts
    distances = jnp.linalg.norm(distvec, axis=1)
    distvec_t = distvec.T
    center_coeff = _mlp_apply(params["embnn"], species)
    full_center_list = center_coeff[nl0]
    neigh_coeff = full_center_list * center_coeff[nl1]
    alpha = _mlp_apply(params["embalphann"], species)[nl1]
    rs = _mlp_apply(params["embrsnn"], species)[nl1]
    cut_distances = neigh_factor * _cutoff_cosine(distances)
    radial_func = cut_distances[:, None] * jnp.exp(-jnp.square(alpha * (distances[:, None] - rs)))
    sph = _sph_cal(distvec_t)
    orbital = jnp.einsum("ij,ij,ki->ikj", radial_func, neigh_coeff, sph)
    center_orbital = jnp.zeros((cart.shape[0], NANG, NWAVE), cart.dtype).at[nl0].add(orbital)
    cc = params["contracted_coeff"]
    contracted = jnp.einsum("ikj,jm->ikm", center_orbital, cc)
    density = jnp.einsum("ikm,ikm->im", contracted, contracted)
    for mp in params["iters"]:
        iter_coeff = _mlp_apply(mp, density)[nl1] * full_center_list
        weight_orbital = iter_coeff[:, None, :] * orbital + center_orbital[nl1] * cut_distances[:, None, None]
        center_orbital = center_orbital.at[nl0].add(weight_orbital)
        contracted = jnp.einsum("ikj,jm->ikm", center_orbital, cc)
        density = density + jnp.einsum("ikm,ikm->im", contracted, contracted)
    output = _mlp_apply(params["outnn"], density)
    energy = jnp.einsum("ij,i->", output, center_factor)
    return energy

if __name__ == "__main__":
    import jax
    _d = setup_inputs()
    print(jax.jit(kernel)(*tuple(_d.values())))

</pallas_src>

<mosaic_0001>
#map = affine_map<(d0, d1) -> (0, 0)>
#map1 = affine_map<(d0, d1) -> (0, 0, 0)>
module attributes {stable_mosaic.version = 14 : i64} {
  func.func @k(%arg0: i32, %arg1: i32, %arg2: memref<163840x128xf32, #tpu.memory_space<hbm>>, %arg3: memref<1280x128xi32, #tpu.memory_space<hbm>>, %arg4: memref<2x10240x128xf32, #tpu.memory_space<hbm>>, %arg5: memref<10240x128xf32, #tpu.memory_space<vmem_shared>>, %arg6: memref<40x128xi32, #tpu.memory_space<vmem>>, %arg7: memref<128x128xf32, #tpu.memory_space<vmem>>, %arg8: memref<128x128xf32, #tpu.memory_space<vmem>>, %arg9: memref<!tpu.dma_semaphore, #tpu.memory_space<semaphore_mem>>, %arg10: memref<!tpu.dma_semaphore, #tpu.memory_space<semaphore_mem>>, %arg11: memref<!tpu.dma_semaphore, #tpu.memory_space<semaphore_mem>>, %arg12: memref<!tpu.dma_semaphore, #tpu.memory_space<semaphore_mem>>) attributes {dimension_semantics = [#tpu.dimension_semantics<core_parallel>, #tpu.dimension_semantics<subcore_parallel>], iteration_bounds = array<i64: 2, 16>, scalar_prefetch = 0 : i64, scratch_operands = 8 : i64, tpu.core_type = #tpu.core_type<sc_vector_subcore>, window_params = [{transform_indices = #map}, {transform_indices = #map}, {transform_indices = #map1}]} {
    %mul3A = arith.constant 2 : i32
    %mul3A_0 = arith.muli %arg1, %mul3A : i32
    %add3A = arith.addi %mul3A_0, %arg0 : i32
    %mul3A_1 = arith.constant 40 : i32
    %mul3A_2 = arith.muli %add3A, %mul3A_1 : i32
    %scan3A = arith.constant 0 : i32
    %scan3A_3 = arith.constant 0 : i32
    %scan3A_4 = arith.constant 128 : i32
    %scan3A_5 = arith.addi %scan3A_3, %scan3A_4 : i32
    %scan3A_6 = arith.constant 1 : i32
    %scan3A_7 = scf.for %scan3A_41 = %scan3A_3 to %scan3A_5 step %scan3A_6 iter_args(%scan3A_42 = %scan3A) -> (i32)  : i32 {
      %broadcast_in_dim3A = arith.constant 0.000000e+00 : f32
      %broadcast_in_dim3A_43 = vector.broadcast %broadcast_in_dim3A : f32 to vector<16xf32>
      %swap3A = arith.index_cast %scan3A_41 : i32 to index
      %swap3A_44 = arith.constant 0 : index
      %swap3A_45 = tpu.vector_load %arg7[%swap3A, %swap3A_44] {strides = array<i32>} : memref<128x128xf32, #tpu.memory_space<vmem>>, vector<1x16xf32>,
      %swap3A_46 = vector.shape_cast %swap3A_45 : vector<1x16xf32> to vector<16xf32>
      %swap3A_47 = vector.shape_cast %broadcast_in_dim3A_43 : vector<16xf32> to vector<1x16xf32>
      tpu.vector_store %arg7[%swap3A, %swap3A_44], %swap3A_47 {strides = array<i32>} : memref<128x128xf32, #tpu.memory_space<vmem>>, vector<1x16xf32>,
      %broadcast_in_dim3A_48 = arith.constant 0.000000e+00 : f32
      %broadcast_in_dim3A_49 = vector.broadcast %broadcast_in_dim3A_48 : f32 to vector<16xf32>
      %swap3A_50 = arith.index_cast %scan3A_41 : i32 to index
      %swap3A_51 = arith.constant 16 : index
      %swap3A_52 = tpu.vector_load %arg7[%swap3A_50, %swap3A_51] {strides = array<i32>} : memref<128x128xf32, #tpu.memory_space<vmem>>, vector<1x16xf32>,
      %swap3A_53 = vector.shape_cast %swap3A_52 : vector<1x16xf32> to vector<16xf32>
      %swap3A_54 = vector.shape_cast %broadcast_in_dim3A_49 : vector<16xf32> to vector<1x16xf32>
      tpu.vector_store %arg7[%swap3A_50, %swap3A_51], %swap3A_54 {strides = array<i32>} : memref<128x128xf32, #tpu.memory_space<vmem>>, vector<1x16xf32>,
      %broadcast_in_dim3A_55 = arith.constant 0.000000e+00 : f32
      %broadcast_in_dim3A_56 = vector.broadcast %broadcast_in_dim3A_55 : f32 to vector<16xf32>
      %swap3A_57 = arith.index_cast %scan3A_41 : i32 to index
      %swap3A_58 = arith.constant 32 : index
      %swap3A_59 = tpu.vector_load %arg7[%swap3A_57, %swap3A_58] {strides = array<i32>} : memref<128x128xf32, #tpu.memory_space<vmem>>, vector<1x16xf32>,
      %swap3A_60 = vector.shape_cast %swap3A_59 : vector<1x16xf32> to vector<16xf32>
      %swap3A_61 = vector.shape_cast %broadcast_in_dim3A_56 : vector<16xf32> to vector<1x16xf32>
      tpu.vector_store %arg7[%swap3A_57, %swap3A_58], %swap3A_61 {strides = array<i32>} : memref<128x128xf32, #tpu.memory_space<vmem>>, vector<1x16xf32>,
      %broadcast_in_dim3A_62 = arith.constant 0.000000e+00 : f32
      %broadcast_in_dim3A_63 = vector.broadcast %broadcast_in_dim3A_62 : f32 to vector<16xf32>
      %swap3A_64 = arith.index_cast %scan3A_41 : i32 to index
      %swap3A_65 = arith.constant 48 : index
      %swap3A_66 = tpu.vector_load %arg7[%swap3A_64, %swap3A_65] {strides = array<i32>} : memref<128x128xf32, #tpu.memory_space<vmem>>, vector<1x16xf32>,
      %swap3A_67 = vector.shape_cast %swap3A_66 : vector<1x16xf32> to vector<16xf32>
      %swap3A_68 = vector.shape_cast %broadcast_in_dim3A_63 : vector<16xf32> to vector<1x16xf32>
      tpu.vector_store %arg7[%swap3A_64, %swap3A_65], %swap3A_68 {strides = array<i32>} : memref<128x128xf32, #tpu.memory_space<vmem>>, vector<1x16xf32>,
      %broadcast_in_dim3A_69 = arith.constant 0.000000e+00 : f32
      %broadcast_in_dim3A_70 = vector.broadcast %broadcast_in_dim3A_69 : f32 to vector<16xf32>
      %swap3A_71 = arith.index_cast %scan3A_41 : i32 to index
      %swap3A_72 = arith.constant 64 : index
      %swap3A_73 = tpu.vector_load %arg7[%swap3A_71, %swap3A_72] {strides = array<i32>} : memref<128x128xf32, #tpu.memory_space<vmem>>, vector<1x16xf32>,
      %swap3A_74 = vector.shape_cast %swap3A_73 : vector<1x16xf32> to vector<16xf32>
      %swap3A_75 = vector.shape_cast %broadcast_in_dim3A_70 : vector<16xf32> to vector<1x16xf32>
      tpu.vector_store %arg7[%swap3A_71, %swap3A_72], %swap3A_75 {strides = array<i32>} : memref<128x128xf32, #tpu.memory_space<vmem>>, vector<1x16xf32>,
      %broadcast_in_dim3A_76 = arith.constant 0.000000e+00 : f32
      %broadcast_in_dim3A_77 = vector.broadcast %broadcast_in_dim3A_76 : f32 to vector<16xf32>
      %swap3A_78 = arith.index_cast %scan3A_41 : i32 to index
      %swap3A_79 = arith.constant 80 : index
      %swap3A_80 = tpu.vector_load %arg7[%swap3A_78, %swap3A_79] {strides = array<i32>} : memref<128x128xf32, #tpu.memory_space<vmem>>, vector<1x16xf32>,
      %swap3A_81 = vector.shape_cast %swap3A_80 : vector<1x16xf32> to vector<16xf32>
      %swap3A_82 = vector.shape_cast %broadcast_in_dim3A_77 : vector<16xf32> to vector<1x16xf32>
      tpu.vector_store %arg7[%swap3A_78, %swap3A_79], %swap3A_82 {strides = array<i32>} : memref<128x128xf32, #tpu.memory_space<vmem>>, vector<1x16xf32>,
      %broadcast_in_dim3A_83 = arith.constant 0.000000e+00 : f32
      %broadcast_in_dim3A_84 = vector.broadcast %broadcast_in_dim3A_83 : f32 to vector<16xf32>
      %swap3A_85 = arith.index_cast %scan3A_41 : i32 to index
      %swap3A_86 = arith.constant 96 : index
      %swap3A_87 = tpu.vector_load %arg7[%swap3A_85, %swap3A_86] {strides = array<i32>} : memref<128x128xf32, #tpu.memory_space<vmem>>, vector<1x16xf32>,
      %swap3A_88 = vector.shape_cast %swap3A_87 : vector<1x16xf32> to vector<16xf32>
      %swap3A_89 = vector.shape_cast %broadcast_in_dim3A_84 : vector<16xf32> to vector<1x16xf32>
      tpu.vector_store %arg7[%swap3A_85, %swap3A_86], %swap3A_89 {strides = array<i32>} : memref<128x128xf32, #tpu.memory_space<vmem>>, vector<1x16xf32>,
      %broadcast_in_dim3A_90 = arith.constant 0.000000e+00 : f32
      %broadcast_in_dim3A_91 = vector.broadcast %broadcast_in_dim3A_90 : f32 to vector<16xf32>
      %swap3A_92 = arith.index_cast %scan3A_41 : i32 to index
      %swap3A_93 = arith.constant 112 : index
      %swap3A_94 = tpu.vector_load %arg7[%swap3A_92, %swap3A_93] {strides = array<i32>} : memref<128x128xf32, #tpu.memory_space<vmem>>, vector<1x16xf32>,
      %swap3A_95 = vector.shape_cast %swap3A_94 : vector<1x16xf32> to vector<16xf32>
      %swap3A_96 = vector.shape_cast %broadcast_in_dim3A_91 : vector<16xf32> to vector<1x16xf32>
      tpu.vector_store %arg7[%swap3A_92, %swap3A_93], %swap3A_96 {strides = array<i32>} : memref<128x128xf32, #tpu.memory_space<vmem>>, vector<1x16xf32>,
      %scan3A_97 = arith.constant 0 : i32
      scf.yield %scan3A_97 : i32
    }
    %scan3A_8 = arith.constant 128 : i32
    %scan3A_9 = arith.constant 0 : i32
    %scan3A_10 = arith.constant 0 : i32
    %scan3A_11 = arith.constant 5 : i32
    %scan3A_12 = arith.addi %scan3A_10, %scan3A_11 : i32
    %scan3A_13 = arith.constant 1 : i32
    %scan3A_14 = scf.for %scan3A_41 = %scan3A_10 to %scan3A_12 step %scan3A_13 iter_args(%scan3A_42 = %scan3A_9) -> (i32)  : i32 {
      %mul3A_43 = arith.constant 640 : i32
      %mul3A_44 = arith.muli %arg1, %mul3A_43 : i32
      %mul3A_45 = arith.constant 128 : i32
      %mul3A_46 = arith.muli %scan3A_41, %mul3A_45 : i32
      %add3A_47 = arith.addi %mul3A_44, %mul3A_46 : i32
      "tpu.region"() ({
        %run_scoped3A = tpu.sem_alloc : memref<!tpu.dma_semaphore, #tpu.memory_space<semaphore_mem>>
        %dma_start3A_49 = arith.constant 0 : i32
        %dma_start3A_50 = tpu.memref_slice %arg5[%add3A_47, %dma_start3A_49] : memref<10240x128xf32, #tpu.memory_space<vmem_shared>> -> memref<128x128xf32, #tpu.memory_space<vmem_shared>>
        %dma_start3A_51 = arith.constant 0 : i32
        %dma_start3A_52 = tpu.memref_slice %arg5[%add3A_47, %dma_start3A_51] : memref<10240x128xf32, #tpu.memory_space<vmem_shared>> -> memref<128x128xf32, #tpu.memory_space<vmem_shared>>
        tpu.enqueue_dma source(%arg7 : memref<128x128xf32, #tpu.memory_space<vmem>>) target(%dma_start3A_52 : memref<128x128xf32, #tpu.memory_space<vmem_shared>>) target_semaphore(%run_scoped3A : memref<!tpu.dma_semaphore, #tpu.memory_space<semaphore_mem>>)
        %dma_wait3A_53 = arith.constant 0 : i32
        %dma_wait3A_54 = tpu.memref_slice %arg5[%add3A_47, %dma_wait3A_53] : memref<10240x128xf32, #tpu.memory_space<vmem_shared>> -> memref<128x128xf32, #tpu.memory_space<vmem_shared>>
        %dma_wait3A_55 = arith.constant 0 : i32
        %dma_wait3A_56 = tpu.memref_slice %arg5[%add3A_47, %dma_wait3A_55] : memref<10240x128xf32, #tpu.memory_space<vmem_shared>> -> memref<128x128xf32, #tpu.memory_space<vmem_shared>>
        tpu.wait_dma2 semaphore(%run_scoped3A : memref<!tpu.dma_semaphore, #tpu.memory_space<semaphore_mem>>) src(%arg7 : memref<128x128xf32, #tpu.memory_space<vmem>>) dst(%dma_wait3A_56 : memref<128x128xf32, #tpu.memory_space<vmem_shared>>)
        tpu.yield
      }) : () -> ()
      %scan3A_48 = arith.constant 0 : i32
      scf.yield %scan3A_48 : i32
    }
    %scan3A_15 = arith.constant 5 : i32
    "tpu.region"() ({
      %run_scoped3A = tpu.sem_alloc : memref<!tpu.dma_semaphore, #tpu.memory_space<semaphore_mem>>
      %dma_start3A_41 = arith.constant 0 : i32
      %dma_start3A_42 = tpu.memref_slice %arg3[%mul3A_2, %dma_start3A_41] : memref<1280x128xi32, #tpu.memory_space<hbm>> -> memref<40x128xi32, #tpu.memory_space<hbm>>
      %dma_start3A_43 = arith.constant 0 : i32
      %dma_start3A_44 = tpu.memref_slice %arg3[%mul3A_2, %dma_start3A_43] : memref<1280x128xi32, #tpu.memory_space<hbm>> -> memref<40x128xi32, #tpu.memory_space<hbm>>
      tpu.enqueue_dma source(%dma_start3A_44 : memref<40x128xi32, #tpu.memory_space<hbm>>) target(%arg6 : memref<40x128xi32, #tpu.memory_space<vmem>>) target_semaphore(%run_scoped3A : memref<!tpu.dma_semaphore, #tpu.memory_space<semaphore_mem>>)
      %dma_wait3A_45 = arith.constant 0 : i32
      %dma_wait3A_46 = tpu.memref_slice %arg3[%mul3A_2, %dma_wait3A_45] : memref<1280x128xi32, #tpu.memory_space<hbm>> -> memref<40x128xi32, #tpu.memory_space<hbm>>
      %dma_wait3A_47 = arith.constant 0 : i32
      %dma_wait3A_48 = tpu.memref_slice %arg3[%mul3A_2, %dma_wait3A_47] : memref<1280x128xi32, #tpu.memory_space<hbm>> -> memref<40x128xi32, #tpu.memory_space<hbm>>
      tpu.wait_dma2 semaphore(%run_scoped3A : memref<!tpu.dma_semaphore, #tpu.memory_space<semaphore_mem>>) src(%dma_wait3A_48 : memref<40x128xi32, #tpu.memory_space<hbm>>) dst(%arg6 : memref<40x128xi32, #tpu.memory_space<vmem>>)
      tpu.yield
    }) : () -> ()
    %barrier3A = arith.constant 0 : index
    tpu.barrier barrier_id(%barrier3A)
    %add3A_16 = arith.constant 0 : i32
    %add3A_17 = arith.addi %mul3A_2, %add3A_16 : i32
    %mul3A_18 = arith.constant 128 : i32
    %mul3A_19 = arith.muli %add3A_17, %mul3A_18 : i32
    %dma_start3A = arith.constant 0 : i32
    %dma_start3A_20 = tpu.memref_slice %arg2[%mul3A_19, %dma_start3A] : memref<163840x128xf32, #tpu.memory_space<hbm>> -> memref<128x128xf32, #tpu.memory_space<hbm>>
    %dma_start3A_21 = arith.constant 0 : i32
    %dma_start3A_22 = tpu.memref_slice %arg2[%mul3A_19, %dma_start3A_21] : memref<163840x128xf32, #tpu.memory_space<hbm>> -> memref<128x128xf32, #tpu.memory_space<hbm>>
    tpu.enqueue_dma source(%dma_start3A_22 : memref<128x128xf32, #tpu.memory_space<hbm>>) target(%arg7 : memref<128x128xf32, #tpu.memory_space<vmem>>) target_semaphore(%arg9 : memref<!tpu.dma_semaphore, #tpu.memory_space<semaphore_mem>>)
    %scan3A_23 = arith.constant 0 : i32
    %scan3A_24 = arith.constant 0 : i32
    %scan3A_25 = arith.constant 20 : i32
    %scan3A_26 = arith.addi %scan3A_24, %scan3A_25 : i32
    %scan3A_27 = arith.constant 1 : i32
    %scan3A_28 = scf.for %scan3A_41 = %scan3A_24 to %scan3A_26 step %scan3A_27 iter_args(%scan3A_42 = %scan3A_23) -> (i32)  : i32 {
      %mul3A_43 = arith.constant 2 : i32
      %mul3A_44 = arith.muli %mul3A_43, %scan3A_41 : i32
      %add3A_45 = arith.addi %mul3A_2, %mul3A_44 : i32
      %mul3A_46 = arith.constant 128 : i32
      %mul3A_47 = arith.muli %add3A_45, %mul3A_46 : i32
      %dma_wait3A_48 = arith.constant 0 : i32
      %dma_wait3A_49 = tpu.memref_slice %arg2[%mul3A_47, %dma_wait3A_48] : memref<163840x128xf32, #tpu.memory_space<hbm>> -> memref<128x128xf32, #tpu.memory_space<hbm>>
      %dma_wait3A_50 = arith.constant 0 : i32
      %dma_wait3A_51 = tpu.memref_slice %arg2[%mul3A_47, %dma_wait3A_50] : memref<163840x128xf32, #tpu.memory_space<hbm>> -> memref<128x128xf32, #tpu.memory_space<hbm>>
      tpu.wait_dma2 semaphore(%arg9 : memref<!tpu.dma_semaphore, #tpu.memory_space<semaphore_mem>>) src(%dma_wait3A_51 : memref<128x128xf32, #tpu.memory_space<hbm>>) dst(%arg7 : memref<128x128xf32, #tpu.memory_space<vmem>>)
      %gt3A = arith.constant 0 : i32
      %gt3A_52 = arith.cmpi sgt, %scan3A_41, %gt3A : i32
      %convert_element_type3A = arith.extui %gt3A_52 : i1 to i32
      %cond3A = arith.constant 0 : i32
      %cond3A_53 = arith.cmpi ne, %convert_element_type3A, %cond3A : i32
      scf.if %cond3A_53 {
        %sub3A = arith.constant 1 : i32
        %sub3A_99 = arith.subi %mul3A_44, %sub3A : i32
        %dma_wait3A_100 = arith.constant 0 : i32
        %dma_wait3A_101 = tpu.memref_slice %arg6[%sub3A_99, %dma_wait3A_100] : memref<40x128xi32, #tpu.memory_space<vmem>> -> memref<1x128xi32, #tpu.memory_space<vmem>>
        %dma_wait3A_102 = tpu.memref_squeeze %dma_wait3A_101 : memref<1x128xi32, #tpu.memory_space<vmem>> -> memref<128xi32, #tpu.memory_space<vmem>>
        %dma_wait3A_103 = arith.constant 0 : i32
        %dma_wait3A_104 = arith.constant 0 : i32
        %dma_wait3A_105 = tpu.memref_slice %arg5[%dma_wait3A_103, %dma_wait3A_104] : memref<10240x128xf32, #tpu.memory_space<vmem_shared>> -> memref<10240x128xf32, #tpu.memory_space<vmem_shared>>
        tpu.wait_indirect_dma semaphore(%arg12 : memref<!tpu.dma_semaphore, #tpu.memory_space<semaphore_mem>>) src(%arg8 : memref<128x128xf32, #tpu.memory_space<vmem>>) dst(%dma_wait3A_105 : memref<10240x128xf32, #tpu.memory_space<vmem_shared>>)
      } else {
      }
      %add3A_54 = arith.constant 1 : i32
      %add3A_55 = arith.addi %mul3A_44, %add3A_54 : i32
      %add3A_56 = arith.addi %mul3A_2, %add3A_55 : i32
      %mul3A_57 = arith.constant 128 : i32
      %mul3A_58 = arith.muli %add3A_56, %mul3A_57 : i32
      %dma_start3A_59 = arith.constant 0 : i32
      %dma_start3A_60 = tpu.memref_slice %arg2[%mul3A_58, %dma_start3A_59] : memref<163840x128xf32, #tpu.memory_space<hbm>> -> memref<128x128xf32, #tpu.memory_space<hbm>>
      %dma_start3A_61 = arith.constant 0 : i32
      %dma_start3A_62 = tpu.memref_slice %arg2[%mul3A_58, %dma_start3A_61] : memref<163840x128xf32, #tpu.memory_space<hbm>> -> memref<128x128xf32, #tpu.memory_space<hbm>>
      tpu.enqueue_dma source(%dma_start3A_62 : memref<128x128xf32, #tpu.memory_space<hbm>>) target(%arg8 : memref<128x128xf32, #tpu.memory_space<vmem>>) target_semaphore(%arg10 : memref<!tpu.dma_semaphore, #tpu.memory_space<semaphore_mem>>)
      %dma_start3A_63 = arith.constant 0 : i32
      %dma_start3A_64 = tpu.memref_slice %arg6[%mul3A_44, %dma_start3A_63] : memref<40x128xi32, #tpu.memory_space<vmem>> -> memref<1x128xi32, #tpu.memory_space<vmem>>
      %dma_start3A_65 = tpu.memref_squeeze %dma_start3A_64 : memref<1x128xi32, #tpu.memory_space<vmem>> -> memref<128xi32, #tpu.memory_space<vmem>>
      %dma_start3A_66 = arith.constant 0 : i32
      %dma_start3A_67 = arith.constant 0 : i32
      %dma_start3A_68 = tpu.memref_slice %arg5[%dma_start3A_66, %dma_start3A_67] : memref<10240x128xf32, #tpu.memory_space<vmem_shared>> -> memref<10240x128xf32, #tpu.memory_space<vmem_shared>>
      tpu.enqueue_indirect_dma source(%arg7 : memref<128x128xf32, #tpu.memory_space<vmem>>) target(%dma_start3A_68 : memref<10240x128xf32, #tpu.memory_space<vmem_shared>>) offsets(%dma_start3A_65 : memref<128xi32, #tpu.memory_space<vmem>>) semaphore(%arg11 : memref<!tpu.dma_semaphore, #tpu.memory_space<semaphore_mem>>) {add = true}
      %add3A_69 = arith.addi %mul3A_2, %mul3A_44 : i32
      %add3A_70 = arith.constant 1 : i32
      %add3A_71 = arith.addi %add3A_69, %add3A_70 : i32
      %mul3A_72 = arith.constant 128 : i32
      %mul3A_73 = arith.muli %add3A_71, %mul3A_72 : i32
      %dma_wait3A_74 = arith.constant 0 : i32
      %dma_wait3A_75 = tpu.memref_slice %arg2[%mul3A_73, %dma_wait3A_74] : memref<163840x128xf32, #tpu.memory_space<hbm>> -> memref<128x128xf32, #tpu.memory_space<hbm>>
      %dma_wait3A_76 = arith.constant 0 : i32
      %dma_wait3A_77 = tpu.memref_slice %arg2[%mul3A_73, %dma_wait3A_76] : memref<163840x128xf32, #tpu.memory_space<hbm>> -> memref<128x128xf32, #tpu.memory_space<hbm>>
      tpu.wait_dma2 semaphore(%arg10 : memref<!tpu.dma_semaphore, #tpu.memory_space<semaphore_mem>>) src(%dma_wait3A_77 : memref<128x128xf32, #tpu.memory_space<hbm>>) dst(%arg8 : memref<128x128xf32, #tpu.memory_space<vmem>>)
      %dma_wait3A_78 = arith.constant 0 : i32
      %dma_wait3A_79 = tpu.memref_slice %arg6[%mul3A_44, %dma_wait3A_78] : memref<40x128xi32, #tpu.memory_space<vmem>> -> memref<1x128xi32, #tpu.memory_space<vmem>>
      %dma_wait3A_80 = tpu.memref_squeeze %dma_wait3A_79 : memref<1x128xi32, #tpu.memory_space<vmem>> -> memref<128xi32, #tpu.memory_space<vmem>>
      %dma_wait3A_81 = arith.constant 0 : i32
      %dma_wait3A_82 = arith.constant 0 : i32
      %dma_wait3A_83 = tpu.memref_slice %arg5[%dma_wait3A_81, %dma_wait3A_82] : memref<10240x128xf32, #tpu.memory_space<vmem_shared>> -> memref<10240x128xf32, #tpu.memory_space<vmem_shared>>
      tpu.wait_indirect_dma semaphore(%arg11 : memref<!tpu.dma_semaphore, #tpu.memory_space<semaphore_mem>>) src(%arg7 : memref<128x128xf32, #tpu.memory_space<vmem>>) dst(%dma_wait3A_83 : memref<10240x128xf32, #tpu.memory_space<vmem_shared>>)
      %add3A_84 = arith.constant 2 : i32
      %add3A_85 = arith.addi %mul3A_44, %add3A_84 : i32
      %lt3A = arith.constant 40 : i32
      %lt3A_86 = arith.cmpi slt, %add3A_85, %lt3A : i32
      %convert_element_type3A_87 = arith.extui %lt3A_86 : i1 to i32
      %cond3A_88 = arith.constant 0 : i32
      %cond3A_89 = arith.cmpi ne, %convert_element_type3A_87, %cond3A_88 : i32
      scf.if %cond3A_89 {
        %add3A_99 = arith.constant 2 : i32
        %add3A_100 = arith.addi %mul3A_44, %add3A_99 : i32
        %add3A_101 = arith.addi %mul3A_2, %add3A_100 : i32
        %mul3A_102 = arith.constant 128 : i32
        %mul3A_103 = arith.muli %add3A_101, %mul3A_102 : i32
        %dma_start3A_104 = arith.constant 0 : i32
        %dma_start3A_105 = tpu.memref_slice %arg2[%mul3A_103, %dma_start3A_104] : memref<163840x128xf32, #tpu.memory_space<hbm>> -> memref<128x128xf32, #tpu.memory_space<hbm>>
        %dma_start3A_106 = arith.constant 0 : i32
        %dma_start3A_107 = tpu.memref_slice %arg2[%mul3A_103, %dma_start3A_106] : memref<163840x128xf32, #tpu.memory_space<hbm>> -> memref<128x128xf32, #tpu.memory_space<hbm>>
        tpu.enqueue_dma source(%dma_start3A_107 : memref<128x128xf32, #tpu.memory_space<hbm>>) target(%arg7 : memref<128x128xf32, #tpu.memory_space<vmem>>) target_semaphore(%arg9 : memref<!tpu.dma_semaphore, #tpu.memory_space<semaphore_mem>>)
      } else {
      }
      %add3A_90 = arith.constant 1 : i32
      %add3A_91 = arith.addi %mul3A_44, %add3A_90 : i32
      %dma_start3A_92 = arith.constant 0 : i32
      %dma_start3A_93 = tpu.memref_slice %arg6[%add3A_91, %dma_start3A_92] : memref<40x128xi32, #tpu.memory_space<vmem>> -> memref<1x128xi32, #tpu.memory_space<vmem>>
      %dma_start3A_94 = tpu.memref_squeeze %dma_start3A_93 : memref<1x128xi32, #tpu.memory_space<vmem>> -> memref<128xi32, #tpu.memory_space<vmem>>
      %dma_start3A_95 = arith.constant 0 : i32
      %dma_start3A_96 = arith.constant 0 : i32
      %dma_start3A_97 = tpu.memref_slice %arg5[%dma_start3A_95, %dma_start3A_96] : memref<10240x128xf32, #tpu.memory_space<vmem_shared>> -> memref<10240x128xf32, #tpu.memory_space<vmem_shared>>
      tpu.enqueue_indirect_dma source(%arg8 : memref<128x128xf32, #tpu.memory_space<vmem>>) target(%dma_start3A_97 : memref<10240x128xf32, #tpu.memory_space<vmem_shared>>) offsets(%dma_start3A_94 : memref<128xi32, #tpu.memory_space<vmem>>) semaphore(%arg12 : memref<!tpu.dma_semaphore, #tpu.memory_space<semaphore_mem>>) {add = true}
      %scan3A_98 = arith.constant 0 : i32
      scf.yield %scan3A_98 : i32
    }
    %scan3A_29 = arith.constant 20 : i32
    %dma_wait3A = arith.constant 39 : i32
    %dma_wait3A_30 = arith.constant 0 : i32
    %dma_wait3A_31 = tpu.memref_slice %arg6[%dma_wait3A, %dma_wait3A_30] : memref<40x128xi32, #tpu.memory_space<vmem>> -> memref<1x128xi32, #tpu.memory_space<vmem>>
    %dma_wait3A_32 = tpu.memref_squeeze %dma_wait3A_31 : memref<1x128xi32, #tpu.memory_space<vmem>> -> memref<128xi32, #tpu.memory_space<vmem>>
    %dma_wait3A_33 = arith.constant 0 : i32
    %dma_wait3A_34 = arith.constant 0 : i32
    %dma_wait3A_35 = tpu.memref_slice %arg5[%dma_wait3A_33, %dma_wait3A_34] : memref<10240x128xf32, #tpu.memory_space<vmem_shared>> -> memref<10240x128xf32, #tpu.memory_space<vmem_shared>>
    tpu.wait_indirect_dma semaphore(%arg12 : memref<!tpu.dma_semaphore, #tpu.memory_space<semaphore_mem>>) src(%arg8 : memref<128x128xf32, #tpu.memory_space<vmem>>) dst(%dma_wait3A_35 : memref<10240x128xf32, #tpu.memory_space<vmem_shared>>)
    %barrier3A_36 = arith.constant 0 : index
    tpu.barrier barrier_id(%barrier3A_36)
    %mul3A_37 = arith.constant 640 : i32
    %mul3A_38 = arith.muli %arg1, %mul3A_37 : i32
    %mul3A_39 = arith.constant 640 : i32
    %mul3A_40 = arith.muli %arg1, %mul3A_39 : i32
    "tpu.region"() ({
      %run_scoped3A = tpu.sem_alloc : memref<!tpu.dma_semaphore, #tpu.memory_space<semaphore_mem>>
      %dma_start3A_41 = arith.constant 0 : i32
      %dma_start3A_42 = tpu.memref_slice %arg4[%arg0, %mul3A_40, %dma_start3A_41] : memref<2x10240x128xf32, #tpu.memory_space<hbm>> -> memref<1x640x128xf32, #tpu.memory_space<hbm>>
      %dma_start3A_43 = tpu.memref_squeeze %dma_start3A_42 : memref<1x640x128xf32, #tpu.memory_space<hbm>> -> memref<640x128xf32, #tpu.memory_space<hbm>>
      %dma_start3A_44 = arith.constant 0 : i32
      %dma_start3A_45 = tpu.memref_slice %arg5[%mul3A_38, %dma_start3A_44] : memref<10240x128xf32, #tpu.memory_space<vmem_shared>> -> memref<640x128xf32, #tpu.memory_space<vmem_shared>>
      tpu.enqueue_dma source(%dma_start3A_45 : memref<640x128xf32, #tpu.memory_space<vmem_shared>>) target(%dma_start3A_43 : memref<640x128xf32, #tpu.memory_space<hbm>>) target_semaphore(%run_scoped3A : memref<!tpu.dma_semaphore, #tpu.memory_space<semaphore_mem>>)
      %dma_wait3A_46 = arith.constant 0 : i32
      %dma_wait3A_47 = tpu.memref_slice %arg4[%arg0, %mul3A_40, %dma_wait3A_46] : memref<2x10240x128xf32, #tpu.memory_space<hbm>> -> memref<1x640x128xf32, #tpu.memory_space<hbm>>
      %dma_wait3A_48 = tpu.memref_squeeze %dma_wait3A_47 : memref<1x640x128xf32, #tpu.memory_space<hbm>> -> memref<640x128xf32, #tpu.memory_space<hbm>>
      %dma_wait3A_49 = arith.constant 0 : i32
      %dma_wait3A_50 = tpu.memref_slice %arg5[%mul3A_38, %dma_wait3A_49] : memref<10240x128xf32, #tpu.memory_space<vmem_shared>> -> memref<640x128xf32, #tpu.memory_space<vmem_shared>>
      tpu.wait_dma2 semaphore(%run_scoped3A : memref<!tpu.dma_semaphore, #tpu.memory_space<semaphore_mem>>) src(%dma_wait3A_50 : memref<640x128xf32, #tpu.memory_space<vmem_shared>>) dst(%dma_wait3A_48 : memref<640x128xf32, #tpu.memory_space<hbm>>)
      tpu.yield
    }) : () -> ()
    return
  }
}

#map = affine_map<(d0, d1) -> (0, 0)>
module attributes {stable_mosaic.version = 14 : i64} {
  func.func @k(%arg0: i32, %arg1: i32, %arg2: memref<10240x128xf32, #tpu.memory_space<hbm>>, %arg3: memref<1280x128xi32, #tpu.memory_space<hbm>>, %arg4: memref<1280x128xi32, #tpu.memory_space<hbm>>, %arg5: memref<163840x128xf32, #tpu.memory_space<hbm>>, %arg6: memref<163840x128xf32, #tpu.memory_space<hbm>>, %arg7: memref<40x128xi32, #tpu.memory_space<vmem>>, %arg8: memref<40x128xi32, #tpu.memory_space<vmem>>, %arg9: memref<128x128xf32, #tpu.memory_space<vmem>>, %arg10: memref<128x128xf32, #tpu.memory_space<vmem>>, %arg11: memref<!tpu.dma_semaphore, #tpu.memory_space<semaphore_mem>>, %arg12: memref<!tpu.dma_semaphore, #tpu.memory_space<semaphore_mem>>) attributes {dimension_semantics = [#tpu.dimension_semantics<core_parallel>, #tpu.dimension_semantics<subcore_parallel>], iteration_bounds = array<i64: 2, 16>, scalar_prefetch = 0 : i64, scratch_operands = 6 : i64, tpu.core_type = #tpu.core_type<sc_vector_subcore>, window_params = [{transform_indices = #map}, {transform_indices = #map}, {transform_indices = #map}, {transform_indices = #map}, {transform_indices = #map}]} {
    %mul3A = arith.constant 2 : i32
    %mul3A_0 = arith.muli %arg1, %mul3A : i32
    %add3A = arith.addi %mul3A_0, %arg0 : i32
    %mul3A_1 = arith.constant 40 : i32
    %mul3A_2 = arith.muli %add3A, %mul3A_1 : i32
    "tpu.region"() ({
      %run_scoped3A = tpu.sem_alloc : memref<!tpu.dma_semaphore, #tpu.memory_space<semaphore_mem>>
      %dma_start3A_15 = arith.constant 0 : i32
      %dma_start3A_16 = tpu.memref_slice %arg3[%mul3A_2, %dma_start3A_15] : memref<1280x128xi32, #tpu.memory_space<hbm>> -> memref<40x128xi32, #tpu.memory_space<hbm>>
      %dma_start3A_17 = arith.constant 0 : i32
      %dma_start3A_18 = tpu.memref_slice %arg3[%mul3A_2, %dma_start3A_17] : memref<1280x128xi32, #tpu.memory_space<hbm>> -> memref<40x128xi32, #tpu.memory_space<hbm>>
      tpu.enqueue_dma source(%dma_start3A_18 : memref<40x128xi32, #tpu.memory_space<hbm>>) target(%arg7 : memref<40x128xi32, #tpu.memory_space<vmem>>) target_semaphore(%run_scoped3A : memref<!tpu.dma_semaphore, #tpu.memory_space<semaphore_mem>>)
      %dma_wait3A = arith.constant 0 : i32
      %dma_wait3A_19 = tpu.memref_slice %arg3[%mul3A_2, %dma_wait3A] : memref<1280x128xi32, #tpu.memory_space<hbm>> -> memref<40x128xi32, #tpu.memory_space<hbm>>
      %dma_wait3A_20 = arith.constant 0 : i32
      %dma_wait3A_21 = tpu.memref_slice %arg3[%mul3A_2, %dma_wait3A_20] : memref<1280x128xi32, #tpu.memory_space<hbm>> -> memref<40x128xi32, #tpu.memory_space<hbm>>
      tpu.wait_dma2 semaphore(%run_scoped3A : memref<!tpu.dma_semaphore, #tpu.memory_space<semaphore_mem>>) src(%dma_wait3A_21 : memref<40x128xi32, #tpu.memory_space<hbm>>) dst(%arg7 : memref<40x128xi32, #tpu.memory_space<vmem>>)
      tpu.yield
    }) : () -> ()
    "tpu.region"() ({
      %run_scoped3A = tpu.sem_alloc : memref<!tpu.dma_semaphore, #tpu.memory_space<semaphore_mem>>
      %dma_start3A_15 = arith.constant 0 : i32
      %dma_start3A_16 = tpu.memref_slice %arg4[%mul3A_2, %dma_start3A_15] : memref<1280x128xi32, #tpu.memory_space<hbm>> -> memref<40x128xi32, #tpu.memory_space<hbm>>
      %dma_start3A_17 = arith.constant 0 : i32
      %dma_start3A_18 = tpu.memref_slice %arg4[%mul3A_2, %dma_start3A_17] : memref<1280x128xi32, #tpu.memory_space<hbm>> -> memref<40x128xi32, #tpu.memory_space<hbm>>
      tpu.enqueue_dma source(%dma_start3A_18 : memref<40x128xi32, #tpu.memory_space<hbm>>) target(%arg8 : memref<40x128xi32, #tpu.memory_space<vmem>>) target_semaphore(%run_scoped3A : memref<!tpu.dma_semaphore, #tpu.memory_space<semaphore_mem>>)
      %dma_wait3A = arith.constant 0 : i32
      %dma_wait3A_19 = tpu.memref_slice %arg4[%mul3A_2, %dma_wait3A] : memref<1280x128xi32, #tpu.memory_space<hbm>> -> memref<40x128xi32, #tpu.memory_space<hbm>>
      %dma_wait3A_20 = arith.constant 0 : i32
      %dma_wait3A_21 = tpu.memref_slice %arg4[%mul3A_2, %dma_wait3A_20] : memref<1280x128xi32, #tpu.memory_space<hbm>> -> memref<40x128xi32, #tpu.memory_space<hbm>>
      tpu.wait_dma2 semaphore(%run_scoped3A : memref<!tpu.dma_semaphore, #tpu.memory_space<semaphore_mem>>) src(%dma_wait3A_21 : memref<40x128xi32, #tpu.memory_space<hbm>>) dst(%arg8 : memref<40x128xi32, #tpu.memory_space<vmem>>)
      tpu.yield
    }) : () -> ()
    %dma_start3A = arith.constant 0 : i32
    %dma_start3A_3 = arith.constant 0 : i32
    %dma_start3A_4 = tpu.memref_slice %arg7[%dma_start3A, %dma_start3A_3] : memref<40x128xi32, #tpu.memory_space<vmem>> -> memref<1x128xi32, #tpu.memory_space<vmem>>
    %dma_start3A_5 = tpu.memref_squeeze %dma_start3A_4 : memref<1x128xi32, #tpu.memory_space<vmem>> -> memref<128xi32, #tpu.memory_space<vmem>>
    %dma_start3A_6 = arith.constant 0 : i32
    %dma_start3A_7 = arith.constant 0 : i32
    %dma_start3A_8 = tpu.memref_slice %arg2[%dma_start3A_6, %dma_start3A_7] : memref<10240x128xf32, #tpu.memory_space<hbm>> -> memref<10240x128xf32, #tpu.memory_space<hbm>>
    tpu.enqueue_indirect_dma source(%dma_start3A_8 : memref<10240x128xf32, #tpu.memory_space<hbm>>) target(%arg9 : memref<128x128xf32, #tpu.memory_space<vmem>>) offsets(%dma_start3A_5 : memref<128xi32, #tpu.memory_space<vmem>>) semaphore(%arg11 : memref<!tpu.dma_semaphore, #tpu.memory_space<semaphore_mem>>)
    %scan3A = arith.constant 0 : i32
    %scan3A_9 = arith.constant 0 : i32
    %scan3A_10 = arith.constant 40 : i32
    %scan3A_11 = arith.addi %scan3A_9, %scan3A_10 : i32
    %scan3A_12 = arith.constant 1 : i32
    %scan3A_13 = scf.for %scan3A_15 = %scan3A_9 to %scan3A_11 step %scan3A_12 iter_args(%scan3A_16 = %scan3A) -> (i32)  : i32 {
      %dma_start3A_17 = arith.constant 0 : i32
      %dma_start3A_18 = tpu.memref_slice %arg8[%scan3A_15, %dma_start3A_17] : memref<40x128xi32, #tpu.memory_space<vmem>> -> memref<1x128xi32, #tpu.memory_space<vmem>>
      %dma_start3A_19 = tpu.memref_squeeze %dma_start3A_18 : memref<1x128xi32, #tpu.memory_space<vmem>> -> memref<128xi32, #tpu.memory_space<vmem>>
      %dma_start3A_20 = arith.constant 0 : i32
      %dma_start3A_21 = arith.constant 0 : i32
      %dma_start3A_22 = tpu.memref_slice %arg2[%dma_start3A_20, %dma_start3A_21] : memref<10240x128xf32, #tpu.memory_space<hbm>> -> memref<10240x128xf32, #tpu.memory_space<hbm>>
      tpu.enqueue_indirect_dma source(%dma_start3A_22 : memref<10240x128xf32, #tpu.memory_space<hbm>>) target(%arg10 : memref<128x128xf32, #tpu.memory_space<vmem>>) offsets(%dma_start3A_19 : memref<128xi32, #tpu.memory_space<vmem>>) semaphore(%arg12 : memref<!tpu.dma_semaphore, #tpu.memory_space<semaphore_mem>>)
      %dma_wait3A = arith.constant 0 : i32
      %dma_wait3A_23 = tpu.memref_slice %arg7[%scan3A_15, %dma_wait3A] : memref<40x128xi32, #tpu.memory_space<vmem>> -> memref<1x128xi32, #tpu.memory_space<vmem>>
      %dma_wait3A_24 = tpu.memref_squeeze %dma_wait3A_23 : memref<1x128xi32, #tpu.memory_space<vmem>> -> memref<128xi32, #tpu.memory_space<vmem>>
      %dma_wait3A_25 = arith.constant 0 : i32
      %dma_wait3A_26 = arith.constant 0 : i32
      %dma_wait3A_27 = tpu.memref_slice %arg2[%dma_wait3A_25, %dma_wait3A_26] : memref<10240x128xf32, #tpu.memory_space<hbm>> -> memref<10240x128xf32, #tpu.memory_space<hbm>>
      tpu.wait_indirect_dma semaphore(%arg11 : memref<!tpu.dma_semaphore, #tpu.memory_space<semaphore_mem>>) src(%dma_wait3A_27 : memref<10240x128xf32, #tpu.memory_space<hbm>>) dst(%arg9 : memref<128x128xf32, #tpu.memory_space<vmem>>)
      %add3A_28 = arith.addi %mul3A_2, %scan3A_15 : i32
      %mul3A_29 = arith.constant 128 : i32
      %mul3A_30 = arith.muli %add3A_28, %mul3A_29 : i32
      "tpu.region"() ({
        %run_scoped3A = tpu.sem_alloc : memref<!tpu.dma_semaphore, #tpu.memory_space<semaphore_mem>>
        %dma_start3A_45 = arith.constant 0 : i32
        %dma_start3A_46 = tpu.memref_slice %arg5[%mul3A_30, %dma_start3A_45] : memref<163840x128xf32, #tpu.memory_space<hbm>> -> memref<128x128xf32, #tpu.memory_space<hbm>>
        %dma_start3A_47 = arith.constant 0 : i32
        %dma_start3A_48 = tpu.memref_slice %arg5[%mul3A_30, %dma_start3A_47] : memref<163840x128xf32, #tpu.memory_space<hbm>> -> memref<128x128xf32, #tpu.memory_space<hbm>>
        tpu.enqueue_dma source(%arg9 : memref<128x128xf32, #tpu.memory_space<vmem>>) target(%dma_start3A_48 : memref<128x128xf32, #tpu.memory_space<hbm>>) target_semaphore(%run_scoped3A : memref<!tpu.dma_semaphore, #tpu.memory_space<semaphore_mem>>)
        %dma_wait3A_49 = arith.constant 0 : i32
        %dma_wait3A_50 = tpu.memref_slice %arg5[%mul3A_30, %dma_wait3A_49] : memref<163840x128xf32, #tpu.memory_space<hbm>> -> memref<128x128xf32, #tpu.memory_space<hbm>>
        %dma_wait3A_51 = arith.constant 0 : i32
        %dma_wait3A_52 = tpu.memref_slice %arg5[%mul3A_30, %dma_wait3A_51] : memref<163840x128xf32, #tpu.memory_space<hbm>> -> memref<128x128xf32, #tpu.memory_space<hbm>>
        tpu.wait_dma2 semaphore(%run_scoped3A : memref<!tpu.dma_semaphore, #tpu.memory_space<semaphore_mem>>) src(%arg9 : memref<128x128xf32, #tpu.memory_space<vmem>>) dst(%dma_wait3A_52 : memref<128x128xf32, #tpu.memory_space<hbm>>)
        tpu.yield
      }) : () -> ()
      %add3A_31 = arith.constant 1 : i32
      %add3A_32 = arith.addi %scan3A_15, %add3A_31 : i32
      %lt3A = arith.constant 40 : i32
      %lt3A_33 = arith.cmpi slt, %add3A_32, %lt3A : i32
      %convert_element_type3A = arith.extui %lt3A_33 : i1 to i32
      %cond3A = arith.constant 0 : i32
      %cond3A_34 = arith.cmpi ne, %convert_element_type3A, %cond3A : i32
      scf.if %cond3A_34 {
        %add3A_45 = arith.constant 1 : i32
        %add3A_46 = arith.addi %scan3A_15, %add3A_45 : i32
        %dma_start3A_47 = arith.constant 0 : i32
        %dma_start3A_48 = tpu.memref_slice %arg7[%add3A_46, %dma_start3A_47] : memref<40x128xi32, #tpu.memory_space<vmem>> -> memref<1x128xi32, #tpu.memory_space<vmem>>
        %dma_start3A_49 = tpu.memref_squeeze %dma_start3A_48 : memref<1x128xi32, #tpu.memory_space<vmem>> -> memref<128xi32, #tpu.memory_space<vmem>>
        %dma_start3A_50 = arith.constant 0 : i32
        %dma_start3A_51 = arith.constant 0 : i32
        %dma_start3A_52 = tpu.memref_slice %arg2[%dma_start3A_50, %dma_start3A_51] : memref<10240x128xf32, #tpu.memory_space<hbm>> -> memref<10240x128xf32, #tpu.memory_space<hbm>>
        tpu.enqueue_indirect_dma source(%dma_start3A_52 : memref<10240x128xf32, #tpu.memory_space<hbm>>) target(%arg9 : memref<128x128xf32, #tpu.memory_space<vmem>>) offsets(%dma_start3A_49 : memref<128xi32, #tpu.memory_space<vmem>>) semaphore(%arg11 : memref<!tpu.dma_semaphore, #tpu.memory_space<semaphore_mem>>)
      } else {
      }
      %dma_wait3A_35 = arith.constant 0 : i32
      %dma_wait3A_36 = tpu.memref_slice %arg8[%scan3A_15, %dma_wait3A_35] : memref<40x128xi32, #tpu.memory_space<vmem>> -> memref<1x128xi32, #tpu.memory_space<vmem>>
      %dma_wait3A_37 = tpu.memref_squeeze %dma_wait3A_36 : memref<1x128xi32, #tpu.memory_space<vmem>> -> memref<128xi32, #tpu.memory_space<vmem>>
      %dma_wait3A_38 = arith.constant 0 : i32
      %dma_wait3A_39 = arith.constant 0 : i32
      %dma_wait3A_40 = tpu.memref_slice %arg2[%dma_wait3A_38, %dma_wait3A_39] : memref<10240x128xf32, #tpu.memory_space<hbm>> -> memref<10240x128xf32, #tpu.memory_space<hbm>>
      tpu.wait_indirect_dma semaphore(%arg12 : memref<!tpu.dma_semaphore, #tpu.memory_space<semaphore_mem>>) src(%dma_wait3A_40 : memref<10240x128xf32, #tpu.memory_space<hbm>>) dst(%arg10 : memref<128x128xf32, #tpu.memory_space<vmem>>)
      %add3A_41 = arith.addi %mul3A_2, %scan3A_15 : i32
      %mul3A_42 = arith.constant 128 : i32
      %mul3A_43 = arith.muli %add3A_41, %mul3A_42 : i32
      "tpu.region"() ({
        %run_scoped3A = tpu.sem_alloc : memref<!tpu.dma_semaphore, #tpu.memory_space<semaphore_mem>>
        %dma_start3A_45 = arith.constant 0 : i32
        %dma_start3A_46 = tpu.memref_slice %arg6[%mul3A_43, %dma_start3A_45] : memref<163840x128xf32, #tpu.memory_space<hbm>> -> memref<128x128xf32, #tpu.memory_space<hbm>>
        %dma_start3A_47 = arith.constant 0 : i32
        %dma_start3A_48 = tpu.memref_slice %arg6[%mul3A_43, %dma_start3A_47] : memref<163840x128xf32, #tpu.memory_space<hbm>> -> memref<128x128xf32, #tpu.memory_space<hbm>>
        tpu.enqueue_dma source(%arg10 : memref<128x128xf32, #tpu.memory_space<vmem>>) target(%dma_start3A_48 : memref<128x128xf32, #tpu.memory_space<hbm>>) target_semaphore(%run_scoped3A : memref<!tpu.dma_semaphore, #tpu.memory_space<semaphore_mem>>)
        %dma_wait3A_49 = arith.constant 0 : i32
        %dma_wait3A_50 = tpu.memref_slice %arg6[%mul3A_43, %dma_wait3A_49] : memref<163840x128xf32, #tpu.memory_space<hbm>> -> memref<128x128xf32, #tpu.memory_space<hbm>>
        %dma_wait3A_51 = arith.constant 0 : i32
        %dma_wait3A_52 = tpu.memref_slice %arg6[%mul3A_43, %dma_wait3A_51] : memref<163840x128xf32, #tpu.memory_space<hbm>> -> memref<128x128xf32, #tpu.memory_space<hbm>>
        tpu.wait_dma2 semaphore(%run_scoped3A : memref<!tpu.dma_semaphore, #tpu.memory_space<semaphore_mem>>) src(%arg10 : memref<128x128xf32, #tpu.memory_space<vmem>>) dst(%dma_wait3A_52 : memref<128x128xf32, #tpu.memory_space<hbm>>)
        tpu.yield
      }) : () -> ()
      %scan3A_44 = arith.constant 0 : i32
      scf.yield %scan3A_44 : i32
    }
    %scan3A_14 = arith.constant 40 : i32
    return
  }
}

#map = affine_map<(d0, d1) -> (0, 0)>
module attributes {stable_mosaic.version = 14 : i64} {
  func.func @k(%arg0: i32, %arg1: i32, %arg2: memref<10240x128xf32, #tpu.memory_space<hbm>>, %arg3: memref<1280x128xi32, #tpu.memory_space<hbm>>, %arg4: memref<163840x128xf32, #tpu.memory_space<hbm>>, %arg5: memref<40x128xi32, #tpu.memory_space<vmem>>, %arg6: memref<128x128xf32, #tpu.memory_space<vmem>>, %arg7: memref<128x128xf32, #tpu.memory_space<vmem>>, %arg8: memref<!tpu.dma_semaphore, #tpu.memory_space<semaphore_mem>>, %arg9: memref<!tpu.dma_semaphore, #tpu.memory_space<semaphore_mem>>) attributes {dimension_semantics = [#tpu.dimension_semantics<core_parallel>, #tpu.dimension_semantics<subcore_parallel>], iteration_bounds = array<i64: 2, 16>, scalar_prefetch = 0 : i64, scratch_operands = 5 : i64, tpu.core_type = #tpu.core_type<sc_vector_subcore>, window_params = [{transform_indices = #map}, {transform_indices = #map}, {transform_indices = #map}]} {
    %mul3A = arith.constant 2 : i32
    %mul3A_0 = arith.muli %arg1, %mul3A : i32
    %add3A = arith.addi %mul3A_0, %arg0 : i32
    %mul3A_1 = arith.constant 40 : i32
    %mul3A_2 = arith.muli %add3A, %mul3A_1 : i32
    "tpu.region"() ({
      %run_scoped3A = tpu.sem_alloc : memref<!tpu.dma_semaphore, #tpu.memory_space<semaphore_mem>>
      %dma_start3A_15 = arith.constant 0 : i32
      %dma_start3A_16 = tpu.memref_slice %arg3[%mul3A_2, %dma_start3A_15] : memref<1280x128xi32, #tpu.memory_space<hbm>> -> memref<40x128xi32, #tpu.memory_space<hbm>>
      %dma_start3A_17 = arith.constant 0 : i32
      %dma_start3A_18 = tpu.memref_slice %arg3[%mul3A_2, %dma_start3A_17] : memref<1280x128xi32, #tpu.memory_space<hbm>> -> memref<40x128xi32, #tpu.memory_space<hbm>>
      tpu.enqueue_dma source(%dma_start3A_18 : memref<40x128xi32, #tpu.memory_space<hbm>>) target(%arg5 : memref<40x128xi32, #tpu.memory_space<vmem>>) target_semaphore(%run_scoped3A : memref<!tpu.dma_semaphore, #tpu.memory_space<semaphore_mem>>)
      %dma_wait3A = arith.constant 0 : i32
      %dma_wait3A_19 = tpu.memref_slice %arg3[%mul3A_2, %dma_wait3A] : memref<1280x128xi32, #tpu.memory_space<hbm>> -> memref<40x128xi32, #tpu.memory_space<hbm>>
      %dma_wait3A_20 = arith.constant 0 : i32
      %dma_wait3A_21 = tpu.memref_slice %arg3[%mul3A_2, %dma_wait3A_20] : memref<1280x128xi32, #tpu.memory_space<hbm>> -> memref<40x128xi32, #tpu.memory_space<hbm>>
      tpu.wait_dma2 semaphore(%run_scoped3A : memref<!tpu.dma_semaphore, #tpu.memory_space<semaphore_mem>>) src(%dma_wait3A_21 : memref<40x128xi32, #tpu.memory_space<hbm>>) dst(%arg5 : memref<40x128xi32, #tpu.memory_space<vmem>>)
      tpu.yield
    }) : () -> ()
    %dma_start3A = arith.constant 0 : i32
    %dma_start3A_3 = arith.constant 0 : i32
    %dma_start3A_4 = tpu.memref_slice %arg5[%dma_start3A, %dma_start3A_3] : memref<40x128xi32, #tpu.memory_space<vmem>> -> memref<1x128xi32, #tpu.memory_space<vmem>>
    %dma_start3A_5 = tpu.memref_squeeze %dma_start3A_4 : memref<1x128xi32, #tpu.memory_space<vmem>> -> memref<128xi32, #tpu.memory_space<vmem>>
    %dma_start3A_6 = arith.constant 0 : i32
    %dma_start3A_7 = arith.constant 0 : i32
    %dma_start3A_8 = tpu.memref_slice %arg2[%dma_start3A_6, %dma_start3A_7] : memref<10240x128xf32, #tpu.memory_space<hbm>> -> memref<10240x128xf32, #tpu.memory_space<hbm>>
    tpu.enqueue_indirect_dma source(%dma_start3A_8 : memref<10240x128xf32, #tpu.memory_space<hbm>>) target(%arg6 : memref<128x128xf32, #tpu.memory_space<vmem>>) offsets(%dma_start3A_5 : memref<128xi32, #tpu.memory_space<vmem>>) semaphore(%arg8 : memref<!tpu.dma_semaphore, #tpu.memory_space<semaphore_mem>>)
    %scan3A = arith.constant 0 : i32
    %scan3A_9 = arith.constant 0 : i32
    %scan3A_10 = arith.constant 20 : i32
    %scan3A_11 = arith.addi %scan3A_9, %scan3A_10 : i32
    %scan3A_12 = arith.constant 1 : i32
    %scan3A_13 = scf.for %scan3A_15 = %scan3A_9 to %scan3A_11 step %scan3A_12 iter_args(%scan3A_16 = %scan3A) -> (i32)  : i32 {
      %mul3A_17 = arith.constant 2 : i32
      %mul3A_18 = arith.muli %mul3A_17, %scan3A_15 : i32
      %add3A_19 = arith.constant 1 : i32
      %add3A_20 = arith.addi %mul3A_18, %add3A_19 : i32
      %dma_start3A_21 = arith.constant 0 : i32
      %dma_start3A_22 = tpu.memref_slice %arg5[%add3A_20, %dma_start3A_21] : memref<40x128xi32, #tpu.memory_space<vmem>> -> memref<1x128xi32, #tpu.memory_space<vmem>>
      %dma_start3A_23 = tpu.memref_squeeze %dma_start3A_22 : memref<1x128xi32, #tpu.memory_space<vmem>> -> memref<128xi32, #tpu.memory_space<vmem>>
      %dma_start3A_24 = arith.constant 0 : i32
      %dma_start3A_25 = arith.constant 0 : i32
      %dma_start3A_26 = tpu.memref_slice %arg2[%dma_start3A_24, %dma_start3A_25] : memref<10240x128xf32, #tpu.memory_space<hbm>> -> memref<10240x128xf32, #tpu.memory_space<hbm>>
      tpu.enqueue_indirect_dma source(%dma_start3A_26 : memref<10240x128xf32, #tpu.memory_space<hbm>>) target(%arg7 : memref<128x128xf32, #tpu.memory_space<vmem>>) offsets(%dma_start3A_23 : memref<128xi32, #tpu.memory_space<vmem>>) semaphore(%arg9 : memref<!tpu.dma_semaphore, #tpu.memory_space<semaphore_mem>>)
      %dma_wait3A = arith.constant 0 : i32
      %dma_wait3A_27 = tpu.memref_slice %arg5[%mul3A_18, %dma_wait3A] : memref<40x128xi32, #tpu.memory_space<vmem>> -> memref<1x128xi32, #tpu.memory_space<vmem>>
      %dma_wait3A_28 = tpu.memref_squeeze %dma_wait3A_27 : memref<1x128xi32, #tpu.memory_space<vmem>> -> memref<128xi32, #tpu.memory_space<vmem>>
      %dma_wait3A_29 = arith.constant 0 : i32
      %dma_wait3A_30 = arith.constant 0 : i32
      %dma_wait3A_31 = tpu.memref_slice %arg2[%dma_wait3A_29, %dma_wait3A_30] : memref<10240x128xf32, #tpu.memory_space<hbm>> -> memref<10240x128xf32, #tpu.memory_space<hbm>>
      tpu.wait_indirect_dma semaphore(%arg8 : memref<!tpu.dma_semaphore, #tpu.memory_space<semaphore_mem>>) src(%dma_wait3A_31 : memref<10240x128xf32, #tpu.memory_space<hbm>>) dst(%arg6 : memref<128x128xf32, #tpu.memory_space<vmem>>)
      %add3A_32 = arith.addi %mul3A_2, %mul3A_18 : i32
      %mul3A_33 = arith.constant 128 : i32
      %mul3A_34 = arith.muli %add3A_32, %mul3A_33 : i32
      "tpu.region"() ({
        %run_scoped3A = tpu.sem_alloc : memref<!tpu.dma_semaphore, #tpu.memory_space<semaphore_mem>>
        %dma_start3A_51 = arith.constant 0 : i32
        %dma_start3A_52 = tpu.memref_slice %arg4[%mul3A_34, %dma_start3A_51] : memref<163840x128xf32, #tpu.memory_space<hbm>> -> memref<128x128xf32, #tpu.memory_space<hbm>>
        %dma_start3A_53 = arith.constant 0 : i32
        %dma_start3A_54 = tpu.memref_slice %arg4[%mul3A_34, %dma_start3A_53] : memref<163840x128xf32, #tpu.memory_space<hbm>> -> memref<128x128xf32, #tpu.memory_space<hbm>>
        tpu.enqueue_dma source(%arg6 : memref<128x128xf32, #tpu.memory_space<vmem>>) target(%dma_start3A_54 : memref<128x128xf32, #tpu.memory_space<hbm>>) target_semaphore(%run_scoped3A : memref<!tpu.dma_semaphore, #tpu.memory_space<semaphore_mem>>)
        %dma_wait3A_55 = arith.constant 0 : i32
        %dma_wait3A_56 = tpu.memref_slice %arg4[%mul3A_34, %dma_wait3A_55] : memref<163840x128xf32, #tpu.memory_space<hbm>> -> memref<128x128xf32, #tpu.memory_space<hbm>>
        %dma_wait3A_57 = arith.constant 0 : i32
        %dma_wait3A_58 = tpu.memref_slice %arg4[%mul3A_34, %dma_wait3A_57] : memref<163840x128xf32, #tpu.memory_space<hbm>> -> memref<128x128xf32, #tpu.memory_space<hbm>>
        tpu.wait_dma2 semaphore(%run_scoped3A : memref<!tpu.dma_semaphore, #tpu.memory_space<semaphore_mem>>) src(%arg6 : memref<128x128xf32, #tpu.memory_space<vmem>>) dst(%dma_wait3A_58 : memref<128x128xf32, #tpu.memory_space<hbm>>)
        tpu.yield
      }) : () -> ()
      %add3A_35 = arith.constant 2 : i32
      %add3A_36 = arith.addi %mul3A_18, %add3A_35 : i32
      %lt3A = arith.constant 40 : i32
      %lt3A_37 = arith.cmpi slt, %add3A_36, %lt3A : i32
      %convert_element_type3A = arith.extui %lt3A_37 : i1 to i32
      %cond3A = arith.constant 0 : i32
      %cond3A_38 = arith.cmpi ne, %convert_element_type3A, %cond3A : i32
      scf.if %cond3A_38 {
        %add3A_51 = arith.constant 2 : i32
        %add3A_52 = arith.addi %mul3A_18, %add3A_51 : i32
        %dma_start3A_53 = arith.constant 0 : i32
        %dma_start3A_54 = tpu.memref_slice %arg5[%add3A_52, %dma_start3A_53] : memref<40x128xi32, #tpu.memory_space<vmem>> -> memref<1x128xi32, #tpu.memory_space<vmem>>
        %dma_start3A_55 = tpu.memref_squeeze %dma_start3A_54 : memref<1x128xi32, #tpu.memory_space<vmem>> -> memref<128xi32, #tpu.memory_space<vmem>>
        %dma_start3A_56 = arith.constant 0 : i32
        %dma_start3A_57 = arith.constant 0 : i32
        %dma_start3A_58 = tpu.memref_slice %arg2[%dma_start3A_56, %dma_start3A_57] : memref<10240x128xf32, #tpu.memory_space<hbm>> -> memref<10240x128xf32, #tpu.memory_space<hbm>>
        tpu.enqueue_indirect_dma source(%dma_start3A_58 : memref<10240x128xf32, #tpu.memory_space<hbm>>) target(%arg6 : memref<128x128xf32, #tpu.memory_space<vmem>>) offsets(%dma_start3A_55 : memref<128xi32, #tpu.memory_space<vmem>>) semaphore(%arg8 : memref<!tpu.dma_semaphore, #tpu.memory_space<semaphore_mem>>)
      } else {
      }
      %add3A_39 = arith.constant 1 : i32
      %add3A_40 = arith.addi %mul3A_18, %add3A_39 : i32
      %dma_wait3A_41 = arith.constant 0 : i32
      %dma_wait3A_42 = tpu.memref_slice %arg5[%add3A_40, %dma_wait3A_41] : memref<40x128xi32, #tpu.memory_space<vmem>> -> memref<1x128xi32, #tpu.memory_space<vmem>>
      %dma_wait3A_43 = tpu.memref_squeeze %dma_wait3A_42 : memref<1x128xi32, #tpu.memory_space<vmem>> -> memref<128xi32, #tpu.memory_space<vmem>>
      %dma_wait3A_44 = arith.constant 0 : i32
      %dma_wait3A_45 = arith.constant 0 : i32
      %dma_wait3A_46 = tpu.memref_slice %arg2[%dma_wait3A_44, %dma_wait3A_45] : memref<10240x128xf32, #tpu.memory_space<hbm>> -> memref<10240x128xf32, #tpu.memory_space<hbm>>
      tpu.wait_indirect_dma semaphore(%arg9 : memref<!tpu.dma_semaphore, #tpu.memory_space<semaphore_mem>>) src(%dma_wait3A_46 : memref<10240x128xf32, #tpu.memory_space<hbm>>) dst(%arg7 : memref<128x128xf32, #tpu.memory_space<vmem>>)
      %add3A_47 = arith.addi %mul3A_2, %add3A_40 : i32
      %mul3A_48 = arith.constant 128 : i32
      %mul3A_49 = arith.muli %add3A_47, %mul3A_48 : i32
      "tpu.region"() ({
        %run_scoped3A = tpu.sem_alloc : memref<!tpu.dma_semaphore, #tpu.memory_space<semaphore_mem>>
        %dma_start3A_51 = arith.constant 0 : i32
        %dma_start3A_52 = tpu.memref_slice %arg4[%mul3A_49, %dma_start3A_51] : memref<163840x128xf32, #tpu.memory_space<hbm>> -> memref<128x128xf32, #tpu.memory_space<hbm>>
        %dma_start3A_53 = arith.constant 0 : i32
        %dma_start3A_54 = tpu.memref_slice %arg4[%mul3A_49, %dma_start3A_53] : memref<163840x128xf32, #tpu.memory_space<hbm>> -> memref<128x128xf32, #tpu.memory_space<hbm>>
        tpu.enqueue_dma source(%arg7 : memref<128x128xf32, #tpu.memory_space<vmem>>) target(%dma_start3A_54 : memref<128x128xf32, #tpu.memory_space<hbm>>) target_semaphore(%run_scoped3A : memref<!tpu.dma_semaphore, #tpu.memory_space<semaphore_mem>>)
        %dma_wait3A_55 = arith.constant 0 : i32
        %dma_wait3A_56 = tpu.memref_slice %arg4[%mul3A_49, %dma_wait3A_55] : memref<163840x128xf32, #tpu.memory_space<hbm>> -> memref<128x128xf32, #tpu.memory_space<hbm>>
        %dma_wait3A_57 = arith.constant 0 : i32
        %dma_wait3A_58 = tpu.memref_slice %arg4[%mul3A_49, %dma_wait3A_57] : memref<163840x128xf32, #tpu.memory_space<hbm>> -> memref<128x128xf32, #tpu.memory_space<hbm>>
        tpu.wait_dma2 semaphore(%run_scoped3A : memref<!tpu.dma_semaphore, #tpu.memory_space<semaphore_mem>>) src(%arg7 : memref<128x128xf32, #tpu.memory_space<vmem>>) dst(%dma_wait3A_58 : memref<128x128xf32, #tpu.memory_space<hbm>>)
        tpu.yield
      }) : () -> ()
      %scan3A_50 = arith.constant 0 : i32
      scf.yield %scan3A_50 : i32
    }
    %scan3A_14 = arith.constant 20 : i32
    return
  }
}

#map = affine_map<(d0, d1) -> (0, 0)>
#map1 = affine_map<(d0, d1) -> (0, 0, 0)>
module attributes {stable_mosaic.version = 14 : i64} {
  func.func @k(%arg0: i32, %arg1: i32, %arg2: memref<163840x128xf32, #tpu.memory_space<hbm>>, %arg3: memref<1280x128xi32, #tpu.memory_space<hbm>>, %arg4: memref<2x10240x128xf32, #tpu.memory_space<hbm>>, %arg5: memref<10240x128xf32, #tpu.memory_space<vmem_shared>>, %arg6: memref<40x128xi32, #tpu.memory_space<vmem>>, %arg7: memref<128x128xf32, #tpu.memory_space<vmem>>, %arg8: memref<128x128xf32, #tpu.memory_space<vmem>>, %arg9: memref<!tpu.dma_semaphore, #tpu.memory_space<semaphore_mem>>, %arg10: memref<!tpu.dma_semaphore, #tpu.memory_space<semaphore_mem>>, %arg11: memref<!tpu.dma_semaphore, #tpu.memory_space<semaphore_mem>>, %arg12: memref<!tpu.dma_semaphore, #tpu.memory_space<semaphore_mem>>) attributes {dimension_semantics = [#tpu.dimension_semantics<core_parallel>, #tpu.dimension_semantics<subcore_parallel>], iteration_bounds = array<i64: 2, 16>, scalar_prefetch = 0 : i64, scratch_operands = 8 : i64, tpu.core_type = #tpu.core_type<sc_vector_subcore>, window_params = [{transform_indices = #map}, {transform_indices = #map}, {transform_indices = #map1}]} {
    %mul3A = arith.constant 2 : i32
    %mul3A_0 = arith.muli %arg1, %mul3A : i32
    %add3A = arith.addi %mul3A_0, %arg0 : i32
    %mul3A_1 = arith.constant 40 : i32
    %mul3A_2 = arith.muli %add3A, %mul3A_1 : i32
    %scan3A = arith.constant 0 : i32
    %scan3A_3 = arith.constant 0 : i32
    %scan3A_4 = arith.constant 128 : i32
    %scan3A_5 = arith.addi %scan3A_3, %scan3A_4 : i32
    %scan3A_6 = arith.constant 1 : i32
    %scan3A_7 = scf.for %scan3A_41 = %scan3A_3 to %scan3A_5 step %scan3A_6 iter_args(%scan3A_42 = %scan3A) -> (i32)  : i32 {
      %broadcast_in_dim3A = arith.constant 0.000000e+00 : f32
      %broadcast_in_dim3A_43 = vector.broadcast %broadcast_in_dim3A : f32 to vector<16xf32>
      %swap3A = arith.index_cast %scan3A_41 : i32 to index
      %swap3A_44 = arith.constant 0 : index
      %swap3A_45 = tpu.vector_load %arg7[%swap3A, %swap3A_44] {strides = array<i32>} : memref<128x128xf32, #tpu.memory_space<vmem>>, vector<1x16xf32>,
      %swap3A_46 = vector.shape_cast %swap3A_45 : vector<1x16xf32> to vector<16xf32>
      %swap3A_47 = vector.shape_cast %broadcast_in_dim3A_43 : vector<16xf32> to vector<1x16xf32>
      tpu.vector_store %arg7[%swap3A, %swap3A_44], %swap3A_47 {strides = array<i32>} : memref<128x128xf32, #tpu.memory_space<vmem>>, vector<1x16xf32>,
      %broadcast_in_dim3A_48 = arith.constant 0.000000e+00 : f32
      %broadcast_in_dim3A_49 = vector.broadcast %broadcast_in_dim3A_48 : f32 to vector<16xf32>
      %swap3A_50 = arith.index_cast %scan3A_41 : i32 to index
      %swap3A_51 = arith.constant 16 : index
      %swap3A_52 = tpu.vector_load %arg7[%swap3A_50, %swap3A_51] {strides = array<i32>} : memref<128x128xf32, #tpu.memory_space<vmem>>, vector<1x16xf32>,
      %swap3A_53 = vector.shape_cast %swap3A_52 : vector<1x16xf32> to vector<16xf32>
      %swap3A_54 = vector.shape_cast %broadcast_in_dim3A_49 : vector<16xf32> to vector<1x16xf32>
      tpu.vector_store %arg7[%swap3A_50, %swap3A_51], %swap3A_54 {strides = array<i32>} : memref<128x128xf32, #tpu.memory_space<vmem>>, vector<1x16xf32>,
      %broadcast_in_dim3A_55 = arith.constant 0.000000e+00 : f32
      %broadcast_in_dim3A_56 = vector.broadcast %broadcast_in_dim3A_55 : f32 to vector<16xf32>
      %swap3A_57 = arith.index_cast %scan3A_41 : i32 to index
      %swap3A_58 = arith.constant 32 : index
      %swap3A_59 = tpu.vector_load %arg7[%swap3A_57, %swap3A_58] {strides = array<i32>} : memref<128x128xf32, #tpu.memory_space<vmem>>, vector<1x16xf32>,
      %swap3A_60 = vector.shape_cast %swap3A_59 : vector<1x16xf32> to vector<16xf32>
      %swap3A_61 = vector.shape_cast %broadcast_in_dim3A_56 : vector<16xf32> to vector<1x16xf32>
      tpu.vector_store %arg7[%swap3A_57, %swap3A_58], %swap3A_61 {strides = array<i32>} : memref<128x128xf32, #tpu.memory_space<vmem>>, vector<1x16xf32>,
      %broadcast_in_dim3A_62 = arith.constant 0.000000e+00 : f32
      %broadcast_in_dim3A_63 = vector.broadcast %broadcast_in_dim3A_62 : f32 to vector<16xf32>
      %swap3A_64 = arith.index_cast %scan3A_41 : i32 to index
      %swap3A_65 = arith.constant 48 : index
      %swap3A_66 = tpu.vector_load %arg7[%swap3A_64, %swap3A_65] {strides = array<i32>} : memref<128x128xf32, #tpu.memory_space<vmem>>, vector<1x16xf32>,
      %swap3A_67 = vector.shape_cast %swap3A_66 : vector<1x16xf32> to vector<16xf32>
      %swap3A_68 = vector.shape_cast %broadcast_in_dim3A_63 : vector<16xf32> to vector<1x16xf32>
      tpu.vector_store %arg7[%swap3A_64, %swap3A_65], %swap3A_68 {strides = array<i32>} : memref<128x128xf32, #tpu.memory_space<vmem>>, vector<1x16xf32>,
      %broadcast_in_dim3A_69 = arith.constant 0.000000e+00 : f32
      %broadcast_in_dim3A_70 = vector.broadcast %broadcast_in_dim3A_69 : f32 to vector<16xf32>
      %swap3A_71 = arith.index_cast %scan3A_41 : i32 to index
      %swap3A_72 = arith.constant 64 : index
      %swap3A_73 = tpu.vector_load %arg7[%swap3A_71, %swap3A_72] {strides = array<i32>} : memref<128x128xf32, #tpu.memory_space<vmem>>, vector<1x16xf32>,
      %swap3A_74 = vector.shape_cast %swap3A_73 : vector<1x16xf32> to vector<16xf32>
      %swap3A_75 = vector.shape_cast %broadcast_in_dim3A_70 : vector<16xf32> to vector<1x16xf32>
      tpu.vector_store %arg7[%swap3A_71, %swap3A_72], %swap3A_75 {strides = array<i32>} : memref<128x128xf32, #tpu.memory_space<vmem>>, vector<1x16xf32>,
      %broadcast_in_dim3A_76 = arith.constant 0.000000e+00 : f32
      %broadcast_in_dim3A_77 = vector.broadcast %broadcast_in_dim3A_76 : f32 to vector<16xf32>
      %swap3A_78 = arith.index_cast %scan3A_41 : i32 to index
      %swap3A_79 = arith.constant 80 : index
      %swap3A_80 = tpu.vector_load %arg7[%swap3A_78, %swap3A_79] {strides = array<i32>} : memref<128x128xf32, #tpu.memory_space<vmem>>, vector<1x16xf32>,
      %swap3A_81 = vector.shape_cast %swap3A_80 : vector<1x16xf32> to vector<16xf32>
      %swap3A_82 = vector.shape_cast %broadcast_in_dim3A_77 : vector<16xf32> to vector<1x16xf32>
      tpu.vector_store %arg7[%swap3A_78, %swap3A_79], %swap3A_82 {strides = array<i32>} : memref<128x128xf32, #tpu.memory_space<vmem>>, vector<1x16xf32>,
      %broadcast_in_dim3A_83 = arith.constant 0.000000e+00 : f32
      %broadcast_in_dim3A_84 = vector.broadcast %broadcast_in_dim3A_83 : f32 to vector<16xf32>
      %swap3A_85 = arith.index_cast %scan3A_41 : i32 to index
      %swap3A_86 = arith.constant 96 : index
      %swap3A_87 = tpu.vector_load %arg7[%swap3A_85, %swap3A_86] {strides = array<i32>} : memref<128x128xf32, #tpu.memory_space<vmem>>, vector<1x16xf32>,
      %swap3A_88 = vector.shape_cast %swap3A_87 : vector<1x16xf32> to vector<16xf32>
      %swap3A_89 = vector.shape_cast %broadcast_in_dim3A_84 : vector<16xf32> to vector<1x16xf32>
      tpu.vector_store %arg7[%swap3A_85, %swap3A_86], %swap3A_89 {strides = array<i32>} : memref<128x128xf32, #tpu.memory_space<vmem>>, vector<1x16xf32>,
      %broadcast_in_dim3A_90 = arith.constant 0.000000e+00 : f32
      %broadcast_in_dim3A_91 = vector.broadcast %broadcast_in_dim3A_90 : f32 to vector<16xf32>
      %swap3A_92 = arith.index_cast %scan3A_41 : i32 to index
      %swap3A_93 = arith.constant 112 : index
      %swap3A_94 = tpu.vector_load %arg7[%swap3A_92, %swap3A_93] {strides = array<i32>} : memref<128x128xf32, #tpu.memory_space<vmem>>, vector<1x16xf32>,
      %swap3A_95 = vector.shape_cast %swap3A_94 : vector<1x16xf32> to vector<16xf32>
      %swap3A_96 = vector.shape_cast %broadcast_in_dim3A_91 : vector<16xf32> to vector<1x16xf32>
      tpu.vector_store %arg7[%swap3A_92, %swap3A_93], %swap3A_96 {strides = array<i32>} : memref<128x128xf32, #tpu.memory_space<vmem>>, vector<1x16xf32>,
      %scan3A_97 = arith.constant 0 : i32
      scf.yield %scan3A_97 : i32
    }
    %scan3A_8 = arith.constant 128 : i32
    %scan3A_9 = arith.constant 0 : i32
    %scan3A_10 = arith.constant 0 : i32
    %scan3A_11 = arith.constant 5 : i32
    %scan3A_12 = arith.addi %scan3A_10, %scan3A_11 : i32
    %scan3A_13 = arith.constant 1 : i32
    %scan3A_14 = scf.for %scan3A_41 = %scan3A_10 to %scan3A_12 step %scan3A_13 iter_args(%scan3A_42 = %scan3A_9) -> (i32)  : i32 {
      %mul3A_43 = arith.constant 640 : i32
      %mul3A_44 = arith.muli %arg1, %mul3A_43 : i32
      %mul3A_45 = arith.constant 128 : i32
      %mul3A_46 = arith.muli %scan3A_41, %mul3A_45 : i32
      %add3A_47 = arith.addi %mul3A_44, %mul3A_46 : i32
      "tpu.region"() ({
        %run_scoped3A = tpu.sem_alloc : memref<!tpu.dma_semaphore, #tpu.memory_space<semaphore_mem>>
        %dma_start3A_49 = arith.constant 0 : i32
        %dma_start3A_50 = tpu.memref_slice %arg5[%add3A_47, %dma_start3A_49] : memref<10240x128xf32, #tpu.memory_space<vmem_shared>> -> memref<128x128xf32, #tpu.memory_space<vmem_shared>>
        %dma_start3A_51 = arith.constant 0 : i32
        %dma_start3A_52 = tpu.memref_slice %arg5[%add3A_47, %dma_start3A_51] : memref<10240x128xf32, #tpu.memory_space<vmem_shared>> -> memref<128x128xf32, #tpu.memory_space<vmem_shared>>
        tpu.enqueue_dma source(%arg7 : memref<128x128xf32, #tpu.memory_space<vmem>>) target(%dma_start3A_52 : memref<128x128xf32, #tpu.memory_space<vmem_shared>>) target_semaphore(%run_scoped3A : memref<!tpu.dma_semaphore, #tpu.memory_space<semaphore_mem>>)
        %dma_wait3A_53 = arith.constant 0 : i32
        %dma_wait3A_54 = tpu.memref_slice %arg5[%add3A_47, %dma_wait3A_53] : memref<10240x128xf32, #tpu.memory_space<vmem_shared>> -> memref<128x128xf32, #tpu.memory_space<vmem_shared>>
        %dma_wait3A_55 = arith.constant 0 : i32
        %dma_wait3A_56 = tpu.memref_slice %arg5[%add3A_47, %dma_wait3A_55] : memref<10240x128xf32, #tpu.memory_space<vmem_shared>> -> memref<128x128xf32, #tpu.memory_space<vmem_shared>>
        tpu.wait_dma2 semaphore(%run_scoped3A : memref<!tpu.dma_semaphore, #tpu.memory_space<semaphore_mem>>) src(%arg7 : memref<128x128xf32, #tpu.memory_space<vmem>>) dst(%dma_wait3A_56 : memref<128x128xf32, #tpu.memory_space<vmem_shared>>)
        tpu.yield
      }) : () -> ()
      %scan3A_48 = arith.constant 0 : i32
      scf.yield %scan3A_48 : i32
    }
    %scan3A_15 = arith.constant 5 : i32
    "tpu.region"() ({
      %run_scoped3A = tpu.sem_alloc : memref<!tpu.dma_semaphore, #tpu.memory_space<semaphore_mem>>
      %dma_start3A_41 = arith.constant 0 : i32
      %dma_start3A_42 = tpu.memref_slice %arg3[%mul3A_2, %dma_start3A_41] : memref<1280x128xi32, #tpu.memory_space<hbm>> -> memref<40x128xi32, #tpu.memory_space<hbm>>
      %dma_start3A_43 = arith.constant 0 : i32
      %dma_start3A_44 = tpu.memref_slice %arg3[%mul3A_2, %dma_start3A_43] : memref<1280x128xi32, #tpu.memory_space<hbm>> -> memref<40x128xi32, #tpu.memory_space<hbm>>
      tpu.enqueue_dma source(%dma_start3A_44 : memref<40x128xi32, #tpu.memory_space<hbm>>) target(%arg6 : memref<40x128xi32, #tpu.memory_space<vmem>>) target_semaphore(%run_scoped3A : memref<!tpu.dma_semaphore, #tpu.memory_space<semaphore_mem>>)
      %dma_wait3A_45 = arith.constant 0 : i32
      %dma_wait3A_46 = tpu.memref_slice %arg3[%mul3A_2, %dma_wait3A_45] : memref<1280x128xi32, #tpu.memory_space<hbm>> -> memref<40x128xi32, #tpu.memory_space<hbm>>
      %dma_wait3A_47 = arith.constant 0 : i32
      %dma_wait3A_48 = tpu.memref_slice %arg3[%mul3A_2, %dma_wait3A_47] : memref<1280x128xi32, #tpu.memory_space<hbm>> -> memref<40x128xi32, #tpu.memory_space<hbm>>
      tpu.wait_dma2 semaphore(%run_scoped3A : memref<!tpu.dma_semaphore, #tpu.memory_space<semaphore_mem>>) src(%dma_wait3A_48 : memref<40x128xi32, #tpu.memory_space<hbm>>) dst(%arg6 : memref<40x128xi32, #tpu.memory_space<vmem>>)
      tpu.yield
    }) : () -> ()
    %barrier3A = arith.constant 0 : index
    tpu.barrier barrier_id(%barrier3A)
    %add3A_16 = arith.constant 0 : i32
    %add3A_17 = arith.addi %mul3A_2, %add3A_16 : i32
    %mul3A_18 = arith.constant 128 : i32
    %mul3A_19 = arith.muli %add3A_17, %mul3A_18 : i32
    %dma_start3A = arith.constant 0 : i32
    %dma_start3A_20 = tpu.memref_slice %arg2[%mul3A_19, %dma_start3A] : memref<163840x128xf32, #tpu.memory_space<hbm>> -> memref<128x128xf32, #tpu.memory_space<hbm>>
    %dma_start3A_21 = arith.constant 0 : i32
    %dma_start3A_22 = tpu.memref_slice %arg2[%mul3A_19, %dma_start3A_21] : memref<163840x128xf32, #tpu.memory_space<hbm>> -> memref<128x128xf32, #tpu.memory_space<hbm>>
    tpu.enqueue_dma source(%dma_start3A_22 : memref<128x128xf32, #tpu.memory_space<hbm>>) target(%arg7 : memref<128x128xf32, #tpu.memory_space<vmem>>) target_semaphore(%arg9 : memref<!tpu.dma_semaphore, #tpu.memory_space<semaphore_mem>>)
    %scan3A_23 = arith.constant 0 : i32
    %scan3A_24 = arith.constant 0 : i32
    %scan3A_25 = arith.constant 20 : i32
    %scan3A_26 = arith.addi %scan3A_24, %scan3A_25 : i32
    %scan3A_27 = arith.constant 1 : i32
    %scan3A_28 = scf.for %scan3A_41 = %scan3A_24 to %scan3A_26 step %scan3A_27 iter_args(%scan3A_42 = %scan3A_23) -> (i32)  : i32 {
      %mul3A_43 = arith.constant 2 : i32
      %mul3A_44 = arith.muli %mul3A_43, %scan3A_41 : i32
      %add3A_45 = arith.addi %mul3A_2, %mul3A_44 : i32
      %mul3A_46 = arith.constant 128 : i32
      %mul3A_47 = arith.muli %add3A_45, %mul3A_46 : i32
      %dma_wait3A_48 = arith.constant 0 : i32
      %dma_wait3A_49 = tpu.memref_slice %arg2[%mul3A_47, %dma_wait3A_48] : memref<163840x128xf32, #tpu.memory_space<hbm>> -> memref<128x128xf32, #tpu.memory_space<hbm>>
      %dma_wait3A_50 = arith.constant 0 : i32
      %dma_wait3A_51 = tpu.memref_slice %arg2[%mul3A_47, %dma_wait3A_50] : memref<163840x128xf32, #tpu.memory_space<hbm>> -> memref<128x128xf32, #tpu.memory_space<hbm>>
      tpu.wait_dma2 semaphore(%arg9 : memref<!tpu.dma_semaphore, #tpu.memory_space<semaphore_mem>>) src(%dma_wait3A_51 : memref<128x128xf32, #tpu.memory_space<hbm>>) dst(%arg7 : memref<128x128xf32, #tpu.memory_space<vmem>>)
      %gt3A = arith.constant 0 : i32
      %gt3A_52 = arith.cmpi sgt, %scan3A_41, %gt3A : i32
      %convert_element_type3A = arith.extui %gt3A_52 : i1 to i32
      %cond3A = arith.constant 0 : i32
      %cond3A_53 = arith.cmpi ne, %convert_element_type3A, %cond3A : i32
      scf.if %cond3A_53 {
        %sub3A = arith.constant 1 : i32
        %sub3A_99 = arith.subi %mul3A_44, %sub3A : i32
        %dma_wait3A_100 = arith.constant 0 : i32
        %dma_wait3A_101 = tpu.memref_slice %arg6[%sub3A_99, %dma_wait3A_100] : memref<40x128xi32, #tpu.memory_space<vmem>> -> memref<1x128xi32, #tpu.memory_space<vmem>>
        %dma_wait3A_102 = tpu.memref_squeeze %dma_wait3A_101 : memref<1x128xi32, #tpu.memory_space<vmem>> -> memref<128xi32, #tpu.memory_space<vmem>>
        %dma_wait3A_103 = arith.constant 0 : i32
        %dma_wait3A_104 = arith.constant 0 : i32
        %dma_wait3A_105 = tpu.memref_slice %arg5[%dma_wait3A_103, %dma_wait3A_104] : memref<10240x128xf32, #tpu.memory_space<vmem_shared>> -> memref<10240x128xf32, #tpu.memory_space<vmem_shared>>
        tpu.wait_indirect_dma semaphore(%arg12 : memref<!tpu.dma_semaphore, #tpu.memory_space<semaphore_mem>>) src(%arg8 : memref<128x128xf32, #tpu.memory_space<vmem>>) dst(%dma_wait3A_105 : memref<10240x128xf32, #tpu.memory_space<vmem_shared>>)
      } else {
      }
      %add3A_54 = arith.constant 1 : i32
      %add3A_55 = arith.addi %mul3A_44, %add3A_54 : i32
      %add3A_56 = arith.addi %mul3A_2, %add3A_55 : i32
      %mul3A_57 = arith.constant 128 : i32
      %mul3A_58 = arith.muli %add3A_56, %mul3A_57 : i32
      %dma_start3A_59 = arith.constant 0 : i32
      %dma_start3A_60 = tpu.memref_slice %arg2[%mul3A_58, %dma_start3A_59] : memref<163840x128xf32, #tpu.memory_space<hbm>> -> memref<128x128xf32, #tpu.memory_space<hbm>>
      %dma_start3A_61 = arith.constant 0 : i32
      %dma_start3A_62 = tpu.memref_slice %arg2[%mul3A_58, %dma_start3A_61] : memref<163840x128xf32, #tpu.memory_space<hbm>> -> memref<128x128xf32, #tpu.memory_space<hbm>>
      tpu.enqueue_dma source(%dma_start3A_62 : memref<128x128xf32, #tpu.memory_space<hbm>>) target(%arg8 : memref<128x128xf32, #tpu.memory_space<vmem>>) target_semaphore(%arg10 : memref<!tpu.dma_semaphore, #tpu.memory_space<semaphore_mem>>)
      %dma_start3A_63 = arith.constant 0 : i32
      %dma_start3A_64 = tpu.memref_slice %arg6[%mul3A_44, %dma_start3A_63] : memref<40x128xi32, #tpu.memory_space<vmem>> -> memref<1x128xi32, #tpu.memory_space<vmem>>
      %dma_start3A_65 = tpu.memref_squeeze %dma_start3A_64 : memref<1x128xi32, #tpu.memory_space<vmem>> -> memref<128xi32, #tpu.memory_space<vmem>>
      %dma_start3A_66 = arith.constant 0 : i32
      %dma_start3A_67 = arith.constant 0 : i32
      %dma_start3A_68 = tpu.memref_slice %arg5[%dma_start3A_66, %dma_start3A_67] : memref<10240x128xf32, #tpu.memory_space<vmem_shared>> -> memref<10240x128xf32, #tpu.memory_space<vmem_shared>>
      tpu.enqueue_indirect_dma source(%arg7 : memref<128x128xf32, #tpu.memory_space<vmem>>) target(%dma_start3A_68 : memref<10240x128xf32, #tpu.memory_space<vmem_shared>>) offsets(%dma_start3A_65 : memref<128xi32, #tpu.memory_space<vmem>>) semaphore(%arg11 : memref<!tpu.dma_semaphore, #tpu.memory_space<semaphore_mem>>) {add = true}
      %add3A_69 = arith.addi %mul3A_2, %mul3A_44 : i32
      %add3A_70 = arith.constant 1 : i32
      %add3A_71 = arith.addi %add3A_69, %add3A_70 : i32
      %mul3A_72 = arith.constant 128 : i32
      %mul3A_73 = arith.muli %add3A_71, %mul3A_72 : i32
      %dma_wait3A_74 = arith.constant 0 : i32
      %dma_wait3A_75 = tpu.memref_slice %arg2[%mul3A_73, %dma_wait3A_74] : memref<163840x128xf32, #tpu.memory_space<hbm>> -> memref<128x128xf32, #tpu.memory_space<hbm>>
      %dma_wait3A_76 = arith.constant 0 : i32
      %dma_wait3A_77 = tpu.memref_slice %arg2[%mul3A_73, %dma_wait3A_76] : memref<163840x128xf32, #tpu.memory_space<hbm>> -> memref<128x128xf32, #tpu.memory_space<hbm>>
      tpu.wait_dma2 semaphore(%arg10 : memref<!tpu.dma_semaphore, #tpu.memory_space<semaphore_mem>>) src(%dma_wait3A_77 : memref<128x128xf32, #tpu.memory_space<hbm>>) dst(%arg8 : memref<128x128xf32, #tpu.memory_space<vmem>>)
      %dma_wait3A_78 = arith.constant 0 : i32
      %dma_wait3A_79 = tpu.memref_slice %arg6[%mul3A_44, %dma_wait3A_78] : memref<40x128xi32, #tpu.memory_space<vmem>> -> memref<1x128xi32, #tpu.memory_space<vmem>>
      %dma_wait3A_80 = tpu.memref_squeeze %dma_wait3A_79 : memref<1x128xi32, #tpu.memory_space<vmem>> -> memref<128xi32, #tpu.memory_space<vmem>>
      %dma_wait3A_81 = arith.constant 0 : i32
      %dma_wait3A_82 = arith.constant 0 : i32
      %dma_wait3A_83 = tpu.memref_slice %arg5[%dma_wait3A_81, %dma_wait3A_82] : memref<10240x128xf32, #tpu.memory_space<vmem_shared>> -> memref<10240x128xf32, #tpu.memory_space<vmem_shared>>
      tpu.wait_indirect_dma semaphore(%arg11 : memref<!tpu.dma_semaphore, #tpu.memory_space<semaphore_mem>>) src(%arg7 : memref<128x128xf32, #tpu.memory_space<vmem>>) dst(%dma_wait3A_83 : memref<10240x128xf32, #tpu.memory_space<vmem_shared>>)
      %add3A_84 = arith.constant 2 : i32
      %add3A_85 = arith.addi %mul3A_44, %add3A_84 : i32
      %lt3A = arith.constant 40 : i32
      %lt3A_86 = arith.cmpi slt, %add3A_85, %lt3A : i32
      %convert_element_type3A_87 = arith.extui %lt3A_86 : i1 to i32
      %cond3A_88 = arith.constant 0 : i32
      %cond3A_89 = arith.cmpi ne, %convert_element_type3A_87, %cond3A_88 : i32
      scf.if %cond3A_89 {
        %add3A_99 = arith.constant 2 : i32
        %add3A_100 = arith.addi %mul3A_44, %add3A_99 : i32
        %add3A_101 = arith.addi %mul3A_2, %add3A_100 : i32
        %mul3A_102 = arith.constant 128 : i32
        %mul3A_103 = arith.muli %add3A_101, %mul3A_102 : i32
        %dma_start3A_104 = arith.constant 0 : i32
        %dma_start3A_105 = tpu.memref_slice %arg2[%mul3A_103, %dma_start3A_104] : memref<163840x128xf32, #tpu.memory_space<hbm>> -> memref<128x128xf32, #tpu.memory_space<hbm>>
        %dma_start3A_106 = arith.constant 0 : i32
        %dma_start3A_107 = tpu.memref_slice %arg2[%mul3A_103, %dma_start3A_106] : memref<163840x128xf32, #tpu.memory_space<hbm>> -> memref<128x128xf32, #tpu.memory_space<hbm>>
        tpu.enqueue_dma source(%dma_start3A_107 : memref<128x128xf32, #tpu.memory_space<hbm>>) target(%arg7 : memref<128x128xf32, #tpu.memory_space<vmem>>) target_semaphore(%arg9 : memref<!tpu.dma_semaphore, #tpu.memory_space<semaphore_mem>>)
      } else {
      }
      %add3A_90 = arith.constant 1 : i32
      %add3A_91 = arith.addi %mul3A_44, %add3A_90 : i32
      %dma_start3A_92 = arith.constant 0 : i32
      %dma_start3A_93 = tpu.memref_slice %arg6[%add3A_91, %dma_start3A_92] : memref<40x128xi32, #tpu.memory_space<vmem>> -> memref<1x128xi32, #tpu.memory_space<vmem>>
      %dma_start3A_94 = tpu.memref_squeeze %dma_start3A_93 : memref<1x128xi32, #tpu.memory_space<vmem>> -> memref<128xi32, #tpu.memory_space<vmem>>
      %dma_start3A_95 = arith.constant 0 : i32
      %dma_start3A_96 = arith.constant 0 : i32
      %dma_start3A_97 = tpu.memref_slice %arg5[%dma_start3A_95, %dma_start3A_96] : memref<10240x128xf32, #tpu.memory_space<vmem_shared>> -> memref<10240x128xf32, #tpu.memory_space<vmem_shared>>
      tpu.enqueue_indirect_dma source(%arg8 : memref<128x128xf32, #tpu.memory_space<vmem>>) target(%dma_start3A_97 : memref<10240x128xf32, #tpu.memory_space<vmem_shared>>) offsets(%dma_start3A_94 : memref<128xi32, #tpu.memory_space<vmem>>) semaphore(%arg12 : memref<!tpu.dma_semaphore, #tpu.memory_space<semaphore_mem>>) {add = true}
      %scan3A_98 = arith.constant 0 : i32
      scf.yield %scan3A_98 : i32
    }
    %scan3A_29 = arith.constant 20 : i32
    %dma_wait3A = arith.constant 39 : i32
    %dma_wait3A_30 = arith.constant 0 : i32
    %dma_wait3A_31 = tpu.memref_slice %arg6[%dma_wait3A, %dma_wait3A_30] : memref<40x128xi32, #tpu.memory_space<vmem>> -> memref<1x128xi32, #tpu.memory_space<vmem>>
    %dma_wait3A_32 = tpu.memref_squeeze %dma_wait3A_31 : memref<1x128xi32, #tpu.memory_space<vmem>> -> memref<128xi32, #tpu.memory_space<vmem>>
    %dma_wait3A_33 = arith.constant 0 : i32
    %dma_wait3A_34 = arith.constant 0 : i32
    %dma_wait3A_35 = tpu.memref_slice %arg5[%dma_wait3A_33, %dma_wait3A_34] : memref<10240x128xf32, #tpu.memory_space<vmem_shared>> -> memref<10240x128xf32, #tpu.memory_space<vmem_shared>>
    tpu.wait_indirect_dma semaphore(%arg12 : memref<!tpu.dma_semaphore, #tpu.memory_space<semaphore_mem>>) src(%arg8 : memref<128x128xf32, #tpu.memory_space<vmem>>) dst(%dma_wait3A_35 : memref<10240x128xf32, #tpu.memory_space<vmem_shared>>)
    %barrier3A_36 = arith.constant 0 : index
    tpu.barrier barrier_id(%barrier3A_36)
    %mul3A_37 = arith.constant 640 : i32
    %mul3A_38 = arith.muli %arg1, %mul3A_37 : i32
    %mul3A_39 = arith.constant 640 : i32
    %mul3A_40 = arith.muli %arg1, %mul3A_39 : i32
    "tpu.region"() ({
      %run_scoped3A = tpu.sem_alloc : memref<!tpu.dma_semaphore, #tpu.memory_space<semaphore_mem>>
      %dma_start3A_41 = arith.constant 0 : i32
      %dma_start3A_42 = tpu.memref_slice %arg4[%arg0, %mul3A_40, %dma_start3A_41] : memref<2x10240x128xf32, #tpu.memory_space<hbm>> -> memref<1x640x128xf32, #tpu.memory_space<hbm>>
      %dma_start3A_43 = tpu.memref_squeeze %dma_start3A_42 : memref<1x640x128xf32, #tpu.memory_space<hbm>> -> memref<640x128xf32, #tpu.memory_space<hbm>>
      %dma_start3A_44 = arith.constant 0 : i32
      %dma_start3A_45 = tpu.memref_slice %arg5[%mul3A_38, %dma_start3A_44] : memref<10240x128xf32, #tpu.memory_space<vmem_shared>> -> memref<640x128xf32, #tpu.memory_space<vmem_shared>>
      tpu.enqueue_dma source(%dma_start3A_45 : memref<640x128xf32, #tpu.memory_space<vmem_shared>>) target(%dma_start3A_43 : memref<640x128xf32, #tpu.memory_space<hbm>>) target_semaphore(%run_scoped3A : memref<!tpu.dma_semaphore, #tpu.memory_space<semaphore_mem>>)
      %dma_wait3A_46 = arith.constant 0 : i32
      %dma_wait3A_47 = tpu.memref_slice %arg4[%arg0, %mul3A_40, %dma_wait3A_46] : memref<2x10240x128xf32, #tpu.memory_space<hbm>> -> memref<1x640x128xf32, #tpu.memory_space<hbm>>
      %dma_wait3A_48 = tpu.memref_squeeze %dma_wait3A_47 : memref<1x640x128xf32, #tpu.memory_space<hbm>> -> memref<640x128xf32, #tpu.memory_space<hbm>>
      %dma_wait3A_49 = arith.constant 0 : i32
      %dma_wait3A_50 = tpu.memref_slice %arg5[%mul3A_38, %dma_wait3A_49] : memref<10240x128xf32, #tpu.memory_space<vmem_shared>> -> memref<640x128xf32, #tpu.memory_space<vmem_shared>>
      tpu.wait_dma2 semaphore(%run_scoped3A : memref<!tpu.dma_semaphore, #tpu.memory_space<semaphore_mem>>) src(%dma_wait3A_50 : memref<640x128xf32, #tpu.memory_space<vmem_shared>>) dst(%dma_wait3A_48 : memref<640x128xf32, #tpu.memory_space<hbm>>)
      tpu.yield
    }) : () -> ()
    return
  }
}

#map = affine_map<(d0, d1) -> (0, 0)>
module attributes {stable_mosaic.version = 14 : i64} {
  func.func @k(%arg0: i32, %arg1: i32, %arg2: memref<10240x128xf32, #tpu.memory_space<hbm>>, %arg3: memref<1280x128xi32, #tpu.memory_space<hbm>>, %arg4: memref<163840x128xf32, #tpu.memory_space<hbm>>, %arg5: memref<40x128xi32, #tpu.memory_space<vmem>>, %arg6: memref<128x128xf32, #tpu.memory_space<vmem>>, %arg7: memref<128x128xf32, #tpu.memory_space<vmem>>, %arg8: memref<!tpu.dma_semaphore, #tpu.memory_space<semaphore_mem>>, %arg9: memref<!tpu.dma_semaphore, #tpu.memory_space<semaphore_mem>>) attributes {dimension_semantics = [#tpu.dimension_semantics<core_parallel>, #tpu.dimension_semantics<subcore_parallel>], iteration_bounds = array<i64: 2, 16>, scalar_prefetch = 0 : i64, scratch_operands = 5 : i64, tpu.core_type = #tpu.core_type<sc_vector_subcore>, window_params = [{transform_indices = #map}, {transform_indices = #map}, {transform_indices = #map}]} {
    %mul3A = arith.constant 2 : i32
    %mul3A_0 = arith.muli %arg1, %mul3A : i32
    %add3A = arith.addi %mul3A_0, %arg0 : i32
    %mul3A_1 = arith.constant 40 : i32
    %mul3A_2 = arith.muli %add3A, %mul3A_1 : i32
    "tpu.region"() ({
      %run_scoped3A = tpu.sem_alloc : memref<!tpu.dma_semaphore, #tpu.memory_space<semaphore_mem>>
      %dma_start3A_15 = arith.constant 0 : i32
      %dma_start3A_16 = tpu.memref_slice %arg3[%mul3A_2, %dma_start3A_15] : memref<1280x128xi32, #tpu.memory_space<hbm>> -> memref<40x128xi32, #tpu.memory_space<hbm>>
      %dma_start3A_17 = arith.constant 0 : i32
      %dma_start3A_18 = tpu.memref_slice %arg3[%mul3A_2, %dma_start3A_17] : memref<1280x128xi32, #tpu.memory_space<hbm>> -> memref<40x128xi32, #tpu.memory_space<hbm>>
      tpu.enqueue_dma source(%dma_start3A_18 : memref<40x128xi32, #tpu.memory_space<hbm>>) target(%arg5 : memref<40x128xi32, #tpu.memory_space<vmem>>) target_semaphore(%run_scoped3A : memref<!tpu.dma_semaphore, #tpu.memory_space<semaphore_mem>>)
      %dma_wait3A = arith.constant 0 : i32
      %dma_wait3A_19 = tpu.memref_slice %arg3[%mul3A_2, %dma_wait3A] : memref<1280x128xi32, #tpu.memory_space<hbm>> -> memref<40x128xi32, #tpu.memory_space<hbm>>
      %dma_wait3A_20 = arith.constant 0 : i32
      %dma_wait3A_21 = tpu.memref_slice %arg3[%mul3A_2, %dma_wait3A_20] : memref<1280x128xi32, #tpu.memory_space<hbm>> -> memref<40x128xi32, #tpu.memory_space<hbm>>
      tpu.wait_dma2 semaphore(%run_scoped3A : memref<!tpu.dma_semaphore, #tpu.memory_space<semaphore_mem>>) src(%dma_wait3A_21 : memref<40x128xi32, #tpu.memory_space<hbm>>) dst(%arg5 : memref<40x128xi32, #tpu.memory_space<vmem>>)
      tpu.yield
    }) : () -> ()
    %dma_start3A = arith.constant 0 : i32
    %dma_start3A_3 = arith.constant 0 : i32
    %dma_start3A_4 = tpu.memref_slice %arg5[%dma_start3A, %dma_start3A_3] : memref<40x128xi32, #tpu.memory_space<vmem>> -> memref<1x128xi32, #tpu.memory_space<vmem>>
    %dma_start3A_5 = tpu.memref_squeeze %dma_start3A_4 : memref<1x128xi32, #tpu.memory_space<vmem>> -> memref<128xi32, #tpu.memory_space<vmem>>
    %dma_start3A_6 = arith.constant 0 : i32
    %dma_start3A_7 = arith.constant 0 : i32
    %dma_start3A_8 = tpu.memref_slice %arg2[%dma_start3A_6, %dma_start3A_7] : memref<10240x128xf32, #tpu.memory_space<hbm>> -> memref<10240x128xf32, #tpu.memory_space<hbm>>
    tpu.enqueue_indirect_dma source(%dma_start3A_8 : memref<10240x128xf32, #tpu.memory_space<hbm>>) target(%arg6 : memref<128x128xf32, #tpu.memory_space<vmem>>) offsets(%dma_start3A_5 : memref<128xi32, #tpu.memory_space<vmem>>) semaphore(%arg8 : memref<!tpu.dma_semaphore, #tpu.memory_space<semaphore_mem>>)
    %scan3A = arith.constant 0 : i32
    %scan3A_9 = arith.constant 0 : i32
    %scan3A_10 = arith.constant 20 : i32
    %scan3A_11 = arith.addi %scan3A_9, %scan3A_10 : i32
    %scan3A_12 = arith.constant 1 : i32
    %scan3A_13 = scf.for %scan3A_15 = %scan3A_9 to %scan3A_11 step %scan3A_12 iter_args(%scan3A_16 = %scan3A) -> (i32)  : i32 {
      %mul3A_17 = arith.constant 2 : i32
      %mul3A_18 = arith.muli %mul3A_17, %scan3A_15 : i32
      %add3A_19 = arith.constant 1 : i32
      %add3A_20 = arith.addi %mul3A_18, %add3A_19 : i32
      %dma_start3A_21 = arith.constant 0 : i32
      %dma_start3A_22 = tpu.memref_slice %arg5[%add3A_20, %dma_start3A_21] : memref<40x128xi32, #tpu.memory_space<vmem>> -> memref<1x128xi32, #tpu.memory_space<vmem>>
      %dma_start3A_23 = tpu.memref_squeeze %dma_start3A_22 : memref<1x128xi32, #tpu.memory_space<vmem>> -> memref<128xi32, #tpu.memory_space<vmem>>
      %dma_start3A_24 = arith.constant 0 : i32
      %dma_start3A_25 = arith.constant 0 : i32
      %dma_start3A_26 = tpu.memref_slice %arg2[%dma_start3A_24, %dma_start3A_25] : memref<10240x128xf32, #tpu.memory_space<hbm>> -> memref<10240x128xf32, #tpu.memory_space<hbm>>
      tpu.enqueue_indirect_dma source(%dma_start3A_26 : memref<10240x128xf32, #tpu.memory_space<hbm>>) target(%arg7 : memref<128x128xf32, #tpu.memory_space<vmem>>) offsets(%dma_start3A_23 : memref<128xi32, #tpu.memory_space<vmem>>) semaphore(%arg9 : memref<!tpu.dma_semaphore, #tpu.memory_space<semaphore_mem>>)
      %dma_wait3A = arith.constant 0 : i32
      %dma_wait3A_27 = tpu.memref_slice %arg5[%mul3A_18, %dma_wait3A] : memref<40x128xi32, #tpu.memory_space<vmem>> -> memref<1x128xi32, #tpu.memory_space<vmem>>
      %dma_wait3A_28 = tpu.memref_squeeze %dma_wait3A_27 : memref<1x128xi32, #tpu.memory_space<vmem>> -> memref<128xi32, #tpu.memory_space<vmem>>
      %dma_wait3A_29 = arith.constant 0 : i32
      %dma_wait3A_30 = arith.constant 0 : i32
      %dma_wait3A_31 = tpu.memref_slice %arg2[%dma_wait3A_29, %dma_wait3A_30] : memref<10240x128xf32, #tpu.memory_space<hbm>> -> memref<10240x128xf32, #tpu.memory_space<hbm>>
      tpu.wait_indirect_dma semaphore(%arg8 : memref<!tpu.dma_semaphore, #tpu.memory_space<semaphore_mem>>) src(%dma_wait3A_31 : memref<10240x128xf32, #tpu.memory_space<hbm>>) dst(%arg6 : memref<128x128xf32, #tpu.memory_space<vmem>>)
      %add3A_32 = arith.addi %mul3A_2, %mul3A_18 : i32
      %mul3A_33 = arith.constant 128 : i32
      %mul3A_34 = arith.muli %add3A_32, %mul3A_33 : i32
      "tpu.region"() ({
        %run_scoped3A = tpu.sem_alloc : memref<!tpu.dma_semaphore, #tpu.memory_space<semaphore_mem>>
        %dma_start3A_51 = arith.constant 0 : i32
        %dma_start3A_52 = tpu.memref_slice %arg4[%mul3A_34, %dma_start3A_51] : memref<163840x128xf32, #tpu.memory_space<hbm>> -> memref<128x128xf32, #tpu.memory_space<hbm>>
        %dma_start3A_53 = arith.constant 0 : i32
        %dma_start3A_54 = tpu.memref_slice %arg4[%mul3A_34, %dma_start3A_53] : memref<163840x128xf32, #tpu.memory_space<hbm>> -> memref<128x128xf32, #tpu.memory_space<hbm>>
        tpu.enqueue_dma source(%arg6 : memref<128x128xf32, #tpu.memory_space<vmem>>) target(%dma_start3A_54 : memref<128x128xf32, #tpu.memory_space<hbm>>) target_semaphore(%run_scoped3A : memref<!tpu.dma_semaphore, #tpu.memory_space<semaphore_mem>>)
        %dma_wait3A_55 = arith.constant 0 : i32
        %dma_wait3A_56 = tpu.memref_slice %arg4[%mul3A_34, %dma_wait3A_55] : memref<163840x128xf32, #tpu.memory_space<hbm>> -> memref<128x128xf32, #tpu.memory_space<hbm>>
        %dma_wait3A_57 = arith.constant 0 : i32
        %dma_wait3A_58 = tpu.memref_slice %arg4[%mul3A_34, %dma_wait3A_57] : memref<163840x128xf32, #tpu.memory_space<hbm>> -> memref<128x128xf32, #tpu.memory_space<hbm>>
        tpu.wait_dma2 semaphore(%run_scoped3A : memref<!tpu.dma_semaphore, #tpu.memory_space<semaphore_mem>>) src(%arg6 : memref<128x128xf32, #tpu.memory_space<vmem>>) dst(%dma_wait3A_58 : memref<128x128xf32, #tpu.memory_space<hbm>>)
        tpu.yield
      }) : () -> ()
      %add3A_35 = arith.constant 2 : i32
      %add3A_36 = arith.addi %mul3A_18, %add3A_35 : i32
      %lt3A = arith.constant 40 : i32
      %lt3A_37 = arith.cmpi slt, %add3A_36, %lt3A : i32
      %convert_element_type3A = arith.extui %lt3A_37 : i1 to i32
      %cond3A = arith.constant 0 : i32
      %cond3A_38 = arith.cmpi ne, %convert_element_type3A, %cond3A : i32
      scf.if %cond3A_38 {
        %add3A_51 = arith.constant 2 : i32
        %add3A_52 = arith.addi %mul3A_18, %add3A_51 : i32
        %dma_start3A_53 = arith.constant 0 : i32
        %dma_start3A_54 = tpu.memref_slice %arg5[%add3A_52, %dma_start3A_53] : memref<40x128xi32, #tpu.memory_space<vmem>> -> memref<1x128xi32, #tpu.memory_space<vmem>>
        %dma_start3A_55 = tpu.memref_squeeze %dma_start3A_54 : memref<1x128xi32, #tpu.memory_space<vmem>> -> memref<128xi32, #tpu.memory_space<vmem>>
        %dma_start3A_56 = arith.constant 0 : i32
        %dma_start3A_57 = arith.constant 0 : i32
        %dma_start3A_58 = tpu.memref_slice %arg2[%dma_start3A_56, %dma_start3A_57] : memref<10240x128xf32, #tpu.memory_space<hbm>> -> memref<10240x128xf32, #tpu.memory_space<hbm>>
        tpu.enqueue_indirect_dma source(%dma_start3A_58 : memref<10240x128xf32, #tpu.memory_space<hbm>>) target(%arg6 : memref<128x128xf32, #tpu.memory_space<vmem>>) offsets(%dma_start3A_55 : memref<128xi32, #tpu.memory_space<vmem>>) semaphore(%arg8 : memref<!tpu.dma_semaphore, #tpu.memory_space<semaphore_mem>>)
      } else {
      }
      %add3A_39 = arith.constant 1 : i32
      %add3A_40 = arith.addi %mul3A_18, %add3A_39 : i32
      %dma_wait3A_41 = arith.constant 0 : i32
      %dma_wait3A_42 = tpu.memref_slice %arg5[%add3A_40, %dma_wait3A_41] : memref<40x128xi32, #tpu.memory_space<vmem>> -> memref<1x128xi32, #tpu.memory_space<vmem>>
      %dma_wait3A_43 = tpu.memref_squeeze %dma_wait3A_42 : memref<1x128xi32, #tpu.memory_space<vmem>> -> memref<128xi32, #tpu.memory_space<vmem>>
      %dma_wait3A_44 = arith.constant 0 : i32
      %dma_wait3A_45 = arith.constant 0 : i32
      %dma_wait3A_46 = tpu.memref_slice %arg2[%dma_wait3A_44, %dma_wait3A_45] : memref<10240x128xf32, #tpu.memory_space<hbm>> -> memref<10240x128xf32, #tpu.memory_space<hbm>>
      tpu.wait_indirect_dma semaphore(%arg9 : memref<!tpu.dma_semaphore, #tpu.memory_space<semaphore_mem>>) src(%dma_wait3A_46 : memref<10240x128xf32, #tpu.memory_space<hbm>>) dst(%arg7 : memref<128x128xf32, #tpu.memory_space<vmem>>)
      %add3A_47 = arith.addi %mul3A_2, %add3A_40 : i32
      %mul3A_48 = arith.constant 128 : i32
      %mul3A_49 = arith.muli %add3A_47, %mul3A_48 : i32
      "tpu.region"() ({
        %run_scoped3A = tpu.sem_alloc : memref<!tpu.dma_semaphore, #tpu.memory_space<semaphore_mem>>
        %dma_start3A_51 = arith.constant 0 : i32
        %dma_start3A_52 = tpu.memref_slice %arg4[%mul3A_49, %dma_start3A_51] : memref<163840x128xf32, #tpu.memory_space<hbm>> -> memref<128x128xf32, #tpu.memory_space<hbm>>
        %dma_start3A_53 = arith.constant 0 : i32
        %dma_start3A_54 = tpu.memref_slice %arg4[%mul3A_49, %dma_start3A_53] : memref<163840x128xf32, #tpu.memory_space<hbm>> -> memref<128x128xf32, #tpu.memory_space<hbm>>
        tpu.enqueue_dma source(%arg7 : memref<128x128xf32, #tpu.memory_space<vmem>>) target(%dma_start3A_54 : memref<128x128xf32, #tpu.memory_space<hbm>>) target_semaphore(%run_scoped3A : memref<!tpu.dma_semaphore, #tpu.memory_space<semaphore_mem>>)
        %dma_wait3A_55 = arith.constant 0 : i32
        %dma_wait3A_56 = tpu.memref_slice %arg4[%mul3A_49, %dma_wait3A_55] : memref<163840x128xf32, #tpu.memory_space<hbm>> -> memref<128x128xf32, #tpu.memory_space<hbm>>
        %dma_wait3A_57 = arith.constant 0 : i32
        %dma_wait3A_58 = tpu.memref_slice %arg4[%mul3A_49, %dma_wait3A_57] : memref<163840x128xf32, #tpu.memory_space<hbm>> -> memref<128x128xf32, #tpu.memory_space<hbm>>
        tpu.wait_dma2 semaphore(%run_scoped3A : memref<!tpu.dma_semaphore, #tpu.memory_space<semaphore_mem>>) src(%arg7 : memref<128x128xf32, #tpu.memory_space<vmem>>) dst(%dma_wait3A_58 : memref<128x128xf32, #tpu.memory_space<hbm>>)
        tpu.yield
      }) : () -> ()
      %scan3A_50 = arith.constant 0 : i32
      scf.yield %scan3A_50 : i32
    }
    %scan3A_14 = arith.constant 20 : i32
    return
  }
}

#map = affine_map<(d0, d1) -> (0, 0)>
#map1 = affine_map<(d0, d1) -> (0, 0, 0)>
module attributes {stable_mosaic.version = 14 : i64} {
  func.func @k(%arg0: i32, %arg1: i32, %arg2: memref<163840x128xf32, #tpu.memory_space<hbm>>, %arg3: memref<1280x128xi32, #tpu.memory_space<hbm>>, %arg4: memref<2x10240x128xf32, #tpu.memory_space<hbm>>, %arg5: memref<10240x128xf32, #tpu.memory_space<vmem_shared>>, %arg6: memref<40x128xi32, #tpu.memory_space<vmem>>, %arg7: memref<128x128xf32, #tpu.memory_space<vmem>>, %arg8: memref<128x128xf32, #tpu.memory_space<vmem>>, %arg9: memref<!tpu.dma_semaphore, #tpu.memory_space<semaphore_mem>>, %arg10: memref<!tpu.dma_semaphore, #tpu.memory_space<semaphore_mem>>, %arg11: memref<!tpu.dma_semaphore, #tpu.memory_space<semaphore_mem>>, %arg12: memref<!tpu.dma_semaphore, #tpu.memory_space<semaphore_mem>>) attributes {dimension_semantics = [#tpu.dimension_semantics<core_parallel>, #tpu.dimension_semantics<subcore_parallel>], iteration_bounds = array<i64: 2, 16>, scalar_prefetch = 0 : i64, scratch_operands = 8 : i64, tpu.core_type = #tpu.core_type<sc_vector_subcore>, window_params = [{transform_indices = #map}, {transform_indices = #map}, {transform_indices = #map1}]} {
    %mul3A = arith.constant 2 : i32
    %mul3A_0 = arith.muli %arg1, %mul3A : i32
    %add3A = arith.addi %mul3A_0, %arg0 : i32
    %mul3A_1 = arith.constant 40 : i32
    %mul3A_2 = arith.muli %add3A, %mul3A_1 : i32
    %scan3A = arith.constant 0 : i32
    %scan3A_3 = arith.constant 0 : i32
    %scan3A_4 = arith.constant 128 : i32
    %scan3A_5 = arith.addi %scan3A_3, %scan3A_4 : i32
    %scan3A_6 = arith.constant 1 : i32
    %scan3A_7 = scf.for %scan3A_41 = %scan3A_3 to %scan3A_5 step %scan3A_6 iter_args(%scan3A_42 = %scan3A) -> (i32)  : i32 {
      %broadcast_in_dim3A = arith.constant 0.000000e+00 : f32
      %broadcast_in_dim3A_43 = vector.broadcast %broadcast_in_dim3A : f32 to vector<16xf32>
      %swap3A = arith.index_cast %scan3A_41 : i32 to index
      %swap3A_44 = arith.constant 0 : index
      %swap3A_45 = tpu.vector_load %arg7[%swap3A, %swap3A_44] {strides = array<i32>} : memref<128x128xf32, #tpu.memory_space<vmem>>, vector<1x16xf32>,
      %swap3A_46 = vector.shape_cast %swap3A_45 : vector<1x16xf32> to vector<16xf32>
      %swap3A_47 = vector.shape_cast %broadcast_in_dim3A_43 : vector<16xf32> to vector<1x16xf32>
      tpu.vector_store %arg7[%swap3A, %swap3A_44], %swap3A_47 {strides = array<i32>} : memref<128x128xf32, #tpu.memory_space<vmem>>, vector<1x16xf32>,
      %broadcast_in_dim3A_48 = arith.constant 0.000000e+00 : f32
      %broadcast_in_dim3A_49 = vector.broadcast %broadcast_in_dim3A_48 : f32 to vector<16xf32>
      %swap3A_50 = arith.index_cast %scan3A_41 : i32 to index
      %swap3A_51 = arith.constant 16 : index
      %swap3A_52 = tpu.vector_load %arg7[%swap3A_50, %swap3A_51] {strides = array<i32>} : memref<128x128xf32, #tpu.memory_space<vmem>>, vector<1x16xf32>,
      %swap3A_53 = vector.shape_cast %swap3A_52 : vector<1x16xf32> to vector<16xf32>
      %swap3A_54 = vector.shape_cast %broadcast_in_dim3A_49 : vector<16xf32> to vector<1x16xf32>
      tpu.vector_store %arg7[%swap3A_50, %swap3A_51], %swap3A_54 {strides = array<i32>} : memref<128x128xf32, #tpu.memory_space<vmem>>, vector<1x16xf32>,
      %broadcast_in_dim3A_55 = arith.constant 0.000000e+00 : f32
      %broadcast_in_dim3A_56 = vector.broadcast %broadcast_in_dim3A_55 : f32 to vector<16xf32>
      %swap3A_57 = arith.index_cast %scan3A_41 : i32 to index
      %swap3A_58 = arith.constant 32 : index
      %swap3A_59 = tpu.vector_load %arg7[%swap3A_57, %swap3A_58] {strides = array<i32>} : memref<128x128xf32, #tpu.memory_space<vmem>>, vector<1x16xf32>,
      %swap3A_60 = vector.shape_cast %swap3A_59 : vector<1x16xf32> to vector<16xf32>
      %swap3A_61 = vector.shape_cast %broadcast_in_dim3A_56 : vector<16xf32> to vector<1x16xf32>
      tpu.vector_store %arg7[%swap3A_57, %swap3A_58], %swap3A_61 {strides = array<i32>} : memref<128x128xf32, #tpu.memory_space<vmem>>, vector<1x16xf32>,
      %broadcast_in_dim3A_62 = arith.constant 0.000000e+00 : f32
      %broadcast_in_dim3A_63 = vector.broadcast %broadcast_in_dim3A_62 : f32 to vector<16xf32>
      %swap3A_64 = arith.index_cast %scan3A_41 : i32 to index
      %swap3A_65 = arith.constant 48 : index
      %swap3A_66 = tpu.vector_load %arg7[%swap3A_64, %swap3A_65] {strides = array<i32>} : memref<128x128xf32, #tpu.memory_space<vmem>>, vector<1x16xf32>,
      %swap3A_67 = vector.shape_cast %swap3A_66 : vector<1x16xf32> to vector<16xf32>
      %swap3A_68 = vector.shape_cast %broadcast_in_dim3A_63 : vector<16xf32> to vector<1x16xf32>
      tpu.vector_store %arg7[%swap3A_64, %swap3A_65], %swap3A_68 {strides = array<i32>} : memref<128x128xf32, #tpu.memory_space<vmem>>, vector<1x16xf32>,
      %broadcast_in_dim3A_69 = arith.constant 0.000000e+00 : f32
      %broadcast_in_dim3A_70 = vector.broadcast %broadcast_in_dim3A_69 : f32 to vector<16xf32>
      %swap3A_71 = arith.index_cast %scan3A_41 : i32 to index
      %swap3A_72 = arith.constant 64 : index
      %swap3A_73 = tpu.vector_load %arg7[%swap3A_71, %swap3A_72] {strides = array<i32>} : memref<128x128xf32, #tpu.memory_space<vmem>>, vector<1x16xf32>,
      %swap3A_74 = vector.shape_cast %swap3A_73 : vector<1x16xf32> to vector<16xf32>
      %swap3A_75 = vector.shape_cast %broadcast_in_dim3A_70 : vector<16xf32> to vector<1x16xf32>
      tpu.vector_store %arg7[%swap3A_71, %swap3A_72], %swap3A_75 {strides = array<i32>} : memref<128x128xf32, #tpu.memory_space<vmem>>, vector<1x16xf32>,
      %broadcast_in_dim3A_76 = arith.constant 0.000000e+00 : f32
      %broadcast_in_dim3A_77 = vector.broadcast %broadcast_in_dim3A_76 : f32 to vector<16xf32>
      %swap3A_78 = arith.index_cast %scan3A_41 : i32 to index
      %swap3A_79 = arith.constant 80 : index
      %swap3A_80 = tpu.vector_load %arg7[%swap3A_78, %swap3A_79] {strides = array<i32>} : memref<128x128xf32, #tpu.memory_space<vmem>>, vector<1x16xf32>,
      %swap3A_81 = vector.shape_cast %swap3A_80 : vector<1x16xf32> to vector<16xf32>
      %swap3A_82 = vector.shape_cast %broadcast_in_dim3A_77 : vector<16xf32> to vector<1x16xf32>
      tpu.vector_store %arg7[%swap3A_78, %swap3A_79], %swap3A_82 {strides = array<i32>} : memref<128x128xf32, #tpu.memory_space<vmem>>, vector<1x16xf32>,
      %broadcast_in_dim3A_83 = arith.constant 0.000000e+00 : f32
      %broadcast_in_dim3A_84 = vector.broadcast %broadcast_in_dim3A_83 : f32 to vector<16xf32>
      %swap3A_85 = arith.index_cast %scan3A_41 : i32 to index
      %swap3A_86 = arith.constant 96 : index
      %swap3A_87 = tpu.vector_load %arg7[%swap3A_85, %swap3A_86] {strides = array<i32>} : memref<128x128xf32, #tpu.memory_space<vmem>>, vector<1x16xf32>,
      %swap3A_88 = vector.shape_cast %swap3A_87 : vector<1x16xf32> to vector<16xf32>
      %swap3A_89 = vector.shape_cast %broadcast_in_dim3A_84 : vector<16xf32> to vector<1x16xf32>
      tpu.vector_store %arg7[%swap3A_85, %swap3A_86], %swap3A_89 {strides = array<i32>} : memref<128x128xf32, #tpu.memory_space<vmem>>, vector<1x16xf32>,
      %broadcast_in_dim3A_90 = arith.constant 0.000000e+00 : f32
      %broadcast_in_dim3A_91 = vector.broadcast %broadcast_in_dim3A_90 : f32 to vector<16xf32>
      %swap3A_92 = arith.index_cast %scan3A_41 : i32 to index
      %swap3A_93 = arith.constant 112 : index
      %swap3A_94 = tpu.vector_load %arg7[%swap3A_92, %swap3A_93] {strides = array<i32>} : memref<128x128xf32, #tpu.memory_space<vmem>>, vector<1x16xf32>,
      %swap3A_95 = vector.shape_cast %swap3A_94 : vector<1x16xf32> to vector<16xf32>
      %swap3A_96 = vector.shape_cast %broadcast_in_dim3A_91 : vector<16xf32> to vector<1x16xf32>
      tpu.vector_store %arg7[%swap3A_92, %swap3A_93], %swap3A_96 {strides = array<i32>} : memref<128x128xf32, #tpu.memory_space<vmem>>, vector<1x16xf32>,
      %scan3A_97 = arith.constant 0 : i32
      scf.yield %scan3A_97 : i32
    }
    %scan3A_8 = arith.constant 128 : i32
    %scan3A_9 = arith.constant 0 : i32
    %scan3A_10 = arith.constant 0 : i32
    %scan3A_11 = arith.constant 5 : i32
    %scan3A_12 = arith.addi %scan3A_10, %scan3A_11 : i32
    %scan3A_13 = arith.constant 1 : i32
    %scan3A_14 = scf.for %scan3A_41 = %scan3A_10 to %scan3A_12 step %scan3A_13 iter_args(%scan3A_42 = %scan3A_9) -> (i32)  : i32 {
      %mul3A_43 = arith.constant 640 : i32
      %mul3A_44 = arith.muli %arg1, %mul3A_43 : i32
      %mul3A_45 = arith.constant 128 : i32
      %mul3A_46 = arith.muli %scan3A_41, %mul3A_45 : i32
      %add3A_47 = arith.addi %mul3A_44, %mul3A_46 : i32
      "tpu.region"() ({
        %run_scoped3A = tpu.sem_alloc : memref<!tpu.dma_semaphore, #tpu.memory_space<semaphore_mem>>
        %dma_start3A_49 = arith.constant 0 : i32
        %dma_start3A_50 = tpu.memref_slice %arg5[%add3A_47, %dma_start3A_49] : memref<10240x128xf32, #tpu.memory_space<vmem_shared>> -> memref<128x128xf32, #tpu.memory_space<vmem_shared>>
        %dma_start3A_51 = arith.constant 0 : i32
        %dma_start3A_52 = tpu.memref_slice %arg5[%add3A_47, %dma_start3A_51] : memref<10240x128xf32, #tpu.memory_space<vmem_shared>> -> memref<128x128xf32, #tpu.memory_space<vmem_shared>>
        tpu.enqueue_dma source(%arg7 : memref<128x128xf32, #tpu.memory_space<vmem>>) target(%dma_start3A_52 : memref<128x128xf32, #tpu.memory_space<vmem_shared>>) target_semaphore(%run_scoped3A : memref<!tpu.dma_semaphore, #tpu.memory_space<semaphore_mem>>)
        %dma_wait3A_53 = arith.constant 0 : i32
        %dma_wait3A_54 = tpu.memref_slice %arg5[%add3A_47, %dma_wait3A_53] : memref<10240x128xf32, #tpu.memory_space<vmem_shared>> -> memref<128x128xf32, #tpu.memory_space<vmem_shared>>
        %dma_wait3A_55 = arith.constant 0 : i32
        %dma_wait3A_56 = tpu.memref_slice %arg5[%add3A_47, %dma_wait3A_55] : memref<10240x128xf32, #tpu.memory_space<vmem_shared>> -> memref<128x128xf32, #tpu.memory_space<vmem_shared>>
        tpu.wait_dma2 semaphore(%run_scoped3A : memref<!tpu.dma_semaphore, #tpu.memory_space<semaphore_mem>>) src(%arg7 : memref<128x128xf32, #tpu.memory_space<vmem>>) dst(%dma_wait3A_56 : memref<128x128xf32, #tpu.memory_space<vmem_shared>>)
        tpu.yield
      }) : () -> ()
      %scan3A_48 = arith.constant 0 : i32
      scf.yield %scan3A_48 : i32
    }
    %scan3A_15 = arith.constant 5 : i32
    "tpu.region"() ({
      %run_scoped3A = tpu.sem_alloc : memref<!tpu.dma_semaphore, #tpu.memory_space<semaphore_mem>>
      %dma_start3A_41 = arith.constant 0 : i32
      %dma_start3A_42 = tpu.memref_slice %arg3[%mul3A_2, %dma_start3A_41] : memref<1280x128xi32, #tpu.memory_space<hbm>> -> memref<40x128xi32, #tpu.memory_space<hbm>>
      %dma_start3A_43 = arith.constant 0 : i32
      %dma_start3A_44 = tpu.memref_slice %arg3[%mul3A_2, %dma_start3A_43] : memref<1280x128xi32, #tpu.memory_space<hbm>> -> memref<40x128xi32, #tpu.memory_space<hbm>>
      tpu.enqueue_dma source(%dma_start3A_44 : memref<40x128xi32, #tpu.memory_space<hbm>>) target(%arg6 : memref<40x128xi32, #tpu.memory_space<vmem>>) target_semaphore(%run_scoped3A : memref<!tpu.dma_semaphore, #tpu.memory_space<semaphore_mem>>)
      %dma_wait3A_45 = arith.constant 0 : i32
      %dma_wait3A_46 = tpu.memref_slice %arg3[%mul3A_2, %dma_wait3A_45] : memref<1280x128xi32, #tpu.memory_space<hbm>> -> memref<40x128xi32, #tpu.memory_space<hbm>>
      %dma_wait3A_47 = arith.constant 0 : i32
      %dma_wait3A_48 = tpu.memref_slice %arg3[%mul3A_2, %dma_wait3A_47] : memref<1280x128xi32, #tpu.memory_space<hbm>> -> memref<40x128xi32, #tpu.memory_space<hbm>>
      tpu.wait_dma2 semaphore(%run_scoped3A : memref<!tpu.dma_semaphore, #tpu.memory_space<semaphore_mem>>) src(%dma_wait3A_48 : memref<40x128xi32, #tpu.memory_space<hbm>>) dst(%arg6 : memref<40x128xi32, #tpu.memory_space<vmem>>)
      tpu.yield
    }) : () -> ()
    %barrier3A = arith.constant 0 : index
    tpu.barrier barrier_id(%barrier3A)
    %add3A_16 = arith.constant 0 : i32
    %add3A_17 = arith.addi %mul3A_2, %add3A_16 : i32
    %mul3A_18 = arith.constant 128 : i32
    %mul3A_19 = arith.muli %add3A_17, %mul3A_18 : i32
    %dma_start3A = arith.constant 0 : i32
    %dma_start3A_20 = tpu.memref_slice %arg2[%mul3A_19, %dma_start3A] : memref<163840x128xf32, #tpu.memory_space<hbm>> -> memref<128x128xf32, #tpu.memory_space<hbm>>
    %dma_start3A_21 = arith.constant 0 : i32
    %dma_start3A_22 = tpu.memref_slice %arg2[%mul3A_19, %dma_start3A_21] : memref<163840x128xf32, #tpu.memory_space<hbm>> -> memref<128x128xf32, #tpu.memory_space<hbm>>
    tpu.enqueue_dma source(%dma_start3A_22 : memref<128x128xf32, #tpu.memory_space<hbm>>) target(%arg7 : memref<128x128xf32, #tpu.memory_space<vmem>>) target_semaphore(%arg9 : memref<!tpu.dma_semaphore, #tpu.memory_space<semaphore_mem>>)
    %scan3A_23 = arith.constant 0 : i32
    %scan3A_24 = arith.constant 0 : i32
    %scan3A_25 = arith.constant 20 : i32
    %scan3A_26 = arith.addi %scan3A_24, %scan3A_25 : i32
    %scan3A_27 = arith.constant 1 : i32
    %scan3A_28 = scf.for %scan3A_41 = %scan3A_24 to %scan3A_26 step %scan3A_27 iter_args(%scan3A_42 = %scan3A_23) -> (i32)  : i32 {
      %mul3A_43 = arith.constant 2 : i32
      %mul3A_44 = arith.muli %mul3A_43, %scan3A_41 : i32
      %add3A_45 = arith.addi %mul3A_2, %mul3A_44 : i32
      %mul3A_46 = arith.constant 128 : i32
      %mul3A_47 = arith.muli %add3A_45, %mul3A_46 : i32
      %dma_wait3A_48 = arith.constant 0 : i32
      %dma_wait3A_49 = tpu.memref_slice %arg2[%mul3A_47, %dma_wait3A_48] : memref<163840x128xf32, #tpu.memory_space<hbm>> -> memref<128x128xf32, #tpu.memory_space<hbm>>
      %dma_wait3A_50 = arith.constant 0 : i32
      %dma_wait3A_51 = tpu.memref_slice %arg2[%mul3A_47, %dma_wait3A_50] : memref<163840x128xf32, #tpu.memory_space<hbm>> -> memref<128x128xf32, #tpu.memory_space<hbm>>
      tpu.wait_dma2 semaphore(%arg9 : memref<!tpu.dma_semaphore, #tpu.memory_space<semaphore_mem>>) src(%dma_wait3A_51 : memref<128x128xf32, #tpu.memory_space<hbm>>) dst(%arg7 : memref<128x128xf32, #tpu.memory_space<vmem>>)
      %gt3A = arith.constant 0 : i32
      %gt3A_52 = arith.cmpi sgt, %scan3A_41, %gt3A : i32
      %convert_element_type3A = arith.extui %gt3A_52 : i1 to i32
      %cond3A = arith.constant 0 : i32
      %cond3A_53 = arith.cmpi ne, %convert_element_type3A, %cond3A : i32
      scf.if %cond3A_53 {
        %sub3A = arith.constant 1 : i32
        %sub3A_99 = arith.subi %mul3A_44, %sub3A : i32
        %dma_wait3A_100 = arith.constant 0 : i32
        %dma_wait3A_101 = tpu.memref_slice %arg6[%sub3A_99, %dma_wait3A_100] : memref<40x128xi32, #tpu.memory_space<vmem>> -> memref<1x128xi32, #tpu.memory_space<vmem>>
        %dma_wait3A_102 = tpu.memref_squeeze %dma_wait3A_101 : memref<1x128xi32, #tpu.memory_space<vmem>> -> memref<128xi32, #tpu.memory_space<vmem>>
        %dma_wait3A_103 = arith.constant 0 : i32
        %dma_wait3A_104 = arith.constant 0 : i32
        %dma_wait3A_105 = tpu.memref_slice %arg5[%dma_wait3A_103, %dma_wait3A_104] : memref<10240x128xf32, #tpu.memory_space<vmem_shared>> -> memref<10240x128xf32, #tpu.memory_space<vmem_shared>>
        tpu.wait_indirect_dma semaphore(%arg12 : memref<!tpu.dma_semaphore, #tpu.memory_space<semaphore_mem>>) src(%arg8 : memref<128x128xf32, #tpu.memory_space<vmem>>) dst(%dma_wait3A_105 : memref<10240x128xf32, #tpu.memory_space<vmem_shared>>)
      } else {
      }
      %add3A_54 = arith.constant 1 : i32
      %add3A_55 = arith.addi %mul3A_44, %add3A_54 : i32
      %add3A_56 = arith.addi %mul3A_2, %add3A_55 : i32
      %mul3A_57 = arith.constant 128 : i32
      %mul3A_58 = arith.muli %add3A_56, %mul3A_57 : i32
      %dma_start3A_59 = arith.constant 0 : i32
      %dma_start3A_60 = tpu.memref_slice %arg2[%mul3A_58, %dma_start3A_59] : memref<163840x128xf32, #tpu.memory_space<hbm>> -> memref<128x128xf32, #tpu.memory_space<hbm>>
      %dma_start3A_61 = arith.constant 0 : i32
      %dma_start3A_62 = tpu.memref_slice %arg2[%mul3A_58, %dma_start3A_61] : memref<163840x128xf32, #tpu.memory_space<hbm>> -> memref<128x128xf32, #tpu.memory_space<hbm>>
      tpu.enqueue_dma source(%dma_start3A_62 : memref<128x128xf32, #tpu.memory_space<hbm>>) target(%arg8 : memref<128x128xf32, #tpu.memory_space<vmem>>) target_semaphore(%arg10 : memref<!tpu.dma_semaphore, #tpu.memory_space<semaphore_mem>>)
      %dma_start3A_63 = arith.constant 0 : i32
      %dma_start3A_64 = tpu.memref_slice %arg6[%mul3A_44, %dma_start3A_63] : memref<40x128xi32, #tpu.memory_space<vmem>> -> memref<1x128xi32, #tpu.memory_space<vmem>>
      %dma_start3A_65 = tpu.memref_squeeze %dma_start3A_64 : memref<1x128xi32, #tpu.memory_space<vmem>> -> memref<128xi32, #tpu.memory_space<vmem>>
      %dma_start3A_66 = arith.constant 0 : i32
      %dma_start3A_67 = arith.constant 0 : i32
      %dma_start3A_68 = tpu.memref_slice %arg5[%dma_start3A_66, %dma_start3A_67] : memref<10240x128xf32, #tpu.memory_space<vmem_shared>> -> memref<10240x128xf32, #tpu.memory_space<vmem_shared>>
      tpu.enqueue_indirect_dma source(%arg7 : memref<128x128xf32, #tpu.memory_space<vmem>>) target(%dma_start3A_68 : memref<10240x128xf32, #tpu.memory_space<vmem_shared>>) offsets(%dma_start3A_65 : memref<128xi32, #tpu.memory_space<vmem>>) semaphore(%arg11 : memref<!tpu.dma_semaphore, #tpu.memory_space<semaphore_mem>>) {add = true}
      %add3A_69 = arith.addi %mul3A_2, %mul3A_44 : i32
      %add3A_70 = arith.constant 1 : i32
      %add3A_71 = arith.addi %add3A_69, %add3A_70 : i32
      %mul3A_72 = arith.constant 128 : i32
      %mul3A_73 = arith.muli %add3A_71, %mul3A_72 : i32
      %dma_wait3A_74 = arith.constant 0 : i32
      %dma_wait3A_75 = tpu.memref_slice %arg2[%mul3A_73, %dma_wait3A_74] : memref<163840x128xf32, #tpu.memory_space<hbm>> -> memref<128x128xf32, #tpu.memory_space<hbm>>
      %dma_wait3A_76 = arith.constant 0 : i32
      %dma_wait3A_77 = tpu.memref_slice %arg2[%mul3A_73, %dma_wait3A_76] : memref<163840x128xf32, #tpu.memory_space<hbm>> -> memref<128x128xf32, #tpu.memory_space<hbm>>
      tpu.wait_dma2 semaphore(%arg10 : memref<!tpu.dma_semaphore, #tpu.memory_space<semaphore_mem>>) src(%dma_wait3A_77 : memref<128x128xf32, #tpu.memory_space<hbm>>) dst(%arg8 : memref<128x128xf32, #tpu.memory_space<vmem>>)
      %dma_wait3A_78 = arith.constant 0 : i32
      %dma_wait3A_79 = tpu.memref_slice %arg6[%mul3A_44, %dma_wait3A_78] : memref<40x128xi32, #tpu.memory_space<vmem>> -> memref<1x128xi32, #tpu.memory_space<vmem>>
      %dma_wait3A_80 = tpu.memref_squeeze %dma_wait3A_79 : memref<1x128xi32, #tpu.memory_space<vmem>> -> memref<128xi32, #tpu.memory_space<vmem>>
      %dma_wait3A_81 = arith.constant 0 : i32
      %dma_wait3A_82 = arith.constant 0 : i32
      %dma_wait3A_83 = tpu.memref_slice %arg5[%dma_wait3A_81, %dma_wait3A_82] : memref<10240x128xf32, #tpu.memory_space<vmem_shared>> -> memref<10240x128xf32, #tpu.memory_space<vmem_shared>>
      tpu.wait_indirect_dma semaphore(%arg11 : memref<!tpu.dma_semaphore, #tpu.memory_space<semaphore_mem>>) src(%arg7 : memref<128x128xf32, #tpu.memory_space<vmem>>) dst(%dma_wait3A_83 : memref<10240x128xf32, #tpu.memory_space<vmem_shared>>)
      %add3A_84 = arith.constant 2 : i32
      %add3A_85 = arith.addi %mul3A_44, %add3A_84 : i32
      %lt3A = arith.constant 40 : i32
      %lt3A_86 = arith.cmpi slt, %add3A_85, %lt3A : i32
      %convert_element_type3A_87 = arith.extui %lt3A_86 : i1 to i32
      %cond3A_88 = arith.constant 0 : i32
      %cond3A_89 = arith.cmpi ne, %convert_element_type3A_87, %cond3A_88 : i32
      scf.if %cond3A_89 {
        %add3A_99 = arith.constant 2 : i32
        %add3A_100 = arith.addi %mul3A_44, %add3A_99 : i32
        %add3A_101 = arith.addi %mul3A_2, %add3A_100 : i32
        %mul3A_102 = arith.constant 128 : i32
        %mul3A_103 = arith.muli %add3A_101, %mul3A_102 : i32
        %dma_start3A_104 = arith.constant 0 : i32
        %dma_start3A_105 = tpu.memref_slice %arg2[%mul3A_103, %dma_start3A_104] : memref<163840x128xf32, #tpu.memory_space<hbm>> -> memref<128x128xf32, #tpu.memory_space<hbm>>
        %dma_start3A_106 = arith.constant 0 : i32
        %dma_start3A_107 = tpu.memref_slice %arg2[%mul3A_103, %dma_start3A_106] : memref<163840x128xf32, #tpu.memory_space<hbm>> -> memref<128x128xf32, #tpu.memory_space<hbm>>
        tpu.enqueue_dma source(%dma_start3A_107 : memref<128x128xf32, #tpu.memory_space<hbm>>) target(%arg7 : memref<128x128xf32, #tpu.memory_space<vmem>>) target_semaphore(%arg9 : memref<!tpu.dma_semaphore, #tpu.memory_space<semaphore_mem>>)
      } else {
      }
      %add3A_90 = arith.constant 1 : i32
      %add3A_91 = arith.addi %mul3A_44, %add3A_90 : i32
      %dma_start3A_92 = arith.constant 0 : i32
      %dma_start3A_93 = tpu.memref_slice %arg6[%add3A_91, %dma_start3A_92] : memref<40x128xi32, #tpu.memory_space<vmem>> -> memref<1x128xi32, #tpu.memory_space<vmem>>
      %dma_start3A_94 = tpu.memref_squeeze %dma_start3A_93 : memref<1x128xi32, #tpu.memory_space<vmem>> -> memref<128xi32, #tpu.memory_space<vmem>>
      %dma_start3A_95 = arith.constant 0 : i32
      %dma_start3A_96 = arith.constant 0 : i32
      %dma_start3A_97 = tpu.memref_slice %arg5[%dma_start3A_95, %dma_start3A_96] : memref<10240x128xf32, #tpu.memory_space<vmem_shared>> -> memref<10240x128xf32, #tpu.memory_space<vmem_shared>>
      tpu.enqueue_indirect_dma source(%arg8 : memref<128x128xf32, #tpu.memory_space<vmem>>) target(%dma_start3A_97 : memref<10240x128xf32, #tpu.memory_space<vmem_shared>>) offsets(%dma_start3A_94 : memref<128xi32, #tpu.memory_space<vmem>>) semaphore(%arg12 : memref<!tpu.dma_semaphore, #tpu.memory_space<semaphore_mem>>) {add = true}
      %scan3A_98 = arith.constant 0 : i32
      scf.yield %scan3A_98 : i32
    }
    %scan3A_29 = arith.constant 20 : i32
    %dma_wait3A = arith.constant 39 : i32
    %dma_wait3A_30 = arith.constant 0 : i32
    %dma_wait3A_31 = tpu.memref_slice %arg6[%dma_wait3A, %dma_wait3A_30] : memref<40x128xi32, #tpu.memory_space<vmem>> -> memref<1x128xi32, #tpu.memory_space<vmem>>
    %dma_wait3A_32 = tpu.memref_squeeze %dma_wait3A_31 : memref<1x128xi32, #tpu.memory_space<vmem>> -> memref<128xi32, #tpu.memory_space<vmem>>
    %dma_wait3A_33 = arith.constant 0 : i32
    %dma_wait3A_34 = arith.constant 0 : i32
    %dma_wait3A_35 = tpu.memref_slice %arg5[%dma_wait3A_33, %dma_wait3A_34] : memref<10240x128xf32, #tpu.memory_space<vmem_shared>> -> memref<10240x128xf32, #tpu.memory_space<vmem_shared>>
    tpu.wait_indirect_dma semaphore(%arg12 : memref<!tpu.dma_semaphore, #tpu.memory_space<semaphore_mem>>) src(%arg8 : memref<128x128xf32, #tpu.memory_space<vmem>>) dst(%dma_wait3A_35 : memref<10240x128xf32, #tpu.memory_space<vmem_shared>>)
    %barrier3A_36 = arith.constant 0 : index
    tpu.barrier barrier_id(%barrier3A_36)
    %mul3A_37 = arith.constant 640 : i32
    %mul3A_38 = arith.muli %arg1, %mul3A_37 : i32
    %mul3A_39 = arith.constant 640 : i32
    %mul3A_40 = arith.muli %arg1, %mul3A_39 : i32
    "tpu.region"() ({
      %run_scoped3A = tpu.sem_alloc : memref<!tpu.dma_semaphore, #tpu.memory_space<semaphore_mem>>
      %dma_start3A_41 = arith.constant 0 : i32
      %dma_start3A_42 = tpu.memref_slice %arg4[%arg0, %mul3A_40, %dma_start3A_41] : memref<2x10240x128xf32, #tpu.memory_space<hbm>> -> memref<1x640x128xf32, #tpu.memory_space<hbm>>
      %dma_start3A_43 = tpu.memref_squeeze %dma_start3A_42 : memref<1x640x128xf32, #tpu.memory_space<hbm>> -> memref<640x128xf32, #tpu.memory_space<hbm>>
      %dma_start3A_44 = arith.constant 0 : i32
      %dma_start3A_45 = tpu.memref_slice %arg5[%mul3A_38, %dma_start3A_44] : memref<10240x128xf32, #tpu.memory_space<vmem_shared>> -> memref<640x128xf32, #tpu.memory_space<vmem_shared>>
      tpu.enqueue_dma source(%dma_start3A_45 : memref<640x128xf32, #tpu.memory_space<vmem_shared>>) target(%dma_start3A_43 : memref<640x128xf32, #tpu.memory_space<hbm>>) target_semaphore(%run_scoped3A : memref<!tpu.dma_semaphore, #tpu.memory_space<semaphore_mem>>)
      %dma_wait3A_46 = arith.constant 0 : i32
      %dma_wait3A_47 = tpu.memref_slice %arg4[%arg0, %mul3A_40, %dma_wait3A_46] : memref<2x10240x128xf32, #tpu.memory_space<hbm>> -> memref<1x640x128xf32, #tpu.memory_space<hbm>>
      %dma_wait3A_48 = tpu.memref_squeeze %dma_wait3A_47 : memref<1x640x128xf32, #tpu.memory_space<hbm>> -> memref<640x128xf32, #tpu.memory_space<hbm>>
      %dma_wait3A_49 = arith.constant 0 : i32
      %dma_wait3A_50 = tpu.memref_slice %arg5[%mul3A_38, %dma_wait3A_49] : memref<10240x128xf32, #tpu.memory_space<vmem_shared>> -> memref<640x128xf32, #tpu.memory_space<vmem_shared>>
      tpu.wait_dma2 semaphore(%run_scoped3A : memref<!tpu.dma_semaphore, #tpu.memory_space<semaphore_mem>>) src(%dma_wait3A_50 : memref<640x128xf32, #tpu.memory_space<vmem_shared>>) dst(%dma_wait3A_48 : memref<640x128xf32, #tpu.memory_space<hbm>>)
      tpu.yield
    }) : () -> ()
    return
  }
}

#map = affine_map<(d0, d1) -> (0, 0)>
module attributes {stable_mosaic.version = 14 : i64} {
  func.func @k(%arg0: i32, %arg1: i32, %arg2: memref<10240x128xf32, #tpu.memory_space<hbm>>, %arg3: memref<1280x128xi32, #tpu.memory_space<hbm>>, %arg4: memref<163840x128xf32, #tpu.memory_space<hbm>>, %arg5: memref<40x128xi32, #tpu.memory_space<vmem>>, %arg6: memref<128x128xf32, #tpu.memory_space<vmem>>, %arg7: memref<128x128xf32, #tpu.memory_space<vmem>>, %arg8: memref<!tpu.dma_semaphore, #tpu.memory_space<semaphore_mem>>, %arg9: memref<!tpu.dma_semaphore, #tpu.memory_space<semaphore_mem>>) attributes {dimension_semantics = [#tpu.dimension_semantics<core_parallel>, #tpu.dimension_semantics<subcore_parallel>], iteration_bounds = array<i64: 2, 16>, scalar_prefetch = 0 : i64, scratch_operands = 5 : i64, tpu.core_type = #tpu.core_type<sc_vector_subcore>, window_params = [{transform_indices = #map}, {transform_indices = #map}, {transform_indices = #map}]} {
    %mul3A = arith.constant 2 : i32
    %mul3A_0 = arith.muli %arg1, %mul3A : i32
    %add3A = arith.addi %mul3A_0, %arg0 : i32
    %mul3A_1 = arith.constant 40 : i32
    %mul3A_2 = arith.muli %add3A, %mul3A_1 : i32
    "tpu.region"() ({
      %run_scoped3A = tpu.sem_alloc : memref<!tpu.dma_semaphore, #tpu.memory_space<semaphore_mem>>
      %dma_start3A_15 = arith.constant 0 : i32
      %dma_start3A_16 = tpu.memref_slice %arg3[%mul3A_2, %dma_start3A_15] : memref<1280x128xi32, #tpu.memory_space<hbm>> -> memref<40x128xi32, #tpu.memory_space<hbm>>
      %dma_start3A_17 = arith.constant 0 : i32
      %dma_start3A_18 = tpu.memref_slice %arg3[%mul3A_2, %dma_start3A_17] : memref<1280x128xi32, #tpu.memory_space<hbm>> -> memref<40x128xi32, #tpu.memory_space<hbm>>
      tpu.enqueue_dma source(%dma_start3A_18 : memref<40x128xi32, #tpu.memory_space<hbm>>) target(%arg5 : memref<40x128xi32, #tpu.memory_space<vmem>>) target_semaphore(%run_scoped3A : memref<!tpu.dma_semaphore, #tpu.memory_space<semaphore_mem>>)
      %dma_wait3A = arith.constant 0 : i32
      %dma_wait3A_19 = tpu.memref_slice %arg3[%mul3A_2, %dma_wait3A] : memref<1280x128xi32, #tpu.memory_space<hbm>> -> memref<40x128xi32, #tpu.memory_space<hbm>>
      %dma_wait3A_20 = arith.constant 0 : i32
      %dma_wait3A_21 = tpu.memref_slice %arg3[%mul3A_2, %dma_wait3A_20] : memref<1280x128xi32, #tpu.memory_space<hbm>> -> memref<40x128xi32, #tpu.memory_space<hbm>>
      tpu.wait_dma2 semaphore(%run_scoped3A : memref<!tpu.dma_semaphore, #tpu.memory_space<semaphore_mem>>) src(%dma_wait3A_21 : memref<40x128xi32, #tpu.memory_space<hbm>>) dst(%arg5 : memref<40x128xi32, #tpu.memory_space<vmem>>)
      tpu.yield
    }) : () -> ()
    %dma_start3A = arith.constant 0 : i32
    %dma_start3A_3 = arith.constant 0 : i32
    %dma_start3A_4 = tpu.memref_slice %arg5[%dma_start3A, %dma_start3A_3] : memref<40x128xi32, #tpu.memory_space<vmem>> -> memref<1x128xi32, #tpu.memory_space<vmem>>
    %dma_start3A_5 = tpu.memref_squeeze %dma_start3A_4 : memref<1x128xi32, #tpu.memory_space<vmem>> -> memref<128xi32, #tpu.memory_space<vmem>>
    %dma_start3A_6 = arith.constant 0 : i32
    %dma_start3A_7 = arith.constant 0 : i32
    %dma_start3A_8 = tpu.memref_slice %arg2[%dma_start3A_6, %dma_start3A_7] : memref<10240x128xf32, #tpu.memory_space<hbm>> -> memref<10240x128xf32, #tpu.memory_space<hbm>>
    tpu.enqueue_indirect_dma source(%dma_start3A_8 : memref<10240x128xf32, #tpu.memory_space<hbm>>) target(%arg6 : memref<128x128xf32, #tpu.memory_space<vmem>>) offsets(%dma_start3A_5 : memref<128xi32, #tpu.memory_space<vmem>>) semaphore(%arg8 : memref<!tpu.dma_semaphore, #tpu.memory_space<semaphore_mem>>)
    %scan3A = arith.constant 0 : i32
    %scan3A_9 = arith.constant 0 : i32
    %scan3A_10 = arith.constant 20 : i32
    %scan3A_11 = arith.addi %scan3A_9, %scan3A_10 : i32
    %scan3A_12 = arith.constant 1 : i32
    %scan3A_13 = scf.for %scan3A_15 = %scan3A_9 to %scan3A_11 step %scan3A_12 iter_args(%scan3A_16 = %scan3A) -> (i32)  : i32 {
      %mul3A_17 = arith.constant 2 : i32
      %mul3A_18 = arith.muli %mul3A_17, %scan3A_15 : i32
      %add3A_19 = arith.constant 1 : i32
      %add3A_20 = arith.addi %mul3A_18, %add3A_19 : i32
      %dma_start3A_21 = arith.constant 0 : i32
      %dma_start3A_22 = tpu.memref_slice %arg5[%add3A_20, %dma_start3A_21] : memref<40x128xi32, #tpu.memory_space<vmem>> -> memref<1x128xi32, #tpu.memory_space<vmem>>
      %dma_start3A_23 = tpu.memref_squeeze %dma_start3A_22 : memref<1x128xi32, #tpu.memory_space<vmem>> -> memref<128xi32, #tpu.memory_space<vmem>>
      %dma_start3A_24 = arith.constant 0 : i32
      %dma_start3A_25 = arith.constant 0 : i32
      %dma_start3A_26 = tpu.memref_slice %arg2[%dma_start3A_24, %dma_start3A_25] : memref<10240x128xf32, #tpu.memory_space<hbm>> -> memref<10240x128xf32, #tpu.memory_space<hbm>>
      tpu.enqueue_indirect_dma source(%dma_start3A_26 : memref<10240x128xf32, #tpu.memory_space<hbm>>) target(%arg7 : memref<128x128xf32, #tpu.memory_space<vmem>>) offsets(%dma_start3A_23 : memref<128xi32, #tpu.memory_space<vmem>>) semaphore(%arg9 : memref<!tpu.dma_semaphore, #tpu.memory_space<semaphore_mem>>)
      %dma_wait3A = arith.constant 0 : i32
      %dma_wait3A_27 = tpu.memref_slice %arg5[%mul3A_18, %dma_wait3A] : memref<40x128xi32, #tpu.memory_space<vmem>> -> memref<1x128xi32, #tpu.memory_space<vmem>>
      %dma_wait3A_28 = tpu.memref_squeeze %dma_wait3A_27 : memref<1x128xi32, #tpu.memory_space<vmem>> -> memref<128xi32, #tpu.memory_space<vmem>>
      %dma_wait3A_29 = arith.constant 0 : i32
      %dma_wait3A_30 = arith.constant 0 : i32
      %dma_wait3A_31 = tpu.memref_slice %arg2[%dma_wait3A_29, %dma_wait3A_30] : memref<10240x128xf32, #tpu.memory_space<hbm>> -> memref<10240x128xf32, #tpu.memory_space<hbm>>
      tpu.wait_indirect_dma semaphore(%arg8 : memref<!tpu.dma_semaphore, #tpu.memory_space<semaphore_mem>>) src(%dma_wait3A_31 : memref<10240x128xf32, #tpu.memory_space<hbm>>) dst(%arg6 : memref<128x128xf32, #tpu.memory_space<vmem>>)
      %add3A_32 = arith.addi %mul3A_2, %mul3A_18 : i32
      %mul3A_33 = arith.constant 128 : i32
      %mul3A_34 = arith.muli %add3A_32, %mul3A_33 : i32
      "tpu.region"() ({
        %run_scoped3A = tpu.sem_alloc : memref<!tpu.dma_semaphore, #tpu.memory_space<semaphore_mem>>
        %dma_start3A_51 = arith.constant 0 : i32
        %dma_start3A_52 = tpu.memref_slice %arg4[%mul3A_34, %dma_start3A_51] : memref<163840x128xf32, #tpu.memory_space<hbm>> -> memref<128x128xf32, #tpu.memory_space<hbm>>
        %dma_start3A_53 = arith.constant 0 : i32
        %dma_start3A_54 = tpu.memref_slice %arg4[%mul3A_34, %dma_start3A_53] : memref<163840x128xf32, #tpu.memory_space<hbm>> -> memref<128x128xf32, #tpu.memory_space<hbm>>
        tpu.enqueue_dma source(%arg6 : memref<128x128xf32, #tpu.memory_space<vmem>>) target(%dma_start3A_54 : memref<128x128xf32, #tpu.memory_space<hbm>>) target_semaphore(%run_scoped3A : memref<!tpu.dma_semaphore, #tpu.memory_space<semaphore_mem>>)
        %dma_wait3A_55 = arith.constant 0 : i32
        %dma_wait3A_56 = tpu.memref_slice %arg4[%mul3A_34, %dma_wait3A_55] : memref<163840x128xf32, #tpu.memory_space<hbm>> -> memref<128x128xf32, #tpu.memory_space<hbm>>
        %dma_wait3A_57 = arith.constant 0 : i32
        %dma_wait3A_58 = tpu.memref_slice %arg4[%mul3A_34, %dma_wait3A_57] : memref<163840x128xf32, #tpu.memory_space<hbm>> -> memref<128x128xf32, #tpu.memory_space<hbm>>
        tpu.wait_dma2 semaphore(%run_scoped3A : memref<!tpu.dma_semaphore, #tpu.memory_space<semaphore_mem>>) src(%arg6 : memref<128x128xf32, #tpu.memory_space<vmem>>) dst(%dma_wait3A_58 : memref<128x128xf32, #tpu.memory_space<hbm>>)
        tpu.yield
      }) : () -> ()
      %add3A_35 = arith.constant 2 : i32
      %add3A_36 = arith.addi %mul3A_18, %add3A_35 : i32
      %lt3A = arith.constant 40 : i32
      %lt3A_37 = arith.cmpi slt, %add3A_36, %lt3A : i32
      %convert_element_type3A = arith.extui %lt3A_37 : i1 to i32
      %cond3A = arith.constant 0 : i32
      %cond3A_38 = arith.cmpi ne, %convert_element_type3A, %cond3A : i32
      scf.if %cond3A_38 {
        %add3A_51 = arith.constant 2 : i32
        %add3A_52 = arith.addi %mul3A_18, %add3A_51 : i32
        %dma_start3A_53 = arith.constant 0 : i32
        %dma_start3A_54 = tpu.memref_slice %arg5[%add3A_52, %dma_start3A_53] : memref<40x128xi32, #tpu.memory_space<vmem>> -> memref<1x128xi32, #tpu.memory_space<vmem>>
        %dma_start3A_55 = tpu.memref_squeeze %dma_start3A_54 : memref<1x128xi32, #tpu.memory_space<vmem>> -> memref<128xi32, #tpu.memory_space<vmem>>
        %dma_start3A_56 = arith.constant 0 : i32
        %dma_start3A_57 = arith.constant 0 : i32
        %dma_start3A_58 = tpu.memref_slice %arg2[%dma_start3A_56, %dma_start3A_57] : memref<10240x128xf32, #tpu.memory_space<hbm>> -> memref<10240x128xf32, #tpu.memory_space<hbm>>
        tpu.enqueue_indirect_dma source(%dma_start3A_58 : memref<10240x128xf32, #tpu.memory_space<hbm>>) target(%arg6 : memref<128x128xf32, #tpu.memory_space<vmem>>) offsets(%dma_start3A_55 : memref<128xi32, #tpu.memory_space<vmem>>) semaphore(%arg8 : memref<!tpu.dma_semaphore, #tpu.memory_space<semaphore_mem>>)
      } else {
      }
      %add3A_39 = arith.constant 1 : i32
      %add3A_40 = arith.addi %mul3A_18, %add3A_39 : i32
      %dma_wait3A_41 = arith.constant 0 : i32
      %dma_wait3A_42 = tpu.memref_slice %arg5[%add3A_40, %dma_wait3A_41] : memref<40x128xi32, #tpu.memory_space<vmem>> -> memref<1x128xi32, #tpu.memory_space<vmem>>
      %dma_wait3A_43 = tpu.memref_squeeze %dma_wait3A_42 : memref<1x128xi32, #tpu.memory_space<vmem>> -> memref<128xi32, #tpu.memory_space<vmem>>
      %dma_wait3A_44 = arith.constant 0 : i32
      %dma_wait3A_45 = arith.constant 0 : i32
      %dma_wait3A_46 = tpu.memref_slice %arg2[%dma_wait3A_44, %dma_wait3A_45] : memref<10240x128xf32, #tpu.memory_space<hbm>> -> memref<10240x128xf32, #tpu.memory_space<hbm>>
      tpu.wait_indirect_dma semaphore(%arg9 : memref<!tpu.dma_semaphore, #tpu.memory_space<semaphore_mem>>) src(%dma_wait3A_46 : memref<10240x128xf32, #tpu.memory_space<hbm>>) dst(%arg7 : memref<128x128xf32, #tpu.memory_space<vmem>>)
      %add3A_47 = arith.addi %mul3A_2, %add3A_40 : i32
      %mul3A_48 = arith.constant 128 : i32
      %mul3A_49 = arith.muli %add3A_47, %mul3A_48 : i32
      "tpu.region"() ({
        %run_scoped3A = tpu.sem_alloc : memref<!tpu.dma_semaphore, #tpu.memory_space<semaphore_mem>>
        %dma_start3A_51 = arith.constant 0 : i32
        %dma_start3A_52 = tpu.memref_slice %arg4[%mul3A_49, %dma_start3A_51] : memref<163840x128xf32, #tpu.memory_space<hbm>> -> memref<128x128xf32, #tpu.memory_space<hbm>>
        %dma_start3A_53 = arith.constant 0 : i32
        %dma_start3A_54 = tpu.memref_slice %arg4[%mul3A_49, %dma_start3A_53] : memref<163840x128xf32, #tpu.memory_space<hbm>> -> memref<128x128xf32, #tpu.memory_space<hbm>>
        tpu.enqueue_dma source(%arg7 : memref<128x128xf32, #tpu.memory_space<vmem>>) target(%dma_start3A_54 : memref<128x128xf32, #tpu.memory_space<hbm>>) target_semaphore(%run_scoped3A : memref<!tpu.dma_semaphore, #tpu.memory_space<semaphore_mem>>)
        %dma_wait3A_55 = arith.constant 0 : i32
        %dma_wait3A_56 = tpu.memref_slice %arg4[%mul3A_49, %dma_wait3A_55] : memref<163840x128xf32, #tpu.memory_space<hbm>> -> memref<128x128xf32, #tpu.memory_space<hbm>>
        %dma_wait3A_57 = arith.constant 0 : i32
        %dma_wait3A_58 = tpu.memref_slice %arg4[%mul3A_49, %dma_wait3A_57] : memref<163840x128xf32, #tpu.memory_space<hbm>> -> memref<128x128xf32, #tpu.memory_space<hbm>>
        tpu.wait_dma2 semaphore(%run_scoped3A : memref<!tpu.dma_semaphore, #tpu.memory_space<semaphore_mem>>) src(%arg7 : memref<128x128xf32, #tpu.memory_space<vmem>>) dst(%dma_wait3A_58 : memref<128x128xf32, #tpu.memory_space<hbm>>)
        tpu.yield
      }) : () -> ()
      %scan3A_50 = arith.constant 0 : i32
      scf.yield %scan3A_50 : i32
    }
    %scan3A_14 = arith.constant 20 : i32
    return
  }
}

#map = affine_map<(d0, d1) -> (0, 0)>
module attributes {stable_mosaic.version = 14 : i64} {
  func.func @k(%arg0: i32, %arg1: i32, %arg2: memref<8x128xf32, #tpu.memory_space<hbm>>, %arg3: memref<8x128xf32, #tpu.memory_space<hbm>>, %arg4: memref<8x128xf32, #tpu.memory_space<vmem>>, %arg5: memref<!tpu.dma_semaphore, #tpu.memory_space<semaphore_mem>>) attributes {dimension_semantics = [#tpu.dimension_semantics<core_parallel>, #tpu.dimension_semantics<subcore_parallel>], iteration_bounds = array<i64: 2, 16>, scalar_prefetch = 0 : i64, scratch_operands = 2 : i64, tpu.core_type = #tpu.core_type<sc_vector_subcore>, window_params = [{transform_indices = #map}, {transform_indices = #map}]} {
    %eq3A = arith.constant 0 : i32
    %eq3A_0 = arith.cmpi eq, %arg0, %eq3A : i32
    %eq3A_1 = arith.constant 0 : i32
    %eq3A_2 = arith.cmpi eq, %arg1, %eq3A_1 : i32
    %and3A = arith.andi %eq3A_0, %eq3A_2 : i1
    %convert_element_type3A = arith.extui %and3A : i1 to i32
    %cond3A = arith.constant 0 : i32
    %cond3A_3 = arith.cmpi ne, %convert_element_type3A, %cond3A : i32
    scf.if %cond3A_3 {
      tpu.enqueue_dma source(%arg2 : memref<8x128xf32, #tpu.memory_space<hbm>>) target(%arg4 : memref<8x128xf32, #tpu.memory_space<vmem>>) target_semaphore(%arg5 : memref<!tpu.dma_semaphore, #tpu.memory_space<semaphore_mem>>)
      tpu.wait_dma2 semaphore(%arg5 : memref<!tpu.dma_semaphore, #tpu.memory_space<semaphore_mem>>) src(%arg2 : memref<8x128xf32, #tpu.memory_space<hbm>>) dst(%arg4 : memref<8x128xf32, #tpu.memory_space<vmem>>)
      "tpu.region"() ({
        %run_scoped3A = tpu.sem_alloc : memref<!tpu.dma_semaphore, #tpu.memory_space<semaphore_mem>>
        tpu.enqueue_dma source(%arg4 : memref<8x128xf32, #tpu.memory_space<vmem>>) target(%arg3 : memref<8x128xf32, #tpu.memory_space<hbm>>) target_semaphore(%run_scoped3A : memref<!tpu.dma_semaphore, #tpu.memory_space<semaphore_mem>>)
        tpu.wait_dma2 semaphore(%run_scoped3A : memref<!tpu.dma_semaphore, #tpu.memory_space<semaphore_mem>>) src(%arg4 : memref<8x128xf32, #tpu.memory_space<vmem>>) dst(%arg3 : memref<8x128xf32, #tpu.memory_space<hbm>>)
        tpu.yield
      }) : () -> ()
    } else {
    }
    return
  }
}

#map = affine_map<(d0, d1) -> (0, 0)>
#map1 = affine_map<(d0, d1) -> (0, 0, 0)>
module attributes {stable_mosaic.version = 14 : i64} {
  func.func @k(%arg0: i32, %arg1: i32, %arg2: memref<163840x128xf32, #tpu.memory_space<hbm>>, %arg3: memref<1280x128xi32, #tpu.memory_space<hbm>>, %arg4: memref<2x10240x128xf32, #tpu.memory_space<hbm>>, %arg5: memref<10240x128xf32, #tpu.memory_space<vmem_shared>>, %arg6: memref<40x128xi32, #tpu.memory_space<vmem>>, %arg7: memref<128x128xf32, #tpu.memory_space<vmem>>, %arg8: memref<128x128xf32, #tpu.memory_space<vmem>>, %arg9: memref<!tpu.dma_semaphore, #tpu.memory_space<semaphore_mem>>, %arg10: memref<!tpu.dma_semaphore, #tpu.memory_space<semaphore_mem>>, %arg11: memref<!tpu.dma_semaphore, #tpu.memory_space<semaphore_mem>>, %arg12: memref<!tpu.dma_semaphore, #tpu.memory_space<semaphore_mem>>) attributes {dimension_semantics = [#tpu.dimension_semantics<core_parallel>, #tpu.dimension_semantics<subcore_parallel>], iteration_bounds = array<i64: 2, 16>, scalar_prefetch = 0 : i64, scratch_operands = 8 : i64, tpu.core_type = #tpu.core_type<sc_vector_subcore>, window_params = [{transform_indices = #map}, {transform_indices = #map}, {transform_indices = #map1}]} {
    %mul3A = arith.constant 2 : i32
    %mul3A_0 = arith.muli %arg1, %mul3A : i32
    %add3A = arith.addi %mul3A_0, %arg0 : i32
    %mul3A_1 = arith.constant 40 : i32
    %mul3A_2 = arith.muli %add3A, %mul3A_1 : i32
    %scan3A = arith.constant 0 : i32
    %scan3A_3 = arith.constant 0 : i32
    %scan3A_4 = arith.constant 128 : i32
    %scan3A_5 = arith.addi %scan3A_3, %scan3A_4 : i32
    %scan3A_6 = arith.constant 1 : i32
    %scan3A_7 = scf.for %scan3A_41 = %scan3A_3 to %scan3A_5 step %scan3A_6 iter_args(%scan3A_42 = %scan3A) -> (i32)  : i32 {
      %broadcast_in_dim3A = arith.constant 0.000000e+00 : f32
      %broadcast_in_dim3A_43 = vector.broadcast %broadcast_in_dim3A : f32 to vector<16xf32>
      %swap3A = arith.index_cast %scan3A_41 : i32 to index
      %swap3A_44 = arith.constant 0 : index
      %swap3A_45 = tpu.vector_load %arg7[%swap3A, %swap3A_44] {strides = array<i32>} : memref<128x128xf32, #tpu.memory_space<vmem>>, vector<1x16xf32>,
      %swap3A_46 = vector.shape_cast %swap3A_45 : vector<1x16xf32> to vector<16xf32>
      %swap3A_47 = vector.shape_cast %broadcast_in_dim3A_43 : vector<16xf32> to vector<1x16xf32>
      tpu.vector_store %arg7[%swap3A, %swap3A_44], %swap3A_47 {strides = array<i32>} : memref<128x128xf32, #tpu.memory_space<vmem>>, vector<1x16xf32>,
      %broadcast_in_dim3A_48 = arith.constant 0.000000e+00 : f32
      %broadcast_in_dim3A_49 = vector.broadcast %broadcast_in_dim3A_48 : f32 to vector<16xf32>
      %swap3A_50 = arith.index_cast %scan3A_41 : i32 to index
      %swap3A_51 = arith.constant 16 : index
      %swap3A_52 = tpu.vector_load %arg7[%swap3A_50, %swap3A_51] {strides = array<i32>} : memref<128x128xf32, #tpu.memory_space<vmem>>, vector<1x16xf32>,
      %swap3A_53 = vector.shape_cast %swap3A_52 : vector<1x16xf32> to vector<16xf32>
      %swap3A_54 = vector.shape_cast %broadcast_in_dim3A_49 : vector<16xf32> to vector<1x16xf32>
      tpu.vector_store %arg7[%swap3A_50, %swap3A_51], %swap3A_54 {strides = array<i32>} : memref<128x128xf32, #tpu.memory_space<vmem>>, vector<1x16xf32>,
      %broadcast_in_dim3A_55 = arith.constant 0.000000e+00 : f32
      %broadcast_in_dim3A_56 = vector.broadcast %broadcast_in_dim3A_55 : f32 to vector<16xf32>
      %swap3A_57 = arith.index_cast %scan3A_41 : i32 to index
      %swap3A_58 = arith.constant 32 : index
      %swap3A_59 = tpu.vector_load %arg7[%swap3A_57, %swap3A_58] {strides = array<i32>} : memref<128x128xf32, #tpu.memory_space<vmem>>, vector<1x16xf32>,
      %swap3A_60 = vector.shape_cast %swap3A_59 : vector<1x16xf32> to vector<16xf32>
      %swap3A_61 = vector.shape_cast %broadcast_in_dim3A_56 : vector<16xf32> to vector<1x16xf32>
      tpu.vector_store %arg7[%swap3A_57, %swap3A_58], %swap3A_61 {strides = array<i32>} : memref<128x128xf32, #tpu.memory_space<vmem>>, vector<1x16xf32>,
      %broadcast_in_dim3A_62 = arith.constant 0.000000e+00 : f32
      %broadcast_in_dim3A_63 = vector.broadcast %broadcast_in_dim3A_62 : f32 to vector<16xf32>
      %swap3A_64 = arith.index_cast %scan3A_41 : i32 to index
      %swap3A_65 = arith.constant 48 : index
      %swap3A_66 = tpu.vector_load %arg7[%swap3A_64, %swap3A_65] {strides = array<i32>} : memref<128x128xf32, #tpu.memory_space<vmem>>, vector<1x16xf32>,
      %swap3A_67 = vector.shape_cast %swap3A_66 : vector<1x16xf32> to vector<16xf32>
      %swap3A_68 = vector.shape_cast %broadcast_in_dim3A_63 : vector<16xf32> to vector<1x16xf32>
      tpu.vector_store %arg7[%swap3A_64, %swap3A_65], %swap3A_68 {strides = array<i32>} : memref<128x128xf32, #tpu.memory_space<vmem>>, vector<1x16xf32>,
      %broadcast_in_dim3A_69 = arith.constant 0.000000e+00 : f32
      %broadcast_in_dim3A_70 = vector.broadcast %broadcast_in_dim3A_69 : f32 to vector<16xf32>
      %swap3A_71 = arith.index_cast %scan3A_41 : i32 to index
      %swap3A_72 = arith.constant 64 : index
      %swap3A_73 = tpu.vector_load %arg7[%swap3A_71, %swap3A_72] {strides = array<i32>} : memref<128x128xf32, #tpu.memory_space<vmem>>, vector<1x16xf32>,
      %swap3A_74 = vector.shape_cast %swap3A_73 : vector<1x16xf32> to vector<16xf32>
      %swap3A_75 = vector.shape_cast %broadcast_in_dim3A_70 : vector<16xf32> to vector<1x16xf32>
      tpu.vector_store %arg7[%swap3A_71, %swap3A_72], %swap3A_75 {strides = array<i32>} : memref<128x128xf32, #tpu.memory_space<vmem>>, vector<1x16xf32>,
      %broadcast_in_dim3A_76 = arith.constant 0.000000e+00 : f32
      %broadcast_in_dim3A_77 = vector.broadcast %broadcast_in_dim3A_76 : f32 to vector<16xf32>
      %swap3A_78 = arith.index_cast %scan3A_41 : i32 to index
      %swap3A_79 = arith.constant 80 : index
      %swap3A_80 = tpu.vector_load %arg7[%swap3A_78, %swap3A_79] {strides = array<i32>} : memref<128x128xf32, #tpu.memory_space<vmem>>, vector<1x16xf32>,
      %swap3A_81 = vector.shape_cast %swap3A_80 : vector<1x16xf32> to vector<16xf32>
      %swap3A_82 = vector.shape_cast %broadcast_in_dim3A_77 : vector<16xf32> to vector<1x16xf32>
      tpu.vector_store %arg7[%swap3A_78, %swap3A_79], %swap3A_82 {strides = array<i32>} : memref<128x128xf32, #tpu.memory_space<vmem>>, vector<1x16xf32>,
      %broadcast_in_dim3A_83 = arith.constant 0.000000e+00 : f32
      %broadcast_in_dim3A_84 = vector.broadcast %broadcast_in_dim3A_83 : f32 to vector<16xf32>
      %swap3A_85 = arith.index_cast %scan3A_41 : i32 to index
      %swap3A_86 = arith.constant 96 : index
      %swap3A_87 = tpu.vector_load %arg7[%swap3A_85, %swap3A_86] {strides = array<i32>} : memref<128x128xf32, #tpu.memory_space<vmem>>, vector<1x16xf32>,
      %swap3A_88 = vector.shape_cast %swap3A_87 : vector<1x16xf32> to vector<16xf32>
      %swap3A_89 = vector.shape_cast %broadcast_in_dim3A_84 : vector<16xf32> to vector<1x16xf32>
      tpu.vector_store %arg7[%swap3A_85, %swap3A_86], %swap3A_89 {strides = array<i32>} : memref<128x128xf32, #tpu.memory_space<vmem>>, vector<1x16xf32>,
      %broadcast_in_dim3A_90 = arith.constant 0.000000e+00 : f32
      %broadcast_in_dim3A_91 = vector.broadcast %broadcast_in_dim3A_90 : f32 to vector<16xf32>
      %swap3A_92 = arith.index_cast %scan3A_41 : i32 to index
      %swap3A_93 = arith.constant 112 : index
      %swap3A_94 = tpu.vector_load %arg7[%swap3A_92, %swap3A_93] {strides = array<i32>} : memref<128x128xf32, #tpu.memory_space<vmem>>, vector<1x16xf32>,
      %swap3A_95 = vector.shape_cast %swap3A_94 : vector<1x16xf32> to vector<16xf32>
      %swap3A_96 = vector.shape_cast %broadcast_in_dim3A_91 : vector<16xf32> to vector<1x16xf32>
      tpu.vector_store %arg7[%swap3A_92, %swap3A_93], %swap3A_96 {strides = array<i32>} : memref<128x128xf32, #tpu.memory_space<vmem>>, vector<1x16xf32>,
      %scan3A_97 = arith.constant 0 : i32
      scf.yield %scan3A_97 : i32
    }
    %scan3A_8 = arith.constant 128 : i32
    %scan3A_9 = arith.constant 0 : i32
    %scan3A_10 = arith.constant 0 : i32
    %scan3A_11 = arith.constant 5 : i32
    %scan3A_12 = arith.addi %scan3A_10, %scan3A_11 : i32
    %scan3A_13 = arith.constant 1 : i32
    %scan3A_14 = scf.for %scan3A_41 = %scan3A_10 to %scan3A_12 step %scan3A_13 iter_args(%scan3A_42 = %scan3A_9) -> (i32)  : i32 {
      %mul3A_43 = arith.constant 640 : i32
      %mul3A_44 = arith.muli %arg1, %mul3A_43 : i32
      %mul3A_45 = arith.constant 128 : i32
      %mul3A_46 = arith.muli %scan3A_41, %mul3A_45 : i32
      %add3A_47 = arith.addi %mul3A_44, %mul3A_46 : i32
      "tpu.region"() ({
        %run_scoped3A = tpu.sem_alloc : memref<!tpu.dma_semaphore, #tpu.memory_space<semaphore_mem>>
        %dma_start3A_49 = arith.constant 0 : i32
        %dma_start3A_50 = tpu.memref_slice %arg5[%add3A_47, %dma_start3A_49] : memref<10240x128xf32, #tpu.memory_space<vmem_shared>> -> memref<128x128xf32, #tpu.memory_space<vmem_shared>>
        %dma_start3A_51 = arith.constant 0 : i32
        %dma_start3A_52 = tpu.memref_slice %arg5[%add3A_47, %dma_start3A_51] : memref<10240x128xf32, #tpu.memory_space<vmem_shared>> -> memref<128x128xf32, #tpu.memory_space<vmem_shared>>
        tpu.enqueue_dma source(%arg7 : memref<128x128xf32, #tpu.memory_space<vmem>>) target(%dma_start3A_52 : memref<128x128xf32, #tpu.memory_space<vmem_shared>>) target_semaphore(%run_scoped3A : memref<!tpu.dma_semaphore, #tpu.memory_space<semaphore_mem>>)
        %dma_wait3A_53 = arith.constant 0 : i32
        %dma_wait3A_54 = tpu.memref_slice %arg5[%add3A_47, %dma_wait3A_53] : memref<10240x128xf32, #tpu.memory_space<vmem_shared>> -> memref<128x128xf32, #tpu.memory_space<vmem_shared>>
        %dma_wait3A_55 = arith.constant 0 : i32
        %dma_wait3A_56 = tpu.memref_slice %arg5[%add3A_47, %dma_wait3A_55] : memref<10240x128xf32, #tpu.memory_space<vmem_shared>> -> memref<128x128xf32, #tpu.memory_space<vmem_shared>>
        tpu.wait_dma2 semaphore(%run_scoped3A : memref<!tpu.dma_semaphore, #tpu.memory_space<semaphore_mem>>) src(%arg7 : memref<128x128xf32, #tpu.memory_space<vmem>>) dst(%dma_wait3A_56 : memref<128x128xf32, #tpu.memory_space<vmem_shared>>)
        tpu.yield
      }) : () -> ()
      %scan3A_48 = arith.constant 0 : i32
      scf.yield %scan3A_48 : i32
    }
    %scan3A_15 = arith.constant 5 : i32
    "tpu.region"() ({
      %run_scoped3A = tpu.sem_alloc : memref<!tpu.dma_semaphore, #tpu.memory_space<semaphore_mem>>
      %dma_start3A_41 = arith.constant 0 : i32
      %dma_start3A_42 = tpu.memref_slice %arg3[%mul3A_2, %dma_start3A_41] : memref<1280x128xi32, #tpu.memory_space<hbm>> -> memref<40x128xi32, #tpu.memory_space<hbm>>
      %dma_start3A_43 = arith.constant 0 : i32
      %dma_start3A_44 = tpu.memref_slice %arg3[%mul3A_2, %dma_start3A_43] : memref<1280x128xi32, #tpu.memory_space<hbm>> -> memref<40x128xi32, #tpu.memory_space<hbm>>
      tpu.enqueue_dma source(%dma_start3A_44 : memref<40x128xi32, #tpu.memory_space<hbm>>) target(%arg6 : memref<40x128xi32, #tpu.memory_space<vmem>>) target_semaphore(%run_scoped3A : memref<!tpu.dma_semaphore, #tpu.memory_space<semaphore_mem>>)
      %dma_wait3A_45 = arith.constant 0 : i32
      %dma_wait3A_46 = tpu.memref_slice %arg3[%mul3A_2, %dma_wait3A_45] : memref<1280x128xi32, #tpu.memory_space<hbm>> -> memref<40x128xi32, #tpu.memory_space<hbm>>
      %dma_wait3A_47 = arith.constant 0 : i32
      %dma_wait3A_48 = tpu.memref_slice %arg3[%mul3A_2, %dma_wait3A_47] : memref<1280x128xi32, #tpu.memory_space<hbm>> -> memref<40x128xi32, #tpu.memory_space<hbm>>
      tpu.wait_dma2 semaphore(%run_scoped3A : memref<!tpu.dma_semaphore, #tpu.memory_space<semaphore_mem>>) src(%dma_wait3A_48 : memref<40x128xi32, #tpu.memory_space<hbm>>) dst(%arg6 : memref<40x128xi32, #tpu.memory_space<vmem>>)
      tpu.yield
    }) : () -> ()
    %barrier3A = arith.constant 0 : index
    tpu.barrier barrier_id(%barrier3A)
    %add3A_16 = arith.constant 0 : i32
    %add3A_17 = arith.addi %mul3A_2, %add3A_16 : i32
    %mul3A_18 = arith.constant 128 : i32
    %mul3A_19 = arith.muli %add3A_17, %mul3A_18 : i32
    %dma_start3A = arith.constant 0 : i32
    %dma_start3A_20 = tpu.memref_slice %arg2[%mul3A_19, %dma_start3A] : memref<163840x128xf32, #tpu.memory_space<hbm>> -> memref<128x128xf32, #tpu.memory_space<hbm>>
    %dma_start3A_21 = arith.constant 0 : i32
    %dma_start3A_22 = tpu.memref_slice %arg2[%mul3A_19, %dma_start3A_21] : memref<163840x128xf32, #tpu.memory_space<hbm>> -> memref<128x128xf32, #tpu.memory_space<hbm>>
    tpu.enqueue_dma source(%dma_start3A_22 : memref<128x128xf32, #tpu.memory_space<hbm>>) target(%arg7 : memref<128x128xf32, #tpu.memory_space<vmem>>) target_semaphore(%arg9 : memref<!tpu.dma_semaphore, #tpu.memory_space<semaphore_mem>>)
    %scan3A_23 = arith.constant 0 : i32
    %scan3A_24 = arith.constant 0 : i32
    %scan3A_25 = arith.constant 20 : i32
    %scan3A_26 = arith.addi %scan3A_24, %scan3A_25 : i32
    %scan3A_27 = arith.constant 1 : i32
    %scan3A_28 = scf.for %scan3A_41 = %scan3A_24 to %scan3A_26 step %scan3A_27 iter_args(%scan3A_42 = %scan3A_23) -> (i32)  : i32 {
      %mul3A_43 = arith.constant 2 : i32
      %mul3A_44 = arith.muli %mul3A_43, %scan3A_41 : i32
      %add3A_45 = arith.addi %mul3A_2, %mul3A_44 : i32
      %mul3A_46 = arith.constant 128 : i32
      %mul3A_47 = arith.muli %add3A_45, %mul3A_46 : i32
      %dma_wait3A_48 = arith.constant 0 : i32
      %dma_wait3A_49 = tpu.memref_slice %arg2[%mul3A_47, %dma_wait3A_48] : memref<163840x128xf32, #tpu.memory_space<hbm>> -> memref<128x128xf32, #tpu.memory_space<hbm>>
      %dma_wait3A_50 = arith.constant 0 : i32
      %dma_wait3A_51 = tpu.memref_slice %arg2[%mul3A_47, %dma_wait3A_50] : memref<163840x128xf32, #tpu.memory_space<hbm>> -> memref<128x128xf32, #tpu.memory_space<hbm>>
      tpu.wait_dma2 semaphore(%arg9 : memref<!tpu.dma_semaphore, #tpu.memory_space<semaphore_mem>>) src(%dma_wait3A_51 : memref<128x128xf32, #tpu.memory_space<hbm>>) dst(%arg7 : memref<128x128xf32, #tpu.memory_space<vmem>>)
      %gt3A = arith.constant 0 : i32
      %gt3A_52 = arith.cmpi sgt, %scan3A_41, %gt3A : i32
      %convert_element_type3A = arith.extui %gt3A_52 : i1 to i32
      %cond3A = arith.constant 0 : i32
      %cond3A_53 = arith.cmpi ne, %convert_element_type3A, %cond3A : i32
      scf.if %cond3A_53 {
        %sub3A = arith.constant 1 : i32
        %sub3A_99 = arith.subi %mul3A_44, %sub3A : i32
        %dma_wait3A_100 = arith.constant 0 : i32
        %dma_wait3A_101 = tpu.memref_slice %arg6[%sub3A_99, %dma_wait3A_100] : memref<40x128xi32, #tpu.memory_space<vmem>> -> memref<1x128xi32, #tpu.memory_space<vmem>>
        %dma_wait3A_102 = tpu.memref_squeeze %dma_wait3A_101 : memref<1x128xi32, #tpu.memory_space<vmem>> -> memref<128xi32, #tpu.memory_space<vmem>>
        %dma_wait3A_103 = arith.constant 0 : i32
        %dma_wait3A_104 = arith.constant 0 : i32
        %dma_wait3A_105 = tpu.memref_slice %arg5[%dma_wait3A_103, %dma_wait3A_104] : memref<10240x128xf32, #tpu.memory_space<vmem_shared>> -> memref<10240x128xf32, #tpu.memory_space<vmem_shared>>
        tpu.wait_indirect_dma semaphore(%arg12 : memref<!tpu.dma_semaphore, #tpu.memory_space<semaphore_mem>>) src(%arg8 : memref<128x128xf32, #tpu.memory_space<vmem>>) dst(%dma_wait3A_105 : memref<10240x128xf32, #tpu.memory_space<vmem_shared>>)
      } else {
      }
      %add3A_54 = arith.constant 1 : i32
      %add3A_55 = arith.addi %mul3A_44, %add3A_54 : i32
      %add3A_56 = arith.addi %mul3A_2, %add3A_55 : i32
      %mul3A_57 = arith.constant 128 : i32
      %mul3A_58 = arith.muli %add3A_56, %mul3A_57 : i32
      %dma_start3A_59 = arith.constant 0 : i32
      %dma_start3A_60 = tpu.memref_slice %arg2[%mul3A_58, %dma_start3A_59] : memref<163840x128xf32, #tpu.memory_space<hbm>> -> memref<128x128xf32, #tpu.memory_space<hbm>>
      %dma_start3A_61 = arith.constant 0 : i32
      %dma_start3A_62 = tpu.memref_slice %arg2[%mul3A_58, %dma_start3A_61] : memref<163840x128xf32, #tpu.memory_space<hbm>> -> memref<128x128xf32, #tpu.memory_space<hbm>>
      tpu.enqueue_dma source(%dma_start3A_62 : memref<128x128xf32, #tpu.memory_space<hbm>>) target(%arg8 : memref<128x128xf32, #tpu.memory_space<vmem>>) target_semaphore(%arg10 : memref<!tpu.dma_semaphore, #tpu.memory_space<semaphore_mem>>)
      %dma_start3A_63 = arith.constant 0 : i32
      %dma_start3A_64 = tpu.memref_slice %arg6[%mul3A_44, %dma_start3A_63] : memref<40x128xi32, #tpu.memory_space<vmem>> -> memref<1x128xi32, #tpu.memory_space<vmem>>
      %dma_start3A_65 = tpu.memref_squeeze %dma_start3A_64 : memref<1x128xi32, #tpu.memory_space<vmem>> -> memref<128xi32, #tpu.memory_space<vmem>>
      %dma_start3A_66 = arith.constant 0 : i32
      %dma_start3A_67 = arith.constant 0 : i32
      %dma_start3A_68 = tpu.memref_slice %arg5[%dma_start3A_66, %dma_start3A_67] : memref<10240x128xf32, #tpu.memory_space<vmem_shared>> -> memref<10240x128xf32, #tpu.memory_space<vmem_shared>>
      tpu.enqueue_indirect_dma source(%arg7 : memref<128x128xf32, #tpu.memory_space<vmem>>) target(%dma_start3A_68 : memref<10240x128xf32, #tpu.memory_space<vmem_shared>>) offsets(%dma_start3A_65 : memref<128xi32, #tpu.memory_space<vmem>>) semaphore(%arg11 : memref<!tpu.dma_semaphore, #tpu.memory_space<semaphore_mem>>) {add = true}
      %add3A_69 = arith.addi %mul3A_2, %mul3A_44 : i32
      %add3A_70 = arith.constant 1 : i32
      %add3A_71 = arith.addi %add3A_69, %add3A_70 : i32
      %mul3A_72 = arith.constant 128 : i32
      %mul3A_73 = arith.muli %add3A_71, %mul3A_72 : i32
      %dma_wait3A_74 = arith.constant 0 : i32
      %dma_wait3A_75 = tpu.memref_slice %arg2[%mul3A_73, %dma_wait3A_74] : memref<163840x128xf32, #tpu.memory_space<hbm>> -> memref<128x128xf32, #tpu.memory_space<hbm>>
      %dma_wait3A_76 = arith.constant 0 : i32
      %dma_wait3A_77 = tpu.memref_slice %arg2[%mul3A_73, %dma_wait3A_76] : memref<163840x128xf32, #tpu.memory_space<hbm>> -> memref<128x128xf32, #tpu.memory_space<hbm>>
      tpu.wait_dma2 semaphore(%arg10 : memref<!tpu.dma_semaphore, #tpu.memory_space<semaphore_mem>>) src(%dma_wait3A_77 : memref<128x128xf32, #tpu.memory_space<hbm>>) dst(%arg8 : memref<128x128xf32, #tpu.memory_space<vmem>>)
      %dma_wait3A_78 = arith.constant 0 : i32
      %dma_wait3A_79 = tpu.memref_slice %arg6[%mul3A_44, %dma_wait3A_78] : memref<40x128xi32, #tpu.memory_space<vmem>> -> memref<1x128xi32, #tpu.memory_space<vmem>>
      %dma_wait3A_80 = tpu.memref_squeeze %dma_wait3A_79 : memref<1x128xi32, #tpu.memory_space<vmem>> -> memref<128xi32, #tpu.memory_space<vmem>>
      %dma_wait3A_81 = arith.constant 0 : i32
      %dma_wait3A_82 = arith.constant 0 : i32
      %dma_wait3A_83 = tpu.memref_slice %arg5[%dma_wait3A_81, %dma_wait3A_82] : memref<10240x128xf32, #tpu.memory_space<vmem_shared>> -> memref<10240x128xf32, #tpu.memory_space<vmem_shared>>
      tpu.wait_indirect_dma semaphore(%arg11 : memref<!tpu.dma_semaphore, #tpu.memory_space<semaphore_mem>>) src(%arg7 : memref<128x128xf32, #tpu.memory_space<vmem>>) dst(%dma_wait3A_83 : memref<10240x128xf32, #tpu.memory_space<vmem_shared>>)
      %add3A_84 = arith.constant 2 : i32
      %add3A_85 = arith.addi %mul3A_44, %add3A_84 : i32
      %lt3A = arith.constant 40 : i32
      %lt3A_86 = arith.cmpi slt, %add3A_85, %lt3A : i32
      %convert_element_type3A_87 = arith.extui %lt3A_86 : i1 to i32
      %cond3A_88 = arith.constant 0 : i32
      %cond3A_89 = arith.cmpi ne, %convert_element_type3A_87, %cond3A_88 : i32
      scf.if %cond3A_89 {
        %add3A_99 = arith.constant 2 : i32
        %add3A_100 = arith.addi %mul3A_44, %add3A_99 : i32
        %add3A_101 = arith.addi %mul3A_2, %add3A_100 : i32
        %mul3A_102 = arith.constant 128 : i32
        %mul3A_103 = arith.muli %add3A_101, %mul3A_102 : i32
        %dma_start3A_104 = arith.constant 0 : i32
        %dma_start3A_105 = tpu.memref_slice %arg2[%mul3A_103, %dma_start3A_104] : memref<163840x128xf32, #tpu.memory_space<hbm>> -> memref<128x128xf32, #tpu.memory_space<hbm>>
        %dma_start3A_106 = arith.constant 0 : i32
        %dma_start3A_107 = tpu.memref_slice %arg2[%mul3A_103, %dma_start3A_106] : memref<163840x128xf32, #tpu.memory_space<hbm>> -> memref<128x128xf32, #tpu.memory_space<hbm>>
        tpu.enqueue_dma source(%dma_start3A_107 : memref<128x128xf32, #tpu.memory_space<hbm>>) target(%arg7 : memref<128x128xf32, #tpu.memory_space<vmem>>) target_semaphore(%arg9 : memref<!tpu.dma_semaphore, #tpu.memory_space<semaphore_mem>>)
      } else {
      }
      %add3A_90 = arith.constant 1 : i32
      %add3A_91 = arith.addi %mul3A_44, %add3A_90 : i32
      %dma_start3A_92 = arith.constant 0 : i32
      %dma_start3A_93 = tpu.memref_slice %arg6[%add3A_91, %dma_start3A_92] : memref<40x128xi32, #tpu.memory_space<vmem>> -> memref<1x128xi32, #tpu.memory_space<vmem>>
      %dma_start3A_94 = tpu.memref_squeeze %dma_start3A_93 : memref<1x128xi32, #tpu.memory_space<vmem>> -> memref<128xi32, #tpu.memory_space<vmem>>
      %dma_start3A_95 = arith.constant 0 : i32
      %dma_start3A_96 = arith.constant 0 : i32
      %dma_start3A_97 = tpu.memref_slice %arg5[%dma_start3A_95, %dma_start3A_96] : memref<10240x128xf32, #tpu.memory_space<vmem_shared>> -> memref<10240x128xf32, #tpu.memory_space<vmem_shared>>
      tpu.enqueue_indirect_dma source(%arg8 : memref<128x128xf32, #tpu.memory_space<vmem>>) target(%dma_start3A_97 : memref<10240x128xf32, #tpu.memory_space<vmem_shared>>) offsets(%dma_start3A_94 : memref<128xi32, #tpu.memory_space<vmem>>) semaphore(%arg12 : memref<!tpu.dma_semaphore, #tpu.memory_space<semaphore_mem>>) {add = true}
      %scan3A_98 = arith.constant 0 : i32
      scf.yield %scan3A_98 : i32
    }
    %scan3A_29 = arith.constant 20 : i32
    %dma_wait3A = arith.constant 39 : i32
    %dma_wait3A_30 = arith.constant 0 : i32
    %dma_wait3A_31 = tpu.memref_slice %arg6[%dma_wait3A, %dma_wait3A_30] : memref<40x128xi32, #tpu.memory_space<vmem>> -> memref<1x128xi32, #tpu.memory_space<vmem>>
    %dma_wait3A_32 = tpu.memref_squeeze %dma_wait3A_31 : memref<1x128xi32, #tpu.memory_space<vmem>> -> memref<128xi32, #tpu.memory_space<vmem>>
    %dma_wait3A_33 = arith.constant 0 : i32
    %dma_wait3A_34 = arith.constant 0 : i32
    %dma_wait3A_35 = tpu.memref_slice %arg5[%dma_wait3A_33, %dma_wait3A_34] : memref<10240x128xf32, #tpu.memory_space<vmem_shared>> -> memref<10240x128xf32, #tpu.memory_space<vmem_shared>>
    tpu.wait_indirect_dma semaphore(%arg12 : memref<!tpu.dma_semaphore, #tpu.memory_space<semaphore_mem>>) src(%arg8 : memref<128x128xf32, #tpu.memory_space<vmem>>) dst(%dma_wait3A_35 : memref<10240x128xf32, #tpu.memory_space<vmem_shared>>)
    %barrier3A_36 = arith.constant 0 : index
    tpu.barrier barrier_id(%barrier3A_36)
    %mul3A_37 = arith.constant 640 : i32
    %mul3A_38 = arith.muli %arg1, %mul3A_37 : i32
    %mul3A_39 = arith.constant 640 : i32
    %mul3A_40 = arith.muli %arg1, %mul3A_39 : i32
    "tpu.region"() ({
      %run_scoped3A = tpu.sem_alloc : memref<!tpu.dma_semaphore, #tpu.memory_space<semaphore_mem>>
      %dma_start3A_41 = arith.constant 0 : i32
      %dma_start3A_42 = tpu.memref_slice %arg4[%arg0, %mul3A_40, %dma_start3A_41] : memref<2x10240x128xf32, #tpu.memory_space<hbm>> -> memref<1x640x128xf32, #tpu.memory_space<hbm>>
      %dma_start3A_43 = tpu.memref_squeeze %dma_start3A_42 : memref<1x640x128xf32, #tpu.memory_space<hbm>> -> memref<640x128xf32, #tpu.memory_space<hbm>>
      %dma_start3A_44 = arith.constant 0 : i32
      %dma_start3A_45 = tpu.memref_slice %arg5[%mul3A_38, %dma_start3A_44] : memref<10240x128xf32, #tpu.memory_space<vmem_shared>> -> memref<640x128xf32, #tpu.memory_space<vmem_shared>>
      tpu.enqueue_dma source(%dma_start3A_45 : memref<640x128xf32, #tpu.memory_space<vmem_shared>>) target(%dma_start3A_43 : memref<640x128xf32, #tpu.memory_space<hbm>>) target_semaphore(%run_scoped3A : memref<!tpu.dma_semaphore, #tpu.memory_space<semaphore_mem>>)
      %dma_wait3A_46 = arith.constant 0 : i32
      %dma_wait3A_47 = tpu.memref_slice %arg4[%arg0, %mul3A_40, %dma_wait3A_46] : memref<2x10240x128xf32, #tpu.memory_space<hbm>> -> memref<1x640x128xf32, #tpu.memory_space<hbm>>
      %dma_wait3A_48 = tpu.memref_squeeze %dma_wait3A_47 : memref<1x640x128xf32, #tpu.memory_space<hbm>> -> memref<640x128xf32, #tpu.memory_space<hbm>>
      %dma_wait3A_49 = arith.constant 0 : i32
      %dma_wait3A_50 = tpu.memref_slice %arg5[%mul3A_38, %dma_wait3A_49] : memref<10240x128xf32, #tpu.memory_space<vmem_shared>> -> memref<640x128xf32, #tpu.memory_space<vmem_shared>>
      tpu.wait_dma2 semaphore(%run_scoped3A : memref<!tpu.dma_semaphore, #tpu.memory_space<semaphore_mem>>) src(%dma_wait3A_50 : memref<640x128xf32, #tpu.memory_space<vmem_shared>>) dst(%dma_wait3A_48 : memref<640x128xf32, #tpu.memory_space<hbm>>)
      tpu.yield
    }) : () -> ()
    return
  }
}

module attributes {stable_mosaic.version = 14 : i64} {
  func.func @body(%arg0: i32, %arg1: memref<2048x1xf32, #tpu.memory_space<vmem>>, %arg2: memref<2048x4xf32, #tpu.memory_space<vmem>>, %arg3: memref<1x8xf32, #tpu.memory_space<vmem>>, %arg4: memref<1x8xf32, #tpu.memory_space<vmem>>, %arg5: memref<8x8xf32, #tpu.memory_space<vmem>>, %arg6: memref<1x8xf32, #tpu.memory_space<vmem>>, %arg7: memref<8x8xf32, #tpu.memory_space<vmem>>, %arg8: memref<1x8xf32, #tpu.memory_space<vmem>>, %arg9: memref<1x8xf32, #tpu.memory_space<vmem>>, %arg10: memref<1x8xf32, #tpu.memory_space<vmem>>, %arg11: memref<8x8xf32, #tpu.memory_space<vmem>>, %arg12: memref<1x8xf32, #tpu.memory_space<vmem>>, %arg13: memref<8x8xf32, #tpu.memory_space<vmem>>, %arg14: memref<1x8xf32, #tpu.memory_space<vmem>>, %arg15: memref<1x8xf32, #tpu.memory_space<vmem>>, %arg16: memref<1x8xf32, #tpu.memory_space<vmem>>, %arg17: memref<8x8xf32, #tpu.memory_space<vmem>>, %arg18: memref<1x8xf32, #tpu.memory_space<vmem>>, %arg19: memref<8x8xf32, #tpu.memory_space<vmem>>, %arg20: memref<1x8xf32, #tpu.memory_space<vmem>>, %arg21: memref<2048x128xf32, #tpu.memory_space<vmem>>) attributes {dimension_semantics = [#tpu.dimension_semantics<arbitrary>], iteration_bounds = array<i64: 5>, scalar_prefetch = 0 : i64, scratch_operands = 0 : i64, tpu.core_type = #tpu.core_type<tc>, window_params = [{transform_indices = @transform_0, window_bounds = array<i64: 2048, 1>}, {transform_indices = @transform_1, window_bounds = array<i64: 2048, 4>}, {pipeline_mode = #tpu.pipeline_mode<synchronous>, transform_indices = @transform_2, window_bounds = array<i64: 1, 8>}, {pipeline_mode = #tpu.pipeline_mode<synchronous>, transform_indices = @transform_3, window_bounds = array<i64: 1, 8>}, {pipeline_mode = #tpu.pipeline_mode<synchronous>, transform_indices = @transform_4, window_bounds = array<i64: 8, 8>}, {pipeline_mode = #tpu.pipeline_mode<synchronous>, transform_indices = @transform_5, window_bounds = array<i64: 1, 8>}, {pipeline_mode = #tpu.pipeline_mode<synchronous>, transform_indices = @transform_6, window_bounds = array<i64: 8, 8>}, {pipeline_mode = #tpu.pipeline_mode<synchronous>, transform_indices = @transform_7, window_bounds = array<i64: 1, 8>}, {pipeline_mode = #tpu.pipeline_mode<synchronous>, transform_indices = @transform_8, window_bounds = array<i64: 1, 8>}, {pipeline_mode = #tpu.pipeline_mode<synchronous>, transform_indices = @transform_9, window_bounds = array<i64: 1, 8>}, {pipeline_mode = #tpu.pipeline_mode<synchronous>, transform_indices = @transform_10, window_bounds = array<i64: 8, 8>}, {pipeline_mode = #tpu.pipeline_mode<synchronous>, transform_indices = @transform_11, window_bounds = array<i64: 1, 8>}, {pipeline_mode = #tpu.pipeline_mode<synchronous>, transform_indices = @transform_12, window_bounds = array<i64: 8, 8>}, {pipeline_mode = #tpu.pipeline_mode<synchronous>, transform_indices = @transform_13, window_bounds = array<i64: 1, 8>}, {pipeline_mode = #tpu.pipeline_mode<synchronous>, transform_indices = @transform_14, window_bounds = array<i64: 1, 8>}, {pipeline_mode = #tpu.pipeline_mode<synchronous>, transform_indices = @transform_15, window_bounds = array<i64: 1, 8>}, {pipeline_mode = #tpu.pipeline_mode<synchronous>, transform_indices = @transform_16, window_bounds = array<i64: 8, 8>}, {pipeline_mode = #tpu.pipeline_mode<synchronous>, transform_indices = @transform_17, window_bounds = array<i64: 1, 8>}, {pipeline_mode = #tpu.pipeline_mode<synchronous>, transform_indices = @transform_18, window_bounds = array<i64: 8, 8>}, {pipeline_mode = #tpu.pipeline_mode<synchronous>, transform_indices = @transform_19, window_bounds = array<i64: 1, 8>}, {transform_indices = @transform_20, window_bounds = array<i64: 2048, 128>}]} {
    %get3A = arith.constant 0 : index
    %get3A_0 = arith.constant 0 : index
    %get3A_1 = vector.load %arg1[%get3A, %get3A_0] : memref<2048x1xf32, #tpu.memory_space<vmem>>, vector<2048x1xf32>
    %get3A_2 = arith.constant 0 : index
    %get3A_3 = arith.constant 0 : index
    %get3A_4 = vector.load %arg3[%get3A_2, %get3A_3] : memref<1x8xf32, #tpu.memory_space<vmem>>, vector<1x8xf32>
    %mul3A = vector.broadcast %get3A_1 : vector<2048x1xf32> to vector<2048x8xf32>
    %mul3A_5 = vector.broadcast %get3A_4 : vector<1x8xf32> to vector<2048x8xf32>
    %mul3A_6 = arith.mulf %mul3A, %mul3A_5 : vector<2048x8xf32>
    %get3A_7 = arith.constant 0 : index
    %get3A_8 = arith.constant 0 : index
    %get3A_9 = vector.load %arg4[%get3A_7, %get3A_8] : memref<1x8xf32, #tpu.memory_space<vmem>>, vector<1x8xf32>
    %add3A = vector.broadcast %get3A_9 : vector<1x8xf32> to vector<2048x8xf32>
    %add3A_10 = arith.addf %mul3A_6, %add3A : vector<2048x8xf32>
    %reduce_sum3A = arith.constant dense<0.000000e+00> : vector<2048xf32>
    %reduce_sum3A_11 = vector.multi_reduction <add>, %add3A_10, %reduce_sum3A [1] : vector<2048x8xf32> to vector<2048xf32>
    %broadcast_in_dim3A = vector.shape_cast %reduce_sum3A_11 : vector<2048xf32> to vector<2048x1xf32>
    %div3A = arith.constant 8.000000e+00 : f32
    %div3A_12 = vector.broadcast %div3A : f32 to vector<2048x1xf32>
    %div3A_13 = arith.divf %broadcast_in_dim3A, %div3A_12 : vector<2048x1xf32>
    %jit3A = arith.constant 0 : i32
    %reduce_sum3A_14 = arith.constant dense<0.000000e+00> : vector<2048xf32>
    %reduce_sum3A_15 = vector.multi_reduction <add>, %add3A_10, %reduce_sum3A_14 [1] : vector<2048x8xf32> to vector<2048xf32>
    %broadcast_in_dim3A_16 = vector.shape_cast %reduce_sum3A_15 : vector<2048xf32> to vector<2048x1xf32>
    %div3A_17 = arith.constant 8.000000e+00 : f32
    %div3A_18 = vector.broadcast %div3A_17 : f32 to vector<2048x1xf32>
    %div3A_19 = arith.divf %broadcast_in_dim3A_16, %div3A_18 : vector<2048x1xf32>
    %sub3A = vector.broadcast %div3A_19 : vector<2048x1xf32> to vector<2048x8xf32>
    %sub3A_20 = arith.subf %add3A_10, %sub3A : vector<2048x8xf32>
    %square3A = arith.mulf %sub3A_20, %sub3A_20 : vector<2048x8xf32>
    %convert_element_type3A = arith.sitofp %jit3A : i32 to f32
    %sub3A_21 = arith.constant 8.000000e+00 : f32
    %sub3A_22 = arith.subf %sub3A_21, %convert_element_type3A : f32
    %reduce_sum3A_23 = arith.constant dense<0.000000e+00> : vector<2048xf32>
    %reduce_sum3A_24 = vector.multi_reduction <add>, %square3A, %reduce_sum3A_23 [1] : vector<2048x8xf32> to vector<2048xf32>
    %broadcast_in_dim3A_25 = vector.shape_cast %reduce_sum3A_24 : vector<2048xf32> to vector<2048x1xf32>
    %div3A_26 = vector.broadcast %sub3A_22 : f32 to vector<2048x1xf32>
    %div3A_27 = arith.divf %broadcast_in_dim3A_25, %div3A_26 : vector<2048x1xf32>
    %gt3A = arith.constant 0.000000e+00 : f32
    %gt3A_28 = arith.cmpf ogt, %sub3A_22, %gt3A : f32
    %jit3A_29 = arith.constant 0x7FC00000 : f32
    %broadcast_in_dim3A_30 = vector.broadcast %jit3A_29 : f32 to vector<2048x1xf32>
    %select_n3A = arith.select %gt3A_28, %div3A_27, %broadcast_in_dim3A_30 : vector<2048x1xf32>
    %sub3A_31 = vector.broadcast %div3A_13 : vector<2048x1xf32> to vector<2048x8xf32>
    %sub3A_32 = arith.subf %add3A_10, %sub3A_31 : vector<2048x8xf32>
    %add3A_33 = arith.constant 9.99999974E-6 : f32
    %add3A_34 = vector.broadcast %add3A_33 : f32 to vector<2048x1xf32>
    %add3A_35 = arith.addf %select_n3A, %add3A_34 : vector<2048x1xf32>
    %sqrt3A = math.sqrt %add3A_35 : vector<2048x1xf32>
    %div3A_36 = vector.broadcast %sqrt3A : vector<2048x1xf32> to vector<2048x8xf32>
    %div3A_37 = arith.divf %sub3A_32, %div3A_36 : vector<2048x8xf32>
    %logistic3A = arith.negf %div3A_37 : vector<2048x8xf32>
    %logistic3A_38 = math.exp %logistic3A : vector<2048x8xf32>
    %logistic3A_39 = arith.constant 1.000000e+00 : f32
    %logistic3A_40 = vector.broadcast %logistic3A_39 : f32 to vector<2048x8xf32>
    %logistic3A_41 = arith.addf %logistic3A_40, %logistic3A_38 : vector<2048x8xf32>
    %logistic3A_42 = arith.divf %logistic3A_40, %logistic3A_41 : vector<2048x8xf32>
    %mul3A_43 = arith.mulf %div3A_37, %logistic3A_42 : vector<2048x8xf32>
    %get3A_44 = arith.constant 0 : index
    %get3A_45 = arith.constant 0 : index
    %get3A_46 = vector.load %arg5[%get3A_44, %get3A_45] : memref<8x8xf32, #tpu.memory_space<vmem>>, vector<8x8xf32>
    %dot_general3A = arith.constant dense<0.000000e+00> : vector<2048x8xf32>
    %dot_general3A_47 = tpu.matmul %mul3A_43, %get3A_46, %dot_general3A {dimension_numbers = #tpu.dot_dimension_numbers<[1], [0], [0], [1], [0, 0, 1, 1], [], []>, transpose_lhs_hint = false} : vector<2048x8xf32>, vector<8x8xf32>, vector<2048x8xf32> -> vector<2048x8xf32>
    %get3A_48 = arith.constant 0 : index
    %get3A_49 = arith.constant 0 : index
    %get3A_50 = vector.load %arg6[%get3A_48, %get3A_49] : memref<1x8xf32, #tpu.memory_space<vmem>>, vector<1x8xf32>
    %add3A_51 = vector.broadcast %get3A_50 : vector<1x8xf32> to vector<2048x8xf32>
    %add3A_52 = arith.addf %dot_general3A_47, %add3A_51 : vector<2048x8xf32>
    %reduce_sum3A_53 = arith.constant dense<0.000000e+00> : vector<2048xf32>
    %reduce_sum3A_54 = vector.multi_reduction <add>, %add3A_52, %reduce_sum3A_53 [1] : vector<2048x8xf32> to vector<2048xf32>
    %broadcast_in_dim3A_55 = vector.shape_cast %reduce_sum3A_54 : vector<2048xf32> to vector<2048x1xf32>
    %div3A_56 = arith.constant 8.000000e+00 : f32
    %div3A_57 = vector.broadcast %div3A_56 : f32 to vector<2048x1xf32>
    %div3A_58 = arith.divf %broadcast_in_dim3A_55, %div3A_57 : vector<2048x1xf32>
    %jit3A_59 = arith.constant 0 : i32
    %reduce_sum3A_60 = arith.constant dense<0.000000e+00> : vector<2048xf32>
    %reduce_sum3A_61 = vector.multi_reduction <add>, %add3A_52, %reduce_sum3A_60 [1] : vector<2048x8xf32> to vector<2048xf32>
    %broadcast_in_dim3A_62 = vector.shape_cast %reduce_sum3A_61 : vector<2048xf32> to vector<2048x1xf32>
    %div3A_63 = arith.constant 8.000000e+00 : f32
    %div3A_64 = vector.broadcast %div3A_63 : f32 to vector<2048x1xf32>
    %div3A_65 = arith.divf %broadcast_in_dim3A_62, %div3A_64 : vector<2048x1xf32>
    %sub3A_66 = vector.broadcast %div3A_65 : vector<2048x1xf32> to vector<2048x8xf32>
    %sub3A_67 = arith.subf %add3A_52, %sub3A_66 : vector<2048x8xf32>
    %square3A_68 = arith.mulf %sub3A_67, %sub3A_67 : vector<2048x8xf32>
    %convert_element_type3A_69 = arith.sitofp %jit3A_59 : i32 to f32
    %sub3A_70 = arith.constant 8.000000e+00 : f32
    %sub3A_71 = arith.subf %sub3A_70, %convert_element_type3A_69 : f32
    %reduce_sum3A_72 = arith.constant dense<0.000000e+00> : vector<2048xf32>
    %reduce_sum3A_73 = vector.multi_reduction <add>, %square3A_68, %reduce_sum3A_72 [1] : vector<2048x8xf32> to vector<2048xf32>
    %broadcast_in_dim3A_74 = vector.shape_cast %reduce_sum3A_73 : vector<2048xf32> to vector<2048x1xf32>
    %div3A_75 = vector.broadcast %sub3A_71 : f32 to vector<2048x1xf32>
    %div3A_76 = arith.divf %broadcast_in_dim3A_74, %div3A_75 : vector<2048x1xf32>
    %gt3A_77 = arith.constant 0.000000e+00 : f32
    %gt3A_78 = arith.cmpf ogt, %sub3A_71, %gt3A_77 : f32
    %jit3A_79 = arith.constant 0x7FC00000 : f32
    %broadcast_in_dim3A_80 = vector.broadcast %jit3A_79 : f32 to vector<2048x1xf32>
    %select_n3A_81 = arith.select %gt3A_78, %div3A_76, %broadcast_in_dim3A_80 : vector<2048x1xf32>
    %sub3A_82 = vector.broadcast %div3A_58 : vector<2048x1xf32> to vector<2048x8xf32>
    %sub3A_83 = arith.subf %add3A_52, %sub3A_82 : vector<2048x8xf32>
    %add3A_84 = arith.constant 9.99999974E-6 : f32
    %add3A_85 = vector.broadcast %add3A_84 : f32 to vector<2048x1xf32>
    %add3A_86 = arith.addf %select_n3A_81, %add3A_85 : vector<2048x1xf32>
    %sqrt3A_87 = math.sqrt %add3A_86 : vector<2048x1xf32>
    %div3A_88 = vector.broadcast %sqrt3A_87 : vector<2048x1xf32> to vector<2048x8xf32>
    %div3A_89 = arith.divf %sub3A_83, %div3A_88 : vector<2048x8xf32>
    %logistic3A_90 = arith.negf %div3A_89 : vector<2048x8xf32>
    %logistic3A_91 = math.exp %logistic3A_90 : vector<2048x8xf32>
    %logistic3A_92 = arith.constant 1.000000e+00 : f32
    %logistic3A_93 = vector.broadcast %logistic3A_92 : f32 to vector<2048x8xf32>
    %logistic3A_94 = arith.addf %logistic3A_93, %logistic3A_91 : vector<2048x8xf32>
    %logistic3A_95 = arith.divf %logistic3A_93, %logistic3A_94 : vector<2048x8xf32>
    %mul3A_96 = arith.mulf %div3A_89, %logistic3A_95 : vector<2048x8xf32>
    %get3A_97 = arith.constant 0 : index
    %get3A_98 = arith.constant 0 : index
    %get3A_99 = vector.load %arg7[%get3A_97, %get3A_98] : memref<8x8xf32, #tpu.memory_space<vmem>>, vector<8x8xf32>
    %dot_general3A_100 = arith.constant dense<0.000000e+00> : vector<2048x8xf32>
    %dot_general3A_101 = tpu.matmul %mul3A_96, %get3A_99, %dot_general3A_100 {dimension_numbers = #tpu.dot_dimension_numbers<[1], [0], [0], [1], [0, 0, 1, 1], [], []>, transpose_lhs_hint = false} : vector<2048x8xf32>, vector<8x8xf32>, vector<2048x8xf32> -> vector<2048x8xf32>
    %get3A_102 = arith.constant 0 : index
    %get3A_103 = arith.constant 0 : index
    %get3A_104 = vector.load %arg8[%get3A_102, %get3A_103] : memref<1x8xf32, #tpu.memory_space<vmem>>, vector<1x8xf32>
    %add3A_105 = vector.broadcast %get3A_104 : vector<1x8xf32> to vector<2048x8xf32>
    %add3A_106 = arith.addf %dot_general3A_101, %add3A_105 : vector<2048x8xf32>
    %get3A_107 = arith.constant 0 : index
    %get3A_108 = arith.constant 0 : index
    %get3A_109 = vector.load %arg9[%get3A_107, %get3A_108] : memref<1x8xf32, #tpu.memory_space<vmem>>, vector<1x8xf32>
    %mul3A_110 = vector.broadcast %get3A_1 : vector<2048x1xf32> to vector<2048x8xf32>
    %mul3A_111 = vector.broadcast %get3A_109 : vector<1x8xf32> to vector<2048x8xf32>
    %mul3A_112 = arith.mulf %mul3A_110, %mul3A_111 : vector<2048x8xf32>
    %get3A_113 = arith.constant 0 : index
    %get3A_114 = arith.constant 0 : index
    %get3A_115 = vector.load %arg10[%get3A_113, %get3A_114] : memref<1x8xf32, #tpu.memory_space<vmem>>, vector<1x8xf32>
    %add3A_116 = vector.broadcast %get3A_115 : vector<1x8xf32> to vector<2048x8xf32>
    %add3A_117 = arith.addf %mul3A_112, %add3A_116 : vector<2048x8xf32>
    %reduce_sum3A_118 = arith.constant dense<0.000000e+00> : vector<2048xf32>
    %reduce_sum3A_119 = vector.multi_reduction <add>, %add3A_117, %reduce_sum3A_118 [1] : vector<2048x8xf32> to vector<2048xf32>
    %broadcast_in_dim3A_120 = vector.shape_cast %reduce_sum3A_119 : vector<2048xf32> to vector<2048x1xf32>
    %div3A_121 = arith.constant 8.000000e+00 : f32
    %div3A_122 = vector.broadcast %div3A_121 : f32 to vector<2048x1xf32>
    %div3A_123 = arith.divf %broadcast_in_dim3A_120, %div3A_122 : vector<2048x1xf32>
    %jit3A_124 = arith.constant 0 : i32
    %reduce_sum3A_125 = arith.constant dense<0.000000e+00> : vector<2048xf32>
    %reduce_sum3A_126 = vector.multi_reduction <add>, %add3A_117, %reduce_sum3A_125 [1] : vector<2048x8xf32> to vector<2048xf32>
    %broadcast_in_dim3A_127 = vector.shape_cast %reduce_sum3A_126 : vector<2048xf32> to vector<2048x1xf32>
    %div3A_128 = arith.constant 8.000000e+00 : f32
    %div3A_129 = vector.broadcast %div3A_128 : f32 to vector<2048x1xf32>
    %div3A_130 = arith.divf %broadcast_in_dim3A_127, %div3A_129 : vector<2048x1xf32>
    %sub3A_131 = vector.broadcast %div3A_130 : vector<2048x1xf32> to vector<2048x8xf32>
    %sub3A_132 = arith.subf %add3A_117, %sub3A_131 : vector<2048x8xf32>
    %square3A_133 = arith.mulf %sub3A_132, %sub3A_132 : vector<2048x8xf32>
    %convert_element_type3A_134 = arith.sitofp %jit3A_124 : i32 to f32
    %sub3A_135 = arith.constant 8.000000e+00 : f32
    %sub3A_136 = arith.subf %sub3A_135, %convert_element_type3A_134 : f32
    %reduce_sum3A_137 = arith.constant dense<0.000000e+00> : vector<2048xf32>
    %reduce_sum3A_138 = vector.multi_reduction <add>, %square3A_133, %reduce_sum3A_137 [1] : vector<2048x8xf32> to vector<2048xf32>
    %broadcast_in_dim3A_139 = vector.shape_cast %reduce_sum3A_138 : vector<2048xf32> to vector<2048x1xf32>
    %div3A_140 = vector.broadcast %sub3A_136 : f32 to vector<2048x1xf32>
    %div3A_141 = arith.divf %broadcast_in_dim3A_139, %div3A_140 : vector<2048x1xf32>
    %gt3A_142 = arith.constant 0.000000e+00 : f32
    %gt3A_143 = arith.cmpf ogt, %sub3A_136, %gt3A_142 : f32
    %jit3A_144 = arith.constant 0x7FC00000 : f32
    %broadcast_in_dim3A_145 = vector.broadcast %jit3A_144 : f32 to vector<2048x1xf32>
    %select_n3A_146 = arith.select %gt3A_143, %div3A_141, %broadcast_in_dim3A_145 : vector<2048x1xf32>
    %sub3A_147 = vector.broadcast %div3A_123 : vector<2048x1xf32> to vector<2048x8xf32>
    %sub3A_148 = arith.subf %add3A_117, %sub3A_147 : vector<2048x8xf32>
    %add3A_149 = arith.constant 9.99999974E-6 : f32
    %add3A_150 = vector.broadcast %add3A_149 : f32 to vector<2048x1xf32>
    %add3A_151 = arith.addf %select_n3A_146, %add3A_150 : vector<2048x1xf32>
    %sqrt3A_152 = math.sqrt %add3A_151 : vector<2048x1xf32>
    %div3A_153 = vector.broadcast %sqrt3A_152 : vector<2048x1xf32> to vector<2048x8xf32>
    %div3A_154 = arith.divf %sub3A_148, %div3A_153 : vector<2048x8xf32>
    %logistic3A_155 = arith.negf %div3A_154 : vector<2048x8xf32>
    %logistic3A_156 = math.exp %logistic3A_155 : vector<2048x8xf32>
    %logistic3A_157 = arith.constant 1.000000e+00 : f32
    %logistic3A_158 = vector.broadcast %logistic3A_157 : f32 to vector<2048x8xf32>
    %logistic3A_159 = arith.addf %logistic3A_158, %logistic3A_156 : vector<2048x8xf32>
    %logistic3A_160 = arith.divf %logistic3A_158, %logistic3A_159 : vector<2048x8xf32>
    %mul3A_161 = arith.mulf %div3A_154, %logistic3A_160 : vector<2048x8xf32>
    %get3A_162 = arith.constant 0 : index
    %get3A_163 = arith.constant 0 : index
    %get3A_164 = vector.load %arg11[%get3A_162, %get3A_163] : memref<8x8xf32, #tpu.memory_space<vmem>>, vector<8x8xf32>
    %dot_general3A_165 = arith.constant dense<0.000000e+00> : vector<2048x8xf32>
    %dot_general3A_166 = tpu.matmul %mul3A_161, %get3A_164, %dot_general3A_165 {dimension_numbers = #tpu.dot_dimension_numbers<[1], [0], [0], [1], [0, 0, 1, 1], [], []>, transpose_lhs_hint = false} : vector<2048x8xf32>, vector<8x8xf32>, vector<2048x8xf32> -> vector<2048x8xf32>
    %get3A_167 = arith.constant 0 : index
    %get3A_168 = arith.constant 0 : index
    %get3A_169 = vector.load %arg12[%get3A_167, %get3A_168] : memref<1x8xf32, #tpu.memory_space<vmem>>, vector<1x8xf32>
    %add3A_170 = vector.broadcast %get3A_169 : vector<1x8xf32> to vector<2048x8xf32>
    %add3A_171 = arith.addf %dot_general3A_166, %add3A_170 : vector<2048x8xf32>
    %reduce_sum3A_172 = arith.constant dense<0.000000e+00> : vector<2048xf32>
    %reduce_sum3A_173 = vector.multi_reduction <add>, %add3A_171, %reduce_sum3A_172 [1] : vector<2048x8xf32> to vector<2048xf32>
    %broadcast_in_dim3A_174 = vector.shape_cast %reduce_sum3A_173 : vector<2048xf32> to vector<2048x1xf32>
    %div3A_175 = arith.constant 8.000000e+00 : f32
    %div3A_176 = vector.broadcast %div3A_175 : f32 to vector<2048x1xf32>
    %div3A_177 = arith.divf %broadcast_in_dim3A_174, %div3A_176 : vector<2048x1xf32>
    %jit3A_178 = arith.constant 0 : i32
    %reduce_sum3A_179 = arith.constant dense<0.000000e+00> : vector<2048xf32>
    %reduce_sum3A_180 = vector.multi_reduction <add>, %add3A_171, %reduce_sum3A_179 [1] : vector<2048x8xf32> to vector<2048xf32>
    %broadcast_in_dim3A_181 = vector.shape_cast %reduce_sum3A_180 : vector<2048xf32> to vector<2048x1xf32>
    %div3A_182 = arith.constant 8.000000e+00 : f32
    %div3A_183 = vector.broadcast %div3A_182 : f32 to vector<2048x1xf32>
    %div3A_184 = arith.divf %broadcast_in_dim3A_181, %div3A_183 : vector<2048x1xf32>
    %sub3A_185 = vector.broadcast %div3A_184 : vector<2048x1xf32> to vector<2048x8xf32>
    %sub3A_186 = arith.subf %add3A_171, %sub3A_185 : vector<2048x8xf32>
    %square3A_187 = arith.mulf %sub3A_186, %sub3A_186 : vector<2048x8xf32>
    %convert_element_type3A_188 = arith.sitofp %jit3A_178 : i32 to f32
    %sub3A_189 = arith.constant 8.000000e+00 : f32
    %sub3A_190 = arith.subf %sub3A_189, %convert_element_type3A_188 : f32
    %reduce_sum3A_191 = arith.constant dense<0.000000e+00> : vector<2048xf32>
    %reduce_sum3A_192 = vector.multi_reduction <add>, %square3A_187, %reduce_sum3A_191 [1] : vector<2048x8xf32> to vector<2048xf32>
    %broadcast_in_dim3A_193 = vector.shape_cast %reduce_sum3A_192 : vector<2048xf32> to vector<2048x1xf32>
    %div3A_194 = vector.broadcast %sub3A_190 : f32 to vector<2048x1xf32>
    %div3A_195 = arith.divf %broadcast_in_dim3A_193, %div3A_194 : vector<2048x1xf32>
    %gt3A_196 = arith.constant 0.000000e+00 : f32
    %gt3A_197 = arith.cmpf ogt, %sub3A_190, %gt3A_196 : f32
    %jit3A_198 = arith.constant 0x7FC00000 : f32
    %broadcast_in_dim3A_199 = vector.broadcast %jit3A_198 : f32 to vector<2048x1xf32>
    %select_n3A_200 = arith.select %gt3A_197, %div3A_195, %broadcast_in_dim3A_199 : vector<2048x1xf32>
    %sub3A_201 = vector.broadcast %div3A_177 : vector<2048x1xf32> to vector<2048x8xf32>
    %sub3A_202 = arith.subf %add3A_171, %sub3A_201 : vector<2048x8xf32>
    %add3A_203 = arith.constant 9.99999974E-6 : f32
    %add3A_204 = vector.broadcast %add3A_203 : f32 to vector<2048x1xf32>
    %add3A_205 = arith.addf %select_n3A_200, %add3A_204 : vector<2048x1xf32>
    %sqrt3A_206 = math.sqrt %add3A_205 : vector<2048x1xf32>
    %div3A_207 = vector.broadcast %sqrt3A_206 : vector<2048x1xf32> to vector<2048x8xf32>
    %div3A_208 = arith.divf %sub3A_202, %div3A_207 : vector<2048x8xf32>
    %logistic3A_209 = arith.negf %div3A_208 : vector<2048x8xf32>
    %logistic3A_210 = math.exp %logistic3A_209 : vector<2048x8xf32>
    %logistic3A_211 = arith.constant 1.000000e+00 : f32
    %logistic3A_212 = vector.broadcast %logistic3A_211 : f32 to vector<2048x8xf32>
    %logistic3A_213 = arith.addf %logistic3A_212, %logistic3A_210 : vector<2048x8xf32>
    %logistic3A_214 = arith.divf %logistic3A_212, %logistic3A_213 : vector<2048x8xf32>
    %mul3A_215 = arith.mulf %div3A_208, %logistic3A_214 : vector<2048x8xf32>
    %get3A_216 = arith.constant 0 : index
    %get3A_217 = arith.constant 0 : index
    %get3A_218 = vector.load %arg13[%get3A_216, %get3A_217] : memref<8x8xf32, #tpu.memory_space<vmem>>, vector<8x8xf32>
    %dot_general3A_219 = arith.constant dense<0.000000e+00> : vector<2048x8xf32>
    %dot_general3A_220 = tpu.matmul %mul3A_215, %get3A_218, %dot_general3A_219 {dimension_numbers = #tpu.dot_dimension_numbers<[1], [0], [0], [1], [0, 0, 1, 1], [], []>, transpose_lhs_hint = false} : vector<2048x8xf32>, vector<8x8xf32>, vector<2048x8xf32> -> vector<2048x8xf32>
    %get3A_221 = arith.constant 0 : index
    %get3A_222 = arith.constant 0 : index
    %get3A_223 = vector.load %arg14[%get3A_221, %get3A_222] : memref<1x8xf32, #tpu.memory_space<vmem>>, vector<1x8xf32>
    %add3A_224 = vector.broadcast %get3A_223 : vector<1x8xf32> to vector<2048x8xf32>
    %add3A_225 = arith.addf %dot_general3A_220, %add3A_224 : vector<2048x8xf32>
    %get3A_226 = arith.constant 0 : index
    %get3A_227 = arith.constant 0 : index
    %get3A_228 = vector.load %arg15[%get3A_226, %get3A_227] : memref<1x8xf32, #tpu.memory_space<vmem>>, vector<1x8xf32>
    %mul3A_229 = vector.broadcast %get3A_1 : vector<2048x1xf32> to vector<2048x8xf32>
    %mul3A_230 = vector.broadcast %get3A_228 : vector<1x8xf32> to vector<2048x8xf32>
    %mul3A_231 = arith.mulf %mul3A_229, %mul3A_230 : vector<2048x8xf32>
    %get3A_232 = arith.constant 0 : index
    %get3A_233 = arith.constant 0 : index
    %get3A_234 = vector.load %arg16[%get3A_232, %get3A_233] : memref<1x8xf32, #tpu.memory_space<vmem>>, vector<1x8xf32>
    %add3A_235 = vector.broadcast %get3A_234 : vector<1x8xf32> to vector<2048x8xf32>
    %add3A_236 = arith.addf %mul3A_231, %add3A_235 : vector<2048x8xf32>
    %reduce_sum3A_237 = arith.constant dense<0.000000e+00> : vector<2048xf32>
    %reduce_sum3A_238 = vector.multi_reduction <add>, %add3A_236, %reduce_sum3A_237 [1] : vector<2048x8xf32> to vector<2048xf32>
    %broadcast_in_dim3A_239 = vector.shape_cast %reduce_sum3A_238 : vector<2048xf32> to vector<2048x1xf32>
    %div3A_240 = arith.constant 8.000000e+00 : f32
    %div3A_241 = vector.broadcast %div3A_240 : f32 to vector<2048x1xf32>
    %div3A_242 = arith.divf %broadcast_in_dim3A_239, %div3A_241 : vector<2048x1xf32>
    %jit3A_243 = arith.constant 0 : i32
    %reduce_sum3A_244 = arith.constant dense<0.000000e+00> : vector<2048xf32>
    %reduce_sum3A_245 = vector.multi_reduction <add>, %add3A_236, %reduce_sum3A_244 [1] : vector<2048x8xf32> to vector<2048xf32>
    %broadcast_in_dim3A_246 = vector.shape_cast %reduce_sum3A_245 : vector<2048xf32> to vector<2048x1xf32>
    %div3A_247 = arith.constant 8.000000e+00 : f32
    %div3A_248 = vector.broadcast %div3A_247 : f32 to vector<2048x1xf32>
    %div3A_249 = arith.divf %broadcast_in_dim3A_246, %div3A_248 : vector<2048x1xf32>
    %sub3A_250 = vector.broadcast %div3A_249 : vector<2048x1xf32> to vector<2048x8xf32>
    %sub3A_251 = arith.subf %add3A_236, %sub3A_250 : vector<2048x8xf32>
    %square3A_252 = arith.mulf %sub3A_251, %sub3A_251 : vector<2048x8xf32>
    %convert_element_type3A_253 = arith.sitofp %jit3A_243 : i32 to f32
    %sub3A_254 = arith.constant 8.000000e+00 : f32
    %sub3A_255 = arith.subf %sub3A_254, %convert_element_type3A_253 : f32
    %reduce_sum3A_256 = arith.constant dense<0.000000e+00> : vector<2048xf32>
    %reduce_sum3A_257 = vector.multi_reduction <add>, %square3A_252, %reduce_sum3A_256 [1] : vector<2048x8xf32> to vector<2048xf32>
    %broadcast_in_dim3A_258 = vector.shape_cast %reduce_sum3A_257 : vector<2048xf32> to vector<2048x1xf32>
    %div3A_259 = vector.broadcast %sub3A_255 : f32 to vector<2048x1xf32>
    %div3A_260 = arith.divf %broadcast_in_dim3A_258, %div3A_259 : vector<2048x1xf32>
    %gt3A_261 = arith.constant 0.000000e+00 : f32
    %gt3A_262 = arith.cmpf ogt, %sub3A_255, %gt3A_261 : f32
    %jit3A_263 = arith.constant 0x7FC00000 : f32
    %broadcast_in_dim3A_264 = vector.broadcast %jit3A_263 : f32 to vector<2048x1xf32>
    %select_n3A_265 = arith.select %gt3A_262, %div3A_260, %broadcast_in_dim3A_264 : vector<2048x1xf32>
    %sub3A_266 = vector.broadcast %div3A_242 : vector<2048x1xf32> to vector<2048x8xf32>
    %sub3A_267 = arith.subf %add3A_236, %sub3A_266 : vector<2048x8xf32>
    %add3A_268 = arith.constant 9.99999974E-6 : f32
    %add3A_269 = vector.broadcast %add3A_268 : f32 to vector<2048x1xf32>
    %add3A_270 = arith.addf %select_n3A_265, %add3A_269 : vector<2048x1xf32>
    %sqrt3A_271 = math.sqrt %add3A_270 : vector<2048x1xf32>
    %div3A_272 = vector.broadcast %sqrt3A_271 : vector<2048x1xf32> to vector<2048x8xf32>
    %div3A_273 = arith.divf %sub3A_267, %div3A_272 : vector<2048x8xf32>
    %logistic3A_274 = arith.negf %div3A_273 : vector<2048x8xf32>
    %logistic3A_275 = math.exp %logistic3A_274 : vector<2048x8xf32>
    %logistic3A_276 = arith.constant 1.000000e+00 : f32
    %logistic3A_277 = vector.broadcast %logistic3A_276 : f32 to vector<2048x8xf32>
    %logistic3A_278 = arith.addf %logistic3A_277, %logistic3A_275 : vector<2048x8xf32>
    %logistic3A_279 = arith.divf %logistic3A_277, %logistic3A_278 : vector<2048x8xf32>
    %mul3A_280 = arith.mulf %div3A_273, %logistic3A_279 : vector<2048x8xf32>
    %get3A_281 = arith.constant 0 : index
    %get3A_282 = arith.constant 0 : index
    %get3A_283 = vector.load %arg17[%get3A_281, %get3A_282] : memref<8x8xf32, #tpu.memory_space<vmem>>, vector<8x8xf32>
    %dot_general3A_284 = arith.constant dense<0.000000e+00> : vector<2048x8xf32>
    %dot_general3A_285 = tpu.matmul %mul3A_280, %get3A_283, %dot_general3A_284 {dimension_numbers = #tpu.dot_dimension_numbers<[1], [0], [0], [1], [0, 0, 1, 1], [], []>, transpose_lhs_hint = false} : vector<2048x8xf32>, vector<8x8xf32>, vector<2048x8xf32> -> vector<2048x8xf32>
    %get3A_286 = arith.constant 0 : index
    %get3A_287 = arith.constant 0 : index
    %get3A_288 = vector.load %arg18[%get3A_286, %get3A_287] : memref<1x8xf32, #tpu.memory_space<vmem>>, vector<1x8xf32>
    %add3A_289 = vector.broadcast %get3A_288 : vector<1x8xf32> to vector<2048x8xf32>
    %add3A_290 = arith.addf %dot_general3A_285, %add3A_289 : vector<2048x8xf32>
    %reduce_sum3A_291 = arith.constant dense<0.000000e+00> : vector<2048xf32>
    %reduce_sum3A_292 = vector.multi_reduction <add>, %add3A_290, %reduce_sum3A_291 [1] : vector<2048x8xf32> to vector<2048xf32>
    %broadcast_in_dim3A_293 = vector.shape_cast %reduce_sum3A_292 : vector<2048xf32> to vector<2048x1xf32>
    %div3A_294 = arith.constant 8.000000e+00 : f32
    %div3A_295 = vector.broadcast %div3A_294 : f32 to vector<2048x1xf32>
    %div3A_296 = arith.divf %broadcast_in_dim3A_293, %div3A_295 : vector<2048x1xf32>
    %jit3A_297 = arith.constant 0 : i32
    %reduce_sum3A_298 = arith.constant dense<0.000000e+00> : vector<2048xf32>
    %reduce_sum3A_299 = vector.multi_reduction <add>, %add3A_290, %reduce_sum3A_298 [1] : vector<2048x8xf32> to vector<2048xf32>
    %broadcast_in_dim3A_300 = vector.shape_cast %reduce_sum3A_299 : vector<2048xf32> to vector<2048x1xf32>
    %div3A_301 = arith.constant 8.000000e+00 : f32
    %div3A_302 = vector.broadcast %div3A_301 : f32 to vector<2048x1xf32>
    %div3A_303 = arith.divf %broadcast_in_dim3A_300, %div3A_302 : vector<2048x1xf32>
    %sub3A_304 = vector.broadcast %div3A_303 : vector<2048x1xf32> to vector<2048x8xf32>
    %sub3A_305 = arith.subf %add3A_290, %sub3A_304 : vector<2048x8xf32>
    %square3A_306 = arith.mulf %sub3A_305, %sub3A_305 : vector<2048x8xf32>
    %convert_element_type3A_307 = arith.sitofp %jit3A_297 : i32 to f32
    %sub3A_308 = arith.constant 8.000000e+00 : f32
    %sub3A_309 = arith.subf %sub3A_308, %convert_element_type3A_307 : f32
    %reduce_sum3A_310 = arith.constant dense<0.000000e+00> : vector<2048xf32>
    %reduce_sum3A_311 = vector.multi_reduction <add>, %square3A_306, %reduce_sum3A_310 [1] : vector<2048x8xf32> to vector<2048xf32>
    %broadcast_in_dim3A_312 = vector.shape_cast %reduce_sum3A_311 : vector<2048xf32> to vector<2048x1xf32>
    %div3A_313 = vector.broadcast %sub3A_309 : f32 to vector<2048x1xf32>
    %div3A_314 = arith.divf %broadcast_in_dim3A_312, %div3A_313 : vector<2048x1xf32>
    %gt3A_315 = arith.constant 0.000000e+00 : f32
    %gt3A_316 = arith.cmpf ogt, %sub3A_309, %gt3A_315 : f32
    %jit3A_317 = arith.constant 0x7FC00000 : f32
    %broadcast_in_dim3A_318 = vector.broadcast %jit3A_317 : f32 to vector<2048x1xf32>
    %select_n3A_319 = arith.select %gt3A_316, %div3A_314, %broadcast_in_dim3A_318 : vector<2048x1xf32>
    %sub3A_320 = vector.broadcast %div3A_296 : vector<2048x1xf32> to vector<2048x8xf32>
    %sub3A_321 = arith.subf %add3A_290, %sub3A_320 : vector<2048x8xf32>
    %add3A_322 = arith.constant 9.99999974E-6 : f32
    %add3A_323 = vector.broadcast %add3A_322 : f32 to vector<2048x1xf32>
    %add3A_324 = arith.addf %select_n3A_319, %add3A_323 : vector<2048x1xf32>
    %sqrt3A_325 = math.sqrt %add3A_324 : vector<2048x1xf32>
    %div3A_326 = vector.broadcast %sqrt3A_325 : vector<2048x1xf32> to vector<2048x8xf32>
    %div3A_327 = arith.divf %sub3A_321, %div3A_326 : vector<2048x8xf32>
    %logistic3A_328 = arith.negf %div3A_327 : vector<2048x8xf32>
    %logistic3A_329 = math.exp %logistic3A_328 : vector<2048x8xf32>
    %logistic3A_330 = arith.constant 1.000000e+00 : f32
    %logistic3A_331 = vector.broadcast %logistic3A_330 : f32 to vector<2048x8xf32>
    %logistic3A_332 = arith.addf %logistic3A_331, %logistic3A_329 : vector<2048x8xf32>
    %logistic3A_333 = arith.divf %logistic3A_331, %logistic3A_332 : vector<2048x8xf32>
    %mul3A_334 = arith.mulf %div3A_327, %logistic3A_333 : vector<2048x8xf32>
    %get3A_335 = arith.constant 0 : index
    %get3A_336 = arith.constant 0 : index
    %get3A_337 = vector.load %arg19[%get3A_335, %get3A_336] : memref<8x8xf32, #tpu.memory_space<vmem>>, vector<8x8xf32>
    %dot_general3A_338 = arith.constant dense<0.000000e+00> : vector<2048x8xf32>
    %dot_general3A_339 = tpu.matmul %mul3A_334, %get3A_337, %dot_general3A_338 {dimension_numbers = #tpu.dot_dimension_numbers<[1], [0], [0], [1], [0, 0, 1, 1], [], []>, transpose_lhs_hint = false} : vector<2048x8xf32>, vector<8x8xf32>, vector<2048x8xf32> -> vector<2048x8xf32>
    %get3A_340 = arith.constant 0 : index
    %get3A_341 = arith.constant 0 : index
    %get3A_342 = vector.load %arg20[%get3A_340, %get3A_341] : memref<1x8xf32, #tpu.memory_space<vmem>>, vector<1x8xf32>
    %add3A_343 = vector.broadcast %get3A_342 : vector<1x8xf32> to vector<2048x8xf32>
    %add3A_344 = arith.addf %dot_general3A_339, %add3A_343 : vector<2048x8xf32>
    %get3A_345 = arith.constant 0 : index
    %get3A_346 = arith.constant 0 : index
    %get3A_347 = vector.load %arg2[%get3A_345, %get3A_346] : memref<2048x4xf32, #tpu.memory_space<vmem>>, vector<2048x4xf32>
    %slice3A = vector.extract_strided_slice %get3A_347 {offsets = [0, 0], sizes = [2048, 3], strides = [1, 1]} : vector<2048x4xf32> to vector<2048x3xf32>
    %broadcast_in_dim3A_348 = arith.constant 0.000000e+00 : f32
    %broadcast_in_dim3A_349 = vector.broadcast %broadcast_in_dim3A_348 : f32 to vector<2048x101xf32>
    %concatenate3A = tpu.concatenate %slice3A, %add3A_106, %add3A_225, %add3A_344, %broadcast_in_dim3A_349 in 1 : vector<2048x3xf32>, vector<2048x8xf32>, vector<2048x8xf32>, vector<2048x8xf32>, vector<2048x101xf32> -> vector<2048x128xf32>
    %swap3A = arith.constant 0 : index
    %swap3A_350 = arith.constant 0 : index
    %swap3A_351 = vector.load %arg21[%swap3A, %swap3A_350] : memref<2048x128xf32, #tpu.memory_space<vmem>>, vector<2048x128xf32>
    tpu.vector_store %arg21[%swap3A, %swap3A_350], %concatenate3A {strides = array<i32>} : memref<2048x128xf32, #tpu.memory_space<vmem>>, vector<2048x128xf32>,
    return
  }
  func.func @transform_0(%arg0: i32) -> (i32, i32) {
    %c0_i32 = arith.constant 0 : i32
    %c0_i32_0 = arith.constant 0 : i32
    return %arg0, %c0_i32 : i32, i32
  }
  func.func @transform_1(%arg0: i32) -> (i32, i32) {
    %c0_i32 = arith.constant 0 : i32
    %c0_i32_0 = arith.constant 0 : i32
    return %arg0, %c0_i32 : i32, i32
  }
  func.func @transform_2(%arg0: i32) -> (i32, i32) {
    %c0_i32 = arith.constant 0 : i32
    %c0_i32_0 = arith.constant 0 : i32
    %c0_i32_1 = arith.constant 0 : i32
    return %c0_i32, %c0_i32_0 : i32, i32
  }
  func.func @transform_3(%arg0: i32) -> (i32, i32) {
    %c0_i32 = arith.constant 0 : i32
    %c0_i32_0 = arith.constant 0 : i32
    %c0_i32_1 = arith.constant 0 : i32
    return %c0_i32, %c0_i32_0 : i32, i32
  }
  func.func @transform_4(%arg0: i32) -> (i32, i32) {
    %c0_i32 = arith.constant 0 : i32
    %c0_i32_0 = arith.constant 0 : i32
    %c0_i32_1 = arith.constant 0 : i32
    return %c0_i32, %c0_i32_0 : i32, i32
  }
  func.func @transform_5(%arg0: i32) -> (i32, i32) {
    %c0_i32 = arith.constant 0 : i32
    %c0_i32_0 = arith.constant 0 : i32
    %c0_i32_1 = arith.constant 0 : i32
    return %c0_i32, %c0_i32_0 : i32, i32
  }
  func.func @transform_6(%arg0: i32) -> (i32, i32) {
    %c0_i32 = arith.constant 0 : i32
    %c0_i32_0 = arith.constant 0 : i32
    %c0_i32_1 = arith.constant 0 : i32
    return %c0_i32, %c0_i32_0 : i32, i32
  }
  func.func @transform_7(%arg0: i32) -> (i32, i32) {
    %c0_i32 = arith.constant 0 : i32
    %c0_i32_0 = arith.constant 0 : i32
    %c0_i32_1 = arith.constant 0 : i32
    return %c0_i32, %c0_i32_0 : i32, i32
  }
  func.func @transform_8(%arg0: i32) -> (i32, i32) {
    %c0_i32 = arith.constant 0 : i32
    %c0_i32_0 = arith.constant 0 : i32
    %c0_i32_1 = arith.constant 0 : i32
    return %c0_i32, %c0_i32_0 : i32, i32
  }
  func.func @transform_9(%arg0: i32) -> (i32, i32) {
    %c0_i32 = arith.constant 0 : i32
    %c0_i32_0 = arith.constant 0 : i32
    %c0_i32_1 = arith.constant 0 : i32
    return %c0_i32, %c0_i32_0 : i32, i32
  }
  func.func @transform_10(%arg0: i32) -> (i32, i32) {
    %c0_i32 = arith.constant 0 : i32
    %c0_i32_0 = arith.constant 0 : i32
    %c0_i32_1 = arith.constant 0 : i32
    return %c0_i32, %c0_i32_0 : i32, i32
  }
  func.func @transform_11(%arg0: i32) -> (i32, i32) {
    %c0_i32 = arith.constant 0 : i32
    %c0_i32_0 = arith.constant 0 : i32
    %c0_i32_1 = arith.constant 0 : i32
    return %c0_i32, %c0_i32_0 : i32, i32
  }
  func.func @transform_12(%arg0: i32) -> (i32, i32) {
    %c0_i32 = arith.constant 0 : i32
    %c0_i32_0 = arith.constant 0 : i32
    %c0_i32_1 = arith.constant 0 : i32
    return %c0_i32, %c0_i32_0 : i32, i32
  }
  func.func @transform_13(%arg0: i32) -> (i32, i32) {
    %c0_i32 = arith.constant 0 : i32
    %c0_i32_0 = arith.constant 0 : i32
    %c0_i32_1 = arith.constant 0 : i32
    return %c0_i32, %c0_i32_0 : i32, i32
  }
  func.func @transform_14(%arg0: i32) -> (i32, i32) {
    %c0_i32 = arith.constant 0 : i32
    %c0_i32_0 = arith.constant 0 : i32
    %c0_i32_1 = arith.constant 0 : i32
    return %c0_i32, %c0_i32_0 : i32, i32
  }
  func.func @transform_15(%arg0: i32) -> (i32, i32) {
    %c0_i32 = arith.constant 0 : i32
    %c0_i32_0 = arith.constant 0 : i32
    %c0_i32_1 = arith.constant 0 : i32
    return %c0_i32, %c0_i32_0 : i32, i32
  }
  func.func @transform_16(%arg0: i32) -> (i32, i32) {
    %c0_i32 = arith.constant 0 : i32
    %c0_i32_0 = arith.constant 0 : i32
    %c0_i32_1 = arith.constant 0 : i32
    return %c0_i32, %c0_i32_0 : i32, i32
  }
  func.func @transform_17(%arg0: i32) -> (i32, i32) {
    %c0_i32 = arith.constant 0 : i32
    %c0_i32_0 = arith.constant 0 : i32
    %c0_i32_1 = arith.constant 0 : i32
    return %c0_i32, %c0_i32_0 : i32, i32
  }
  func.func @transform_18(%arg0: i32) -> (i32, i32) {
    %c0_i32 = arith.constant 0 : i32
    %c0_i32_0 = arith.constant 0 : i32
    %c0_i32_1 = arith.constant 0 : i32
    return %c0_i32, %c0_i32_0 : i32, i32
  }
  func.func @transform_19(%arg0: i32) -> (i32, i32) {
    %c0_i32 = arith.constant 0 : i32
    %c0_i32_0 = arith.constant 0 : i32
    %c0_i32_1 = arith.constant 0 : i32
    return %c0_i32, %c0_i32_0 : i32, i32
  }
  func.func @transform_20(%arg0: i32) -> (i32, i32) {
    %c0_i32 = arith.constant 0 : i32
    %c0_i32_0 = arith.constant 0 : i32
    return %arg0, %c0_i32 : i32, i32
  }
}

module attributes {stable_mosaic.version = 14 : i64} {
  func.func @body(%arg0: i32, %arg1: memref<1280x3xf32, #tpu.memory_space<vmem>>, %arg2: memref<1280x4xf32, #tpu.memory_space<vmem>>) attributes {dimension_semantics = [#tpu.dimension_semantics<arbitrary>], iteration_bounds = array<i64: 128>, scalar_prefetch = 0 : i64, scratch_operands = 0 : i64, tpu.core_type = #tpu.core_type<tc>, window_params = [{transform_indices = @transform_0, window_bounds = array<i64: 1280, 3>}, {transform_indices = @transform_1, window_bounds = array<i64: 1280, 4>}]} {
    %get3A = arith.constant 0 : index
    %get3A_0 = arith.constant 0 : index
    %get3A_1 = vector.load %arg1[%get3A, %get3A_0] : memref<1280x3xf32, #tpu.memory_space<vmem>>, vector<1280x3xf32>
    %broadcast_in_dim3A = arith.constant 0.000000e+00 : f32
    %broadcast_in_dim3A_2 = vector.broadcast %broadcast_in_dim3A : f32 to vector<1280x1xf32>
    %concatenate3A = tpu.concatenate %get3A_1, %broadcast_in_dim3A_2 in 1 : vector<1280x3xf32>, vector<1280x1xf32> -> vector<1280x4xf32>
    %swap3A = arith.constant 0 : index
    %swap3A_3 = arith.constant 0 : index
    %swap3A_4 = vector.load %arg2[%swap3A, %swap3A_3] : memref<1280x4xf32, #tpu.memory_space<vmem>>, vector<1280x4xf32>
    tpu.vector_store %arg2[%swap3A, %swap3A_3], %concatenate3A {strides = array<i32>} : memref<1280x4xf32, #tpu.memory_space<vmem>>, vector<1280x4xf32>,
    return
  }
  func.func @transform_0(%arg0: i32) -> (i32, i32) {
    %min3A = arith.constant 124 : i32
    %min3A_0 = arith.minsi %arg0, %min3A : i32
    %c0_i32 = arith.constant 0 : i32
    %c0_i32_1 = arith.constant 0 : i32
    return %min3A_0, %c0_i32 : i32, i32
  }
  func.func @transform_1(%arg0: i32) -> (i32, i32) {
    %c0_i32 = arith.constant 0 : i32
    %c0_i32_0 = arith.constant 0 : i32
    return %arg0, %c0_i32 : i32, i32
  }
}

module attributes {stable_mosaic.version = 14 : i64} {
  func.func @body(%arg0: i32, %arg1: memref<2048x128xf32, #tpu.memory_space<vmem>>, %arg2: memref<2048x128xf32, #tpu.memory_space<vmem>>, %arg3: memref<2048x4xf32, #tpu.memory_space<vmem>>, %arg4: memref<2048x1xf32, #tpu.memory_space<vmem>>, %arg5: memref<2048x128xf32, #tpu.memory_space<vmem>>, %arg6: memref<2048x16xf32, #tpu.memory_space<vmem>>) attributes {dimension_semantics = [#tpu.dimension_semantics<arbitrary>], iteration_bounds = array<i64: 80>, scalar_prefetch = 0 : i64, scratch_operands = 0 : i64, tpu.core_type = #tpu.core_type<tc>, window_params = [{transform_indices = @transform_0, window_bounds = array<i64: 2048, 128>}, {transform_indices = @transform_1, window_bounds = array<i64: 2048, 128>}, {transform_indices = @transform_2, window_bounds = array<i64: 2048, 4>}, {transform_indices = @transform_3, window_bounds = array<i64: 2048, 1>}, {transform_indices = @transform_4, window_bounds = array<i64: 2048, 128>}, {transform_indices = @transform_5, window_bounds = array<i64: 2048, 16>}]} {
    %get3A = arith.constant 0 : index
    %get3A_0 = arith.constant 0 : index
    %get3A_1 = vector.load %arg1[%get3A, %get3A_0] : memref<2048x128xf32, #tpu.memory_space<vmem>>, vector<2048x128xf32>
    %get3A_2 = arith.constant 0 : index
    %get3A_3 = arith.constant 0 : index
    %get3A_4 = vector.load %arg2[%get3A_2, %get3A_3] : memref<2048x128xf32, #tpu.memory_space<vmem>>, vector<2048x128xf32>
    %get3A_5 = arith.constant 0 : index
    %get3A_6 = arith.constant 0 : index
    %get3A_7 = vector.load %arg3[%get3A_5, %get3A_6] : memref<2048x4xf32, #tpu.memory_space<vmem>>, vector<2048x4xf32>
    %get3A_8 = arith.constant 0 : index
    %get3A_9 = arith.constant 0 : index
    %get3A_10 = vector.load %arg4[%get3A_8, %get3A_9] : memref<2048x1xf32, #tpu.memory_space<vmem>>, vector<2048x1xf32>
    %slice3A = vector.extract_strided_slice %get3A_4 {offsets = [0, 0], sizes = [2048, 3], strides = [1, 1]} : vector<2048x128xf32> to vector<2048x3xf32>
    %slice3A_11 = vector.extract_strided_slice %get3A_1 {offsets = [0, 0], sizes = [2048, 3], strides = [1, 1]} : vector<2048x128xf32> to vector<2048x3xf32>
    %sub3A = arith.subf %slice3A, %slice3A_11 : vector<2048x3xf32>
    %slice3A_12 = vector.extract_strided_slice %get3A_7 {offsets = [0, 0], sizes = [2048, 3], strides = [1, 1]} : vector<2048x4xf32> to vector<2048x3xf32>
    %add3A = arith.addf %sub3A, %slice3A_12 : vector<2048x3xf32>
    %slice3A_13 = vector.extract_strided_slice %add3A {offsets = [0, 0], sizes = [2048, 1], strides = [1, 1]} : vector<2048x3xf32> to vector<2048x1xf32>
    %slice3A_14 = vector.extract_strided_slice %add3A {offsets = [0, 1], sizes = [2048, 1], strides = [1, 1]} : vector<2048x3xf32> to vector<2048x1xf32>
    %slice3A_15 = vector.extract_strided_slice %add3A {offsets = [0, 2], sizes = [2048, 1], strides = [1, 1]} : vector<2048x3xf32> to vector<2048x1xf32>
    %mul3A = arith.mulf %slice3A_13, %slice3A_13 : vector<2048x1xf32>
    %mul3A_16 = arith.mulf %slice3A_14, %slice3A_14 : vector<2048x1xf32>
    %add3A_17 = arith.addf %mul3A, %mul3A_16 : vector<2048x1xf32>
    %mul3A_18 = arith.mulf %slice3A_15, %slice3A_15 : vector<2048x1xf32>
    %add3A_19 = arith.addf %add3A_17, %mul3A_18 : vector<2048x1xf32>
    %sqrt3A = math.sqrt %add3A_19 : vector<2048x1xf32>
    %slice3A_20 = vector.extract_strided_slice %get3A_1 {offsets = [0, 3], sizes = [2048, 8], strides = [1, 1]} : vector<2048x128xf32> to vector<2048x8xf32>
    %slice3A_21 = vector.extract_strided_slice %get3A_4 {offsets = [0, 3], sizes = [2048, 8], strides = [1, 1]} : vector<2048x128xf32> to vector<2048x8xf32>
    %slice3A_22 = vector.extract_strided_slice %get3A_4 {offsets = [0, 11], sizes = [2048, 8], strides = [1, 1]} : vector<2048x128xf32> to vector<2048x8xf32>
    %slice3A_23 = vector.extract_strided_slice %get3A_4 {offsets = [0, 19], sizes = [2048, 8], strides = [1, 1]} : vector<2048x128xf32> to vector<2048x8xf32>
    %mul3A_24 = arith.constant 0.785398185 : f32
    %mul3A_25 = vector.broadcast %mul3A_24 : f32 to vector<2048x1xf32>
    %mul3A_26 = arith.mulf %sqrt3A, %mul3A_25 : vector<2048x1xf32>
    %cos3A = math.cos %mul3A_26 : vector<2048x1xf32>
    %mul3A_27 = arith.constant 5.000000e-01 : f32
    %mul3A_28 = vector.broadcast %mul3A_27 : f32 to vector<2048x1xf32>
    %mul3A_29 = arith.mulf %mul3A_28, %cos3A : vector<2048x1xf32>
    %add3A_30 = arith.constant 5.000000e-01 : f32
    %add3A_31 = vector.broadcast %add3A_30 : f32 to vector<2048x1xf32>
    %add3A_32 = arith.addf %mul3A_29, %add3A_31 : vector<2048x1xf32>
    %mul3A_33 = arith.mulf %get3A_10, %add3A_32 : vector<2048x1xf32>
    %mul3A_34 = arith.mulf %mul3A_33, %add3A_32 : vector<2048x1xf32>
    %sub3A_35 = vector.broadcast %sqrt3A : vector<2048x1xf32> to vector<2048x8xf32>
    %sub3A_36 = arith.subf %sub3A_35, %slice3A_23 : vector<2048x8xf32>
    %mul3A_37 = arith.mulf %slice3A_22, %sub3A_36 : vector<2048x8xf32>
    %neg3A = arith.constant 0.000000e+00 : f32
    %neg3A_38 = vector.broadcast %neg3A : f32 to vector<2048x8xf32>
    %neg3A_39 = arith.subf %neg3A_38, %mul3A_37 : vector<2048x8xf32>
    %mul3A_40 = arith.mulf %neg3A_39, %mul3A_37 : vector<2048x8xf32>
    %exp3A = math.exp %mul3A_40 : vector<2048x8xf32>
    %mul3A_41 = vector.broadcast %mul3A_34 : vector<2048x1xf32> to vector<2048x8xf32>
    %mul3A_42 = arith.mulf %mul3A_41, %exp3A : vector<2048x8xf32>
    %mul3A_43 = arith.mulf %mul3A_42, %slice3A_20 : vector<2048x8xf32>
    %mul3A_44 = arith.mulf %mul3A_43, %slice3A_21 : vector<2048x8xf32>
    %broadcast_in_dim3A = arith.constant 0.282094806 : f32
    %broadcast_in_dim3A_45 = vector.broadcast %broadcast_in_dim3A : f32 to vector<2048x1xf32>
    %mul3A_46 = arith.constant 0.488602519 : f32
    %mul3A_47 = vector.broadcast %mul3A_46 : f32 to vector<2048x1xf32>
    %mul3A_48 = arith.mulf %mul3A_47, %slice3A_14 : vector<2048x1xf32>
    %mul3A_49 = arith.constant 0.488602519 : f32
    %mul3A_50 = vector.broadcast %mul3A_49 : f32 to vector<2048x1xf32>
    %mul3A_51 = arith.mulf %mul3A_50, %slice3A_15 : vector<2048x1xf32>
    %mul3A_52 = arith.constant 0.488602519 : f32
    %mul3A_53 = vector.broadcast %mul3A_52 : f32 to vector<2048x1xf32>
    %mul3A_54 = arith.mulf %mul3A_53, %slice3A_13 : vector<2048x1xf32>
    %mul3A_55 = arith.constant 1.09254849 : f32
    %mul3A_56 = vector.broadcast %mul3A_55 : f32 to vector<2048x1xf32>
    %mul3A_57 = arith.mulf %mul3A_56, %slice3A_13 : vector<2048x1xf32>
    %mul3A_58 = arith.mulf %mul3A_57, %slice3A_14 : vector<2048x1xf32>
    %mul3A_59 = arith.constant 1.09254849 : f32
    %mul3A_60 = vector.broadcast %mul3A_59 : f32 to vector<2048x1xf32>
    %mul3A_61 = arith.mulf %mul3A_60, %slice3A_14 : vector<2048x1xf32>
    %mul3A_62 = arith.mulf %mul3A_61, %slice3A_15 : vector<2048x1xf32>
    %mul3A_63 = arith.constant 3.000000e+00 : f32
    %mul3A_64 = vector.broadcast %mul3A_63 : f32 to vector<2048x1xf32>
    %mul3A_65 = arith.mulf %mul3A_64, %slice3A_15 : vector<2048x1xf32>
    %mul3A_66 = arith.mulf %mul3A_65, %slice3A_15 : vector<2048x1xf32>
    %sub3A_67 = arith.subf %mul3A_66, %add3A_19 : vector<2048x1xf32>
    %mul3A_68 = arith.constant 0.31539157 : f32
    %mul3A_69 = vector.broadcast %mul3A_68 : f32 to vector<2048x1xf32>
    %mul3A_70 = arith.mulf %mul3A_69, %sub3A_67 : vector<2048x1xf32>
    %mul3A_71 = arith.constant 1.09254849 : f32
    %mul3A_72 = vector.broadcast %mul3A_71 : f32 to vector<2048x1xf32>
    %mul3A_73 = arith.mulf %mul3A_72, %slice3A_13 : vector<2048x1xf32>
    %mul3A_74 = arith.mulf %mul3A_73, %slice3A_15 : vector<2048x1xf32>
    %mul3A_75 = arith.mulf %slice3A_13, %slice3A_13 : vector<2048x1xf32>
    %mul3A_76 = arith.mulf %slice3A_14, %slice3A_14 : vector<2048x1xf32>
    %sub3A_77 = arith.subf %mul3A_75, %mul3A_76 : vector<2048x1xf32>
    %mul3A_78 = arith.constant 0.546274245 : f32
    %mul3A_79 = vector.broadcast %mul3A_78 : f32 to vector<2048x1xf32>
    %mul3A_80 = arith.mulf %mul3A_79, %sub3A_77 : vector<2048x1xf32>
    %broadcast_in_dim3A_81 = arith.constant 0.000000e+00 : f32
    %broadcast_in_dim3A_82 = vector.broadcast %broadcast_in_dim3A_81 : f32 to vector<2048x128xf32>
    %iota3A = tpu.iota {dimensions = array<i32: 1>} : vector<1x128xi32>
    %ge3A = arith.constant 0 : i32
    %ge3A_83 = vector.broadcast %ge3A : i32 to vector<1x128xi32>
    %ge3A_84 = arith.cmpi sge, %iota3A, %ge3A_83 : vector<1x128xi32>
    %lt3A = arith.constant 8 : i32
    %lt3A_85 = vector.broadcast %lt3A : i32 to vector<1x128xi32>
    %lt3A_86 = arith.cmpi slt, %iota3A, %lt3A_85 : vector<1x128xi32>
    %and3A = arith.andi %ge3A_84, %lt3A_86 : vector<1x128xi1>
    %convert_element_type3A = arith.extui %and3A : vector<1x128xi1> to vector<1x128xi32>
    %convert_element_type3A_87 = arith.sitofp %convert_element_type3A : vector<1x128xi32> to vector<1x128xf32>
    %mul3A_88 = vector.broadcast %broadcast_in_dim3A_45 : vector<2048x1xf32> to vector<2048x128xf32>
    %mul3A_89 = vector.broadcast %convert_element_type3A_87 : vector<1x128xf32> to vector<2048x128xf32>
    %mul3A_90 = arith.mulf %mul3A_88, %mul3A_89 : vector<2048x128xf32>
    %add3A_91 = arith.addf %broadcast_in_dim3A_82, %mul3A_90 : vector<2048x128xf32>
    %iota3A_92 = tpu.iota {dimensions = array<i32: 1>} : vector<1x128xi32>
    %ge3A_93 = arith.constant 8 : i32
    %ge3A_94 = vector.broadcast %ge3A_93 : i32 to vector<1x128xi32>
    %ge3A_95 = arith.cmpi sge, %iota3A_92, %ge3A_94 : vector<1x128xi32>
    %lt3A_96 = arith.constant 16 : i32
    %lt3A_97 = vector.broadcast %lt3A_96 : i32 to vector<1x128xi32>
    %lt3A_98 = arith.cmpi slt, %iota3A_92, %lt3A_97 : vector<1x128xi32>
    %and3A_99 = arith.andi %ge3A_95, %lt3A_98 : vector<1x128xi1>
    %convert_element_type3A_100 = arith.extui %and3A_99 : vector<1x128xi1> to vector<1x128xi32>
    %convert_element_type3A_101 = arith.sitofp %convert_element_type3A_100 : vector<1x128xi32> to vector<1x128xf32>
    %mul3A_102 = vector.broadcast %mul3A_48 : vector<2048x1xf32> to vector<2048x128xf32>
    %mul3A_103 = vector.broadcast %convert_element_type3A_101 : vector<1x128xf32> to vector<2048x128xf32>
    %mul3A_104 = arith.mulf %mul3A_102, %mul3A_103 : vector<2048x128xf32>
    %add3A_105 = arith.addf %add3A_91, %mul3A_104 : vector<2048x128xf32>
    %iota3A_106 = tpu.iota {dimensions = array<i32: 1>} : vector<1x128xi32>
    %ge3A_107 = arith.constant 16 : i32
    %ge3A_108 = vector.broadcast %ge3A_107 : i32 to vector<1x128xi32>
    %ge3A_109 = arith.cmpi sge, %iota3A_106, %ge3A_108 : vector<1x128xi32>
    %lt3A_110 = arith.constant 24 : i32
    %lt3A_111 = vector.broadcast %lt3A_110 : i32 to vector<1x128xi32>
    %lt3A_112 = arith.cmpi slt, %iota3A_106, %lt3A_111 : vector<1x128xi32>
    %and3A_113 = arith.andi %ge3A_109, %lt3A_112 : vector<1x128xi1>
    %convert_element_type3A_114 = arith.extui %and3A_113 : vector<1x128xi1> to vector<1x128xi32>
    %convert_element_type3A_115 = arith.sitofp %convert_element_type3A_114 : vector<1x128xi32> to vector<1x128xf32>
    %mul3A_116 = vector.broadcast %mul3A_51 : vector<2048x1xf32> to vector<2048x128xf32>
    %mul3A_117 = vector.broadcast %convert_element_type3A_115 : vector<1x128xf32> to vector<2048x128xf32>
    %mul3A_118 = arith.mulf %mul3A_116, %mul3A_117 : vector<2048x128xf32>
    %add3A_119 = arith.addf %add3A_105, %mul3A_118 : vector<2048x128xf32>
    %iota3A_120 = tpu.iota {dimensions = array<i32: 1>} : vector<1x128xi32>
    %ge3A_121 = arith.constant 24 : i32
    %ge3A_122 = vector.broadcast %ge3A_121 : i32 to vector<1x128xi32>
    %ge3A_123 = arith.cmpi sge, %iota3A_120, %ge3A_122 : vector<1x128xi32>
    %lt3A_124 = arith.constant 32 : i32
    %lt3A_125 = vector.broadcast %lt3A_124 : i32 to vector<1x128xi32>
    %lt3A_126 = arith.cmpi slt, %iota3A_120, %lt3A_125 : vector<1x128xi32>
    %and3A_127 = arith.andi %ge3A_123, %lt3A_126 : vector<1x128xi1>
    %convert_element_type3A_128 = arith.extui %and3A_127 : vector<1x128xi1> to vector<1x128xi32>
    %convert_element_type3A_129 = arith.sitofp %convert_element_type3A_128 : vector<1x128xi32> to vector<1x128xf32>
    %mul3A_130 = vector.broadcast %mul3A_54 : vector<2048x1xf32> to vector<2048x128xf32>
    %mul3A_131 = vector.broadcast %convert_element_type3A_129 : vector<1x128xf32> to vector<2048x128xf32>
    %mul3A_132 = arith.mulf %mul3A_130, %mul3A_131 : vector<2048x128xf32>
    %add3A_133 = arith.addf %add3A_119, %mul3A_132 : vector<2048x128xf32>
    %iota3A_134 = tpu.iota {dimensions = array<i32: 1>} : vector<1x128xi32>
    %ge3A_135 = arith.constant 32 : i32
    %ge3A_136 = vector.broadcast %ge3A_135 : i32 to vector<1x128xi32>
    %ge3A_137 = arith.cmpi sge, %iota3A_134, %ge3A_136 : vector<1x128xi32>
    %lt3A_138 = arith.constant 40 : i32
    %lt3A_139 = vector.broadcast %lt3A_138 : i32 to vector<1x128xi32>
    %lt3A_140 = arith.cmpi slt, %iota3A_134, %lt3A_139 : vector<1x128xi32>
    %and3A_141 = arith.andi %ge3A_137, %lt3A_140 : vector<1x128xi1>
    %convert_element_type3A_142 = arith.extui %and3A_141 : vector<1x128xi1> to vector<1x128xi32>
    %convert_element_type3A_143 = arith.sitofp %convert_element_type3A_142 : vector<1x128xi32> to vector<1x128xf32>
    %mul3A_144 = vector.broadcast %mul3A_58 : vector<2048x1xf32> to vector<2048x128xf32>
    %mul3A_145 = vector.broadcast %convert_element_type3A_143 : vector<1x128xf32> to vector<2048x128xf32>
    %mul3A_146 = arith.mulf %mul3A_144, %mul3A_145 : vector<2048x128xf32>
    %add3A_147 = arith.addf %add3A_133, %mul3A_146 : vector<2048x128xf32>
    %iota3A_148 = tpu.iota {dimensions = array<i32: 1>} : vector<1x128xi32>
    %ge3A_149 = arith.constant 40 : i32
    %ge3A_150 = vector.broadcast %ge3A_149 : i32 to vector<1x128xi32>
    %ge3A_151 = arith.cmpi sge, %iota3A_148, %ge3A_150 : vector<1x128xi32>
    %lt3A_152 = arith.constant 48 : i32
    %lt3A_153 = vector.broadcast %lt3A_152 : i32 to vector<1x128xi32>
    %lt3A_154 = arith.cmpi slt, %iota3A_148, %lt3A_153 : vector<1x128xi32>
    %and3A_155 = arith.andi %ge3A_151, %lt3A_154 : vector<1x128xi1>
    %convert_element_type3A_156 = arith.extui %and3A_155 : vector<1x128xi1> to vector<1x128xi32>
    %convert_element_type3A_157 = arith.sitofp %convert_element_type3A_156 : vector<1x128xi32> to vector<1x128xf32>
    %mul3A_158 = vector.broadcast %mul3A_62 : vector<2048x1xf32> to vector<2048x128xf32>
    %mul3A_159 = vector.broadcast %convert_element_type3A_157 : vector<1x128xf32> to vector<2048x128xf32>
    %mul3A_160 = arith.mulf %mul3A_158, %mul3A_159 : vector<2048x128xf32>
    %add3A_161 = arith.addf %add3A_147, %mul3A_160 : vector<2048x128xf32>
    %iota3A_162 = tpu.iota {dimensions = array<i32: 1>} : vector<1x128xi32>
    %ge3A_163 = arith.constant 48 : i32
    %ge3A_164 = vector.broadcast %ge3A_163 : i32 to vector<1x128xi32>
    %ge3A_165 = arith.cmpi sge, %iota3A_162, %ge3A_164 : vector<1x128xi32>
    %lt3A_166 = arith.constant 56 : i32
    %lt3A_167 = vector.broadcast %lt3A_166 : i32 to vector<1x128xi32>
    %lt3A_168 = arith.cmpi slt, %iota3A_162, %lt3A_167 : vector<1x128xi32>
    %and3A_169 = arith.andi %ge3A_165, %lt3A_168 : vector<1x128xi1>
    %convert_element_type3A_170 = arith.extui %and3A_169 : vector<1x128xi1> to vector<1x128xi32>
    %convert_element_type3A_171 = arith.sitofp %convert_element_type3A_170 : vector<1x128xi32> to vector<1x128xf32>
    %mul3A_172 = vector.broadcast %mul3A_70 : vector<2048x1xf32> to vector<2048x128xf32>
    %mul3A_173 = vector.broadcast %convert_element_type3A_171 : vector<1x128xf32> to vector<2048x128xf32>
    %mul3A_174 = arith.mulf %mul3A_172, %mul3A_173 : vector<2048x128xf32>
    %add3A_175 = arith.addf %add3A_161, %mul3A_174 : vector<2048x128xf32>
    %iota3A_176 = tpu.iota {dimensions = array<i32: 1>} : vector<1x128xi32>
    %ge3A_177 = arith.constant 56 : i32
    %ge3A_178 = vector.broadcast %ge3A_177 : i32 to vector<1x128xi32>
    %ge3A_179 = arith.cmpi sge, %iota3A_176, %ge3A_178 : vector<1x128xi32>
    %lt3A_180 = arith.constant 64 : i32
    %lt3A_181 = vector.broadcast %lt3A_180 : i32 to vector<1x128xi32>
    %lt3A_182 = arith.cmpi slt, %iota3A_176, %lt3A_181 : vector<1x128xi32>
    %and3A_183 = arith.andi %ge3A_179, %lt3A_182 : vector<1x128xi1>
    %convert_element_type3A_184 = arith.extui %and3A_183 : vector<1x128xi1> to vector<1x128xi32>
    %convert_element_type3A_185 = arith.sitofp %convert_element_type3A_184 : vector<1x128xi32> to vector<1x128xf32>
    %mul3A_186 = vector.broadcast %mul3A_74 : vector<2048x1xf32> to vector<2048x128xf32>
    %mul3A_187 = vector.broadcast %convert_element_type3A_185 : vector<1x128xf32> to vector<2048x128xf32>
    %mul3A_188 = arith.mulf %mul3A_186, %mul3A_187 : vector<2048x128xf32>
    %add3A_189 = arith.addf %add3A_175, %mul3A_188 : vector<2048x128xf32>
    %iota3A_190 = tpu.iota {dimensions = array<i32: 1>} : vector<1x128xi32>
    %ge3A_191 = arith.constant 64 : i32
    %ge3A_192 = vector.broadcast %ge3A_191 : i32 to vector<1x128xi32>
    %ge3A_193 = arith.cmpi sge, %iota3A_190, %ge3A_192 : vector<1x128xi32>
    %lt3A_194 = arith.constant 72 : i32
    %lt3A_195 = vector.broadcast %lt3A_194 : i32 to vector<1x128xi32>
    %lt3A_196 = arith.cmpi slt, %iota3A_190, %lt3A_195 : vector<1x128xi32>
    %and3A_197 = arith.andi %ge3A_193, %lt3A_196 : vector<1x128xi1>
    %convert_element_type3A_198 = arith.extui %and3A_197 : vector<1x128xi1> to vector<1x128xi32>
    %convert_element_type3A_199 = arith.sitofp %convert_element_type3A_198 : vector<1x128xi32> to vector<1x128xf32>
    %mul3A_200 = vector.broadcast %mul3A_80 : vector<2048x1xf32> to vector<2048x128xf32>
    %mul3A_201 = vector.broadcast %convert_element_type3A_199 : vector<1x128xf32> to vector<2048x128xf32>
    %mul3A_202 = arith.mulf %mul3A_200, %mul3A_201 : vector<2048x128xf32>
    %add3A_203 = arith.addf %add3A_189, %mul3A_202 : vector<2048x128xf32>
    %iota3A_204 = tpu.iota {dimensions = array<i32: 1>} : vector<8x128xi32>
    %iota3A_205 = tpu.iota {dimensions = array<i32: 0>} : vector<8x128xi32>
    %jit3A = arith.constant 8 : i32
    %eq3A = arith.constant 0 : i32
    %eq3A_206 = arith.cmpi eq, %jit3A, %eq3A : i32
    %jit3A_207 = arith.constant 1 : i32
    %select_n3A = arith.select %eq3A_206, %jit3A_207, %jit3A : i32
    %rem3A = vector.broadcast %select_n3A : i32 to vector<8x128xi32>
    %rem3A_208 = arith.remsi %iota3A_204, %rem3A : vector<8x128xi32>
    %ne3A = arith.constant 0 : i32
    %ne3A_209 = vector.broadcast %ne3A : i32 to vector<8x128xi32>
    %ne3A_210 = arith.cmpi ne, %rem3A_208, %ne3A_209 : vector<8x128xi32>
    %lt3A_211 = arith.constant 0 : i32
    %lt3A_212 = vector.broadcast %lt3A_211 : i32 to vector<8x128xi32>
    %lt3A_213 = arith.cmpi slt, %rem3A_208, %lt3A_212 : vector<8x128xi32>
    %lt3A_214 = arith.constant 0 : i32
    %lt3A_215 = arith.cmpi slt, %select_n3A, %lt3A_214 : i32
    %ne3A_216 = vector.broadcast %lt3A_215 : i1 to vector<8x128xi1>
    %ne3A_217 = vector.broadcast %ne3A_216 : vector<8x128xi1> to vector<8x128xi1>
    %ne3A_218 = arith.xori %lt3A_213, %ne3A_217 : vector<8x128xi1>
    %and3A_219 = arith.andi %ne3A_218, %ne3A_210 : vector<8x128xi1>
    %add3A_220 = vector.broadcast %select_n3A : i32 to vector<8x128xi32>
    %add3A_221 = arith.addi %rem3A_208, %add3A_220 : vector<8x128xi32>
    %select_n3A_222 = arith.select %and3A_219, %add3A_221, %rem3A_208 : vector<8x128xi1>, vector<8x128xi32>
    %eq3A_223 = arith.cmpi eq, %select_n3A_222, %iota3A_205 : vector<8x128xi32>
    %lt3A_224 = arith.constant 72 : i32
    %lt3A_225 = vector.broadcast %lt3A_224 : i32 to vector<8x128xi32>
    %lt3A_226 = arith.cmpi slt, %iota3A_204, %lt3A_225 : vector<8x128xi32>
    %and3A_227 = arith.andi %eq3A_223, %lt3A_226 : vector<8x128xi1>
    %convert_element_type3A_228 = arith.extui %and3A_227 : vector<8x128xi1> to vector<8x128xi32>
    %convert_element_type3A_229 = arith.sitofp %convert_element_type3A_228 : vector<8x128xi32> to vector<8x128xf32>
    %dot_general3A = arith.constant dense<0.000000e+00> : vector<2048x128xf32>
    %dot_general3A_230 = tpu.matmul %mul3A_44, %convert_element_type3A_229, %dot_general3A {dimension_numbers = #tpu.dot_dimension_numbers<[1], [0], [0], [1], [0, 0, 1, 1], [], []>, transpose_lhs_hint = false} : vector<2048x8xf32>, vector<8x128xf32>, vector<2048x128xf32> -> vector<2048x128xf32>
    %mul3A_231 = arith.mulf %add3A_203, %dot_general3A_230 : vector<2048x128xf32>
    %swap3A = arith.constant 0 : index
    %swap3A_232 = arith.constant 0 : index
    %swap3A_233 = vector.load %arg5[%swap3A, %swap3A_232] : memref<2048x128xf32, #tpu.memory_space<vmem>>, vector<2048x128xf32>
    tpu.vector_store %arg5[%swap3A, %swap3A_232], %mul3A_231 {strides = array<i32>} : memref<2048x128xf32, #tpu.memory_space<vmem>>, vector<2048x128xf32>,
    %broadcast_in_dim3A_234 = arith.constant 0.000000e+00 : f32
    %broadcast_in_dim3A_235 = vector.broadcast %broadcast_in_dim3A_234 : f32 to vector<2048x7xf32>
    %concatenate3A = tpu.concatenate %slice3A_20, %mul3A_34, %broadcast_in_dim3A_235 in 1 : vector<2048x8xf32>, vector<2048x1xf32>, vector<2048x7xf32> -> vector<2048x16xf32>
    %swap3A_236 = arith.constant 0 : index
    %swap3A_237 = arith.constant 0 : index
    %swap3A_238 = vector.load %arg6[%swap3A_236, %swap3A_237] : memref<2048x16xf32, #tpu.memory_space<vmem>>, vector<2048x16xf32>
    tpu.vector_store %arg6[%swap3A_236, %swap3A_237], %concatenate3A {strides = array<i32>} : memref<2048x16xf32, #tpu.memory_space<vmem>>, vector<2048x16xf32>,
    return
  }
  func.func @transform_0(%arg0: i32) -> (i32, i32) {
    %c0_i32 = arith.constant 0 : i32
    %c0_i32_0 = arith.constant 0 : i32
    return %arg0, %c0_i32 : i32, i32
  }
  func.func @transform_1(%arg0: i32) -> (i32, i32) {
    %c0_i32 = arith.constant 0 : i32
    %c0_i32_0 = arith.constant 0 : i32
    return %arg0, %c0_i32 : i32, i32
  }
  func.func @transform_2(%arg0: i32) -> (i32, i32) {
    %c0_i32 = arith.constant 0 : i32
    %c0_i32_0 = arith.constant 0 : i32
    return %arg0, %c0_i32 : i32, i32
  }
  func.func @transform_3(%arg0: i32) -> (i32, i32) {
    %c0_i32 = arith.constant 0 : i32
    %c0_i32_0 = arith.constant 0 : i32
    return %arg0, %c0_i32 : i32, i32
  }
  func.func @transform_4(%arg0: i32) -> (i32, i32) {
    %c0_i32 = arith.constant 0 : i32
    %c0_i32_0 = arith.constant 0 : i32
    return %arg0, %c0_i32 : i32, i32
  }
  func.func @transform_5(%arg0: i32) -> (i32, i32) {
    %c0_i32 = arith.constant 0 : i32
    %c0_i32_0 = arith.constant 0 : i32
    return %arg0, %c0_i32 : i32, i32
  }
}

module attributes {stable_mosaic.version = 14 : i64} {
  func.func @body(%arg0: i32, %arg1: memref<2x1024x128xf32, #tpu.memory_space<vmem>>, %arg2: memref<1024x128xf32, #tpu.memory_space<vmem>>, %arg3: memref<1024x32xf32, #tpu.memory_space<vmem>>, %arg4: memref<8x32xf32, #tpu.memory_space<vmem>>, %arg5: memref<32x64xf32, #tpu.memory_space<vmem>>, %arg6: memref<1x64xf32, #tpu.memory_space<vmem>>, %arg7: memref<64x64xf32, #tpu.memory_space<vmem>>, %arg8: memref<1x64xf32, #tpu.memory_space<vmem>>, %arg9: memref<64x8xf32, #tpu.memory_space<vmem>>, %arg10: memref<1x8xf32, #tpu.memory_space<vmem>>, %arg11: memref<1024x128xf32, #tpu.memory_space<vmem>>, %arg12: memref<1024x32xf32, #tpu.memory_space<vmem>>) attributes {dimension_semantics = [#tpu.dimension_semantics<arbitrary>], iteration_bounds = array<i64: 10>, scalar_prefetch = 0 : i64, scratch_operands = 0 : i64, tpu.core_type = #tpu.core_type<tc>, window_params = [{transform_indices = @transform_0, window_bounds = array<i64: 2, 1024, 128>}, {transform_indices = @transform_1, window_bounds = array<i64: 1024, 128>}, {transform_indices = @transform_2, window_bounds = array<i64: 1024, 32>}, {pipeline_mode = #tpu.pipeline_mode<synchronous>, transform_indices = @transform_3, window_bounds = array<i64: 8, 32>}, {pipeline_mode = #tpu.pipeline_mode<synchronous>, transform_indices = @transform_4, window_bounds = array<i64: 32, 64>}, {pipeline_mode = #tpu.pipeline_mode<synchronous>, transform_indices = @transform_5, window_bounds = array<i64: 1, 64>}, {pipeline_mode = #tpu.pipeline_mode<synchronous>, transform_indices = @transform_6, window_bounds = array<i64: 64, 64>}, {pipeline_mode = #tpu.pipeline_mode<synchronous>, transform_indices = @transform_7, window_bounds = array<i64: 1, 64>}, {pipeline_mode = #tpu.pipeline_mode<synchronous>, transform_indices = @transform_8, window_bounds = array<i64: 64, 8>}, {pipeline_mode = #tpu.pipeline_mode<synchronous>, transform_indices = @transform_9, window_bounds = array<i64: 1, 8>}, {transform_indices = @transform_10, window_bounds = array<i64: 1024, 128>}, {transform_indices = @transform_11, window_bounds = array<i64: 1024, 32>}]} {
    %get3A = arith.constant 0 : index
    %get3A_0 = arith.constant 0 : index
    %get3A_1 = arith.constant 0 : index
    %get3A_2 = vector.load %arg1[%get3A, %get3A_0, %get3A_1] : memref<2x1024x128xf32, #tpu.memory_space<vmem>>, vector<2x1024x128xf32>
    %get3A_3 = arith.constant 0 : index
    %get3A_4 = arith.constant 0 : index
    %get3A_5 = vector.load %arg2[%get3A_3, %get3A_4] : memref<1024x128xf32, #tpu.memory_space<vmem>>, vector<1024x128xf32>
    %slice3A = vector.extract_strided_slice %get3A_5 {offsets = [0, 0], sizes = [1024, 72], strides = [1, 1]} : vector<1024x128xf32> to vector<1024x72xf32>
    %slice3A_6 = vector.extract_strided_slice %get3A_2 {offsets = [0, 0, 0], sizes = [1, 1024, 72], strides = [1, 1, 1]} : vector<2x1024x128xf32> to vector<1x1024x72xf32>
    %squeeze3A = vector.shape_cast %slice3A_6 : vector<1x1024x72xf32> to vector<1024x72xf32>
    %add3A = arith.addf %slice3A, %squeeze3A : vector<1024x72xf32>
    %slice3A_7 = vector.extract_strided_slice %get3A_2 {offsets = [1, 0, 0], sizes = [1, 1024, 72], strides = [1, 1, 1]} : vector<2x1024x128xf32> to vector<1x1024x72xf32>
    %squeeze3A_8 = vector.shape_cast %slice3A_7 : vector<1x1024x72xf32> to vector<1024x72xf32>
    %add3A_9 = arith.addf %add3A, %squeeze3A_8 : vector<1024x72xf32>
    %get3A_10 = arith.constant 0 : index
    %get3A_11 = arith.constant 0 : index
    %get3A_12 = vector.load %arg4[%get3A_10, %get3A_11] : memref<8x32xf32, #tpu.memory_space<vmem>>, vector<8x32xf32>
    %broadcast_in_dim3A = arith.constant 0.000000e+00 : f32
    %broadcast_in_dim3A_13 = vector.broadcast %broadcast_in_dim3A : f32 to vector<1024x32xf32>
    %slice3A_14 = vector.extract_strided_slice %add3A_9 {offsets = [0, 0], sizes = [1024, 8], strides = [1, 1]} : vector<1024x72xf32> to vector<1024x8xf32>
    %dot_general3A = arith.constant dense<0.000000e+00> : vector<1024x32xf32>
    %dot_general3A_15 = tpu.matmul %slice3A_14, %get3A_12, %dot_general3A {dimension_numbers = #tpu.dot_dimension_numbers<[1], [0], [0], [1], [0, 0, 1, 1], [], []>, transpose_lhs_hint = false} : vector<1024x8xf32>, vector<8x32xf32>, vector<1024x32xf32> -> vector<1024x32xf32>
    %mul3A = arith.mulf %dot_general3A_15, %dot_general3A_15 : vector<1024x32xf32>
    %add3A_16 = arith.addf %broadcast_in_dim3A_13, %mul3A : vector<1024x32xf32>
    %slice3A_17 = vector.extract_strided_slice %add3A_9 {offsets = [0, 8], sizes = [1024, 8], strides = [1, 1]} : vector<1024x72xf32> to vector<1024x8xf32>
    %dot_general3A_18 = arith.constant dense<0.000000e+00> : vector<1024x32xf32>
    %dot_general3A_19 = tpu.matmul %slice3A_17, %get3A_12, %dot_general3A_18 {dimension_numbers = #tpu.dot_dimension_numbers<[1], [0], [0], [1], [0, 0, 1, 1], [], []>, transpose_lhs_hint = false} : vector<1024x8xf32>, vector<8x32xf32>, vector<1024x32xf32> -> vector<1024x32xf32>
    %mul3A_20 = arith.mulf %dot_general3A_19, %dot_general3A_19 : vector<1024x32xf32>
    %add3A_21 = arith.addf %add3A_16, %mul3A_20 : vector<1024x32xf32>
    %slice3A_22 = vector.extract_strided_slice %add3A_9 {offsets = [0, 16], sizes = [1024, 8], strides = [1, 1]} : vector<1024x72xf32> to vector<1024x8xf32>
    %dot_general3A_23 = arith.constant dense<0.000000e+00> : vector<1024x32xf32>
    %dot_general3A_24 = tpu.matmul %slice3A_22, %get3A_12, %dot_general3A_23 {dimension_numbers = #tpu.dot_dimension_numbers<[1], [0], [0], [1], [0, 0, 1, 1], [], []>, transpose_lhs_hint = false} : vector<1024x8xf32>, vector<8x32xf32>, vector<1024x32xf32> -> vector<1024x32xf32>
    %mul3A_25 = arith.mulf %dot_general3A_24, %dot_general3A_24 : vector<1024x32xf32>
    %add3A_26 = arith.addf %add3A_21, %mul3A_25 : vector<1024x32xf32>
    %slice3A_27 = vector.extract_strided_slice %add3A_9 {offsets = [0, 24], sizes = [1024, 8], strides = [1, 1]} : vector<1024x72xf32> to vector<1024x8xf32>
    %dot_general3A_28 = arith.constant dense<0.000000e+00> : vector<1024x32xf32>
    %dot_general3A_29 = tpu.matmul %slice3A_27, %get3A_12, %dot_general3A_28 {dimension_numbers = #tpu.dot_dimension_numbers<[1], [0], [0], [1], [0, 0, 1, 1], [], []>, transpose_lhs_hint = false} : vector<1024x8xf32>, vector<8x32xf32>, vector<1024x32xf32> -> vector<1024x32xf32>
    %mul3A_30 = arith.mulf %dot_general3A_29, %dot_general3A_29 : vector<1024x32xf32>
    %add3A_31 = arith.addf %add3A_26, %mul3A_30 : vector<1024x32xf32>
    %slice3A_32 = vector.extract_strided_slice %add3A_9 {offsets = [0, 32], sizes = [1024, 8], strides = [1, 1]} : vector<1024x72xf32> to vector<1024x8xf32>
    %dot_general3A_33 = arith.constant dense<0.000000e+00> : vector<1024x32xf32>
    %dot_general3A_34 = tpu.matmul %slice3A_32, %get3A_12, %dot_general3A_33 {dimension_numbers = #tpu.dot_dimension_numbers<[1], [0], [0], [1], [0, 0, 1, 1], [], []>, transpose_lhs_hint = false} : vector<1024x8xf32>, vector<8x32xf32>, vector<1024x32xf32> -> vector<1024x32xf32>
    %mul3A_35 = arith.mulf %dot_general3A_34, %dot_general3A_34 : vector<1024x32xf32>
    %add3A_36 = arith.addf %add3A_31, %mul3A_35 : vector<1024x32xf32>
    %slice3A_37 = vector.extract_strided_slice %add3A_9 {offsets = [0, 40], sizes = [1024, 8], strides = [1, 1]} : vector<1024x72xf32> to vector<1024x8xf32>
    %dot_general3A_38 = arith.constant dense<0.000000e+00> : vector<1024x32xf32>
    %dot_general3A_39 = tpu.matmul %slice3A_37, %get3A_12, %dot_general3A_38 {dimension_numbers = #tpu.dot_dimension_numbers<[1], [0], [0], [1], [0, 0, 1, 1], [], []>, transpose_lhs_hint = false} : vector<1024x8xf32>, vector<8x32xf32>, vector<1024x32xf32> -> vector<1024x32xf32>
    %mul3A_40 = arith.mulf %dot_general3A_39, %dot_general3A_39 : vector<1024x32xf32>
    %add3A_41 = arith.addf %add3A_36, %mul3A_40 : vector<1024x32xf32>
    %slice3A_42 = vector.extract_strided_slice %add3A_9 {offsets = [0, 48], sizes = [1024, 8], strides = [1, 1]} : vector<1024x72xf32> to vector<1024x8xf32>
    %dot_general3A_43 = arith.constant dense<0.000000e+00> : vector<1024x32xf32>
    %dot_general3A_44 = tpu.matmul %slice3A_42, %get3A_12, %dot_general3A_43 {dimension_numbers = #tpu.dot_dimension_numbers<[1], [0], [0], [1], [0, 0, 1, 1], [], []>, transpose_lhs_hint = false} : vector<1024x8xf32>, vector<8x32xf32>, vector<1024x32xf32> -> vector<1024x32xf32>
    %mul3A_45 = arith.mulf %dot_general3A_44, %dot_general3A_44 : vector<1024x32xf32>
    %add3A_46 = arith.addf %add3A_41, %mul3A_45 : vector<1024x32xf32>
    %slice3A_47 = vector.extract_strided_slice %add3A_9 {offsets = [0, 56], sizes = [1024, 8], strides = [1, 1]} : vector<1024x72xf32> to vector<1024x8xf32>
    %dot_general3A_48 = arith.constant dense<0.000000e+00> : vector<1024x32xf32>
    %dot_general3A_49 = tpu.matmul %slice3A_47, %get3A_12, %dot_general3A_48 {dimension_numbers = #tpu.dot_dimension_numbers<[1], [0], [0], [1], [0, 0, 1, 1], [], []>, transpose_lhs_hint = false} : vector<1024x8xf32>, vector<8x32xf32>, vector<1024x32xf32> -> vector<1024x32xf32>
    %mul3A_50 = arith.mulf %dot_general3A_49, %dot_general3A_49 : vector<1024x32xf32>
    %add3A_51 = arith.addf %add3A_46, %mul3A_50 : vector<1024x32xf32>
    %slice3A_52 = vector.extract_strided_slice %add3A_9 {offsets = [0, 64], sizes = [1024, 8], strides = [1, 1]} : vector<1024x72xf32> to vector<1024x8xf32>
    %dot_general3A_53 = arith.constant dense<0.000000e+00> : vector<1024x32xf32>
    %dot_general3A_54 = tpu.matmul %slice3A_52, %get3A_12, %dot_general3A_53 {dimension_numbers = #tpu.dot_dimension_numbers<[1], [0], [0], [1], [0, 0, 1, 1], [], []>, transpose_lhs_hint = false} : vector<1024x8xf32>, vector<8x32xf32>, vector<1024x32xf32> -> vector<1024x32xf32>
    %mul3A_55 = arith.mulf %dot_general3A_54, %dot_general3A_54 : vector<1024x32xf32>
    %add3A_56 = arith.addf %add3A_51, %mul3A_55 : vector<1024x32xf32>
    %get3A_57 = arith.constant 0 : index
    %get3A_58 = arith.constant 0 : index
    %get3A_59 = vector.load %arg3[%get3A_57, %get3A_58] : memref<1024x32xf32, #tpu.memory_space<vmem>>, vector<1024x32xf32>
    %add3A_60 = arith.addf %get3A_59, %add3A_56 : vector<1024x32xf32>
    %get3A_61 = arith.constant 0 : index
    %get3A_62 = arith.constant 0 : index
    %get3A_63 = vector.load %arg5[%get3A_61, %get3A_62] : memref<32x64xf32, #tpu.memory_space<vmem>>, vector<32x64xf32>
    %dot_general3A_64 = arith.constant dense<0.000000e+00> : vector<1024x64xf32>
    %dot_general3A_65 = tpu.matmul %add3A_60, %get3A_63, %dot_general3A_64 {dimension_numbers = #tpu.dot_dimension_numbers<[1], [0], [0], [1], [0, 0, 1, 1], [], []>, transpose_lhs_hint = false} : vector<1024x32xf32>, vector<32x64xf32>, vector<1024x64xf32> -> vector<1024x64xf32>
    %get3A_66 = arith.constant 0 : index
    %get3A_67 = arith.constant 0 : index
    %get3A_68 = vector.load %arg6[%get3A_66, %get3A_67] : memref<1x64xf32, #tpu.memory_space<vmem>>, vector<1x64xf32>
    %add3A_69 = vector.broadcast %get3A_68 : vector<1x64xf32> to vector<1024x64xf32>
    %add3A_70 = arith.addf %dot_general3A_65, %add3A_69 : vector<1024x64xf32>
    %reduce_sum3A = arith.constant dense<0.000000e+00> : vector<1024xf32>
    %reduce_sum3A_71 = vector.multi_reduction <add>, %add3A_70, %reduce_sum3A [1] : vector<1024x64xf32> to vector<1024xf32>
    %broadcast_in_dim3A_72 = vector.shape_cast %reduce_sum3A_71 : vector<1024xf32> to vector<1024x1xf32>
    %div3A = arith.constant 6.400000e+01 : f32
    %div3A_73 = vector.broadcast %div3A : f32 to vector<1024x1xf32>
    %div3A_74 = arith.divf %broadcast_in_dim3A_72, %div3A_73 : vector<1024x1xf32>
    %jit3A = arith.constant 0 : i32
    %reduce_sum3A_75 = arith.constant dense<0.000000e+00> : vector<1024xf32>
    %reduce_sum3A_76 = vector.multi_reduction <add>, %add3A_70, %reduce_sum3A_75 [1] : vector<1024x64xf32> to vector<1024xf32>
    %broadcast_in_dim3A_77 = vector.shape_cast %reduce_sum3A_76 : vector<1024xf32> to vector<1024x1xf32>
    %div3A_78 = arith.constant 6.400000e+01 : f32
    %div3A_79 = vector.broadcast %div3A_78 : f32 to vector<1024x1xf32>
    %div3A_80 = arith.divf %broadcast_in_dim3A_77, %div3A_79 : vector<1024x1xf32>
    %sub3A = vector.broadcast %div3A_80 : vector<1024x1xf32> to vector<1024x64xf32>
    %sub3A_81 = arith.subf %add3A_70, %sub3A : vector<1024x64xf32>
    %square3A = arith.mulf %sub3A_81, %sub3A_81 : vector<1024x64xf32>
    %convert_element_type3A = arith.sitofp %jit3A : i32 to f32
    %sub3A_82 = arith.constant 6.400000e+01 : f32
    %sub3A_83 = arith.subf %sub3A_82, %convert_element_type3A : f32
    %reduce_sum3A_84 = arith.constant dense<0.000000e+00> : vector<1024xf32>
    %reduce_sum3A_85 = vector.multi_reduction <add>, %square3A, %reduce_sum3A_84 [1] : vector<1024x64xf32> to vector<1024xf32>
    %broadcast_in_dim3A_86 = vector.shape_cast %reduce_sum3A_85 : vector<1024xf32> to vector<1024x1xf32>
    %div3A_87 = vector.broadcast %sub3A_83 : f32 to vector<1024x1xf32>
    %div3A_88 = arith.divf %broadcast_in_dim3A_86, %div3A_87 : vector<1024x1xf32>
    %gt3A = arith.constant 0.000000e+00 : f32
    %gt3A_89 = arith.cmpf ogt, %sub3A_83, %gt3A : f32
    %jit3A_90 = arith.constant 0x7FC00000 : f32
    %broadcast_in_dim3A_91 = vector.broadcast %jit3A_90 : f32 to vector<1024x1xf32>
    %select_n3A = arith.select %gt3A_89, %div3A_88, %broadcast_in_dim3A_91 : vector<1024x1xf32>
    %sub3A_92 = vector.broadcast %div3A_74 : vector<1024x1xf32> to vector<1024x64xf32>
    %sub3A_93 = arith.subf %add3A_70, %sub3A_92 : vector<1024x64xf32>
    %add3A_94 = arith.constant 9.99999974E-6 : f32
    %add3A_95 = vector.broadcast %add3A_94 : f32 to vector<1024x1xf32>
    %add3A_96 = arith.addf %select_n3A, %add3A_95 : vector<1024x1xf32>
    %sqrt3A = math.sqrt %add3A_96 : vector<1024x1xf32>
    %div3A_97 = vector.broadcast %sqrt3A : vector<1024x1xf32> to vector<1024x64xf32>
    %div3A_98 = arith.divf %sub3A_93, %div3A_97 : vector<1024x64xf32>
    %logistic3A = arith.negf %div3A_98 : vector<1024x64xf32>
    %logistic3A_99 = math.exp %logistic3A : vector<1024x64xf32>
    %logistic3A_100 = arith.constant 1.000000e+00 : f32
    %logistic3A_101 = vector.broadcast %logistic3A_100 : f32 to vector<1024x64xf32>
    %logistic3A_102 = arith.addf %logistic3A_101, %logistic3A_99 : vector<1024x64xf32>
    %logistic3A_103 = arith.divf %logistic3A_101, %logistic3A_102 : vector<1024x64xf32>
    %mul3A_104 = arith.mulf %div3A_98, %logistic3A_103 : vector<1024x64xf32>
    %get3A_105 = arith.constant 0 : index
    %get3A_106 = arith.constant 0 : index
    %get3A_107 = vector.load %arg7[%get3A_105, %get3A_106] : memref<64x64xf32, #tpu.memory_space<vmem>>, vector<64x64xf32>
    %dot_general3A_108 = arith.constant dense<0.000000e+00> : vector<1024x64xf32>
    %dot_general3A_109 = tpu.matmul %mul3A_104, %get3A_107, %dot_general3A_108 {dimension_numbers = #tpu.dot_dimension_numbers<[1], [0], [0], [1], [0, 0, 1, 1], [], []>, transpose_lhs_hint = false} : vector<1024x64xf32>, vector<64x64xf32>, vector<1024x64xf32> -> vector<1024x64xf32>
    %get3A_110 = arith.constant 0 : index
    %get3A_111 = arith.constant 0 : index
    %get3A_112 = vector.load %arg8[%get3A_110, %get3A_111] : memref<1x64xf32, #tpu.memory_space<vmem>>, vector<1x64xf32>
    %add3A_113 = vector.broadcast %get3A_112 : vector<1x64xf32> to vector<1024x64xf32>
    %add3A_114 = arith.addf %dot_general3A_109, %add3A_113 : vector<1024x64xf32>
    %reduce_sum3A_115 = arith.constant dense<0.000000e+00> : vector<1024xf32>
    %reduce_sum3A_116 = vector.multi_reduction <add>, %add3A_114, %reduce_sum3A_115 [1] : vector<1024x64xf32> to vector<1024xf32>
    %broadcast_in_dim3A_117 = vector.shape_cast %reduce_sum3A_116 : vector<1024xf32> to vector<1024x1xf32>
    %div3A_118 = arith.constant 6.400000e+01 : f32
    %div3A_119 = vector.broadcast %div3A_118 : f32 to vector<1024x1xf32>
    %div3A_120 = arith.divf %broadcast_in_dim3A_117, %div3A_119 : vector<1024x1xf32>
    %jit3A_121 = arith.constant 0 : i32
    %reduce_sum3A_122 = arith.constant dense<0.000000e+00> : vector<1024xf32>
    %reduce_sum3A_123 = vector.multi_reduction <add>, %add3A_114, %reduce_sum3A_122 [1] : vector<1024x64xf32> to vector<1024xf32>
    %broadcast_in_dim3A_124 = vector.shape_cast %reduce_sum3A_123 : vector<1024xf32> to vector<1024x1xf32>
    %div3A_125 = arith.constant 6.400000e+01 : f32
    %div3A_126 = vector.broadcast %div3A_125 : f32 to vector<1024x1xf32>
    %div3A_127 = arith.divf %broadcast_in_dim3A_124, %div3A_126 : vector<1024x1xf32>
    %sub3A_128 = vector.broadcast %div3A_127 : vector<1024x1xf32> to vector<1024x64xf32>
    %sub3A_129 = arith.subf %add3A_114, %sub3A_128 : vector<1024x64xf32>
    %square3A_130 = arith.mulf %sub3A_129, %sub3A_129 : vector<1024x64xf32>
    %convert_element_type3A_131 = arith.sitofp %jit3A_121 : i32 to f32
    %sub3A_132 = arith.constant 6.400000e+01 : f32
    %sub3A_133 = arith.subf %sub3A_132, %convert_element_type3A_131 : f32
    %reduce_sum3A_134 = arith.constant dense<0.000000e+00> : vector<1024xf32>
    %reduce_sum3A_135 = vector.multi_reduction <add>, %square3A_130, %reduce_sum3A_134 [1] : vector<1024x64xf32> to vector<1024xf32>
    %broadcast_in_dim3A_136 = vector.shape_cast %reduce_sum3A_135 : vector<1024xf32> to vector<1024x1xf32>
    %div3A_137 = vector.broadcast %sub3A_133 : f32 to vector<1024x1xf32>
    %div3A_138 = arith.divf %broadcast_in_dim3A_136, %div3A_137 : vector<1024x1xf32>
    %gt3A_139 = arith.constant 0.000000e+00 : f32
    %gt3A_140 = arith.cmpf ogt, %sub3A_133, %gt3A_139 : f32
    %jit3A_141 = arith.constant 0x7FC00000 : f32
    %broadcast_in_dim3A_142 = vector.broadcast %jit3A_141 : f32 to vector<1024x1xf32>
    %select_n3A_143 = arith.select %gt3A_140, %div3A_138, %broadcast_in_dim3A_142 : vector<1024x1xf32>
    %sub3A_144 = vector.broadcast %div3A_120 : vector<1024x1xf32> to vector<1024x64xf32>
    %sub3A_145 = arith.subf %add3A_114, %sub3A_144 : vector<1024x64xf32>
    %add3A_146 = arith.constant 9.99999974E-6 : f32
    %add3A_147 = vector.broadcast %add3A_146 : f32 to vector<1024x1xf32>
    %add3A_148 = arith.addf %select_n3A_143, %add3A_147 : vector<1024x1xf32>
    %sqrt3A_149 = math.sqrt %add3A_148 : vector<1024x1xf32>
    %div3A_150 = vector.broadcast %sqrt3A_149 : vector<1024x1xf32> to vector<1024x64xf32>
    %div3A_151 = arith.divf %sub3A_145, %div3A_150 : vector<1024x64xf32>
    %logistic3A_152 = arith.negf %div3A_151 : vector<1024x64xf32>
    %logistic3A_153 = math.exp %logistic3A_152 : vector<1024x64xf32>
    %logistic3A_154 = arith.constant 1.000000e+00 : f32
    %logistic3A_155 = vector.broadcast %logistic3A_154 : f32 to vector<1024x64xf32>
    %logistic3A_156 = arith.addf %logistic3A_155, %logistic3A_153 : vector<1024x64xf32>
    %logistic3A_157 = arith.divf %logistic3A_155, %logistic3A_156 : vector<1024x64xf32>
    %mul3A_158 = arith.mulf %div3A_151, %logistic3A_157 : vector<1024x64xf32>
    %get3A_159 = arith.constant 0 : index
    %get3A_160 = arith.constant 0 : index
    %get3A_161 = vector.load %arg9[%get3A_159, %get3A_160] : memref<64x8xf32, #tpu.memory_space<vmem>>, vector<64x8xf32>
    %dot_general3A_162 = arith.constant dense<0.000000e+00> : vector<1024x8xf32>
    %dot_general3A_163 = tpu.matmul %mul3A_158, %get3A_161, %dot_general3A_162 {dimension_numbers = #tpu.dot_dimension_numbers<[1], [0], [0], [1], [0, 0, 1, 1], [], []>, transpose_lhs_hint = false} : vector<1024x64xf32>, vector<64x8xf32>, vector<1024x8xf32> -> vector<1024x8xf32>
    %get3A_164 = arith.constant 0 : index
    %get3A_165 = arith.constant 0 : index
    %get3A_166 = vector.load %arg10[%get3A_164, %get3A_165] : memref<1x8xf32, #tpu.memory_space<vmem>>, vector<1x8xf32>
    %add3A_167 = vector.broadcast %get3A_166 : vector<1x8xf32> to vector<1024x8xf32>
    %add3A_168 = arith.addf %dot_general3A_163, %add3A_167 : vector<1024x8xf32>
    %broadcast_in_dim3A_169 = arith.constant 0.000000e+00 : f32
    %broadcast_in_dim3A_170 = vector.broadcast %broadcast_in_dim3A_169 : f32 to vector<1024x48xf32>
    %concatenate3A = tpu.concatenate %add3A_9, %add3A_168, %broadcast_in_dim3A_170 in 1 : vector<1024x72xf32>, vector<1024x8xf32>, vector<1024x48xf32> -> vector<1024x128xf32>
    %swap3A = arith.constant 0 : index
    %swap3A_171 = arith.constant 0 : index
    %swap3A_172 = vector.load %arg11[%swap3A, %swap3A_171] : memref<1024x128xf32, #tpu.memory_space<vmem>>, vector<1024x128xf32>
    tpu.vector_store %arg11[%swap3A, %swap3A_171], %concatenate3A {strides = array<i32>} : memref<1024x128xf32, #tpu.memory_space<vmem>>, vector<1024x128xf32>,
    %swap3A_173 = arith.constant 0 : index
    %swap3A_174 = arith.constant 0 : index
    %swap3A_175 = vector.load %arg12[%swap3A_173, %swap3A_174] : memref<1024x32xf32, #tpu.memory_space<vmem>>, vector<1024x32xf32>
    tpu.vector_store %arg12[%swap3A_173, %swap3A_174], %add3A_60 {strides = array<i32>} : memref<1024x32xf32, #tpu.memory_space<vmem>>, vector<1024x32xf32>,
    return
  }
  func.func @transform_0(%arg0: i32) -> (i32, i32, i32) {
    %c0_i32 = arith.constant 0 : i32
    %c0_i32_0 = arith.constant 0 : i32
    %c0_i32_1 = arith.constant 0 : i32
    return %c0_i32, %arg0, %c0_i32_0 : i32, i32, i32
  }
  func.func @transform_1(%arg0: i32) -> (i32, i32) {
    %c0_i32 = arith.constant 0 : i32
    %c0_i32_0 = arith.constant 0 : i32
    return %arg0, %c0_i32 : i32, i32
  }
  func.func @transform_2(%arg0: i32) -> (i32, i32) {
    %c0_i32 = arith.constant 0 : i32
    %c0_i32_0 = arith.constant 0 : i32
    return %arg0, %c0_i32 : i32, i32
  }
  func.func @transform_3(%arg0: i32) -> (i32, i32) {
    %c0_i32 = arith.constant 0 : i32
    %c0_i32_0 = arith.constant 0 : i32
    %c0_i32_1 = arith.constant 0 : i32
    return %c0_i32, %c0_i32_0 : i32, i32
  }
  func.func @transform_4(%arg0: i32) -> (i32, i32) {
    %c0_i32 = arith.constant 0 : i32
    %c0_i32_0 = arith.constant 0 : i32
    %c0_i32_1 = arith.constant 0 : i32
    return %c0_i32, %c0_i32_0 : i32, i32
  }
  func.func @transform_5(%arg0: i32) -> (i32, i32) {
    %c0_i32 = arith.constant 0 : i32
    %c0_i32_0 = arith.constant 0 : i32
    %c0_i32_1 = arith.constant 0 : i32
    return %c0_i32, %c0_i32_0 : i32, i32
  }
  func.func @transform_6(%arg0: i32) -> (i32, i32) {
    %c0_i32 = arith.constant 0 : i32
    %c0_i32_0 = arith.constant 0 : i32
    %c0_i32_1 = arith.constant 0 : i32
    return %c0_i32, %c0_i32_0 : i32, i32
  }
  func.func @transform_7(%arg0: i32) -> (i32, i32) {
    %c0_i32 = arith.constant 0 : i32
    %c0_i32_0 = arith.constant 0 : i32
    %c0_i32_1 = arith.constant 0 : i32
    return %c0_i32, %c0_i32_0 : i32, i32
  }
  func.func @transform_8(%arg0: i32) -> (i32, i32) {
    %c0_i32 = arith.constant 0 : i32
    %c0_i32_0 = arith.constant 0 : i32
    %c0_i32_1 = arith.constant 0 : i32
    return %c0_i32, %c0_i32_0 : i32, i32
  }
  func.func @transform_9(%arg0: i32) -> (i32, i32) {
    %c0_i32 = arith.constant 0 : i32
    %c0_i32_0 = arith.constant 0 : i32
    %c0_i32_1 = arith.constant 0 : i32
    return %c0_i32, %c0_i32_0 : i32, i32
  }
  func.func @transform_10(%arg0: i32) -> (i32, i32) {
    %c0_i32 = arith.constant 0 : i32
    %c0_i32_0 = arith.constant 0 : i32
    return %arg0, %c0_i32 : i32, i32
  }
  func.func @transform_11(%arg0: i32) -> (i32, i32) {
    %c0_i32 = arith.constant 0 : i32
    %c0_i32_0 = arith.constant 0 : i32
    return %arg0, %c0_i32 : i32, i32
  }
}

module attributes {stable_mosaic.version = 14 : i64} {
  func.func @body(%arg0: i32, %arg1: memref<2048x128xf32, #tpu.memory_space<vmem>>, %arg2: memref<2048x128xf32, #tpu.memory_space<vmem>>, %arg3: memref<2048x16xf32, #tpu.memory_space<vmem>>, %arg4: memref<2048x128xf32, #tpu.memory_space<vmem>>) attributes {dimension_semantics = [#tpu.dimension_semantics<arbitrary>], iteration_bounds = array<i64: 80>, scalar_prefetch = 0 : i64, scratch_operands = 0 : i64, tpu.core_type = #tpu.core_type<tc>, window_params = [{transform_indices = @transform_0, window_bounds = array<i64: 2048, 128>}, {transform_indices = @transform_1, window_bounds = array<i64: 2048, 128>}, {transform_indices = @transform_2, window_bounds = array<i64: 2048, 16>}, {transform_indices = @transform_3, window_bounds = array<i64: 2048, 128>}]} {
    %get3A = arith.constant 0 : index
    %get3A_0 = arith.constant 0 : index
    %get3A_1 = vector.load %arg1[%get3A, %get3A_0] : memref<2048x128xf32, #tpu.memory_space<vmem>>, vector<2048x128xf32>
    %get3A_2 = arith.constant 0 : index
    %get3A_3 = arith.constant 0 : index
    %get3A_4 = vector.load %arg2[%get3A_2, %get3A_3] : memref<2048x128xf32, #tpu.memory_space<vmem>>, vector<2048x128xf32>
    %get3A_5 = arith.constant 0 : index
    %get3A_6 = arith.constant 0 : index
    %get3A_7 = vector.load %arg3[%get3A_5, %get3A_6] : memref<2048x16xf32, #tpu.memory_space<vmem>>, vector<2048x16xf32>
    %slice3A = vector.extract_strided_slice %get3A_1 {offsets = [0, 72], sizes = [2048, 8], strides = [1, 1]} : vector<2048x128xf32> to vector<2048x8xf32>
    %slice3A_8 = vector.extract_strided_slice %get3A_7 {offsets = [0, 0], sizes = [2048, 8], strides = [1, 1]} : vector<2048x16xf32> to vector<2048x8xf32>
    %mul3A = arith.mulf %slice3A, %slice3A_8 : vector<2048x8xf32>
    %slice3A_9 = vector.extract_strided_slice %get3A_7 {offsets = [0, 8], sizes = [2048, 1], strides = [1, 1]} : vector<2048x16xf32> to vector<2048x1xf32>
    %iota3A = tpu.iota {dimensions = array<i32: 1>} : vector<8x128xi32>
    %iota3A_10 = tpu.iota {dimensions = array<i32: 0>} : vector<8x128xi32>
    %jit3A = arith.constant 8 : i32
    %eq3A = arith.constant 0 : i32
    %eq3A_11 = arith.cmpi eq, %jit3A, %eq3A : i32
    %jit3A_12 = arith.constant 1 : i32
    %select_n3A = arith.select %eq3A_11, %jit3A_12, %jit3A : i32
    %rem3A = vector.broadcast %select_n3A : i32 to vector<8x128xi32>
    %rem3A_13 = arith.remsi %iota3A, %rem3A : vector<8x128xi32>
    %ne3A = arith.constant 0 : i32
    %ne3A_14 = vector.broadcast %ne3A : i32 to vector<8x128xi32>
    %ne3A_15 = arith.cmpi ne, %rem3A_13, %ne3A_14 : vector<8x128xi32>
    %lt3A = arith.constant 0 : i32
    %lt3A_16 = vector.broadcast %lt3A : i32 to vector<8x128xi32>
    %lt3A_17 = arith.cmpi slt, %rem3A_13, %lt3A_16 : vector<8x128xi32>
    %lt3A_18 = arith.constant 0 : i32
    %lt3A_19 = arith.cmpi slt, %select_n3A, %lt3A_18 : i32
    %ne3A_20 = vector.broadcast %lt3A_19 : i1 to vector<8x128xi1>
    %ne3A_21 = vector.broadcast %ne3A_20 : vector<8x128xi1> to vector<8x128xi1>
    %ne3A_22 = arith.xori %lt3A_17, %ne3A_21 : vector<8x128xi1>
    %and3A = arith.andi %ne3A_22, %ne3A_15 : vector<8x128xi1>
    %add3A = vector.broadcast %select_n3A : i32 to vector<8x128xi32>
    %add3A_23 = arith.addi %rem3A_13, %add3A : vector<8x128xi32>
    %select_n3A_24 = arith.select %and3A, %add3A_23, %rem3A_13 : vector<8x128xi1>, vector<8x128xi32>
    %eq3A_25 = arith.cmpi eq, %select_n3A_24, %iota3A_10 : vector<8x128xi32>
    %lt3A_26 = arith.constant 72 : i32
    %lt3A_27 = vector.broadcast %lt3A_26 : i32 to vector<8x128xi32>
    %lt3A_28 = arith.cmpi slt, %iota3A, %lt3A_27 : vector<8x128xi32>
    %and3A_29 = arith.andi %eq3A_25, %lt3A_28 : vector<8x128xi1>
    %convert_element_type3A = arith.extui %and3A_29 : vector<8x128xi1> to vector<8x128xi32>
    %convert_element_type3A_30 = arith.sitofp %convert_element_type3A : vector<8x128xi32> to vector<8x128xf32>
    %dot_general3A = arith.constant dense<0.000000e+00> : vector<2048x128xf32>
    %dot_general3A_31 = tpu.matmul %mul3A, %convert_element_type3A_30, %dot_general3A {dimension_numbers = #tpu.dot_dimension_numbers<[1], [0], [0], [1], [0, 0, 1, 1], [], []>, transpose_lhs_hint = false} : vector<2048x8xf32>, vector<8x128xf32>, vector<2048x128xf32> -> vector<2048x128xf32>
    %mul3A_32 = arith.mulf %dot_general3A_31, %get3A_4 : vector<2048x128xf32>
    %iota3A_33 = tpu.iota {dimensions = array<i32: 1>} : vector<1x128xi32>
    %lt3A_34 = arith.constant 72 : i32
    %lt3A_35 = vector.broadcast %lt3A_34 : i32 to vector<1x128xi32>
    %lt3A_36 = arith.cmpi slt, %iota3A_33, %lt3A_35 : vector<1x128xi32>
    %convert_element_type3A_37 = arith.extui %lt3A_36 : vector<1x128xi1> to vector<1x128xi32>
    %convert_element_type3A_38 = arith.sitofp %convert_element_type3A_37 : vector<1x128xi32> to vector<1x128xf32>
    %mul3A_39 = vector.broadcast %convert_element_type3A_38 : vector<1x128xf32> to vector<2048x128xf32>
    %mul3A_40 = arith.mulf %get3A_1, %mul3A_39 : vector<2048x128xf32>
    %mul3A_41 = vector.broadcast %slice3A_9 : vector<2048x1xf32> to vector<2048x128xf32>
    %mul3A_42 = arith.mulf %mul3A_41, %mul3A_40 : vector<2048x128xf32>
    %add3A_43 = arith.addf %mul3A_32, %mul3A_42 : vector<2048x128xf32>
    %swap3A = arith.constant 0 : index
    %swap3A_44 = arith.constant 0 : index
    %swap3A_45 = vector.load %arg4[%swap3A, %swap3A_44] : memref<2048x128xf32, #tpu.memory_space<vmem>>, vector<2048x128xf32>
    tpu.vector_store %arg4[%swap3A, %swap3A_44], %add3A_43 {strides = array<i32>} : memref<2048x128xf32, #tpu.memory_space<vmem>>, vector<2048x128xf32>,
    return
  }
  func.func @transform_0(%arg0: i32) -> (i32, i32) {
    %c0_i32 = arith.constant 0 : i32
    %c0_i32_0 = arith.constant 0 : i32
    return %arg0, %c0_i32 : i32, i32
  }
  func.func @transform_1(%arg0: i32) -> (i32, i32) {
    %c0_i32 = arith.constant 0 : i32
    %c0_i32_0 = arith.constant 0 : i32
    return %arg0, %c0_i32 : i32, i32
  }
  func.func @transform_2(%arg0: i32) -> (i32, i32) {
    %c0_i32 = arith.constant 0 : i32
    %c0_i32_0 = arith.constant 0 : i32
    return %arg0, %c0_i32 : i32, i32
  }
  func.func @transform_3(%arg0: i32) -> (i32, i32) {
    %c0_i32 = arith.constant 0 : i32
    %c0_i32_0 = arith.constant 0 : i32
    return %arg0, %c0_i32 : i32, i32
  }
}

module attributes {stable_mosaic.version = 14 : i64} {
  func.func @body(%arg0: i32, %arg1: memref<2x1024x128xf32, #tpu.memory_space<vmem>>, %arg2: memref<1024x128xf32, #tpu.memory_space<vmem>>, %arg3: memref<1024x32xf32, #tpu.memory_space<vmem>>, %arg4: memref<8x32xf32, #tpu.memory_space<vmem>>, %arg5: memref<32x64xf32, #tpu.memory_space<vmem>>, %arg6: memref<1x64xf32, #tpu.memory_space<vmem>>, %arg7: memref<64x64xf32, #tpu.memory_space<vmem>>, %arg8: memref<1x64xf32, #tpu.memory_space<vmem>>, %arg9: memref<64x1xf32, #tpu.memory_space<vmem>>, %arg10: memref<1x1xf32, #tpu.memory_space<vmem>>, %arg11: memref<1024x1xf32, #tpu.memory_space<vmem>>, %arg12: memref<1x1xf32, #tpu.memory_space<vmem>>) attributes {dimension_semantics = [#tpu.dimension_semantics<arbitrary>], iteration_bounds = array<i64: 10>, scalar_prefetch = 0 : i64, scratch_operands = 0 : i64, tpu.core_type = #tpu.core_type<tc>, window_params = [{transform_indices = @transform_0, window_bounds = array<i64: 2, 1024, 128>}, {transform_indices = @transform_1, window_bounds = array<i64: 1024, 128>}, {transform_indices = @transform_2, window_bounds = array<i64: 1024, 32>}, {pipeline_mode = #tpu.pipeline_mode<synchronous>, transform_indices = @transform_3, window_bounds = array<i64: 8, 32>}, {pipeline_mode = #tpu.pipeline_mode<synchronous>, transform_indices = @transform_4, window_bounds = array<i64: 32, 64>}, {pipeline_mode = #tpu.pipeline_mode<synchronous>, transform_indices = @transform_5, window_bounds = array<i64: 1, 64>}, {pipeline_mode = #tpu.pipeline_mode<synchronous>, transform_indices = @transform_6, window_bounds = array<i64: 64, 64>}, {pipeline_mode = #tpu.pipeline_mode<synchronous>, transform_indices = @transform_7, window_bounds = array<i64: 1, 64>}, {pipeline_mode = #tpu.pipeline_mode<synchronous>, transform_indices = @transform_8, window_bounds = array<i64: 64, 1>}, {pipeline_mode = #tpu.pipeline_mode<synchronous>, transform_indices = @transform_9, window_bounds = array<i64: 1, 1>}, {transform_indices = @transform_10, window_bounds = array<i64: 1024, 1>}, {pipeline_mode = #tpu.pipeline_mode<synchronous>, transform_indices = @transform_11, window_bounds = array<i64: 1, 1>}]} {
    %get3A = arith.constant 0 : index
    %get3A_0 = arith.constant 0 : index
    %get3A_1 = arith.constant 0 : index
    %get3A_2 = vector.load %arg1[%get3A, %get3A_0, %get3A_1] : memref<2x1024x128xf32, #tpu.memory_space<vmem>>, vector<2x1024x128xf32>
    %get3A_3 = arith.constant 0 : index
    %get3A_4 = arith.constant 0 : index
    %get3A_5 = vector.load %arg2[%get3A_3, %get3A_4] : memref<1024x128xf32, #tpu.memory_space<vmem>>, vector<1024x128xf32>
    %slice3A = vector.extract_strided_slice %get3A_5 {offsets = [0, 0], sizes = [1024, 72], strides = [1, 1]} : vector<1024x128xf32> to vector<1024x72xf32>
    %slice3A_6 = vector.extract_strided_slice %get3A_2 {offsets = [0, 0, 0], sizes = [1, 1024, 72], strides = [1, 1, 1]} : vector<2x1024x128xf32> to vector<1x1024x72xf32>
    %squeeze3A = vector.shape_cast %slice3A_6 : vector<1x1024x72xf32> to vector<1024x72xf32>
    %add3A = arith.addf %slice3A, %squeeze3A : vector<1024x72xf32>
    %slice3A_7 = vector.extract_strided_slice %get3A_2 {offsets = [1, 0, 0], sizes = [1, 1024, 72], strides = [1, 1, 1]} : vector<2x1024x128xf32> to vector<1x1024x72xf32>
    %squeeze3A_8 = vector.shape_cast %slice3A_7 : vector<1x1024x72xf32> to vector<1024x72xf32>
    %add3A_9 = arith.addf %add3A, %squeeze3A_8 : vector<1024x72xf32>
    %get3A_10 = arith.constant 0 : index
    %get3A_11 = arith.constant 0 : index
    %get3A_12 = vector.load %arg4[%get3A_10, %get3A_11] : memref<8x32xf32, #tpu.memory_space<vmem>>, vector<8x32xf32>
    %broadcast_in_dim3A = arith.constant 0.000000e+00 : f32
    %broadcast_in_dim3A_13 = vector.broadcast %broadcast_in_dim3A : f32 to vector<1024x32xf32>
    %slice3A_14 = vector.extract_strided_slice %add3A_9 {offsets = [0, 0], sizes = [1024, 8], strides = [1, 1]} : vector<1024x72xf32> to vector<1024x8xf32>
    %dot_general3A = arith.constant dense<0.000000e+00> : vector<1024x32xf32>
    %dot_general3A_15 = tpu.matmul %slice3A_14, %get3A_12, %dot_general3A {dimension_numbers = #tpu.dot_dimension_numbers<[1], [0], [0], [1], [0, 0, 1, 1], [], []>, transpose_lhs_hint = false} : vector<1024x8xf32>, vector<8x32xf32>, vector<1024x32xf32> -> vector<1024x32xf32>
    %mul3A = arith.mulf %dot_general3A_15, %dot_general3A_15 : vector<1024x32xf32>
    %add3A_16 = arith.addf %broadcast_in_dim3A_13, %mul3A : vector<1024x32xf32>
    %slice3A_17 = vector.extract_strided_slice %add3A_9 {offsets = [0, 8], sizes = [1024, 8], strides = [1, 1]} : vector<1024x72xf32> to vector<1024x8xf32>
    %dot_general3A_18 = arith.constant dense<0.000000e+00> : vector<1024x32xf32>
    %dot_general3A_19 = tpu.matmul %slice3A_17, %get3A_12, %dot_general3A_18 {dimension_numbers = #tpu.dot_dimension_numbers<[1], [0], [0], [1], [0, 0, 1, 1], [], []>, transpose_lhs_hint = false} : vector<1024x8xf32>, vector<8x32xf32>, vector<1024x32xf32> -> vector<1024x32xf32>
    %mul3A_20 = arith.mulf %dot_general3A_19, %dot_general3A_19 : vector<1024x32xf32>
    %add3A_21 = arith.addf %add3A_16, %mul3A_20 : vector<1024x32xf32>
    %slice3A_22 = vector.extract_strided_slice %add3A_9 {offsets = [0, 16], sizes = [1024, 8], strides = [1, 1]} : vector<1024x72xf32> to vector<1024x8xf32>
    %dot_general3A_23 = arith.constant dense<0.000000e+00> : vector<1024x32xf32>
    %dot_general3A_24 = tpu.matmul %slice3A_22, %get3A_12, %dot_general3A_23 {dimension_numbers = #tpu.dot_dimension_numbers<[1], [0], [0], [1], [0, 0, 1, 1], [], []>, transpose_lhs_hint = false} : vector<1024x8xf32>, vector<8x32xf32>, vector<1024x32xf32> -> vector<1024x32xf32>
    %mul3A_25 = arith.mulf %dot_general3A_24, %dot_general3A_24 : vector<1024x32xf32>
    %add3A_26 = arith.addf %add3A_21, %mul3A_25 : vector<1024x32xf32>
    %slice3A_27 = vector.extract_strided_slice %add3A_9 {offsets = [0, 24], sizes = [1024, 8], strides = [1, 1]} : vector<1024x72xf32> to vector<1024x8xf32>
    %dot_general3A_28 = arith.constant dense<0.000000e+00> : vector<1024x32xf32>
    %dot_general3A_29 = tpu.matmul %slice3A_27, %get3A_12, %dot_general3A_28 {dimension_numbers = #tpu.dot_dimension_numbers<[1], [0], [0], [1], [0, 0, 1, 1], [], []>, transpose_lhs_hint = false} : vector<1024x8xf32>, vector<8x32xf32>, vector<1024x32xf32> -> vector<1024x32xf32>
    %mul3A_30 = arith.mulf %dot_general3A_29, %dot_general3A_29 : vector<1024x32xf32>
    %add3A_31 = arith.addf %add3A_26, %mul3A_30 : vector<1024x32xf32>
    %slice3A_32 = vector.extract_strided_slice %add3A_9 {offsets = [0, 32], sizes = [1024, 8], strides = [1, 1]} : vector<1024x72xf32> to vector<1024x8xf32>
    %dot_general3A_33 = arith.constant dense<0.000000e+00> : vector<1024x32xf32>
    %dot_general3A_34 = tpu.matmul %slice3A_32, %get3A_12, %dot_general3A_33 {dimension_numbers = #tpu.dot_dimension_numbers<[1], [0], [0], [1], [0, 0, 1, 1], [], []>, transpose_lhs_hint = false} : vector<1024x8xf32>, vector<8x32xf32>, vector<1024x32xf32> -> vector<1024x32xf32>
    %mul3A_35 = arith.mulf %dot_general3A_34, %dot_general3A_34 : vector<1024x32xf32>
    %add3A_36 = arith.addf %add3A_31, %mul3A_35 : vector<1024x32xf32>
    %slice3A_37 = vector.extract_strided_slice %add3A_9 {offsets = [0, 40], sizes = [1024, 8], strides = [1, 1]} : vector<1024x72xf32> to vector<1024x8xf32>
    %dot_general3A_38 = arith.constant dense<0.000000e+00> : vector<1024x32xf32>
    %dot_general3A_39 = tpu.matmul %slice3A_37, %get3A_12, %dot_general3A_38 {dimension_numbers = #tpu.dot_dimension_numbers<[1], [0], [0], [1], [0, 0, 1, 1], [], []>, transpose_lhs_hint = false} : vector<1024x8xf32>, vector<8x32xf32>, vector<1024x32xf32> -> vector<1024x32xf32>
    %mul3A_40 = arith.mulf %dot_general3A_39, %dot_general3A_39 : vector<1024x32xf32>
    %add3A_41 = arith.addf %add3A_36, %mul3A_40 : vector<1024x32xf32>
    %slice3A_42 = vector.extract_strided_slice %add3A_9 {offsets = [0, 48], sizes = [1024, 8], strides = [1, 1]} : vector<1024x72xf32> to vector<1024x8xf32>
    %dot_general3A_43 = arith.constant dense<0.000000e+00> : vector<1024x32xf32>
    %dot_general3A_44 = tpu.matmul %slice3A_42, %get3A_12, %dot_general3A_43 {dimension_numbers = #tpu.dot_dimension_numbers<[1], [0], [0], [1], [0, 0, 1, 1], [], []>, transpose_lhs_hint = false} : vector<1024x8xf32>, vector<8x32xf32>, vector<1024x32xf32> -> vector<1024x32xf32>
    %mul3A_45 = arith.mulf %dot_general3A_44, %dot_general3A_44 : vector<1024x32xf32>
    %add3A_46 = arith.addf %add3A_41, %mul3A_45 : vector<1024x32xf32>
    %slice3A_47 = vector.extract_strided_slice %add3A_9 {offsets = [0, 56], sizes = [1024, 8], strides = [1, 1]} : vector<1024x72xf32> to vector<1024x8xf32>
    %dot_general3A_48 = arith.constant dense<0.000000e+00> : vector<1024x32xf32>
    %dot_general3A_49 = tpu.matmul %slice3A_47, %get3A_12, %dot_general3A_48 {dimension_numbers = #tpu.dot_dimension_numbers<[1], [0], [0], [1], [0, 0, 1, 1], [], []>, transpose_lhs_hint = false} : vector<1024x8xf32>, vector<8x32xf32>, vector<1024x32xf32> -> vector<1024x32xf32>
    %mul3A_50 = arith.mulf %dot_general3A_49, %dot_general3A_49 : vector<1024x32xf32>
    %add3A_51 = arith.addf %add3A_46, %mul3A_50 : vector<1024x32xf32>
    %slice3A_52 = vector.extract_strided_slice %add3A_9 {offsets = [0, 64], sizes = [1024, 8], strides = [1, 1]} : vector<1024x72xf32> to vector<1024x8xf32>
    %dot_general3A_53 = arith.constant dense<0.000000e+00> : vector<1024x32xf32>
    %dot_general3A_54 = tpu.matmul %slice3A_52, %get3A_12, %dot_general3A_53 {dimension_numbers = #tpu.dot_dimension_numbers<[1], [0], [0], [1], [0, 0, 1, 1], [], []>, transpose_lhs_hint = false} : vector<1024x8xf32>, vector<8x32xf32>, vector<1024x32xf32> -> vector<1024x32xf32>
    %mul3A_55 = arith.mulf %dot_general3A_54, %dot_general3A_54 : vector<1024x32xf32>
    %add3A_56 = arith.addf %add3A_51, %mul3A_55 : vector<1024x32xf32>
    %get3A_57 = arith.constant 0 : index
    %get3A_58 = arith.constant 0 : index
    %get3A_59 = vector.load %arg3[%get3A_57, %get3A_58] : memref<1024x32xf32, #tpu.memory_space<vmem>>, vector<1024x32xf32>
    %add3A_60 = arith.addf %get3A_59, %add3A_56 : vector<1024x32xf32>
    %get3A_61 = arith.constant 0 : index
    %get3A_62 = arith.constant 0 : index
    %get3A_63 = vector.load %arg5[%get3A_61, %get3A_62] : memref<32x64xf32, #tpu.memory_space<vmem>>, vector<32x64xf32>
    %dot_general3A_64 = arith.constant dense<0.000000e+00> : vector<1024x64xf32>
    %dot_general3A_65 = tpu.matmul %add3A_60, %get3A_63, %dot_general3A_64 {dimension_numbers = #tpu.dot_dimension_numbers<[1], [0], [0], [1], [0, 0, 1, 1], [], []>, transpose_lhs_hint = false} : vector<1024x32xf32>, vector<32x64xf32>, vector<1024x64xf32> -> vector<1024x64xf32>
    %get3A_66 = arith.constant 0 : index
    %get3A_67 = arith.constant 0 : index
    %get3A_68 = vector.load %arg6[%get3A_66, %get3A_67] : memref<1x64xf32, #tpu.memory_space<vmem>>, vector<1x64xf32>
    %add3A_69 = vector.broadcast %get3A_68 : vector<1x64xf32> to vector<1024x64xf32>
    %add3A_70 = arith.addf %dot_general3A_65, %add3A_69 : vector<1024x64xf32>
    %reduce_sum3A = arith.constant dense<0.000000e+00> : vector<1024xf32>
    %reduce_sum3A_71 = vector.multi_reduction <add>, %add3A_70, %reduce_sum3A [1] : vector<1024x64xf32> to vector<1024xf32>
    %broadcast_in_dim3A_72 = vector.shape_cast %reduce_sum3A_71 : vector<1024xf32> to vector<1024x1xf32>
    %div3A = arith.constant 6.400000e+01 : f32
    %div3A_73 = vector.broadcast %div3A : f32 to vector<1024x1xf32>
    %div3A_74 = arith.divf %broadcast_in_dim3A_72, %div3A_73 : vector<1024x1xf32>
    %jit3A = arith.constant 0 : i32
    %reduce_sum3A_75 = arith.constant dense<0.000000e+00> : vector<1024xf32>
    %reduce_sum3A_76 = vector.multi_reduction <add>, %add3A_70, %reduce_sum3A_75 [1] : vector<1024x64xf32> to vector<1024xf32>
    %broadcast_in_dim3A_77 = vector.shape_cast %reduce_sum3A_76 : vector<1024xf32> to vector<1024x1xf32>
    %div3A_78 = arith.constant 6.400000e+01 : f32
    %div3A_79 = vector.broadcast %div3A_78 : f32 to vector<1024x1xf32>
    %div3A_80 = arith.divf %broadcast_in_dim3A_77, %div3A_79 : vector<1024x1xf32>
    %sub3A = vector.broadcast %div3A_80 : vector<1024x1xf32> to vector<1024x64xf32>
    %sub3A_81 = arith.subf %add3A_70, %sub3A : vector<1024x64xf32>
    %square3A = arith.mulf %sub3A_81, %sub3A_81 : vector<1024x64xf32>
    %convert_element_type3A = arith.sitofp %jit3A : i32 to f32
    %sub3A_82 = arith.constant 6.400000e+01 : f32
    %sub3A_83 = arith.subf %sub3A_82, %convert_element_type3A : f32
    %reduce_sum3A_84 = arith.constant dense<0.000000e+00> : vector<1024xf32>
    %reduce_sum3A_85 = vector.multi_reduction <add>, %square3A, %reduce_sum3A_84 [1] : vector<1024x64xf32> to vector<1024xf32>
    %broadcast_in_dim3A_86 = vector.shape_cast %reduce_sum3A_85 : vector<1024xf32> to vector<1024x1xf32>
    %div3A_87 = vector.broadcast %sub3A_83 : f32 to vector<1024x1xf32>
    %div3A_88 = arith.divf %broadcast_in_dim3A_86, %div3A_87 : vector<1024x1xf32>
    %gt3A = arith.constant 0.000000e+00 : f32
    %gt3A_89 = arith.cmpf ogt, %sub3A_83, %gt3A : f32
    %jit3A_90 = arith.constant 0x7FC00000 : f32
    %broadcast_in_dim3A_91 = vector.broadcast %jit3A_90 : f32 to vector<1024x1xf32>
    %select_n3A = arith.select %gt3A_89, %div3A_88, %broadcast_in_dim3A_91 : vector<1024x1xf32>
    %sub3A_92 = vector.broadcast %div3A_74 : vector<1024x1xf32> to vector<1024x64xf32>
    %sub3A_93 = arith.subf %add3A_70, %sub3A_92 : vector<1024x64xf32>
    %add3A_94 = arith.constant 9.99999974E-6 : f32
    %add3A_95 = vector.broadcast %add3A_94 : f32 to vector<1024x1xf32>
    %add3A_96 = arith.addf %select_n3A, %add3A_95 : vector<1024x1xf32>
    %sqrt3A = math.sqrt %add3A_96 : vector<1024x1xf32>
    %div3A_97 = vector.broadcast %sqrt3A : vector<1024x1xf32> to vector<1024x64xf32>
    %div3A_98 = arith.divf %sub3A_93, %div3A_97 : vector<1024x64xf32>
    %logistic3A = arith.negf %div3A_98 : vector<1024x64xf32>
    %logistic3A_99 = math.exp %logistic3A : vector<1024x64xf32>
    %logistic3A_100 = arith.constant 1.000000e+00 : f32
    %logistic3A_101 = vector.broadcast %logistic3A_100 : f32 to vector<1024x64xf32>
    %logistic3A_102 = arith.addf %logistic3A_101, %logistic3A_99 : vector<1024x64xf32>
    %logistic3A_103 = arith.divf %logistic3A_101, %logistic3A_102 : vector<1024x64xf32>
    %mul3A_104 = arith.mulf %div3A_98, %logistic3A_103 : vector<1024x64xf32>
    %get3A_105 = arith.constant 0 : index
    %get3A_106 = arith.constant 0 : index
    %get3A_107 = vector.load %arg7[%get3A_105, %get3A_106] : memref<64x64xf32, #tpu.memory_space<vmem>>, vector<64x64xf32>
    %dot_general3A_108 = arith.constant dense<0.000000e+00> : vector<1024x64xf32>
    %dot_general3A_109 = tpu.matmul %mul3A_104, %get3A_107, %dot_general3A_108 {dimension_numbers = #tpu.dot_dimension_numbers<[1], [0], [0], [1], [0, 0, 1, 1], [], []>, transpose_lhs_hint = false} : vector<1024x64xf32>, vector<64x64xf32>, vector<1024x64xf32> -> vector<1024x64xf32>
    %get3A_110 = arith.constant 0 : index
    %get3A_111 = arith.constant 0 : index
    %get3A_112 = vector.load %arg8[%get3A_110, %get3A_111] : memref<1x64xf32, #tpu.memory_space<vmem>>, vector<1x64xf32>
    %add3A_113 = vector.broadcast %get3A_112 : vector<1x64xf32> to vector<1024x64xf32>
    %add3A_114 = arith.addf %dot_general3A_109, %add3A_113 : vector<1024x64xf32>
    %reduce_sum3A_115 = arith.constant dense<0.000000e+00> : vector<1024xf32>
    %reduce_sum3A_116 = vector.multi_reduction <add>, %add3A_114, %reduce_sum3A_115 [1] : vector<1024x64xf32> to vector<1024xf32>
    %broadcast_in_dim3A_117 = vector.shape_cast %reduce_sum3A_116 : vector<1024xf32> to vector<1024x1xf32>
    %div3A_118 = arith.constant 6.400000e+01 : f32
    %div3A_119 = vector.broadcast %div3A_118 : f32 to vector<1024x1xf32>
    %div3A_120 = arith.divf %broadcast_in_dim3A_117, %div3A_119 : vector<1024x1xf32>
    %jit3A_121 = arith.constant 0 : i32
    %reduce_sum3A_122 = arith.constant dense<0.000000e+00> : vector<1024xf32>
    %reduce_sum3A_123 = vector.multi_reduction <add>, %add3A_114, %reduce_sum3A_122 [1] : vector<1024x64xf32> to vector<1024xf32>
    %broadcast_in_dim3A_124 = vector.shape_cast %reduce_sum3A_123 : vector<1024xf32> to vector<1024x1xf32>
    %div3A_125 = arith.constant 6.400000e+01 : f32
    %div3A_126 = vector.broadcast %div3A_125 : f32 to vector<1024x1xf32>
    %div3A_127 = arith.divf %broadcast_in_dim3A_124, %div3A_126 : vector<1024x1xf32>
    %sub3A_128 = vector.broadcast %div3A_127 : vector<1024x1xf32> to vector<1024x64xf32>
    %sub3A_129 = arith.subf %add3A_114, %sub3A_128 : vector<1024x64xf32>
    %square3A_130 = arith.mulf %sub3A_129, %sub3A_129 : vector<1024x64xf32>
    %convert_element_type3A_131 = arith.sitofp %jit3A_121 : i32 to f32
    %sub3A_132 = arith.constant 6.400000e+01 : f32
    %sub3A_133 = arith.subf %sub3A_132, %convert_element_type3A_131 : f32
    %reduce_sum3A_134 = arith.constant dense<0.000000e+00> : vector<1024xf32>
    %reduce_sum3A_135 = vector.multi_reduction <add>, %square3A_130, %reduce_sum3A_134 [1] : vector<1024x64xf32> to vector<1024xf32>
    %broadcast_in_dim3A_136 = vector.shape_cast %reduce_sum3A_135 : vector<1024xf32> to vector<1024x1xf32>
    %div3A_137 = vector.broadcast %sub3A_133 : f32 to vector<1024x1xf32>
    %div3A_138 = arith.divf %broadcast_in_dim3A_136, %div3A_137 : vector<1024x1xf32>
    %gt3A_139 = arith.constant 0.000000e+00 : f32
    %gt3A_140 = arith.cmpf ogt, %sub3A_133, %gt3A_139 : f32
    %jit3A_141 = arith.constant 0x7FC00000 : f32
    %broadcast_in_dim3A_142 = vector.broadcast %jit3A_141 : f32 to vector<1024x1xf32>
    %select_n3A_143 = arith.select %gt3A_140, %div3A_138, %broadcast_in_dim3A_142 : vector<1024x1xf32>
    %sub3A_144 = vector.broadcast %div3A_120 : vector<1024x1xf32> to vector<1024x64xf32>
    %sub3A_145 = arith.subf %add3A_114, %sub3A_144 : vector<1024x64xf32>
    %add3A_146 = arith.constant 9.99999974E-6 : f32
    %add3A_147 = vector.broadcast %add3A_146 : f32 to vector<1024x1xf32>
    %add3A_148 = arith.addf %select_n3A_143, %add3A_147 : vector<1024x1xf32>
    %sqrt3A_149 = math.sqrt %add3A_148 : vector<1024x1xf32>
    %div3A_150 = vector.broadcast %sqrt3A_149 : vector<1024x1xf32> to vector<1024x64xf32>
    %div3A_151 = arith.divf %sub3A_145, %div3A_150 : vector<1024x64xf32>
    %logistic3A_152 = arith.negf %div3A_151 : vector<1024x64xf32>
    %logistic3A_153 = math.exp %logistic3A_152 : vector<1024x64xf32>
    %logistic3A_154 = arith.constant 1.000000e+00 : f32
    %logistic3A_155 = vector.broadcast %logistic3A_154 : f32 to vector<1024x64xf32>
    %logistic3A_156 = arith.addf %logistic3A_155, %logistic3A_153 : vector<1024x64xf32>
    %logistic3A_157 = arith.divf %logistic3A_155, %logistic3A_156 : vector<1024x64xf32>
    %mul3A_158 = arith.mulf %div3A_151, %logistic3A_157 : vector<1024x64xf32>
    %get3A_159 = arith.constant 0 : index
    %get3A_160 = arith.constant 0 : index
    %get3A_161 = vector.load %arg9[%get3A_159, %get3A_160] : memref<64x1xf32, #tpu.memory_space<vmem>>, vector<64x1xf32>
    %dot_general3A_162 = arith.constant dense<0.000000e+00> : vector<1024x1xf32>
    %dot_general3A_163 = tpu.matmul %mul3A_158, %get3A_161, %dot_general3A_162 {dimension_numbers = #tpu.dot_dimension_numbers<[1], [0], [0], [1], [0, 0, 1, 1], [], []>, transpose_lhs_hint = false} : vector<1024x64xf32>, vector<64x1xf32>, vector<1024x1xf32> -> vector<1024x1xf32>
    %get3A_164 = arith.constant 0 : index
    %get3A_165 = arith.constant 0 : index
    %get3A_166 = vector.load %arg10[%get3A_164, %get3A_165] : memref<1x1xf32, #tpu.memory_space<vmem>>, vector<1x1xf32>
    %add3A_167 = vector.broadcast %get3A_166 : vector<1x1xf32> to vector<1024x1xf32>
    %add3A_168 = arith.addf %dot_general3A_163, %add3A_167 : vector<1024x1xf32>
    %get3A_169 = arith.constant 0 : index
    %get3A_170 = arith.constant 0 : index
    %get3A_171 = vector.load %arg11[%get3A_169, %get3A_170] : memref<1024x1xf32, #tpu.memory_space<vmem>>, vector<1024x1xf32>
    %mul3A_172 = arith.mulf %add3A_168, %get3A_171 : vector<1024x1xf32>
    %reduce_sum3A_173 = vector.shape_cast %mul3A_172 : vector<1024x1xf32> to vector<1x1024x1xf32>
    %reduce_sum3A_174 = arith.constant dense<0.000000e+00> : vector<1xf32>
    %reduce_sum3A_175 = vector.multi_reduction <add>, %reduce_sum3A_173, %reduce_sum3A_174 [1, 2] : vector<1x1024x1xf32> to vector<1xf32>
    %reduce_sum3A_176 = vector.shape_cast %reduce_sum3A_175 : vector<1xf32> to vector<1x1x1xf32>
    %reduce_sum3A_177 = vector.extract %reduce_sum3A_176[0, 0, 0] : f32 from vector<1x1x1xf32>
    %eq3A = arith.constant 0 : i32
    %eq3A_178 = arith.cmpi eq, %arg0, %eq3A : i32
    %convert_element_type3A_179 = arith.extui %eq3A_178 : i1 to i32
    %cond3A = arith.constant 0 : i32
    %cond3A_180 = arith.cmpi ne, %convert_element_type3A_179, %cond3A : i32
    scf.if %cond3A_180 {
      %broadcast_in_dim3A_188 = arith.constant 0.000000e+00 : f32
      %broadcast_in_dim3A_189 = vector.broadcast %broadcast_in_dim3A_188 : f32 to vector<1x1xf32>
      %swap3A_190 = arith.constant 0 : index
      %swap3A_191 = arith.constant 0 : index
      %swap3A_192 = vector.load %arg12[%swap3A_190, %swap3A_191] : memref<1x1xf32, #tpu.memory_space<vmem>>, vector<1x1xf32>
      tpu.vector_store %arg12[%swap3A_190, %swap3A_191], %broadcast_in_dim3A_189 {strides = array<i32>} : memref<1x1xf32, #tpu.memory_space<vmem>>, vector<1x1xf32>,
    } else {
    }
    %get3A_181 = arith.constant 0 : index
    %get3A_182 = arith.constant 0 : index
    %get3A_183 = vector.load %arg12[%get3A_181, %get3A_182] : memref<1x1xf32, #tpu.memory_space<vmem>>, vector<1x1xf32>
    %add3A_184 = vector.broadcast %reduce_sum3A_177 : f32 to vector<1x1xf32>
    %add3A_185 = arith.addf %get3A_183, %add3A_184 : vector<1x1xf32>
    %swap3A = arith.constant 0 : index
    %swap3A_186 = arith.constant 0 : index
    %swap3A_187 = vector.load %arg12[%swap3A, %swap3A_186] : memref<1x1xf32, #tpu.memory_space<vmem>>, vector<1x1xf32>
    tpu.vector_store %arg12[%swap3A, %swap3A_186], %add3A_185 {strides = array<i32>} : memref<1x1xf32, #tpu.memory_space<vmem>>, vector<1x1xf32>,
    return
  }
  func.func @transform_0(%arg0: i32) -> (i32, i32, i32) {
    %c0_i32 = arith.constant 0 : i32
    %c0_i32_0 = arith.constant 0 : i32
    %c0_i32_1 = arith.constant 0 : i32
    return %c0_i32, %arg0, %c0_i32_0 : i32, i32, i32
  }
  func.func @transform_1(%arg0: i32) -> (i32, i32) {
    %c0_i32 = arith.constant 0 : i32
    %c0_i32_0 = arith.constant 0 : i32
    return %arg0, %c0_i32 : i32, i32
  }
  func.func @transform_2(%arg0: i32) -> (i32, i32) {
    %c0_i32 = arith.constant 0 : i32
    %c0_i32_0 = arith.constant 0 : i32
    return %arg0, %c0_i32 : i32, i32
  }
  func.func @transform_3(%arg0: i32) -> (i32, i32) {
    %c0_i32 = arith.constant 0 : i32
    %c0_i32_0 = arith.constant 0 : i32
    %c0_i32_1 = arith.constant 0 : i32
    return %c0_i32, %c0_i32_0 : i32, i32
  }
  func.func @transform_4(%arg0: i32) -> (i32, i32) {
    %c0_i32 = arith.constant 0 : i32
    %c0_i32_0 = arith.constant 0 : i32
    %c0_i32_1 = arith.constant 0 : i32
    return %c0_i32, %c0_i32_0 : i32, i32
  }
  func.func @transform_5(%arg0: i32) -> (i32, i32) {
    %c0_i32 = arith.constant 0 : i32
    %c0_i32_0 = arith.constant 0 : i32
    %c0_i32_1 = arith.constant 0 : i32
    return %c0_i32, %c0_i32_0 : i32, i32
  }
  func.func @transform_6(%arg0: i32) -> (i32, i32) {
    %c0_i32 = arith.constant 0 : i32
    %c0_i32_0 = arith.constant 0 : i32
    %c0_i32_1 = arith.constant 0 : i32
    return %c0_i32, %c0_i32_0 : i32, i32
  }
  func.func @transform_7(%arg0: i32) -> (i32, i32) {
    %c0_i32 = arith.constant 0 : i32
    %c0_i32_0 = arith.constant 0 : i32
    %c0_i32_1 = arith.constant 0 : i32
    return %c0_i32, %c0_i32_0 : i32, i32
  }
  func.func @transform_8(%arg0: i32) -> (i32, i32) {
    %c0_i32 = arith.constant 0 : i32
    %c0_i32_0 = arith.constant 0 : i32
    %c0_i32_1 = arith.constant 0 : i32
    return %c0_i32, %c0_i32_0 : i32, i32
  }
  func.func @transform_9(%arg0: i32) -> (i32, i32) {
    %c0_i32 = arith.constant 0 : i32
    %c0_i32_0 = arith.constant 0 : i32
    %c0_i32_1 = arith.constant 0 : i32
    return %c0_i32, %c0_i32_0 : i32, i32
  }
  func.func @transform_10(%arg0: i32) -> (i32, i32) {
    %c0_i32 = arith.constant 0 : i32
    %c0_i32_0 = arith.constant 0 : i32
    return %arg0, %c0_i32 : i32, i32
  }
  func.func @transform_11(%arg0: i32) -> (i32, i32) {
    %c0_i32 = arith.constant 0 : i32
    %c0_i32_0 = arith.constant 0 : i32
    %c0_i32_1 = arith.constant 0 : i32
    return %c0_i32, %c0_i32_0 : i32, i32
  }
}

</mosaic_0001>

<sc_bundles>
// kernel: kernel.21.cloned.1.call-start
scs
__scs_entry_jumppad:
0x0: {  	(pc) =	sbr.rel $0x88, $3  }
0x1: {  	(tag) =	ssettag $0x0;
	lr =	simm.s32 $0x1  }
0x2: {  	[smem:$0x3F70] =	sst lr;
	_ =	strace $0xD0000000  }
0x3: {  	_ = 	snop  }
0x4: {  	_ = 	snop  }
0x5: {  	_ = 	snop  }
0x6: {  	_ = 	snop  }
0x7: {  	_ = 	snop  }
__scs_overlays_trampoline_lowered:
0x8: {  	[smem:$0x3F7F] =	sst s0  }
0x9: {  	[smem:$0x3F80] =	sst s1  }
0xa: {  	[smem:$0x3F81] =	sst s2  }
0xb: {  	[smem:$0x3F82] =	sst s3  }
0xc: {  	[smem:$0x3F83] =	sst s4  }
0xd: {  	[smem:$0x3F84] =	sst s5  }
0xe: {  	[smem:$0x3F85] =	sst s6  }
0xf: {  	[smem:$0x3F86] =	sst s7  }
0x10: {  	[smem:$0x3F87] =	sst s8  }
0x11: {  	[smem:$0x3F88] =	sst s9;
	s0 =	simm.s32 @!p0 $0x0  }
0x12: {  	s1 =	sld [smem:$0x3F6E];
	s0 =	simm.s32 @p0 $0x1  }
0x13: {  	[smem:$0x3F89] =	sst s0;
	s0 =	simm.s32 @!p1 $0x0  }
0x14: {  	s2 =	sld [smem:$0x3F6D];
	s0 =	simm.s32 @p1 $0x1  }
0x15: {  	[smem:$0x3F8A] =	sst s0;
	s0 =	simm.s32 @!p2 $0x0  }
0x16: {  	s3 =	sld [smem:$0x3FDB];
	s0 =	simm.s32 @p2 $0x1  }
0x17: {  	s4 =	simm.s32 $0x1BF5;
	[smem:$0x3F8C] =	sst s0  }
0x18: {  	s0 =	sld [smem:$0x3F6F];
	_ =	swait.ge [sflag:s4], $0x0  }
0x19: {  	s7 =	sld [smem:$0x3F70]  }
0x1a: {  	s8 =	sadd.s32 $0xFFFFE003, lr  }
0x1b: {  	s9 =	sadd.s32 $0xFFFFFEF7, lr;
	s5 =	simm.s32 $0xFFFFFFFF;
	p2 =	slt.u32 s8, $0xFFFFF086  }
0x1c: {  	p1 =	slt.u32 s9, $0xF7A;
	s5 =	simm.s32 @!p2 $0x0  }
0x1d: {  	s5 =	simm.s32 @p1 $0x1;
	p0 =	seq.s32 s7, s2  }
0x1e: {  	s7 =	smul.u32 @!p0 $0xF7A, s2;
	p2 =	seq.s32 @!p0 s5, $0x0  }
0x1f: {  	s9 =	smul.u32 $0xF7A, s1;
	s8 =	simm.s32 @!p0 $0x1BF5;
	p2 =	por !p2, p0  }
0x20: {  	[sflag:s8] =	ssyncset.s32 @!p0 $0xFFFFF086;
	s6 =	sadd.s32 @!p0 s3, s7;
	s7 =	simm.s32 @!p0 $0x108  }
0x21: {  	s3 =	sadd.s32 s3, s9;
	s6 =	sadd.s32 @!p0 $0x88, s6;
	s7 =	simm.s32 @p2 $0x1082  }
0x22: {  	[simem:s7], [sflag:s8] =	dma.local @!p0 [hbm:s6], $0xF7A  }
0x23: {  	s9 =	sor.u32 $0xD0000000, s2;
	s6 =	simm.s32 $0x108;
	_ =	swait.ge @!p0 [sflag:s8], $0x0  }
0x24: {  	s3 =	sadd.s32 $0x88, s3;
	s6 =	simm.s32 @!p1 $0x1082;
	[sflag:s4] =	ssyncset.s32 $0xFFFFF086  }
0x25: {  	[simem:s6], [sflag:s4] =	dma.local [hbm:s3], $0xF7A  }
0x26: {  	[smem:$0x3F70] =	sst s1;
	(tag) =	ssettag s2;
	_ =	strace s9  }
0x27: {  	s1 =	sld [smem:$0x3F80]  }
0x28: {  	s2 =	sld [smem:$0x3F81]  }
0x29: {  	s4 =	sld [smem:$0x3F83]  }
0x2a: {  	p0 =	seq.s32 s5, $0x0;
	s5 =	sld [smem:$0x3F84]  }
0x2b: {  	s6 =	sld [smem:$0x3F85]  }
0x2c: {  	s7 =	sld [smem:$0x3F86]  }
0x2d: {  	s3 =	simm.s32 $0x108;
	s8 =	sld [smem:$0x3F87]  }
0x2e: {  	s3 =	simm.s32 @!p0 $0x1082;
	s9 =	sld [smem:$0x3F88]  }
0x2f: {  	lr =	sadd.s32 s0, s3;
	s0 =	sld [smem:$0x3F7F]  }
0x30: {  	s3 =	sld [smem:$0x3F82]  }
0x31: {  	[smem:$0x3F8B] =	sst s10  }
0x32: {  	s10 =	sld [smem:$0x3F89];
	_ =	sdelay $0x3  }
0x33: {  	p0 =	seq.s32 s10, $0x1;
	s10 =	sld [smem:$0x3F8B];
	_ =	sdelay $0x3  }
0x34: {  	[smem:$0x3F8B] =	sst s10  }
0x35: {  	s10 =	sld [smem:$0x3F8A];
	_ =	sdelay $0x3  }
0x36: {  	p1 =	seq.s32 s10, $0x1;
	s10 =	sld [smem:$0x3F8B];
	_ =	sdelay $0x3  }
0x37: {  	[smem:$0x3F8B] =	sst s10  }
0x38: {  	s10 =	sld [smem:$0x3F8C]  }
0x39: {  	_ = 	snop;
	(pc) =	sbr.ind lr, $3  }
0x3a: {  	_ = 	snop  }
0x3b: {  	_ = 	snop  }
0x3c: {  	p2 =	seq.s32 s10, $0x1;
	s10 =	sld [smem:$0x3F8B]  }
0x3d: {  	_ =	shalt  }
0x3e: {  	_ =	shalt  }
0x3f: {  	_ =	shalt  }
0x40: {  	_ =	shalt  }
0x41: {  	_ =	shalt  }
0x42: {  	_ =	shalt  }
0x43: {  	_ =	shalt  }
0x44: {  	_ =	shalt  }
0x45: {  	_ =	shalt  }
0x46: {  	_ =	shalt  }
0x47: {  	_ =	shalt  }
0x48: {  	_ =	shalt  }
0x49: {  	_ =	shalt  }
0x4a: {  	_ =	shalt  }
0x4b: {  	_ =	shalt  }
0x4c: {  	_ =	shalt  }
0x4d: {  	_ =	shalt  }
0x4e: {  	_ =	shalt  }
0x4f: {  	_ =	shalt  }
0x50: {  	_ =	shalt  }
0x51: {  	_ =	shalt  }
0x52: {  	_ =	shalt  }
0x53: {  	_ =	shalt  }
0x54: {  	_ =	shalt  }
0x55: {  	_ =	shalt  }
0x56: {  	_ =	shalt  }
0x57: {  	_ =	shalt  }
0x58: {  	_ =	shalt  }
0x59: {  	_ =	shalt  }
0x5a: {  	_ =	shalt  }
0x5b: {  	_ =	shalt  }
0x5c: {  	_ =	shalt  }
0x5d: {  	_ =	shalt  }
0x5e: {  	_ =	shalt  }
0x5f: {  	_ =	shalt  }
0x60: {  	_ =	shalt  }
0x61: {  	_ =	shalt  }
0x62: {  	_ =	shalt  }
0x63: {  	_ =	shalt  }
0x64: {  	_ =	shalt  }
0x65: {  	_ =	shalt  }
0x66: {  	_ =	shalt  }
0x67: {  	_ =	shalt  }
0x68: {  	_ =	shalt  }
0x69: {  	_ =	shalt  }
0x6a: {  	_ =	shalt  }
0x6b: {  	_ =	shalt  }
0x6c: {  	_ =	shalt  }
0x6d: {  	_ =	shalt  }
0x6e: {  	_ =	shalt  }
0x6f: {  	_ =	shalt  }
0x70: {  	_ =	shalt  }
0x71: {  	_ =	shalt  }
0x72: {  	_ =	shalt  }
0x73: {  	_ =	shalt  }
0x74: {  	_ =	shalt  }
0x75: {  	_ =	shalt  }
0x76: {  	_ =	shalt  }
0x77: {  	_ =	shalt  }
0x78: {  	_ =	shalt  }
0x79: {  	_ =	shalt  }
0x7a: {  	_ =	shalt  }
0x7b: {  	_ =	shalt  }
0x7c: {  	_ =	shalt  }
0x7d: {  	_ =	shalt  }
0x7e: {  	_ =	shalt  }
0x7f: {  	_ =	shalt  }
0x80: {  	_ =	shalt  }
0x81: {  	_ =	shalt  }
0x82: {  	_ =	shalt  }
0x83: {  	_ =	shalt  }
0x84: {  	_ =	shalt  }
0x85: {  	_ =	shalt  }
0x86: {  	_ =	shalt  }
0x87: {  	_ =	shalt  }
.Lfunc_end0:
.L_simem_size_0:
called_computation_lowered:
.L_overlay_start_0:
0x88: {  	s2 =	sld [smem:$0x3FD9]  }
0x89: {  	s3 =	sld [smem:$0x3FFE];
	_ =	sdelay $0x1  }
0x8a: {  	s1 =	srdreg.scid  }
0x8b: {  	s0 =	sand.u32 $0x1, s1  }
0x8c: {  	s17 =	sshll.u32 s0, $0xA;
	s2 =	sadd.s32 s3, s2  }
0x8d: {  	s2 =	sadd.s32 s2, s17  }
0x8e: {  	[smem:$0x3F97] =	sst s2  }
0x8f: {  	_ = 	snop  }
0x90: {  	(tm) =	ssettm $0x1  }
0x91: {  	s18 =	sld [smem:$0x3FFB];
	_ =	sdelay $0x3  }
0x92: {  	_ =	strace s18  }
0x93: {  	s2 =	sld [smem:$0x3FFC];
	_ =	sdelay $0x3  }
0x94: {  	_ =	strace s2  }
0x95: {  	s2 =	sld [smem:$0x3FFD];
	_ =	sdelay $0x3  }
0x96: {  	_ =	strace s2  }
0x97: {  	_ =	strace $0x8FFFFFFF  }
0x98: {  	s19 =	sld [smem:$0x3FDB];
	_ =	sdelay $0x1  }
0x99: {  	s20 =	simm.s32 $_scs_section_size  }
0x9a: {  	s4 =	simm.s32 $_size__tile_overlayer_lowered;
	s5 =	simm.s32 $_tile_overlayer_lowered  }
0x9b: {  	s6 =	simm.s32 $0x1BFF;
	s21 =	sshll.u32 s5, $0x1;
	s3 =	sadd.s32 s20, s19  }
0x9c: {  	s22 =	simm.s32 $0x0;
	s4 =	sshll.u32 s4, $0x1;
	s5 =	sadd.s32 s21, s3  }
0x9d: {  	[timem:s22], [sflag:s6] =	dma.local [hbm:s5], s4  }
0x9e: {  	_ =	swait.ge [sflag:s6], s4  }
0x9f: {  	s4 =	ssub.s32 $0x0, s4;
	[sflag:s6] =	ssyncset.done $0x0  }
0xa0: {  	[sflag:s6] =	ssyncadd.s32 s4;
	_ =	sdelay $0x1  }
0xa1: {  	s23 =	simm.s32 $0x1B8B  }
0xa2: {  	_ =	swait.ge [sflag:s23], $0x1  }
0xa3: {  	[sflag:s23] =	ssyncset.done $0x0  }
0xa4: {  	[sflag:s23] =	ssyncadd.s32 $0xFFFFFFFF  }
0xa5: {  	s4 =	sld [smem:$0x0]  }
0xa6: {  	s5 =	sand.u32 $0xFFFFFFFE, s1  }
0xa7: {  	p0 =	sne.s32 s1, s5  }
0xa8: {  	s5 =	sshll.u32 @p0 s5, $0xE  }
0xa9: {  	s5 =	sadd.s32 @p0 $0x11B8D, s5;
	s6 =	sshll.u32 @p0 s4, $0x11  }
0xaa: {  	s5 =	sor.u32 @p0 s6, s5  }
0xab: {  	[sflag:s5] =	ssyncadd.remote.s32 @p0 $0x1;
	_ =	sdelay $0x1  }
0xac: {  	s5 =	simm.s32 @p0 $0x1B8D  }
0xad: {  	_ =	swait.eq @p0 [sflag:s5], $0x1  }
0xae: {  	[sflag:s5] =	ssyncadd.s32 @p0 $0xFFFFFFFF  }
0xaf: {  	s6 =	sshll.u32 @!p0 s1, $0xE  }
0xb0: {  	s6 =	sor.u32 @!p0 $0x4000, s6;
	s5 =	simm.s32 @!p0 $0x1B8D  }
0xb1: {  	s4 =	sshll.u32 @!p0 s4, $0x11;
	s6 =	sadd.s32 @!p0 $0x11B8D, s6;
	_ =	swait.eq @!p0 [sflag:s5], $0x1  }
0xb2: {  	s4 =	sor.u32 @!p0 s4, s6;
	[sflag:s5] =	ssyncadd.s32 @!p0 $0xFFFFFFFF  }
0xb3: {  	s25 =	simm.s32 $0x1B8E;
	s24 =	sld [smem:$0x3FFE];
	[sflag:s4] =	ssyncadd.remote.s32 @!p0 $0x1  }
0xb4: {  	s26 =	simm.s32 $execute0_lowered;
	[smem:$0x3FD2] =	sst s25  }
0xb5: {  	s5 =	sshll.u32 s26, $0x1;
	_ =	strace $0x8000005B;
	[dreg:$0x1] =	wrdreg $0xFFFFFFFF  }
0xb6: {  	s28 =	simm.s32 $_size_execute0_lowered;
	s3 =	sadd.s32 s3, s5;
	[dreg:$0x0] =	wrdreg $0x0  }
0xb7: {  	s5 =	sshll.u32 s28, $0x1;
	[dreg:$0x2] =	wrdreg s3  }
0xb8: {  	[dreg:$0x3] =	wrdreg s5  }
0xb9: {  	[dreg:$0x4] =	wrdreg $0xC0  }
0xba: {  	_ =	task [dreg:s22], $0x5FFFF  }
0xbb: {  	[dreg:$0x1] =	wrdreg $0xFFFFFFFF  }
0xbc: {  	[dreg:$0x0] =	wrdreg $0x60  }
0xbd: {  	[dreg:$0x2] =	wrdreg s24  }
0xbe: {  	[dreg:$0x3] =	wrdreg $0x9  }
0xbf: {  	_ =	task.clear_ibuf [dreg:s22], $0x4FFFF;
	_ =	strace $0x9000005B  }
0xc0: {  	s29 =	simm.s32 $0x9;
	_ =	strace $0x8000005D  }
0xc1: {  	_ =	swait.ge [sflag:s29], $0x1  }
0xc2: {  	[sflag:s29] =	ssyncadd.s32 $0xFFFFFFFF  }
0xc3: {  	_ =	strace $0x9000005D  }
0xc4: {  	_ =	sfence  }
0xc5: {  	s30 =	sld [smem:$0x0];
	_ =	sdelay $0x2  }
0xc6: {  	s31 =	sshll.u32 s1, $0xD;
	s1 =	sshrl.u32 s1, $0x2  }
0xc7: {  	s4 =	sand.u32 $0x4000, s31;
	s1 =	sadd.s32 s1, s30  }
0xc8: {  	s0 =	sor.u32 s4, s0;
	s1 =	sshll.u32 s1, $0x11  }
0xc9: {  	s0 =	sor.u32 s1, s0  }
0xca: {  	s0 =	sadd.s32 $0x8F2B, s0  }
0xcb: {  	[sflag:s0] =	ssyncadd.remote.s32 $0x1  }
0xcc: {  	_ =	sfence.sel $0xFFFF  }
0xcd: {  	[dreg:$0x0] =	wrdreg $0xFFFFFFFF;
	(pc) =	sbr.abs _section_cstart, $3  }
0xce: {  	[dreg:$0x1] =	wrdreg $0xFFFFFFFF  }
0xcf: {  	_ =	task.clear_ibuf [dreg:s22], $0x2FFFF;
	_ =	strace $0x9FFFFFFF  }
0xd0: {  	(tm) =	ssettm $0x7FFFFFFF  }
0xd1: {  	_ =	shalt  }
tec
execute0_lowered:
.L_overlay_start_1:
0x0: {  	(tag) =	ssettag $0x1  }
0x1: {  	s0 =	srdreg.scid  }
0x2: {  	s6 =	sand.u32 $0x1, s0;
	s0 =	stileid.u32  }
0x3: {  	s2 =	sor.u32 s0, s6  }
0x4: {  	p0 =	sne.s32 s2, $0x0  }
.Ltmp0:
0x5: {  	_ = 	snop;
	(pc) =	sbr.rel @p0 .LBB2_4-.Ltmp0, $3  }
0x6: {  	_ =	sdelay $0x1  }
0x7: {  	s5 =	rddreg [dreg:$0x0]  }
0x8: {  	s1 =	rddreg [dreg:$0x1];
	_ =	strace $0x8000005C  }
0x9: {  	s2 =	sadd.s32 $0x2E3E00, s5;
	s3 =	simm.s32 $0x0;
	s6 =	ssub.s32 $0x2, s6  }
0xa: {  	[tilespmem:s3], [sflag:$0x1] =	stream.linear.gather [hbm4b:s2+s3], $0x400, $0x38;
	[tilespmem:$0x400] =	vst v63  }
0xb: {  	s7 =	sshrl.u32 s6, $0x1  }
0xc: {  	s4 =	simm.s32 $0x1;
	s7 =	ssub.s32 s6, s7  }
0xd: {  	_ =	swait.ge [sflag:s4], $0x400;
	p0 =	sne.s32 s7, $0x1  }
.Ltmp1:
0xe: {  	[sflag:s4] =	ssyncset.done $0x0;
	(pc) =	sbr.rel @!p0 .LBB2_3-.Ltmp1, $4  }
0xf: {  	s5 =	sadd.s32 $0x2E4000, s5;
	s6 =	simm.s32 $0x2;
	[sflag:s4] =	ssyncadd.s32 $0xFFFFFC00  }
0x10: {  	[hbm4b:s5+s3] =	stream.linear.scatter [tilespmem:s3], [sflag:$0x2], $0x400, $0x38;
	[tilespmem:$0x400] =	vst v63  }
0x11: {  	_ =	swait.ge [sflag:s6], $0x400  }
0x12: {  	s7 =	sadd.s32 $0xFFFFFFFF, s7;
	[sflag:s6] =	ssyncset.done $0x0  }
.LBB2_2:
0x13: {  	p0 =	sne.s32 s7, $0x1;
	s7 =	sadd.s32 $0xFFFFFFFF, s7;
	[sflag:s6] =	ssyncadd.s32 $0xFFFFFC00  }
0x14: {  	[tilespmem:s3], [sflag:$0x1] =	stream.linear.gather [hbm4b:s2+s3], $0x400, $0x38;
	[tilespmem:$0x400] =	vst v63  }
0x15: {  	_ =	swait.ge [sflag:s4], $0x400  }
.Ltmp2:
0x16: {  	[sflag:s4] =	ssyncset.done $0x0;
	(pc) =	sbr.rel @p0 .LBB2_2-.Ltmp2, $4  }
0x17: {  	[sflag:s4] =	ssyncadd.s32 $0xFFFFFC00  }
0x18: {  	[hbm4b:s5+s3] =	stream.linear.scatter [tilespmem:s3], [sflag:$0x2], $0x400, $0x38;
	[tilespmem:$0x400] =	vst v63  }
0x19: {  	_ =	swait.ge [sflag:s6], $0x400  }
0x1a: {  	[sflag:s6] =	ssyncset.done $0x0  }
.LBB2_3:
0x1b: {  	[sflag:s6] =	ssyncadd.s32 $0xFFFFFC00  }
.LBB2_4:
0x1c: {  	_ =	sfence.sel $0x180000  }
0x1d: {  	[bflag:$0x0] =	sbarrier.arrive $0xFFFF  }
0x1e: {  	p0 =	sne.s32 s0, $0x0;
	_ =	strace $0x9000005C  }
0x1f: {  	s0 =	sadd.s32 @!p0 $0x100000, s1;
	[bflag:$0x2] =	sbarrier.arrive $0xFFFF  }
0x20: {  	[sflag:s0] =	ssyncadd.tile.s32 @!p0 $0x1;
	_ =	shalt  }
.Lfunc_end2:
_tile_overlayer_lowered:
.L_overlay_start_2:
0x21: {  	(tag) =	ssettag $0x2  }
0x22: {  	s0 =	rddreg [dreg:$0x0];
	s2 =	stileid.u32  }
0x23: {  	s1 =	rddreg [dreg:$0x1];
	p0 =	sne.s32 s2, $0x0  }
0x24: {  	s3 =	rddreg [dreg:$0x2];
	[bflag:$0x3] =	sbarrier.arrive $0xFFFF;
	s2 =	simm.s32 @!p0 $0x1C02  }
0x25: {  	[timem:s3], [sflag:s2] =	dma.local @!p0 [hbm:s0], s1  }
0x26: {  	s0 =	simm.s32 @!p0 $0x2  }
0x27: {  	_ =	swait.ge @!p0 [sflag:s0], s1  }
0x28: {  	s1 =	ssub.s32 @!p0 $0x0, s1;
	[sflag:s0] =	ssyncset.done @!p0 $0x0  }
0x29: {  	[sflag:s0] =	ssyncadd.s32 @!p0 s1  }
0x2a: {  	[bflag:$0x3] =	sbarrier.arrive $0xFFFF  }
0x2b: {  	_ =	shalt  }

// kernel: kernel.24.cloned.1.call-start
scs
__scs_entry_jumppad:
0x0: {  	(pc) =	sbr.rel $0x88, $3  }
0x1: {  	(tag) =	ssettag $0x0;
	lr =	simm.s32 $0x1  }
0x2: {  	[smem:$0x3F70] =	sst lr;
	_ =	strace $0xD0000000  }
0x3: {  	_ = 	snop  }
0x4: {  	_ = 	snop  }
0x5: {  	_ = 	snop  }
0x6: {  	_ = 	snop  }
0x7: {  	_ = 	snop  }
__scs_overlays_trampoline_lowered:
0x8: {  	[smem:$0x3F7F] =	sst s0  }
0x9: {  	[smem:$0x3F80] =	sst s1  }
0xa: {  	[smem:$0x3F81] =	sst s2  }
0xb: {  	[smem:$0x3F82] =	sst s3  }
0xc: {  	[smem:$0x3F83] =	sst s4  }
0xd: {  	[smem:$0x3F84] =	sst s5  }
0xe: {  	[smem:$0x3F85] =	sst s6  }
0xf: {  	[smem:$0x3F86] =	sst s7  }
0x10: {  	[smem:$0x3F87] =	sst s8  }
0x11: {  	[smem:$0x3F88] =	sst s9;
	s0 =	simm.s32 @!p0 $0x0  }
0x12: {  	s1 =	sld [smem:$0x3F6E];
	s0 =	simm.s32 @p0 $0x1  }
0x13: {  	[smem:$0x3F89] =	sst s0;
	s0 =	simm.s32 @!p1 $0x0  }
0x14: {  	s2 =	sld [smem:$0x3F6D];
	s0 =	simm.s32 @p1 $0x1  }
0x15: {  	[smem:$0x3F8A] =	sst s0;
	s0 =	simm.s32 @!p2 $0x0  }
0x16: {  	s3 =	sld [smem:$0x3FDB];
	s0 =	simm.s32 @p2 $0x1  }
0x17: {  	s4 =	simm.s32 $0x1BF5;
	[smem:$0x3F8C] =	sst s0  }
0x18: {  	s0 =	sld [smem:$0x3F6F];
	_ =	swait.ge [sflag:s4], $0x0  }
0x19: {  	s7 =	sld [smem:$0x3F70]  }
0x1a: {  	s8 =	sadd.s32 $0xFFFFE003, lr  }
0x1b: {  	s9 =	sadd.s32 $0xFFFFFEF7, lr;
	s5 =	simm.s32 $0xFFFFFFFF;
	p2 =	slt.u32 s8, $0xFFFFF086  }
0x1c: {  	p1 =	slt.u32 s9, $0xF7A;
	s5 =	simm.s32 @!p2 $0x0  }
0x1d: {  	s5 =	simm.s32 @p1 $0x1;
	p0 =	seq.s32 s7, s2  }
0x1e: {  	s7 =	smul.u32 @!p0 $0xF7A, s2;
	p2 =	seq.s32 @!p0 s5, $0x0  }
0x1f: {  	s9 =	smul.u32 $0xF7A, s1;
	s8 =	simm.s32 @!p0 $0x1BF5;
	p2 =	por !p2, p0  }
0x20: {  	[sflag:s8] =	ssyncset.s32 @!p0 $0xFFFFF086;
	s6 =	sadd.s32 @!p0 s3, s7;
	s7 =	simm.s32 @!p0 $0x108  }
0x21: {  	s3 =	sadd.s32 s3, s9;
	s6 =	sadd.s32 @!p0 $0x88, s6;
	s7 =	simm.s32 @p2 $0x1082  }
0x22: {  	[simem:s7], [sflag:s8] =	dma.local @!p0 [hbm:s6], $0xF7A  }
0x23: {  	s9 =	sor.u32 $0xD0000000, s2;
	s6 =	simm.s32 $0x108;
	_ =	swait.ge @!p0 [sflag:s8], $0x0  }
0x24: {  	s3 =	sadd.s32 $0x88, s3;
	s6 =	simm.s32 @!p1 $0x1082;
	[sflag:s4] =	ssyncset.s32 $0xFFFFF086  }
0x25: {  	[simem:s6], [sflag:s4] =	dma.local [hbm:s3], $0xF7A  }
0x26: {  	[smem:$0x3F70] =	sst s1;
	(tag) =	ssettag s2;
	_ =	strace s9  }
0x27: {  	s1 =	sld [smem:$0x3F80]  }
0x28: {  	s2 =	sld [smem:$0x3F81]  }
0x29: {  	s4 =	sld [smem:$0x3F83]  }
0x2a: {  	p0 =	seq.s32 s5, $0x0;
	s5 =	sld [smem:$0x3F84]  }
0x2b: {  	s6 =	sld [smem:$0x3F85]  }
0x2c: {  	s7 =	sld [smem:$0x3F86]  }
0x2d: {  	s3 =	simm.s32 $0x108;
	s8 =	sld [smem:$0x3F87]  }
0x2e: {  	s3 =	simm.s32 @!p0 $0x1082;
	s9 =	sld [smem:$0x3F88]  }
0x2f: {  	lr =	sadd.s32 s0, s3;
	s0 =	sld [smem:$0x3F7F]  }
0x30: {  	s3 =	sld [smem:$0x3F82]  }
0x31: {  	[smem:$0x3F8B] =	sst s10  }
0x32: {  	s10 =	sld [smem:$0x3F89];
	_ =	sdelay $0x3  }
0x33: {  	p0 =	seq.s32 s10, $0x1;
	s10 =	sld [smem:$0x3F8B];
	_ =	sdelay $0x3  }
0x34: {  	[smem:$0x3F8B] =	sst s10  }
0x35: {  	s10 =	sld [smem:$0x3F8A];
	_ =	sdelay $0x3  }
0x36: {  	p1 =	seq.s32 s10, $0x1;
	s10 =	sld [smem:$0x3F8B];
	_ =	sdelay $0x3  }
0x37: {  	[smem:$0x3F8B] =	sst s10  }
0x38: {  	s10 =	sld [smem:$0x3F8C]  }
0x39: {  	_ = 	snop;
	(pc) =	sbr.ind lr, $3  }
0x3a: {  	_ = 	snop  }
0x3b: {  	_ = 	snop  }
0x3c: {  	p2 =	seq.s32 s10, $0x1;
	s10 =	sld [smem:$0x3F8B]  }
0x3d: {  	_ =	shalt  }
0x3e: {  	_ =	shalt  }
0x3f: {  	_ =	shalt  }
0x40: {  	_ =	shalt  }
0x41: {  	_ =	shalt  }
0x42: {  	_ =	shalt  }
0x43: {  	_ =	shalt  }
0x44: {  	_ =	shalt  }
0x45: {  	_ =	shalt  }
0x46: {  	_ =	shalt  }
0x47: {  	_ =	shalt  }
0x48: {  	_ =	shalt  }
0x49: {  	_ =	shalt  }
0x4a: {  	_ =	shalt  }
0x4b: {  	_ =	shalt  }
0x4c: {  	_ =	shalt  }
0x4d: {  	_ =	shalt  }
0x4e: {  	_ =	shalt  }
0x4f: {  	_ =	shalt  }
0x50: {  	_ =	shalt  }
0x51: {  	_ =	shalt  }
0x52: {  	_ =	shalt  }
0x53: {  	_ =	shalt  }
0x54: {  	_ =	shalt  }
0x55: {  	_ =	shalt  }
0x56: {  	_ =	shalt  }
0x57: {  	_ =	shalt  }
0x58: {  	_ =	shalt  }
0x59: {  	_ =	shalt  }
0x5a: {  	_ =	shalt  }
0x5b: {  	_ =	shalt  }
0x5c: {  	_ =	shalt  }
0x5d: {  	_ =	shalt  }
0x5e: {  	_ =	shalt  }
0x5f: {  	_ =	shalt  }
0x60: {  	_ =	shalt  }
0x61: {  	_ =	shalt  }
0x62: {  	_ =	shalt  }
0x63: {  	_ =	shalt  }
0x64: {  	_ =	shalt  }
0x65: {  	_ =	shalt  }
0x66: {  	_ =	shalt  }
0x67: {  	_ =	shalt  }
0x68: {  	_ =	shalt  }
0x69: {  	_ =	shalt  }
0x6a: {  	_ =	shalt  }
0x6b: {  	_ =	shalt  }
0x6c: {  	_ =	shalt  }
0x6d: {  	_ =	shalt  }
0x6e: {  	_ =	shalt  }
0x6f: {  	_ =	shalt  }
0x70: {  	_ =	shalt  }
0x71: {  	_ =	shalt  }
0x72: {  	_ =	shalt  }
0x73: {  	_ =	shalt  }
0x74: {  	_ =	shalt  }
0x75: {  	_ =	shalt  }
0x76: {  	_ =	shalt  }
0x77: {  	_ =	shalt  }
0x78: {  	_ =	shalt  }
0x79: {  	_ =	shalt  }
0x7a: {  	_ =	shalt  }
0x7b: {  	_ =	shalt  }
0x7c: {  	_ =	shalt  }
0x7d: {  	_ =	shalt  }
0x7e: {  	_ =	shalt  }
0x7f: {  	_ =	shalt  }
0x80: {  	_ =	shalt  }
0x81: {  	_ =	shalt  }
0x82: {  	_ =	shalt  }
0x83: {  	_ =	shalt  }
0x84: {  	_ =	shalt  }
0x85: {  	_ =	shalt  }
0x86: {  	_ =	shalt  }
0x87: {  	_ =	shalt  }
.Lfunc_end0:
.L_simem_size_0:
called_computation.1_lowered:
.L_overlay_start_0:
0x88: {  	s2 =	sld [smem:$0x3FD9]  }
0x89: {  	s3 =	sld [smem:$0x3FFE];
	_ =	sdelay $0x1  }
0x8a: {  	s1 =	srdreg.scid  }
0x8b: {  	s0 =	sand.u32 $0x1, s1  }
0x8c: {  	s16 =	sshll.u32 s0, $0xA;
	s2 =	sadd.s32 s3, s2  }
0x8d: {  	s2 =	sadd.s32 s2, s16  }
0x8e: {  	[smem:$0x3F97] =	sst s2  }
0x8f: {  	_ = 	snop  }
0x90: {  	(tm) =	ssettm $0x1  }
0x91: {  	s17 =	sld [smem:$0x3FFB];
	_ =	sdelay $0x3  }
0x92: {  	_ =	strace s17  }
0x93: {  	s2 =	sld [smem:$0x3FFC];
	_ =	sdelay $0x3  }
0x94: {  	_ =	strace s2  }
0x95: {  	s2 =	sld [smem:$0x3FFD];
	_ =	sdelay $0x3  }
0x96: {  	_ =	strace s2  }
0x97: {  	_ =	strace $0x8FFFFFFF  }
0x98: {  	s18 =	sld [smem:$0x3FDB];
	_ =	sdelay $0x1  }
0x99: {  	s19 =	simm.s32 $_scs_section_size  }
0x9a: {  	s4 =	simm.s32 $_size__tile_overlayer_lowered;
	s5 =	simm.s32 $_tile_overlayer_lowered  }
0x9b: {  	s22 =	simm.s32 $0x1BFF;
	s21 =	sshll.u32 s5, $0x1;
	s2 =	sadd.s32 s19, s18  }
0x9c: {  	s6 =	simm.s32 $0x0;
	s20 =	sshll.u32 s4, $0x1;
	s4 =	sadd.s32 s21, s2  }
0x9d: {  	[timem:s6], [sflag:s22] =	dma.local [hbm:s4], s20  }
0x9e: {  	_ =	swait.ge [sflag:s22], s20  }
0x9f: {  	s3 =	ssub.s32 $0x0, s20;
	[sflag:s22] =	ssyncset.done $0x0  }
0xa0: {  	[sflag:s22] =	ssyncadd.s32 s3;
	_ =	sdelay $0x1  }
0xa1: {  	s23 =	simm.s32 $0x1B8B  }
0xa2: {  	_ =	swait.ge [sflag:s23], $0x1  }
0xa3: {  	[sflag:s23] =	ssyncset.done $0x0  }
0xa4: {  	s25 =	simm.s32 $0x1B8E;
	s24 =	sld [smem:$0x3FFE];
	[sflag:s23] =	ssyncadd.s32 $0xFFFFFFFF  }
0xa5: {  	s26 =	simm.s32 $execute0_lowered;
	[smem:$0x3FD2] =	sst s25  }
0xa6: {  	s4 =	sshll.u32 s26, $0x1;
	_ =	strace $0x80000046;
	[dreg:$0x1] =	wrdreg $0xFFFFFFFF  }
0xa7: {  	s28 =	simm.s32 $_size_execute0_lowered;
	s2 =	sadd.s32 s2, s4;
	[dreg:$0x0] =	wrdreg $0x0  }
0xa8: {  	s4 =	sshll.u32 s28, $0x1;
	[dreg:$0x2] =	wrdreg s2  }
0xa9: {  	[dreg:$0x3] =	wrdreg s4  }
0xaa: {  	[dreg:$0x4] =	wrdreg $0xC0  }
0xab: {  	_ =	task [dreg:s6], $0x5FFFF  }
0xac: {  	[dreg:$0x1] =	wrdreg $0xFFFFFFFF  }
0xad: {  	[dreg:$0x0] =	wrdreg $0x60  }
0xae: {  	[dreg:$0x2] =	wrdreg s24  }
0xaf: {  	[dreg:$0x3] =	wrdreg $0x9  }
0xb0: {  	_ =	task.clear_ibuf [dreg:s6], $0x4FFFF;
	_ =	strace $0x90000046  }
0xb1: {  	s29 =	simm.s32 $0x9;
	_ =	strace $0x80000048  }
0xb2: {  	_ =	swait.ge [sflag:s29], $0x1  }
0xb3: {  	[sflag:s29] =	ssyncadd.s32 $0xFFFFFFFF  }
0xb4: {  	_ =	strace $0x90000048  }
0xb5: {  	_ =	sfence  }
0xb6: {  	s30 =	sld [smem:$0x0];
	_ =	sdelay $0x2  }
0xb7: {  	s31 =	sshll.u32 s1, $0xD;
	s1 =	sshrl.u32 s1, $0x2  }
0xb8: {  	s3 =	sand.u32 $0x4000, s31;
	s1 =	sadd.s32 s1, s30  }
0xb9: {  	s0 =	sor.u32 s3, s0;
	s1 =	sshll.u32 s1, $0x11  }
0xba: {  	s0 =	sor.u32 s1, s0  }
0xbb: {  	s0 =	sadd.s32 $0x8F2B, s0  }
0xbc: {  	[sflag:s0] =	ssyncadd.remote.s32 $0x1  }
0xbd: {  	_ =	sfence.sel $0xFFFF  }
0xbe: {  	[dreg:$0x0] =	wrdreg $0xFFFFFFFF;
	(pc) =	sbr.abs _section_cstart, $3  }
0xbf: {  	[dreg:$0x1] =	wrdreg $0xFFFFFFFF  }
0xc0: {  	_ =	task.clear_ibuf [dreg:s6], $0x2FFFF;
	_ =	strace $0x9FFFFFFF  }
0xc1: {  	(tm) =	ssettm $0x7FFFFFFF  }
tec
execute0_lowered:
.L_overlay_start_1:
0x0: {  	(tag) =	ssettag $0x1  }
0x1: {  	s1 =	srdreg.scid  }
0x2: {  	s0 =	stileid.u32;
	s4 =	rddreg [dreg:$0x0];
	s2 =	simm.s32 $0x0  }
0x3: {  	s14 =	simm.s32 $0x2800;
	s15 =	simm.s32 $0x6800;
	s16 =	simm.s32 $0x1  }
0x4: {  	s17 =	simm.s32 $0x2;
	s18 =	simm.s32 $0x2780;
	s19 =	simm.s32 $0x0  }
0x5: {  	s7 =	sand.u32 $0x1, s1;
	s3 =	sshll.u32 s0, $0x1;
	s1 =	rddreg [dreg:$0x1]  }
0x6: {  	[smem:$0x7FF] =	sst s2;
	s9 =	sadd.s32 $0x3BE00, s4;
	s12 =	smul.u32 $0x28000, s0  }
0x7: {  	s11 =	sadd.s32 $0x2BBE00, s4;
	s5 =	sor.u32 s7, s3;
	s31 =	smul.u32 $0x14000, s7  }
0x8: {  	_ =	strace $0x80000047;
	s8 =	ssub.s32 $0x2, s7;
	s6 =	smul.u32 $0x280, s5  }
0x9: {  	s3 =	sadd.s32 $0x13E00, s4;
	s10 =	sshrl.u32 s8, $0x1;
	s29 =	smul.u32 $0x14000, s5  }
0xa: {  	s13 =	sadd.s32 s12, s11;
	s12 =	sadd.s32 s12, s9;
	s8 =	ssub.s32 s8, s10  }
0xb: {  	s10 =	sadd.s32 s31, s12;
	s12 =	simm.s32 $0x1400;
	s6 =	sadd.s32 s6, s4  }
0xc: {  	s30 =	sadd.s32 $0x13800, s29;
	s4 =	sadd.s32 $0xEE00, s6;
	s5 =	sadd.s32 $0x9E00, s6  }
0xd: {  	s6 =	smax.u32 s8, $0x1;
	s7 =	sadd.s32 s9, s30;
	s8 =	sadd.s32 s11, s30  }
0xe: {  	s9 =	sadd.s32 s31, s13;
	s11 =	simm.s32 $0x3;
	s13 =	simm.s32 $0x80  }
.LBB2_1:
0xf: {  	[tilespmem:s2], [sflag:$0x3] =	stream.linear.gather [hbm4b:s4+s2], $0x1400, $0x38;
	[tilespmem:$0xA800] =	vst v63  }
0x10: {  	_ =	swait.ge [sflag:s11], $0x1400  }
0x11: {  	[sflag:s11] =	ssyncset.done $0x0  }
0x12: {  	[sflag:s11] =	ssyncadd.s32 $0xFFFFEC00  }
0x13: {  	[tilespmem:s12], [sflag:$0x3] =	stream.linear.gather [hbm4b:s5+s2], $0x1400, $0x38;
	[tilespmem:$0xA800] =	vst v63  }
0x14: {  	_ =	swait.ge [sflag:s11], $0x1400  }
0x15: {  	[sflag:s11] =	ssyncset.done $0x0  }
0x16: {  	[sflag:s11] =	ssyncadd.s32 $0xFFFFEC00  }
0x17: {  	[tilespmem:s14], [sflag:$0x1] =	stream.indirect.gather [hbm4b:s3+s13], $0x80, s2, s13, $0xb8;
	[tilespmem:$0xA800] =	vst v63  }
0x18: {  	s20 =	simm.s32 $0x1400  }
0x19: {  	[tilespmem:s15], [sflag:$0x2] =	stream.indirect.gather [hbm4b:s3+s13], $0x80, s20, s13, $0xb8;
	[tilespmem:$0xA800] =	vst v63  }
0x1a: {  	_ =	swait.ge [sflag:s16], $0x4000  }
0x1b: {  	[sflag:s16] =	ssyncset.done $0x0  }
0x1c: {  	[sflag:s16] =	ssyncadd.s32 $0xFFFFC000  }
0x1d: {  	[hbm4b:s10+s2] =	stream.linear.scatter [tilespmem:s14], [sflag:$0x3], $0x4000, $0x38;
	[tilespmem:$0xA800] =	vst v63  }
0x1e: {  	_ =	swait.ge [sflag:s11], $0x4000  }
0x1f: {  	[sflag:s11] =	ssyncset.done $0x0  }
0x20: {  	s31 =	simm.s32 $0x80;
	[sflag:s11] =	ssyncadd.s32 $0xFFFFC000  }
0x21: {  	[tilespmem:s14], [sflag:$0x1] =	stream.indirect.gather [hbm4b:s3+s13], $0x80, s31, s13, $0xb8;
	[tilespmem:$0xA800] =	vst v63  }
0x22: {  	_ =	swait.ge [sflag:s17], $0x4000  }
0x23: {  	[sflag:s17] =	ssyncset.done $0x0  }
0x24: {  	[sflag:s17] =	ssyncadd.s32 $0xFFFFC000  }
0x25: {  	[hbm4b:s9+s2] =	stream.linear.scatter [tilespmem:s15], [sflag:$0x3], $0x4000, $0x38;
	[tilespmem:$0xA800] =	vst v63  }
0x26: {  	s23 =	simm.s32 $0x400;
	s21 =	sadd.s32 $0x800, s10;
	_ =	swait.ge [sflag:s11], $0x4000  }
0x27: {  	s22 =	simm.s32 $0x80;
	s20 =	sadd.s32 $0x800, s9;
	[sflag:s11] =	ssyncset.done $0x0  }
.LBB2_2:
0x28: {  	s24 =	sadd.s32 $0x1400, s22  }
0x29: {  	[sflag:s11] =	ssyncadd.s32 $0xFFFFC000;
	s25 =	smov.u32 s23;
	s26 =	sadd.s32 $0x200, s23  }
0x2a: {  	[tilespmem:s15], [sflag:$0x2] =	stream.indirect.gather [hbm4b:s3+s13], $0x80, s24, s13, $0xb8;
	[tilespmem:$0xA800] =	vst v63  }
0x2b: {  	p0 =	sne.s32 s23, $0x4C00;
	_ =	swait.ge [sflag:s16], $0x4000  }
0x2c: {  	[sflag:s16] =	ssyncset.done $0x0  }
0x2d: {  	[sflag:s16] =	ssyncadd.s32 $0xFFFFC000  }
0x2e: {  	[hbm4b:s21+s2] =	stream.linear.scatter [tilespmem:s14], [sflag:$0x3], $0x4000, $0x38;
	[tilespmem:$0xA800] =	vst v63  }
0x2f: {  	_ =	swait.ge [sflag:s11], $0x4000  }
0x30: {  	[sflag:s11] =	ssyncset.done $0x0  }
0x31: {  	s22 =	sadd.s32 $0x80, s22;
	[sflag:s11] =	ssyncadd.s32 $0xFFFFC000  }
0x32: {  	[tilespmem:s14], [sflag:$0x1] =	stream.indirect.gather [hbm4b:s3+s13], $0x80, s22, s13, $0xb8;
	[tilespmem:$0xA800] =	vst v63  }
0x33: {  	_ =	swait.ge [sflag:s17], $0x4000  }
.Ltmp0:
0x34: {  	[sflag:s17] =	ssyncset.done $0x0;
	(pc) =	sbr.rel @p0 .LBB2_2-.Ltmp0, $4  }
0x35: {  	[sflag:s17] =	ssyncadd.s32 $0xFFFFC000  }
0x36: {  	[hbm4b:s20+s2] =	stream.linear.scatter [tilespmem:s15], [sflag:$0x3], $0x4000, $0x38;
	[tilespmem:$0xA800] =	vst v63  }
0x37: {  	s23 =	smov.u32 s26;
	s21 =	sadd.s32 $0x800, s21;
	_ =	swait.ge [sflag:s11], $0x4000  }
0x38: {  	s22 =	sshra.s32 s25, $0x2;
	s20 =	sadd.s32 $0x800, s20;
	[sflag:s11] =	ssyncset.done $0x0  }
0x39: {  	s23 =	sadd.s32 $0x1400, s22;
	[sflag:s11] =	ssyncadd.s32 $0xFFFFC000  }
0x3a: {  	[tilespmem:s15], [sflag:$0x2] =	stream.indirect.gather [hbm4b:s3+s13], $0x80, s23, s13, $0xb8;
	[tilespmem:$0xA800] =	vst v63  }
0x3b: {  	_ =	swait.ge [sflag:s16], $0x4000  }
0x3c: {  	[sflag:s16] =	ssyncset.done $0x0  }
0x3d: {  	[sflag:s16] =	ssyncadd.s32 $0xFFFFC000  }
0x3e: {  	[hbm4b:s21+s2] =	stream.linear.scatter [tilespmem:s14], [sflag:$0x3], $0x4000, $0x38;
	[tilespmem:$0xA800] =	vst v63  }
0x3f: {  	_ =	swait.ge [sflag:s11], $0x4000  }
0x40: {  	[sflag:s11] =	ssyncset.done $0x0  }
0x41: {  	s31 =	sadd.s32 $0x80, s22;
	[sflag:s11] =	ssyncadd.s32 $0xFFFFC000  }
0x42: {  	[tilespmem:s14], [sflag:$0x1] =	stream.indirect.gather [hbm4b:s3+s13], $0x80, s31, s13, $0xb8;
	[tilespmem:$0xA800] =	vst v63  }
0x43: {  	_ =	swait.ge [sflag:s17], $0x4000  }
0x44: {  	[sflag:s17] =	ssyncset.done $0x0  }
0x45: {  	[sflag:s17] =	ssyncadd.s32 $0xFFFFC000  }
0x46: {  	[hbm4b:s20+s2] =	stream.linear.scatter [tilespmem:s15], [sflag:$0x3], $0x4000, $0x38;
	[tilespmem:$0xA800] =	vst v63  }
0x47: {  	_ =	swait.ge [sflag:s11], $0x4000  }
0x48: {  	[sflag:s11] =	ssyncset.done $0x0  }
0x49: {  	[sflag:s11] =	ssyncadd.s32 $0xFFFFC000  }
0x4a: {  	[tilespmem:s15], [sflag:$0x2] =	stream.indirect.gather [hbm4b:s3+s13], $0x80, s18, s13, $0xb8;
	[tilespmem:$0xA800] =	vst v63  }
0x4b: {  	_ =	swait.ge [sflag:s16], $0x4000  }
0x4c: {  	[sflag:s16] =	ssyncset.done $0x0  }
0x4d: {  	[sflag:s16] =	ssyncadd.s32 $0xFFFFC000  }
0x4e: {  	[hbm4b:s7+s2] =	stream.linear.scatter [tilespmem:s14], [sflag:$0x3], $0x4000, $0x38;
	[tilespmem:$0xA800] =	vst v63  }
0x4f: {  	_ =	swait.ge [sflag:s11], $0x4000  }
0x50: {  	[sflag:s11] =	ssyncset.done $0x0  }
0x51: {  	[sflag:s11] =	ssyncadd.s32 $0xFFFFC000  }
0x52: {  	s19 =	sadd.s32 $0x1, s19;
	_ =	swait.ge [sflag:s17], $0x4000  }
0x53: {  	p0 =	sne.s32 s19, s6;
	[sflag:s17] =	ssyncset.done $0x0  }
.Ltmp1:
0x54: {  	[sflag:s17] =	ssyncadd.s32 $0xFFFFC000;
	(pc) =	sbr.rel @p0 .LBB2_1-.Ltmp1, $4  }
0x55: {  	[hbm4b:s8+s2] =	stream.linear.scatter [tilespmem:s15], [sflag:$0x3], $0x4000, $0x38;
	[tilespmem:$0xA800] =	vst v63  }
0x56: {  	_ =	swait.ge [sflag:s11], $0x4000  }
0x57: {  	[sflag:s11] =	ssyncset.done $0x0  }
0x58: {  	[sflag:s11] =	ssyncadd.s32 $0xFFFFC000  }
0x59: {  	_ =	sfence.sel $0x180000  }
0x5a: {  	[bflag:$0x0] =	sbarrier.arrive $0xFFFF  }
0x5b: {  	p0 =	sne.s32 s0, $0x0;
	_ =	strace $0x90000047  }
0x5c: {  	s0 =	sadd.s32 @!p0 $0x100000, s1;
	[bflag:$0x2] =	sbarrier.arrive $0xFFFF  }
0x5d: {  	[sflag:s0] =	ssyncadd.tile.s32 @!p0 $0x1;
	_ =	shalt  }
.Lfunc_end2:
_tile_overlayer_lowered:
.L_overlay_start_2:
0x5e: {  	(tag) =	ssettag $0x2  }
0x5f: {  	s0 =	rddreg [dreg:$0x0];
	s2 =	stileid.u32  }
0x60: {  	s1 =	rddreg [dreg:$0x1];
	p0 =	sne.s32 s2, $0x0  }
0x61: {  	s3 =	rddreg [dreg:$0x2];
	[bflag:$0x3] =	sbarrier.arrive $0xFFFF;
	s2 =	simm.s32 @!p0 $0x1C03  }
0x62: {  	[timem:s3], [sflag:s2] =	dma.local @!p0 [hbm:s0], s1  }
0x63: {  	s0 =	simm.s32 @!p0 $0x3  }
0x64: {  	_ =	swait.ge @!p0 [sflag:s0], s1  }
0x65: {  	s1 =	ssub.s32 @!p0 $0x0, s1;
	[sflag:s0] =	ssyncset.done @!p0 $0x0  }
0x66: {  	[sflag:s0] =	ssyncadd.s32 @!p0 s1  }
0x67: {  	[bflag:$0x3] =	sbarrier.arrive $0xFFFF  }
0x68: {  	_ =	shalt  }

// kernel: kernel.27.cloned.1.call-start
scs
__scs_entry_jumppad:
0x0: {  	(pc) =	sbr.rel $0x88, $3  }
0x1: {  	(tag) =	ssettag $0x0;
	lr =	simm.s32 $0x1  }
0x2: {  	[smem:$0x3F70] =	sst lr;
	_ =	strace $0xD0000000  }
0x3: {  	_ = 	snop  }
0x4: {  	_ = 	snop  }
0x5: {  	_ = 	snop  }
0x6: {  	_ = 	snop  }
0x7: {  	_ = 	snop  }
__scs_overlays_trampoline_lowered:
0x8: {  	[smem:$0x3F7F] =	sst s0  }
0x9: {  	[smem:$0x3F80] =	sst s1  }
0xa: {  	[smem:$0x3F81] =	sst s2  }
0xb: {  	[smem:$0x3F82] =	sst s3  }
0xc: {  	[smem:$0x3F83] =	sst s4  }
0xd: {  	[smem:$0x3F84] =	sst s5  }
0xe: {  	[smem:$0x3F85] =	sst s6  }
0xf: {  	[smem:$0x3F86] =	sst s7  }
0x10: {  	[smem:$0x3F87] =	sst s8  }
0x11: {  	[smem:$0x3F88] =	sst s9;
	s0 =	simm.s32 @!p0 $0x0  }
0x12: {  	s1 =	sld [smem:$0x3F6E];
	s0 =	simm.s32 @p0 $0x1  }
0x13: {  	[smem:$0x3F89] =	sst s0;
	s0 =	simm.s32 @!p1 $0x0  }
0x14: {  	s2 =	sld [smem:$0x3F6D];
	s0 =	simm.s32 @p1 $0x1  }
0x15: {  	[smem:$0x3F8A] =	sst s0;
	s0 =	simm.s32 @!p2 $0x0  }
0x16: {  	s3 =	sld [smem:$0x3FDB];
	s0 =	simm.s32 @p2 $0x1  }
0x17: {  	s4 =	simm.s32 $0x1BF5;
	[smem:$0x3F8C] =	sst s0  }
0x18: {  	s0 =	sld [smem:$0x3F6F];
	_ =	swait.ge [sflag:s4], $0x0  }
0x19: {  	s7 =	sld [smem:$0x3F70]  }
0x1a: {  	s8 =	sadd.s32 $0xFFFFE003, lr  }
0x1b: {  	s9 =	sadd.s32 $0xFFFFFEF7, lr;
	s5 =	simm.s32 $0xFFFFFFFF;
	p2 =	slt.u32 s8, $0xFFFFF086  }
0x1c: {  	p1 =	slt.u32 s9, $0xF7A;
	s5 =	simm.s32 @!p2 $0x0  }
0x1d: {  	s5 =	simm.s32 @p1 $0x1;
	p0 =	seq.s32 s7, s2  }
0x1e: {  	s7 =	smul.u32 @!p0 $0xF7A, s2;
	p2 =	seq.s32 @!p0 s5, $0x0  }
0x1f: {  	s9 =	smul.u32 $0xF7A, s1;
	s8 =	simm.s32 @!p0 $0x1BF5;
	p2 =	por !p2, p0  }
0x20: {  	[sflag:s8] =	ssyncset.s32 @!p0 $0xFFFFF086;
	s6 =	sadd.s32 @!p0 s3, s7;
	s7 =	simm.s32 @!p0 $0x108  }
0x21: {  	s3 =	sadd.s32 s3, s9;
	s6 =	sadd.s32 @!p0 $0x88, s6;
	s7 =	simm.s32 @p2 $0x1082  }
0x22: {  	[simem:s7], [sflag:s8] =	dma.local @!p0 [hbm:s6], $0xF7A  }
0x23: {  	s9 =	sor.u32 $0xD0000000, s2;
	s6 =	simm.s32 $0x108;
	_ =	swait.ge @!p0 [sflag:s8], $0x0  }
0x24: {  	s3 =	sadd.s32 $0x88, s3;
	s6 =	simm.s32 @!p1 $0x1082;
	[sflag:s4] =	ssyncset.s32 $0xFFFFF086  }
0x25: {  	[simem:s6], [sflag:s4] =	dma.local [hbm:s3], $0xF7A  }
0x26: {  	[smem:$0x3F70] =	sst s1;
	(tag) =	ssettag s2;
	_ =	strace s9  }
0x27: {  	s1 =	sld [smem:$0x3F80]  }
0x28: {  	s2 =	sld [smem:$0x3F81]  }
0x29: {  	s4 =	sld [smem:$0x3F83]  }
0x2a: {  	p0 =	seq.s32 s5, $0x0;
	s5 =	sld [smem:$0x3F84]  }
0x2b: {  	s6 =	sld [smem:$0x3F85]  }
0x2c: {  	s7 =	sld [smem:$0x3F86]  }
0x2d: {  	s3 =	simm.s32 $0x108;
	s8 =	sld [smem:$0x3F87]  }
0x2e: {  	s3 =	simm.s32 @!p0 $0x1082;
	s9 =	sld [smem:$0x3F88]  }
0x2f: {  	lr =	sadd.s32 s0, s3;
	s0 =	sld [smem:$0x3F7F]  }
0x30: {  	s3 =	sld [smem:$0x3F82]  }
0x31: {  	[smem:$0x3F8B] =	sst s10  }
0x32: {  	s10 =	sld [smem:$0x3F89];
	_ =	sdelay $0x3  }
0x33: {  	p0 =	seq.s32 s10, $0x1;
	s10 =	sld [smem:$0x3F8B];
	_ =	sdelay $0x3  }
0x34: {  	[smem:$0x3F8B] =	sst s10  }
0x35: {  	s10 =	sld [smem:$0x3F8A];
	_ =	sdelay $0x3  }
0x36: {  	p1 =	seq.s32 s10, $0x1;
	s10 =	sld [smem:$0x3F8B];
	_ =	sdelay $0x3  }
0x37: {  	[smem:$0x3F8B] =	sst s10  }
0x38: {  	s10 =	sld [smem:$0x3F8C]  }
0x39: {  	_ = 	snop;
	(pc) =	sbr.ind lr, $3  }
0x3a: {  	_ = 	snop  }
0x3b: {  	_ = 	snop  }
0x3c: {  	p2 =	seq.s32 s10, $0x1;
	s10 =	sld [smem:$0x3F8B]  }
0x3d: {  	_ =	shalt  }
0x3e: {  	_ =	shalt  }
0x3f: {  	_ =	shalt  }
0x40: {  	_ =	shalt  }
0x41: {  	_ =	shalt  }
0x42: {  	_ =	shalt  }
0x43: {  	_ =	shalt  }
0x44: {  	_ =	shalt  }
0x45: {  	_ =	shalt  }
0x46: {  	_ =	shalt  }
0x47: {  	_ =	shalt  }
0x48: {  	_ =	shalt  }
0x49: {  	_ =	shalt  }
0x4a: {  	_ =	shalt  }
0x4b: {  	_ =	shalt  }
0x4c: {  	_ =	shalt  }
0x4d: {  	_ =	shalt  }
0x4e: {  	_ =	shalt  }
0x4f: {  	_ =	shalt  }
0x50: {  	_ =	shalt  }
0x51: {  	_ =	shalt  }
0x52: {  	_ =	shalt  }
0x53: {  	_ =	shalt  }
0x54: {  	_ =	shalt  }
0x55: {  	_ =	shalt  }
0x56: {  	_ =	shalt  }
0x57: {  	_ =	shalt  }
0x58: {  	_ =	shalt  }
0x59: {  	_ =	shalt  }
0x5a: {  	_ =	shalt  }
0x5b: {  	_ =	shalt  }
0x5c: {  	_ =	shalt  }
0x5d: {  	_ =	shalt  }
0x5e: {  	_ =	shalt  }
0x5f: {  	_ =	shalt  }
0x60: {  	_ =	shalt  }
0x61: {  	_ =	shalt  }
0x62: {  	_ =	shalt  }
0x63: {  	_ =	shalt  }
0x64: {  	_ =	shalt  }
0x65: {  	_ =	shalt  }
0x66: {  	_ =	shalt  }
0x67: {  	_ =	shalt  }
0x68: {  	_ =	shalt  }
0x69: {  	_ =	shalt  }
0x6a: {  	_ =	shalt  }
0x6b: {  	_ =	shalt  }
0x6c: {  	_ =	shalt  }
0x6d: {  	_ =	shalt  }
0x6e: {  	_ =	shalt  }
0x6f: {  	_ =	shalt  }
0x70: {  	_ =	shalt  }
0x71: {  	_ =	shalt  }
0x72: {  	_ =	shalt  }
0x73: {  	_ =	shalt  }
0x74: {  	_ =	shalt  }
0x75: {  	_ =	shalt  }
0x76: {  	_ =	shalt  }
0x77: {  	_ =	shalt  }
0x78: {  	_ =	shalt  }
0x79: {  	_ =	shalt  }
0x7a: {  	_ =	shalt  }
0x7b: {  	_ =	shalt  }
0x7c: {  	_ =	shalt  }
0x7d: {  	_ =	shalt  }
0x7e: {  	_ =	shalt  }
0x7f: {  	_ =	shalt  }
0x80: {  	_ =	shalt  }
0x81: {  	_ =	shalt  }
0x82: {  	_ =	shalt  }
0x83: {  	_ =	shalt  }
0x84: {  	_ =	shalt  }
0x85: {  	_ =	shalt  }
0x86: {  	_ =	shalt  }
0x87: {  	_ =	shalt  }
.Lfunc_end0:
.L_simem_size_0:
called_computation.2_lowered:
.L_overlay_start_0:
0x88: {  	s2 =	sld [smem:$0x3FD9]  }
0x89: {  	s3 =	sld [smem:$0x3FFE];
	_ =	sdelay $0x1  }
0x8a: {  	s1 =	srdreg.scid  }
0x8b: {  	s0 =	sand.u32 $0x1, s1  }
0x8c: {  	s16 =	sshll.u32 s0, $0xA;
	s2 =	sadd.s32 s3, s2  }
0x8d: {  	s2 =	sadd.s32 s2, s16  }
0x8e: {  	[smem:$0x3F97] =	sst s2  }
0x8f: {  	_ = 	snop  }
0x90: {  	(tm) =	ssettm $0x1  }
0x91: {  	s17 =	sld [smem:$0x3FFB];
	_ =	sdelay $0x3  }
0x92: {  	_ =	strace s17  }
0x93: {  	s2 =	sld [smem:$0x3FFC];
	_ =	sdelay $0x3  }
0x94: {  	_ =	strace s2  }
0x95: {  	s2 =	sld [smem:$0x3FFD];
	_ =	sdelay $0x3  }
0x96: {  	_ =	strace s2  }
0x97: {  	_ =	strace $0x8FFFFFFF  }
0x98: {  	s18 =	sld [smem:$0x3FDB];
	_ =	sdelay $0x1  }
0x99: {  	s19 =	simm.s32 $_scs_section_size  }
0x9a: {  	s4 =	simm.s32 $_size__tile_overlayer_lowered;
	s5 =	simm.s32 $_tile_overlayer_lowered  }
0x9b: {  	s22 =	simm.s32 $0x1BFF;
	s21 =	sshll.u32 s5, $0x1;
	s2 =	sadd.s32 s19, s18  }
0x9c: {  	s6 =	simm.s32 $0x0;
	s20 =	sshll.u32 s4, $0x1;
	s4 =	sadd.s32 s21, s2  }
0x9d: {  	[timem:s6], [sflag:s22] =	dma.local [hbm:s4], s20  }
0x9e: {  	_ =	swait.ge [sflag:s22], s20  }
0x9f: {  	s3 =	ssub.s32 $0x0, s20;
	[sflag:s22] =	ssyncset.done $0x0  }
0xa0: {  	[sflag:s22] =	ssyncadd.s32 s3;
	_ =	sdelay $0x1  }
0xa1: {  	s23 =	simm.s32 $0x1B8B  }
0xa2: {  	_ =	swait.ge [sflag:s23], $0x1  }
0xa3: {  	[sflag:s23] =	ssyncset.done $0x0  }
0xa4: {  	s25 =	simm.s32 $0x1B8E;
	s24 =	sld [smem:$0x3FFE];
	[sflag:s23] =	ssyncadd.s32 $0xFFFFFFFF  }
0xa5: {  	s26 =	simm.s32 $execute0_lowered;
	[smem:$0x3FD2] =	sst s25  }
0xa6: {  	s4 =	sshll.u32 s26, $0x1;
	_ =	strace $0x80000049;
	[dreg:$0x1] =	wrdreg $0xFFFFFFFF  }
0xa7: {  	s28 =	simm.s32 $_size_execute0_lowered;
	s2 =	sadd.s32 s2, s4;
	[dreg:$0x0] =	wrdreg $0x0  }
0xa8: {  	s4 =	sshll.u32 s28, $0x1;
	[dreg:$0x2] =	wrdreg s2  }
0xa9: {  	[dreg:$0x3] =	wrdreg s4  }
0xaa: {  	[dreg:$0x4] =	wrdreg $0xC0  }
0xab: {  	_ =	task [dreg:s6], $0x5FFFF  }
0xac: {  	[dreg:$0x1] =	wrdreg $0xFFFFFFFF  }
0xad: {  	[dreg:$0x0] =	wrdreg $0x60  }
0xae: {  	[dreg:$0x2] =	wrdreg s24  }
0xaf: {  	[dreg:$0x3] =	wrdreg $0x0  }
0xb0: {  	[dreg:$0x4] =	wrdreg $0x9  }
0xb1: {  	_ =	task.clear_ibuf [dreg:s6], $0x5FFFF;
	_ =	strace $0x90000049  }
0xb2: {  	s29 =	simm.s32 $0x9;
	_ =	strace $0x8000004B  }
0xb3: {  	_ =	swait.ge [sflag:s29], $0x1  }
0xb4: {  	[sflag:s29] =	ssyncadd.s32 $0xFFFFFFFF  }
0xb5: {  	_ =	strace $0x9000004B  }
0xb6: {  	_ =	sfence  }
0xb7: {  	s30 =	sld [smem:$0x0];
	_ =	sdelay $0x2  }
0xb8: {  	s31 =	sshll.u32 s1, $0xD;
	s1 =	sshrl.u32 s1, $0x2  }
0xb9: {  	s3 =	sand.u32 $0x4000, s31;
	s1 =	sadd.s32 s1, s30  }
0xba: {  	s0 =	sor.u32 s3, s0;
	s1 =	sshll.u32 s1, $0x11  }
0xbb: {  	s0 =	sor.u32 s1, s0  }
0xbc: {  	s0 =	sadd.s32 $0x8F2B, s0  }
0xbd: {  	[sflag:s0] =	ssyncadd.remote.s32 $0x1  }
0xbe: {  	_ =	sfence.sel $0xFFFF  }
0xbf: {  	[dreg:$0x0] =	wrdreg $0xFFFFFFFF;
	(pc) =	sbr.abs _section_cstart, $3  }
0xc0: {  	[dreg:$0x1] =	wrdreg $0xFFFFFFFF  }
0xc1: {  	_ =	task.clear_ibuf [dreg:s6], $0x2FFFF;
	_ =	strace $0x9FFFFFFF  }
0xc2: {  	(tm) =	ssettm $0x7FFFFFFF  }
0xc3: {  	_ =	shalt  }
tec
execute0_lowered:
.L_overlay_start_1:
0x0: {  	(tag) =	ssettag $0x1  }
0x1: {  	s4 =	rddreg [dreg:$0x0];
	s0 =	srdreg.scid  }
0x2: {  	s2 =	rddreg [dreg:$0x1];
	s1 =	stileid.u32  }
0x3: {  	s3 =	simm.s32 $0x0;
	s17 =	simm.s32 $0x15400;
	s18 =	simm.s32 $0x5  }
0x4: {  	s19 =	simm.s32 $0x14000;
	s20 =	simm.s32 $0x1;
	s21 =	simm.s32 $0x19400  }
0x5: {  	s22 =	simm.s32 $0x80;
	s23 =	simm.s32 $0x2;
	s8 =	smul.u32 $0x14000, s1  }
0x6: {  	s24 =	simm.s32 $0x3;
	s25 =	simm.s32 $0x14080;
	s30 =	smul.u32 $0x50000, s1  }
0x7: {  	s28 =	simm.s32 $0x15380;
	s5 =	sand.u32 $0x1, s0;
	s11 =	smul.u32 $0x50, s1  }
0x8: {  	s29 =	simm.s32 $0x0;
	s6 =	sshll.u32 s1, $0x1;
	s7 =	smul.u32 $0x140000, s5  }
0x9: {  	[smem:$0x7FF] =	sst s3;
	s6 =	sor.u32 s5, s6;
	s12 =	smul.u32 $0x28, s5  }
0xa: {  	s14 =	sadd.s32 $0xCACE00, s4;
	s31 =	ssub.s32 $0x2, s5;
	s9 =	smul.u32 $0x280, s6  }
0xb: {  	_ =	strace $0x8000004A;
	s6 =	smul.u32 $0x14000, s6;
	s10 =	sshrl.u32 s31, $0x1  }
0xc: {  	s7 =	sadd.s32 s8, s7;
	s10 =	ssub.s32 s31, s10;
	s12 =	sadd.s32 s12, s11  }
0xd: {  	s26 =	sadd.s32 s9, s4;
	s7 =	sshrl.u32 s7, $0x3;
	s9 =	sshrl.u32 s30, $0x2  }
0xe: {  	s6 =	sadd.s32 s14, s6;
	s8 =	smax.u32 s10, $0x1;
	s15 =	sshll.u32 s12, $0xB  }
.Ltmp0:
0xf: {  	s7 =	sadd.s32 s7, s4;
	s4 =	sadd.s32 s9, s2;
	(pc) =	sbr.rel .LBB2_1-.Ltmp0, $4  }
0x10: {  	s5 =	sadd.s32 $0xEE00, s26;
	s13 =	sadd.s32 $0x800, s6;
	s16 =	sadd.s32 s15, s14  }
0x11: {  	s14 =	sadd.s32 $0x1000, s6;
	s26 =	simm.s32 $0x4;
	s7 =	sadd.s32 $0x13E00, s7  }
0x12: {  	s9 =	sadd.s32 $0x4000, s4;
	s10 =	sadd.s32 $0x8000, s4;
	s11 =	sadd.s32 $0xC000, s4  }
0x13: {  	v0 =	vimm.f32 $0.0e+00;
	s12 =	sadd.s32 $0x10000, s4;
	s15 =	sadd.s32 $0x2000, s16;
	s16 =	sadd.s32 $0x1800, s16  }
.LBB2_6:
0x14: {  	[spmem:s2] =	stream.indirect.scatter.add.f32 [tilespmem:s21], [sflag:$0x4], $0x80, s28, s22, $0xb8;
	[tilespmem:$0x1D400] =	vst v63  }
0x15: {  	_ =	swait.ge [sflag:s26], $0x4000  }
0x16: {  	s0 =	sshll.u32 s1, $0x6;
	s29 =	sadd.s32 $0x1, s29;
	[sflag:s26] =	ssyncset.done $0x0  }
0x17: {  	s30 =	sshrl.u32 s4, $0x3;
	p0 =	sne.s32 s29, s8;
	[sflag:s26] =	ssyncadd.s32 $0xFFFFC000  }
.Ltmp1:
0x18: {  	s0 =	sor.u32 $0x1C05, s0;
	[bflag:$0x0] =	sbarrier.arrive $0xFFFF;
	(pc) =	sbr.rel @!p0 .LBB2_7-.Ltmp1, $4  }
0x19: {  	[hbm:s7], [sflag:s0] =	dma.local [spmem:s30], $0x2800  }
0x1a: {  	_ =	swait.ge [sflag:s18], $0x2800  }
0x1b: {  	[sflag:s18] =	ssyncset.done $0x0  }
0x1c: {  	[sflag:s18] =	ssyncadd.s32 $0xFFFFD800  }
.LBB2_1:
0x1d: {  	s30 =	simm.s32 $0x0;
	s31 =	simm.s32 $0x200  }
.LBB2_2:
0x1e: {  	p0 =	sne.s32 s31, $0xFE00;
	[tilespmem:s30+$0x15470] =	vst v0  }
0x1f: {  	[tilespmem:s30+$0x15400] =	vst v0  }
0x20: {  	[tilespmem:s30+$0x15410] =	vst v0  }
.Ltmp2:
0x21: {  	[tilespmem:s30+$0x15420] =	vst v0;
	(pc) =	sbr.rel @p0 .LBB2_2-.Ltmp2, $4  }
0x22: {  	[tilespmem:s30+$0x15430] =	vst v0  }
0x23: {  	[tilespmem:s30+$0x15440] =	vst v0  }
0x24: {  	[tilespmem:s30+$0x15450] =	vst v0  }
0x25: {  	[tilespmem:s30+$0x15460] =	vst v0;
	s30 =	sshra.s32 s31, $0x2;
	s31 =	sadd.s32 $0x200, s31  }
0x26: {  	[tilespmem:s30+$0x15470] =	vst v0  }
0x27: {  	[tilespmem:s30+$0x15400] =	vst v0  }
0x28: {  	[tilespmem:s30+$0x15410] =	vst v0  }
0x29: {  	[tilespmem:s30+$0x15420] =	vst v0  }
0x2a: {  	[tilespmem:s30+$0x15430] =	vst v0  }
0x2b: {  	[tilespmem:s30+$0x15440] =	vst v0  }
0x2c: {  	[tilespmem:s30+$0x15450] =	vst v0  }
0x2d: {  	[tilespmem:s30+$0x15460] =	vst v0  }
0x2e: {  	[spmem:s4] =	stream.linear.scatter [tilespmem:s17], [sflag:$0x5], $0x4000, $0x38;
	[tilespmem:$0x1D400] =	vst v63  }
0x2f: {  	_ =	swait.ge [sflag:s18], $0x4000  }
0x30: {  	[sflag:s18] =	ssyncset.done $0x0  }
0x31: {  	[sflag:s18] =	ssyncadd.s32 $0xFFFFC000  }
0x32: {  	[spmem:s9] =	stream.linear.scatter [tilespmem:s17], [sflag:$0x5], $0x4000, $0x38;
	[tilespmem:$0x1D400] =	vst v63  }
0x33: {  	_ =	swait.ge [sflag:s18], $0x4000  }
0x34: {  	[sflag:s18] =	ssyncset.done $0x0  }
0x35: {  	[sflag:s18] =	ssyncadd.s32 $0xFFFFC000  }
0x36: {  	[spmem:s10] =	stream.linear.scatter [tilespmem:s17], [sflag:$0x5], $0x4000, $0x38;
	[tilespmem:$0x1D400] =	vst v63  }
0x37: {  	_ =	swait.ge [sflag:s18], $0x4000  }
0x38: {  	[sflag:s18] =	ssyncset.done $0x0  }
0x39: {  	[sflag:s18] =	ssyncadd.s32 $0xFFFFC000  }
0x3a: {  	[spmem:s11] =	stream.linear.scatter [tilespmem:s17], [sflag:$0x5], $0x4000, $0x38;
	[tilespmem:$0x1D400] =	vst v63  }
0x3b: {  	_ =	swait.ge [sflag:s18], $0x4000  }
0x3c: {  	[sflag:s18] =	ssyncset.done $0x0  }
0x3d: {  	[sflag:s18] =	ssyncadd.s32 $0xFFFFC000  }
0x3e: {  	[spmem:s12] =	stream.linear.scatter [tilespmem:s17], [sflag:$0x5], $0x4000, $0x38;
	[tilespmem:$0x1D400] =	vst v63  }
0x3f: {  	_ =	swait.ge [sflag:s18], $0x4000  }
0x40: {  	[sflag:s18] =	ssyncset.done $0x0  }
0x41: {  	s30 =	simm.s32 $0x0;
	[sflag:s18] =	ssyncadd.s32 $0xFFFFC000  }
0x42: {  	[tilespmem:s19], [sflag:$0x5] =	stream.linear.gather [hbm4b:s5+s30], $0x1400, $0x38;
	[tilespmem:$0x1D400] =	vst v63  }
0x43: {  	_ =	swait.ge [sflag:s18], $0x1400  }
0x44: {  	[sflag:s18] =	ssyncset.done $0x0  }
0x45: {  	[sflag:s18] =	ssyncadd.s32 $0xFFFFEC00  }
0x46: {  	[bflag:$0x0] =	sbarrier.arrive $0xFFFF  }
0x47: {  	[tilespmem:s17], [sflag:$0x1] =	stream.linear.gather [hbm4b:s6+s30], $0x4000, $0x38;
	[tilespmem:$0x1D400] =	vst v63  }
0x48: {  	_ =	swait.ge [sflag:s20], $0x4000  }
0x49: {  	[sflag:s20] =	ssyncset.done $0x0  }
0x4a: {  	[sflag:s20] =	ssyncadd.s32 $0xFFFFC000  }
0x4b: {  	[tilespmem:s21], [sflag:$0x2] =	stream.linear.gather [hbm4b:s13+s30], $0x4000, $0x38;
	[tilespmem:$0x1D400] =	vst v63  }
0x4c: {  	_ = 	snop  }
0x4d: {  	[spmem:s2] =	stream.indirect.scatter.add.f32 [tilespmem:s17], [sflag:$0x3], $0x80, s19, s22, $0xb8;
	[tilespmem:$0x1D400] =	vst v63  }
0x4e: {  	_ =	swait.ge [sflag:s23], $0x4000  }
0x4f: {  	[sflag:s23] =	ssyncset.done $0x0  }
0x50: {  	[sflag:s23] =	ssyncadd.s32 $0xFFFFC000  }
0x51: {  	_ =	swait.ge [sflag:s24], $0x4000  }
0x52: {  	[sflag:s24] =	ssyncset.done $0x0  }
0x53: {  	[sflag:s24] =	ssyncadd.s32 $0xFFFFC000  }
0x54: {  	[tilespmem:s17], [sflag:$0x1] =	stream.linear.gather [hbm4b:s14+s30], $0x4000, $0x38;
	[tilespmem:$0x1D400] =	vst v63  }
0x55: {  	s31 =	simm.s32 $0x14100  }
0x56: {  	[spmem:s2] =	stream.indirect.scatter.add.f32 [tilespmem:s21], [sflag:$0x4], $0x80, s25, s22, $0xb8;
	[tilespmem:$0x1D400] =	vst v63  }
.LBB2_4:
0x57: {  	_ =	swait.ge [sflag:s20], $0x4000  }
0x58: {  	[sflag:s20] =	ssyncset.done $0x0  }
0x59: {  	[sflag:s20] =	ssyncadd.s32 $0xFFFFC000  }
0x5a: {  	_ =	swait.ge [sflag:s26], $0x4000  }
0x5b: {  	[sflag:s26] =	ssyncset.done $0x0  }
0x5c: {  	s0 =	sadd.s32 s30, s16;
	[sflag:s26] =	ssyncadd.s32 $0xFFFFC000  }
0x5d: {  	[tilespmem:s21], [sflag:$0x2] =	stream.linear.gather [hbm4b:s0+s3], $0x4000, $0x38;
	[tilespmem:$0x1D400] =	vst v63  }
0x5e: {  	_ = 	snop  }
0x5f: {  	[spmem:s2] =	stream.indirect.scatter.add.f32 [tilespmem:s17], [sflag:$0x3], $0x80, s31, s22, $0xb8;
	[tilespmem:$0x1D400] =	vst v63  }
0x60: {  	p0 =	seq.s32 s30, $0x12000;
	_ =	swait.ge [sflag:s23], $0x4000  }
.Ltmp3:
0x61: {  	[sflag:s23] =	ssyncset.done $0x0;
	(pc) =	sbr.rel @p0 .LBB2_6-.Ltmp3, $4  }
0x62: {  	[sflag:s23] =	ssyncadd.s32 $0xFFFFC000  }
0x63: {  	_ =	swait.ge [sflag:s24], $0x4000  }
0x64: {  	[sflag:s24] =	ssyncset.done $0x0  }
0x65: {  	[sflag:s24] =	ssyncadd.s32 $0xFFFFC000  }
.Ltmp4:
0x66: {  	(pc) =	sbr.rel .LBB2_4-.Ltmp4, $4  }
0x67: {  	s0 =	sadd.s32 s30, s15  }
0x68: {  	[tilespmem:s17], [sflag:$0x1] =	stream.linear.gather [hbm4b:s0+s3], $0x4000, $0x38;
	[tilespmem:$0x1D400] =	vst v63  }
0x69: {  	s30 =	sadd.s32 $0x1000, s30;
	s0 =	sadd.s32 $0x80, s31;
	s31 =	sadd.s32 $0x100, s31  }
0x6a: {  	[spmem:s2] =	stream.indirect.scatter.add.f32 [tilespmem:s21], [sflag:$0x4], $0x80, s0, s22, $0xb8;
	[tilespmem:$0x1D400] =	vst v63  }
.LBB2_7:
0x6b: {  	_ =	sfence.sel $0x180000  }
0x6c: {  	[bflag:$0x0] =	sbarrier.arrive $0xFFFF  }
0x6d: {  	_ =	strace $0x9000004A  }
0x6e: {  	[bflag:$0x2] =	sbarrier.arrive $0xFFFF  }
0x6f: {  	p0 =	sne.s32 s1, $0x0;
	s0 =	rddreg [dreg:$0x2]  }
0x70: {  	s0 =	sadd.s32 @!p0 $0x100000, s0  }
0x71: {  	[sflag:s0] =	ssyncadd.tile.s32 @!p0 $0x1;
	_ =	shalt  }
.Lfunc_end2:
_tile_overlayer_lowered:
.L_overlay_start_2:
0x72: {  	(tag) =	ssettag $0x2  }
0x73: {  	s0 =	rddreg [dreg:$0x0];
	s2 =	stileid.u32  }
0x74: {  	s1 =	rddreg [dreg:$0x1];
	p0 =	sne.s32 s2, $0x0  }
0x75: {  	s3 =	rddreg [dreg:$0x2];
	[bflag:$0x3] =	sbarrier.arrive $0xFFFF;
	s2 =	simm.s32 @!p0 $0x1C05  }
0x76: {  	[timem:s3], [sflag:s2] =	dma.local @!p0 [hbm:s0], s1  }
0x77: {  	s0 =	simm.s32 @!p0 $0x5  }
0x78: {  	_ =	swait.ge @!p0 [sflag:s0], s1  }
0x79: {  	s1 =	ssub.s32 @!p0 $0x0, s1;
	[sflag:s0] =	ssyncset.done @!p0 $0x0  }
0x7a: {  	[sflag:s0] =	ssyncadd.s32 @!p0 s1  }
0x7b: {  	[bflag:$0x3] =	sbarrier.arrive $0xFFFF  }
0x7c: {  	_ =	shalt  }

// kernel: kernel.30.cloned.1.call-start
scs
__scs_entry_jumppad:
0x0: {  	(pc) =	sbr.rel $0x88, $3  }
0x1: {  	(tag) =	ssettag $0x0;
	lr =	simm.s32 $0x1  }
0x2: {  	[smem:$0x3F70] =	sst lr;
	_ =	strace $0xD0000000  }
0x3: {  	_ = 	snop  }
0x4: {  	_ = 	snop  }
0x5: {  	_ = 	snop  }
0x6: {  	_ = 	snop  }
0x7: {  	_ = 	snop  }
__scs_overlays_trampoline_lowered:
0x8: {  	[smem:$0x3F7F] =	sst s0  }
0x9: {  	[smem:$0x3F80] =	sst s1  }
0xa: {  	[smem:$0x3F81] =	sst s2  }
0xb: {  	[smem:$0x3F82] =	sst s3  }
0xc: {  	[smem:$0x3F83] =	sst s4  }
0xd: {  	[smem:$0x3F84] =	sst s5  }
0xe: {  	[smem:$0x3F85] =	sst s6  }
0xf: {  	[smem:$0x3F86] =	sst s7  }
0x10: {  	[smem:$0x3F87] =	sst s8  }
0x11: {  	[smem:$0x3F88] =	sst s9;
	s0 =	simm.s32 @!p0 $0x0  }
0x12: {  	s1 =	sld [smem:$0x3F6E];
	s0 =	simm.s32 @p0 $0x1  }
0x13: {  	[smem:$0x3F89] =	sst s0;
	s0 =	simm.s32 @!p1 $0x0  }
0x14: {  	s2 =	sld [smem:$0x3F6D];
	s0 =	simm.s32 @p1 $0x1  }
0x15: {  	[smem:$0x3F8A] =	sst s0;
	s0 =	simm.s32 @!p2 $0x0  }
0x16: {  	s3 =	sld [smem:$0x3FDB];
	s0 =	simm.s32 @p2 $0x1  }
0x17: {  	s4 =	simm.s32 $0x1BF5;
	[smem:$0x3F8C] =	sst s0  }
0x18: {  	s0 =	sld [smem:$0x3F6F];
	_ =	swait.ge [sflag:s4], $0x0  }
0x19: {  	s7 =	sld [smem:$0x3F70]  }
0x1a: {  	s8 =	sadd.s32 $0xFFFFE003, lr  }
0x1b: {  	s9 =	sadd.s32 $0xFFFFFEF7, lr;
	s5 =	simm.s32 $0xFFFFFFFF;
	p2 =	slt.u32 s8, $0xFFFFF086  }
0x1c: {  	p1 =	slt.u32 s9, $0xF7A;
	s5 =	simm.s32 @!p2 $0x0  }
0x1d: {  	s5 =	simm.s32 @p1 $0x1;
	p0 =	seq.s32 s7, s2  }
0x1e: {  	s7 =	smul.u32 @!p0 $0xF7A, s2;
	p2 =	seq.s32 @!p0 s5, $0x0  }
0x1f: {  	s9 =	smul.u32 $0xF7A, s1;
	s8 =	simm.s32 @!p0 $0x1BF5;
	p2 =	por !p2, p0  }
0x20: {  	[sflag:s8] =	ssyncset.s32 @!p0 $0xFFFFF086;
	s6 =	sadd.s32 @!p0 s3, s7;
	s7 =	simm.s32 @!p0 $0x108  }
0x21: {  	s3 =	sadd.s32 s3, s9;
	s6 =	sadd.s32 @!p0 $0x88, s6;
	s7 =	simm.s32 @p2 $0x1082  }
0x22: {  	[simem:s7], [sflag:s8] =	dma.local @!p0 [hbm:s6], $0xF7A  }
0x23: {  	s9 =	sor.u32 $0xD0000000, s2;
	s6 =	simm.s32 $0x108;
	_ =	swait.ge @!p0 [sflag:s8], $0x0  }
0x24: {  	s3 =	sadd.s32 $0x88, s3;
	s6 =	simm.s32 @!p1 $0x1082;
	[sflag:s4] =	ssyncset.s32 $0xFFFFF086  }
0x25: {  	[simem:s6], [sflag:s4] =	dma.local [hbm:s3], $0xF7A  }
0x26: {  	[smem:$0x3F70] =	sst s1;
	(tag) =	ssettag s2;
	_ =	strace s9  }
0x27: {  	s1 =	sld [smem:$0x3F80]  }
0x28: {  	s2 =	sld [smem:$0x3F81]  }
0x29: {  	s4 =	sld [smem:$0x3F83]  }
0x2a: {  	p0 =	seq.s32 s5, $0x0;
	s5 =	sld [smem:$0x3F84]  }
0x2b: {  	s6 =	sld [smem:$0x3F85]  }
0x2c: {  	s7 =	sld [smem:$0x3F86]  }
0x2d: {  	s3 =	simm.s32 $0x108;
	s8 =	sld [smem:$0x3F87]  }
0x2e: {  	s3 =	simm.s32 @!p0 $0x1082;
	s9 =	sld [smem:$0x3F88]  }
0x2f: {  	lr =	sadd.s32 s0, s3;
	s0 =	sld [smem:$0x3F7F]  }
0x30: {  	s3 =	sld [smem:$0x3F82]  }
0x31: {  	[smem:$0x3F8B] =	sst s10  }
0x32: {  	s10 =	sld [smem:$0x3F89];
	_ =	sdelay $0x3  }
0x33: {  	p0 =	seq.s32 s10, $0x1;
	s10 =	sld [smem:$0x3F8B];
	_ =	sdelay $0x3  }
0x34: {  	[smem:$0x3F8B] =	sst s10  }
0x35: {  	s10 =	sld [smem:$0x3F8A];
	_ =	sdelay $0x3  }
0x36: {  	p1 =	seq.s32 s10, $0x1;
	s10 =	sld [smem:$0x3F8B];
	_ =	sdelay $0x3  }
0x37: {  	[smem:$0x3F8B] =	sst s10  }
0x38: {  	s10 =	sld [smem:$0x3F8C]  }
0x39: {  	_ = 	snop;
	(pc) =	sbr.ind lr, $3  }
0x3a: {  	_ = 	snop  }
0x3b: {  	_ = 	snop  }
0x3c: {  	p2 =	seq.s32 s10, $0x1;
	s10 =	sld [smem:$0x3F8B]  }
0x3d: {  	_ =	shalt  }
0x3e: {  	_ =	shalt  }
0x3f: {  	_ =	shalt  }
0x40: {  	_ =	shalt  }
0x41: {  	_ =	shalt  }
0x42: {  	_ =	shalt  }
0x43: {  	_ =	shalt  }
0x44: {  	_ =	shalt  }
0x45: {  	_ =	shalt  }
0x46: {  	_ =	shalt  }
0x47: {  	_ =	shalt  }
0x48: {  	_ =	shalt  }
0x49: {  	_ =	shalt  }
0x4a: {  	_ =	shalt  }
0x4b: {  	_ =	shalt  }
0x4c: {  	_ =	shalt  }
0x4d: {  	_ =	shalt  }
0x4e: {  	_ =	shalt  }
0x4f: {  	_ =	shalt  }
0x50: {  	_ =	shalt  }
0x51: {  	_ =	shalt  }
0x52: {  	_ =	shalt  }
0x53: {  	_ =	shalt  }
0x54: {  	_ =	shalt  }
0x55: {  	_ =	shalt  }
0x56: {  	_ =	shalt  }
0x57: {  	_ =	shalt  }
0x58: {  	_ =	shalt  }
0x59: {  	_ =	shalt  }
0x5a: {  	_ =	shalt  }
0x5b: {  	_ =	shalt  }
0x5c: {  	_ =	shalt  }
0x5d: {  	_ =	shalt  }
0x5e: {  	_ =	shalt  }
0x5f: {  	_ =	shalt  }
0x60: {  	_ =	shalt  }
0x61: {  	_ =	shalt  }
0x62: {  	_ =	shalt  }
0x63: {  	_ =	shalt  }
0x64: {  	_ =	shalt  }
0x65: {  	_ =	shalt  }
0x66: {  	_ =	shalt  }
0x67: {  	_ =	shalt  }
0x68: {  	_ =	shalt  }
0x69: {  	_ =	shalt  }
0x6a: {  	_ =	shalt  }
0x6b: {  	_ =	shalt  }
0x6c: {  	_ =	shalt  }
0x6d: {  	_ =	shalt  }
0x6e: {  	_ =	shalt  }
0x6f: {  	_ =	shalt  }
0x70: {  	_ =	shalt  }
0x71: {  	_ =	shalt  }
0x72: {  	_ =	shalt  }
0x73: {  	_ =	shalt  }
0x74: {  	_ =	shalt  }
0x75: {  	_ =	shalt  }
0x76: {  	_ =	shalt  }
0x77: {  	_ =	shalt  }
0x78: {  	_ =	shalt  }
0x79: {  	_ =	shalt  }
0x7a: {  	_ =	shalt  }
0x7b: {  	_ =	shalt  }
0x7c: {  	_ =	shalt  }
0x7d: {  	_ =	shalt  }
0x7e: {  	_ =	shalt  }
0x7f: {  	_ =	shalt  }
0x80: {  	_ =	shalt  }
0x81: {  	_ =	shalt  }
0x82: {  	_ =	shalt  }
0x83: {  	_ =	shalt  }
0x84: {  	_ =	shalt  }
0x85: {  	_ =	shalt  }
0x86: {  	_ =	shalt  }
0x87: {  	_ =	shalt  }
.Lfunc_end0:
.L_simem_size_0:
called_computation.3_lowered:
.L_overlay_start_0:
0x88: {  	s2 =	sld [smem:$0x3FD9]  }
0x89: {  	s3 =	sld [smem:$0x3FFE];
	_ =	sdelay $0x1  }
0x8a: {  	s1 =	srdreg.scid  }
0x8b: {  	s0 =	sand.u32 $0x1, s1  }
0x8c: {  	s16 =	sshll.u32 s0, $0xA;
	s2 =	sadd.s32 s3, s2  }
0x8d: {  	s2 =	sadd.s32 s2, s16  }
0x8e: {  	[smem:$0x3F97] =	sst s2  }
0x8f: {  	_ = 	snop  }
0x90: {  	(tm) =	ssettm $0x1  }
0x91: {  	s17 =	sld [smem:$0x3FFB];
	_ =	sdelay $0x3  }
0x92: {  	_ =	strace s17  }
0x93: {  	s2 =	sld [smem:$0x3FFC];
	_ =	sdelay $0x3  }
0x94: {  	_ =	strace s2  }
0x95: {  	s2 =	sld [smem:$0x3FFD];
	_ =	sdelay $0x3  }
0x96: {  	_ =	strace s2  }
0x97: {  	_ =	strace $0x8FFFFFFF  }
0x98: {  	s18 =	sld [smem:$0x3FDB];
	_ =	sdelay $0x1  }
0x99: {  	s19 =	simm.s32 $_scs_section_size  }
0x9a: {  	s4 =	simm.s32 $_size__tile_overlayer_lowered;
	s5 =	simm.s32 $_tile_overlayer_lowered  }
0x9b: {  	s22 =	simm.s32 $0x1BFF;
	s21 =	sshll.u32 s5, $0x1;
	s2 =	sadd.s32 s19, s18  }
0x9c: {  	s6 =	simm.s32 $0x0;
	s20 =	sshll.u32 s4, $0x1;
	s4 =	sadd.s32 s21, s2  }
0x9d: {  	[timem:s6], [sflag:s22] =	dma.local [hbm:s4], s20  }
0x9e: {  	_ =	swait.ge [sflag:s22], s20  }
0x9f: {  	s3 =	ssub.s32 $0x0, s20;
	[sflag:s22] =	ssyncset.done $0x0  }
0xa0: {  	[sflag:s22] =	ssyncadd.s32 s3;
	_ =	sdelay $0x1  }
0xa1: {  	s23 =	simm.s32 $0x1B8B  }
0xa2: {  	_ =	swait.ge [sflag:s23], $0x1  }
0xa3: {  	[sflag:s23] =	ssyncset.done $0x0  }
0xa4: {  	s25 =	simm.s32 $0x1B8E;
	s24 =	sld [smem:$0x3FFE];
	[sflag:s23] =	ssyncadd.s32 $0xFFFFFFFF  }
0xa5: {  	s26 =	simm.s32 $execute0_lowered;
	[smem:$0x3FD2] =	sst s25  }
0xa6: {  	s4 =	sshll.u32 s26, $0x1;
	_ =	strace $0x8000004C;
	[dreg:$0x1] =	wrdreg $0xFFFFFFFF  }
0xa7: {  	s28 =	simm.s32 $_size_execute0_lowered;
	s2 =	sadd.s32 s2, s4;
	[dreg:$0x0] =	wrdreg $0x0  }
0xa8: {  	s4 =	sshll.u32 s28, $0x1;
	[dreg:$0x2] =	wrdreg s2  }
0xa9: {  	[dreg:$0x3] =	wrdreg s4  }
0xaa: {  	[dreg:$0x4] =	wrdreg $0xC0  }
0xab: {  	_ =	task [dreg:s6], $0x5FFFF  }
0xac: {  	[dreg:$0x1] =	wrdreg $0xFFFFFFFF  }
0xad: {  	[dreg:$0x0] =	wrdreg $0x60  }
0xae: {  	[dreg:$0x2] =	wrdreg s24  }
0xaf: {  	[dreg:$0x3] =	wrdreg $0x9  }
0xb0: {  	_ =	task.clear_ibuf [dreg:s6], $0x4FFFF;
	_ =	strace $0x9000004C  }
0xb1: {  	s29 =	simm.s32 $0x9;
	_ =	strace $0x8000004E  }
0xb2: {  	_ =	swait.ge [sflag:s29], $0x1  }
0xb3: {  	[sflag:s29] =	ssyncadd.s32 $0xFFFFFFFF  }
0xb4: {  	_ =	strace $0x9000004E  }
0xb5: {  	_ =	sfence  }
0xb6: {  	s30 =	sld [smem:$0x0];
	_ =	sdelay $0x2  }
0xb7: {  	s31 =	sshll.u32 s1, $0xD;
	s1 =	sshrl.u32 s1, $0x2  }
0xb8: {  	s3 =	sand.u32 $0x4000, s31;
	s1 =	sadd.s32 s1, s30  }
0xb9: {  	s0 =	sor.u32 s3, s0;
	s1 =	sshll.u32 s1, $0x11  }
0xba: {  	s0 =	sor.u32 s1, s0  }
0xbb: {  	s0 =	sadd.s32 $0x8F2B, s0  }
0xbc: {  	[sflag:s0] =	ssyncadd.remote.s32 $0x1  }
0xbd: {  	_ =	sfence.sel $0xFFFF  }
0xbe: {  	[dreg:$0x0] =	wrdreg $0xFFFFFFFF;
	(pc) =	sbr.abs _section_cstart, $3  }
0xbf: {  	[dreg:$0x1] =	wrdreg $0xFFFFFFFF  }
0xc0: {  	_ =	task.clear_ibuf [dreg:s6], $0x2FFFF;
	_ =	strace $0x9FFFFFFF  }
0xc1: {  	(tm) =	ssettm $0x7FFFFFFF  }
tec
execute0_lowered:
.L_overlay_start_1:
0x0: {  	(tag) =	ssettag $0x1  }
0x1: {  	s4 =	rddreg [dreg:$0x0]  }
0x2: {  	s0 =	rddreg [dreg:$0x1]  }
0x3: {  	s3 =	srdreg.scid;
	s1 =	stileid.u32;
	s2 =	simm.s32 $0x0  }
0x4: {  	s13 =	simm.s32 $0x5400;
	s14 =	simm.s32 $0x1;
	s15 =	simm.s32 $0x2  }
0x5: {  	s16 =	simm.s32 $0x1380;
	s17 =	simm.s32 $0x0;
	s9 =	smul.u32 $0x50, s1  }
0x6: {  	s7 =	sand.u32 $0x1, s3;
	s24 =	sshll.u32 s1, $0x1;
	s29 =	smul.u32 $0x28000, s1  }
0x7: {  	[smem:$0x7FF] =	sst s2;
	s3 =	sadd.s32 $0x13E00, s4;
	s11 =	smul.u32 $0x28, s7  }
0x8: {  	s12 =	sadd.s32 $0x63E00, s4;
	s5 =	sor.u32 s7, s24;
	s30 =	smul.u32 $0x14000, s7  }
0x9: {  	_ =	strace $0x8000004D;
	s8 =	ssub.s32 $0x2, s7;
	s6 =	smul.u32 $0x280, s5  }
0xa: {  	s10 =	sshrl.u32 s8, $0x1;
	s25 =	smul.u32 $0x14000, s5;
	s31 =	sadd.s32 s29, s12  }
0xb: {  	s8 =	ssub.s32 s8, s10;
	s26 =	sadd.s32 s11, s9;
	s10 =	simm.s32 $0x3  }
0xc: {  	s11 =	simm.s32 $0x1400;
	s6 =	sadd.s32 s6, s4;
	s5 =	smax.u32 s8, $0x1  }
0xd: {  	s28 =	sadd.s32 s12, s25;
	s9 =	sshll.u32 s26, $0xB;
	s4 =	sadd.s32 $0x9E00, s6  }
0xe: {  	s6 =	sadd.s32 $0x13000, s28;
	s9 =	sadd.s32 s9, s12;
	s7 =	sadd.s32 $0x13800, s28  }
0xf: {  	s12 =	simm.s32 $0x80;
	s8 =	sadd.s32 $0x800, s9;
	s9 =	sadd.s32 s30, s31  }
.LBB2_1:
0x10: {  	[tilespmem:s2], [sflag:$0x3] =	stream.linear.gather [hbm4b:s4+s2], $0x1400, $0x38;
	[tilespmem:$0x9400] =	vst v63  }
0x11: {  	_ =	swait.ge [sflag:s10], $0x1400  }
0x12: {  	[sflag:s10] =	ssyncset.done $0x0  }
0x13: {  	[sflag:s10] =	ssyncadd.s32 $0xFFFFEC00  }
0x14: {  	[tilespmem:s11], [sflag:$0x1] =	stream.indirect.gather [hbm4b:s3+s12], $0x80, s2, s12, $0xb8;
	[tilespmem:$0x9400] =	vst v63  }
0x15: {  	_ = 	snop  }
0x16: {  	[tilespmem:s13], [sflag:$0x2] =	stream.indirect.gather [hbm4b:s3+s12], $0x80, s12, s12, $0xb8;
	[tilespmem:$0x9400] =	vst v63  }
0x17: {  	_ =	swait.ge [sflag:s14], $0x4000  }
0x18: {  	[sflag:s14] =	ssyncset.done $0x0  }
0x19: {  	s18 =	sadd.s32 $0x0, s9;
	[sflag:s14] =	ssyncadd.s32 $0xFFFFC000  }
0x1a: {  	[hbm4b:s18+s2] =	stream.linear.scatter [tilespmem:s11], [sflag:$0x3], $0x4000, $0x38;
	[tilespmem:$0x9400] =	vst v63  }
0x1b: {  	_ =	swait.ge [sflag:s10], $0x4000  }
0x1c: {  	[sflag:s10] =	ssyncset.done $0x0  }
0x1d: {  	s30 =	simm.s32 $0x100;
	[sflag:s10] =	ssyncadd.s32 $0xFFFFC000  }
0x1e: {  	[tilespmem:s11], [sflag:$0x1] =	stream.indirect.gather [hbm4b:s3+s12], $0x80, s30, s12, $0xb8;
	[tilespmem:$0x9400] =	vst v63  }
0x1f: {  	_ =	swait.ge [sflag:s15], $0x4000  }
0x20: {  	[sflag:s15] =	ssyncset.done $0x0  }
0x21: {  	s31 =	sadd.s32 $0x0, s8;
	[sflag:s15] =	ssyncadd.s32 $0xFFFFC000  }
0x22: {  	[hbm4b:s31+s2] =	stream.linear.scatter [tilespmem:s13], [sflag:$0x3], $0x4000, $0x38;
	[tilespmem:$0x9400] =	vst v63  }
0x23: {  	_ =	swait.ge [sflag:s10], $0x4000  }
0x24: {  	s19 =	simm.s32 $0x80;
	s18 =	simm.s32 $0x1000;
	[sflag:s10] =	ssyncset.done $0x0  }
.LBB2_2:
0x25: {  	p0 =	sne.s32 s18, $0x12000;
	[sflag:s10] =	ssyncadd.s32 $0xFFFFC000;
	s19 =	sadd.s32 $0x100, s19  }
0x26: {  	[tilespmem:s13], [sflag:$0x2] =	stream.indirect.gather [hbm4b:s3+s12], $0x80, s19, s12, $0xb8;
	[tilespmem:$0x9400] =	vst v63  }
0x27: {  	s20 =	smov.u32 s18;
	s18 =	sadd.s32 $0x1000, s18;
	_ =	swait.ge [sflag:s14], $0x4000  }
0x28: {  	[sflag:s14] =	ssyncset.done $0x0  }
0x29: {  	s21 =	sadd.s32 s20, s9;
	[sflag:s14] =	ssyncadd.s32 $0xFFFFC000  }
0x2a: {  	[hbm4b:s21+s2] =	stream.linear.scatter [tilespmem:s11], [sflag:$0x3], $0x4000, $0x38;
	[tilespmem:$0x9400] =	vst v63  }
0x2b: {  	_ =	swait.ge [sflag:s10], $0x4000  }
0x2c: {  	[sflag:s10] =	ssyncset.done $0x0  }
0x2d: {  	s21 =	sadd.s32 $0x80, s19;
	[sflag:s10] =	ssyncadd.s32 $0xFFFFC000  }
0x2e: {  	[tilespmem:s11], [sflag:$0x1] =	stream.indirect.gather [hbm4b:s3+s12], $0x80, s21, s12, $0xb8;
	[tilespmem:$0x9400] =	vst v63  }
0x2f: {  	_ =	swait.ge [sflag:s15], $0x4000  }
.Ltmp0:
0x30: {  	[sflag:s15] =	ssyncset.done $0x0;
	(pc) =	sbr.rel @p0 .LBB2_2-.Ltmp0, $4  }
0x31: {  	s20 =	sadd.s32 s20, s8;
	[sflag:s15] =	ssyncadd.s32 $0xFFFFC000  }
0x32: {  	[hbm4b:s20+s2] =	stream.linear.scatter [tilespmem:s13], [sflag:$0x3], $0x4000, $0x38;
	[tilespmem:$0x9400] =	vst v63  }
0x33: {  	_ =	swait.ge [sflag:s10], $0x4000  }
0x34: {  	[sflag:s10] =	ssyncset.done $0x0  }
0x35: {  	[sflag:s10] =	ssyncadd.s32 $0xFFFFC000  }
0x36: {  	[tilespmem:s13], [sflag:$0x2] =	stream.indirect.gather [hbm4b:s3+s12], $0x80, s16, s12, $0xb8;
	[tilespmem:$0x9400] =	vst v63  }
0x37: {  	_ =	swait.ge [sflag:s14], $0x4000  }
0x38: {  	[sflag:s14] =	ssyncset.done $0x0  }
0x39: {  	[sflag:s14] =	ssyncadd.s32 $0xFFFFC000  }
0x3a: {  	[hbm4b:s6+s2] =	stream.linear.scatter [tilespmem:s11], [sflag:$0x3], $0x4000, $0x38;
	[tilespmem:$0x9400] =	vst v63  }
0x3b: {  	_ =	swait.ge [sflag:s10], $0x4000  }
0x3c: {  	[sflag:s10] =	ssyncset.done $0x0  }
0x3d: {  	[sflag:s10] =	ssyncadd.s32 $0xFFFFC000  }
0x3e: {  	s17 =	sadd.s32 $0x1, s17;
	_ =	swait.ge [sflag:s15], $0x4000  }
0x3f: {  	p0 =	sne.s32 s17, s5;
	[sflag:s15] =	ssyncset.done $0x0  }
.Ltmp1:
0x40: {  	[sflag:s15] =	ssyncadd.s32 $0xFFFFC000;
	(pc) =	sbr.rel @p0 .LBB2_1-.Ltmp1, $4  }
0x41: {  	[hbm4b:s7+s2] =	stream.linear.scatter [tilespmem:s13], [sflag:$0x3], $0x4000, $0x38;
	[tilespmem:$0x9400] =	vst v63  }
0x42: {  	_ =	swait.ge [sflag:s10], $0x4000  }
0x43: {  	[sflag:s10] =	ssyncset.done $0x0  }
0x44: {  	[sflag:s10] =	ssyncadd.s32 $0xFFFFC000  }
0x45: {  	_ =	sfence.sel $0x180000  }
0x46: {  	[bflag:$0x0] =	sbarrier.arrive $0xFFFF  }
0x47: {  	p0 =	sne.s32 s1, $0x0;
	_ =	strace $0x9000004D  }
0x48: {  	s0 =	sadd.s32 @!p0 $0x100000, s0;
	[bflag:$0x2] =	sbarrier.arrive $0xFFFF  }
0x49: {  	[sflag:s0] =	ssyncadd.tile.s32 @!p0 $0x1;
	_ =	shalt  }
.Lfunc_end2:
_tile_overlayer_lowered:
.L_overlay_start_2:
0x4a: {  	(tag) =	ssettag $0x2  }
0x4b: {  	s0 =	rddreg [dreg:$0x0];
	s2 =	stileid.u32  }
0x4c: {  	s1 =	rddreg [dreg:$0x1];
	p0 =	sne.s32 s2, $0x0  }
0x4d: {  	s3 =	rddreg [dreg:$0x2];
	[bflag:$0x3] =	sbarrier.arrive $0xFFFF;
	s2 =	simm.s32 @!p0 $0x1C03  }
0x4e: {  	[timem:s3], [sflag:s2] =	dma.local @!p0 [hbm:s0], s1  }
0x4f: {  	s0 =	simm.s32 @!p0 $0x3  }
0x50: {  	_ =	swait.ge @!p0 [sflag:s0], s1  }
0x51: {  	s1 =	ssub.s32 @!p0 $0x0, s1;
	[sflag:s0] =	ssyncset.done @!p0 $0x0  }
0x52: {  	[sflag:s0] =	ssyncadd.s32 @!p0 s1  }
0x53: {  	[bflag:$0x3] =	sbarrier.arrive $0xFFFF  }
0x54: {  	_ =	shalt  }

// kernel: kernel.33.cloned.1.call-start
scs
__scs_entry_jumppad:
0x0: {  	(pc) =	sbr.rel $0x88, $3  }
0x1: {  	(tag) =	ssettag $0x0;
	lr =	simm.s32 $0x1  }
0x2: {  	[smem:$0x3F70] =	sst lr;
	_ =	strace $0xD0000000  }
0x3: {  	_ = 	snop  }
0x4: {  	_ = 	snop  }
0x5: {  	_ = 	snop  }
0x6: {  	_ = 	snop  }
0x7: {  	_ = 	snop  }
__scs_overlays_trampoline_lowered:
0x8: {  	[smem:$0x3F7F] =	sst s0  }
0x9: {  	[smem:$0x3F80] =	sst s1  }
0xa: {  	[smem:$0x3F81] =	sst s2  }
0xb: {  	[smem:$0x3F82] =	sst s3  }
0xc: {  	[smem:$0x3F83] =	sst s4  }
0xd: {  	[smem:$0x3F84] =	sst s5  }
0xe: {  	[smem:$0x3F85] =	sst s6  }
0xf: {  	[smem:$0x3F86] =	sst s7  }
0x10: {  	[smem:$0x3F87] =	sst s8  }
0x11: {  	[smem:$0x3F88] =	sst s9;
	s0 =	simm.s32 @!p0 $0x0  }
0x12: {  	s1 =	sld [smem:$0x3F6E];
	s0 =	simm.s32 @p0 $0x1  }
0x13: {  	[smem:$0x3F89] =	sst s0;
	s0 =	simm.s32 @!p1 $0x0  }
0x14: {  	s2 =	sld [smem:$0x3F6D];
	s0 =	simm.s32 @p1 $0x1  }
0x15: {  	[smem:$0x3F8A] =	sst s0;
	s0 =	simm.s32 @!p2 $0x0  }
0x16: {  	s3 =	sld [smem:$0x3FDB];
	s0 =	simm.s32 @p2 $0x1  }
0x17: {  	s4 =	simm.s32 $0x1BF5;
	[smem:$0x3F8C] =	sst s0  }
0x18: {  	s0 =	sld [smem:$0x3F6F];
	_ =	swait.ge [sflag:s4], $0x0  }
0x19: {  	s7 =	sld [smem:$0x3F70]  }
0x1a: {  	s8 =	sadd.s32 $0xFFFFE003, lr  }
0x1b: {  	s9 =	sadd.s32 $0xFFFFFEF7, lr;
	s5 =	simm.s32 $0xFFFFFFFF;
	p2 =	slt.u32 s8, $0xFFFFF086  }
0x1c: {  	p1 =	slt.u32 s9, $0xF7A;
	s5 =	simm.s32 @!p2 $0x0  }
0x1d: {  	s5 =	simm.s32 @p1 $0x1;
	p0 =	seq.s32 s7, s2  }
0x1e: {  	s7 =	smul.u32 @!p0 $0xF7A, s2;
	p2 =	seq.s32 @!p0 s5, $0x0  }
0x1f: {  	s9 =	smul.u32 $0xF7A, s1;
	s8 =	simm.s32 @!p0 $0x1BF5;
	p2 =	por !p2, p0  }
0x20: {  	[sflag:s8] =	ssyncset.s32 @!p0 $0xFFFFF086;
	s6 =	sadd.s32 @!p0 s3, s7;
	s7 =	simm.s32 @!p0 $0x108  }
0x21: {  	s3 =	sadd.s32 s3, s9;
	s6 =	sadd.s32 @!p0 $0x88, s6;
	s7 =	simm.s32 @p2 $0x1082  }
0x22: {  	[simem:s7], [sflag:s8] =	dma.local @!p0 [hbm:s6], $0xF7A  }
0x23: {  	s9 =	sor.u32 $0xD0000000, s2;
	s6 =	simm.s32 $0x108;
	_ =	swait.ge @!p0 [sflag:s8], $0x0  }
0x24: {  	s3 =	sadd.s32 $0x88, s3;
	s6 =	simm.s32 @!p1 $0x1082;
	[sflag:s4] =	ssyncset.s32 $0xFFFFF086  }
0x25: {  	[simem:s6], [sflag:s4] =	dma.local [hbm:s3], $0xF7A  }
0x26: {  	[smem:$0x3F70] =	sst s1;
	(tag) =	ssettag s2;
	_ =	strace s9  }
0x27: {  	s1 =	sld [smem:$0x3F80]  }
0x28: {  	s2 =	sld [smem:$0x3F81]  }
0x29: {  	s4 =	sld [smem:$0x3F83]  }
0x2a: {  	p0 =	seq.s32 s5, $0x0;
	s5 =	sld [smem:$0x3F84]  }
0x2b: {  	s6 =	sld [smem:$0x3F85]  }
0x2c: {  	s7 =	sld [smem:$0x3F86]  }
0x2d: {  	s3 =	simm.s32 $0x108;
	s8 =	sld [smem:$0x3F87]  }
0x2e: {  	s3 =	simm.s32 @!p0 $0x1082;
	s9 =	sld [smem:$0x3F88]  }
0x2f: {  	lr =	sadd.s32 s0, s3;
	s0 =	sld [smem:$0x3F7F]  }
0x30: {  	s3 =	sld [smem:$0x3F82]  }
0x31: {  	[smem:$0x3F8B] =	sst s10  }
0x32: {  	s10 =	sld [smem:$0x3F89];
	_ =	sdelay $0x3  }
0x33: {  	p0 =	seq.s32 s10, $0x1;
	s10 =	sld [smem:$0x3F8B];
	_ =	sdelay $0x3  }
0x34: {  	[smem:$0x3F8B] =	sst s10  }
0x35: {  	s10 =	sld [smem:$0x3F8A];
	_ =	sdelay $0x3  }
0x36: {  	p1 =	seq.s32 s10, $0x1;
	s10 =	sld [smem:$0x3F8B];
	_ =	sdelay $0x3  }
0x37: {  	[smem:$0x3F8B] =	sst s10  }
0x38: {  	s10 =	sld [smem:$0x3F8C]  }
0x39: {  	_ = 	snop;
	(pc) =	sbr.ind lr, $3  }
0x3a: {  	_ = 	snop  }
0x3b: {  	_ = 	snop  }
0x3c: {  	p2 =	seq.s32 s10, $0x1;
	s10 =	sld [smem:$0x3F8B]  }
0x3d: {  	_ =	shalt  }
0x3e: {  	_ =	shalt  }
0x3f: {  	_ =	shalt  }
0x40: {  	_ =	shalt  }
0x41: {  	_ =	shalt  }
0x42: {  	_ =	shalt  }
0x43: {  	_ =	shalt  }
0x44: {  	_ =	shalt  }
0x45: {  	_ =	shalt  }
0x46: {  	_ =	shalt  }
0x47: {  	_ =	shalt  }
0x48: {  	_ =	shalt  }
0x49: {  	_ =	shalt  }
0x4a: {  	_ =	shalt  }
0x4b: {  	_ =	shalt  }
0x4c: {  	_ =	shalt  }
0x4d: {  	_ =	shalt  }
0x4e: {  	_ =	shalt  }
0x4f: {  	_ =	shalt  }
0x50: {  	_ =	shalt  }
0x51: {  	_ =	shalt  }
0x52: {  	_ =	shalt  }
0x53: {  	_ =	shalt  }
0x54: {  	_ =	shalt  }
0x55: {  	_ =	shalt  }
0x56: {  	_ =	shalt  }
0x57: {  	_ =	shalt  }
0x58: {  	_ =	shalt  }
0x59: {  	_ =	shalt  }
0x5a: {  	_ =	shalt  }
0x5b: {  	_ =	shalt  }
0x5c: {  	_ =	shalt  }
0x5d: {  	_ =	shalt  }
0x5e: {  	_ =	shalt  }
0x5f: {  	_ =	shalt  }
0x60: {  	_ =	shalt  }
0x61: {  	_ =	shalt  }
0x62: {  	_ =	shalt  }
0x63: {  	_ =	shalt  }
0x64: {  	_ =	shalt  }
0x65: {  	_ =	shalt  }
0x66: {  	_ =	shalt  }
0x67: {  	_ =	shalt  }
0x68: {  	_ =	shalt  }
0x69: {  	_ =	shalt  }
0x6a: {  	_ =	shalt  }
0x6b: {  	_ =	shalt  }
0x6c: {  	_ =	shalt  }
0x6d: {  	_ =	shalt  }
0x6e: {  	_ =	shalt  }
0x6f: {  	_ =	shalt  }
0x70: {  	_ =	shalt  }
0x71: {  	_ =	shalt  }
0x72: {  	_ =	shalt  }
0x73: {  	_ =	shalt  }
0x74: {  	_ =	shalt  }
0x75: {  	_ =	shalt  }
0x76: {  	_ =	shalt  }
0x77: {  	_ =	shalt  }
0x78: {  	_ =	shalt  }
0x79: {  	_ =	shalt  }
0x7a: {  	_ =	shalt  }
0x7b: {  	_ =	shalt  }
0x7c: {  	_ =	shalt  }
0x7d: {  	_ =	shalt  }
0x7e: {  	_ =	shalt  }
0x7f: {  	_ =	shalt  }
0x80: {  	_ =	shalt  }
0x81: {  	_ =	shalt  }
0x82: {  	_ =	shalt  }
0x83: {  	_ =	shalt  }
0x84: {  	_ =	shalt  }
0x85: {  	_ =	shalt  }
0x86: {  	_ =	shalt  }
0x87: {  	_ =	shalt  }
.Lfunc_end0:
.L_simem_size_0:
called_computation.4_lowered:
.L_overlay_start_0:
0x88: {  	s2 =	sld [smem:$0x3FD9]  }
0x89: {  	s3 =	sld [smem:$0x3FFE];
	_ =	sdelay $0x1  }
0x8a: {  	s1 =	srdreg.scid  }
0x8b: {  	s0 =	sand.u32 $0x1, s1  }
0x8c: {  	s16 =	sshll.u32 s0, $0xA;
	s2 =	sadd.s32 s3, s2  }
0x8d: {  	s2 =	sadd.s32 s2, s16  }
0x8e: {  	[smem:$0x3F97] =	sst s2  }
0x8f: {  	_ = 	snop  }
0x90: {  	(tm) =	ssettm $0x1  }
0x91: {  	s17 =	sld [smem:$0x3FFB];
	_ =	sdelay $0x3  }
0x92: {  	_ =	strace s17  }
0x93: {  	s2 =	sld [smem:$0x3FFC];
	_ =	sdelay $0x3  }
0x94: {  	_ =	strace s2  }
0x95: {  	s2 =	sld [smem:$0x3FFD];
	_ =	sdelay $0x3  }
0x96: {  	_ =	strace s2  }
0x97: {  	_ =	strace $0x8FFFFFFF  }
0x98: {  	s18 =	sld [smem:$0x3FDB];
	_ =	sdelay $0x1  }
0x99: {  	s19 =	simm.s32 $_scs_section_size  }
0x9a: {  	s4 =	simm.s32 $_size__tile_overlayer_lowered;
	s5 =	simm.s32 $_tile_overlayer_lowered  }
0x9b: {  	s22 =	simm.s32 $0x1BFF;
	s21 =	sshll.u32 s5, $0x1;
	s2 =	sadd.s32 s19, s18  }
0x9c: {  	s6 =	simm.s32 $0x0;
	s20 =	sshll.u32 s4, $0x1;
	s4 =	sadd.s32 s21, s2  }
0x9d: {  	[timem:s6], [sflag:s22] =	dma.local [hbm:s4], s20  }
0x9e: {  	_ =	swait.ge [sflag:s22], s20  }
0x9f: {  	s3 =	ssub.s32 $0x0, s20;
	[sflag:s22] =	ssyncset.done $0x0  }
0xa0: {  	[sflag:s22] =	ssyncadd.s32 s3;
	_ =	sdelay $0x1  }
0xa1: {  	s23 =	simm.s32 $0x1B8B  }
0xa2: {  	_ =	swait.ge [sflag:s23], $0x1  }
0xa3: {  	[sflag:s23] =	ssyncset.done $0x0  }
0xa4: {  	s25 =	simm.s32 $0x1B8E;
	s24 =	sld [smem:$0x3FFE];
	[sflag:s23] =	ssyncadd.s32 $0xFFFFFFFF  }
0xa5: {  	s26 =	simm.s32 $execute0_lowered;
	[smem:$0x3FD2] =	sst s25  }
0xa6: {  	s4 =	sshll.u32 s26, $0x1;
	_ =	strace $0x8000004F;
	[dreg:$0x1] =	wrdreg $0xFFFFFFFF  }
0xa7: {  	s28 =	simm.s32 $_size_execute0_lowered;
	s2 =	sadd.s32 s2, s4;
	[dreg:$0x0] =	wrdreg $0x0  }
0xa8: {  	s4 =	sshll.u32 s28, $0x1;
	[dreg:$0x2] =	wrdreg s2  }
0xa9: {  	[dreg:$0x3] =	wrdreg s4  }
0xaa: {  	[dreg:$0x4] =	wrdreg $0xC0  }
0xab: {  	_ =	task [dreg:s6], $0x5FFFF  }
0xac: {  	[dreg:$0x1] =	wrdreg $0xFFFFFFFF  }
0xad: {  	[dreg:$0x0] =	wrdreg $0x60  }
0xae: {  	[dreg:$0x2] =	wrdreg s24  }
0xaf: {  	[dreg:$0x3] =	wrdreg $0x0  }
0xb0: {  	[dreg:$0x4] =	wrdreg $0x9  }
0xb1: {  	_ =	task.clear_ibuf [dreg:s6], $0x5FFFF;
	_ =	strace $0x9000004F  }
0xb2: {  	s29 =	simm.s32 $0x9;
	_ =	strace $0x80000051  }
0xb3: {  	_ =	swait.ge [sflag:s29], $0x1  }
0xb4: {  	[sflag:s29] =	ssyncadd.s32 $0xFFFFFFFF  }
0xb5: {  	_ =	strace $0x90000051  }
0xb6: {  	_ =	sfence  }
0xb7: {  	s30 =	sld [smem:$0x0];
	_ =	sdelay $0x2  }
0xb8: {  	s31 =	sshll.u32 s1, $0xD;
	s1 =	sshrl.u32 s1, $0x2  }
0xb9: {  	s3 =	sand.u32 $0x4000, s31;
	s1 =	sadd.s32 s1, s30  }
0xba: {  	s0 =	sor.u32 s3, s0;
	s1 =	sshll.u32 s1, $0x11  }
0xbb: {  	s0 =	sor.u32 s1, s0  }
0xbc: {  	s0 =	sadd.s32 $0x8F2B, s0  }
0xbd: {  	[sflag:s0] =	ssyncadd.remote.s32 $0x1  }
0xbe: {  	_ =	sfence.sel $0xFFFF  }
0xbf: {  	[dreg:$0x0] =	wrdreg $0xFFFFFFFF;
	(pc) =	sbr.abs _section_cstart, $3  }
0xc0: {  	[dreg:$0x1] =	wrdreg $0xFFFFFFFF  }
0xc1: {  	_ =	task.clear_ibuf [dreg:s6], $0x2FFFF;
	_ =	strace $0x9FFFFFFF  }
0xc2: {  	(tm) =	ssettm $0x7FFFFFFF  }
0xc3: {  	_ =	shalt  }
tec
execute0_lowered:
.L_overlay_start_1:
0x0: {  	(tag) =	ssettag $0x1  }
0x1: {  	s4 =	rddreg [dreg:$0x0];
	s0 =	srdreg.scid  }
0x2: {  	s2 =	rddreg [dreg:$0x1];
	s1 =	stileid.u32  }
0x3: {  	s3 =	simm.s32 $0x0;
	s17 =	simm.s32 $0x15400;
	s18 =	simm.s32 $0x5  }
0x4: {  	s19 =	simm.s32 $0x14000;
	s20 =	simm.s32 $0x1;
	s21 =	simm.s32 $0x19400  }
0x5: {  	s22 =	simm.s32 $0x80;
	s23 =	simm.s32 $0x2;
	s8 =	smul.u32 $0x14000, s1  }
0x6: {  	s24 =	simm.s32 $0x3;
	s25 =	simm.s32 $0x14080;
	s30 =	smul.u32 $0x50000, s1  }
0x7: {  	s28 =	simm.s32 $0x15380;
	s5 =	sand.u32 $0x1, s0;
	s11 =	smul.u32 $0x50, s1  }
0x8: {  	s29 =	simm.s32 $0x0;
	s6 =	sshll.u32 s1, $0x1;
	s7 =	smul.u32 $0x140000, s5  }
0x9: {  	[smem:$0x7FF] =	sst s3;
	s6 =	sor.u32 s5, s6;
	s12 =	smul.u32 $0x28, s5  }
0xa: {  	s14 =	sadd.s32 $0x2E3E00, s4;
	s31 =	ssub.s32 $0x2, s5;
	s9 =	smul.u32 $0x280, s6  }
0xb: {  	_ =	strace $0x80000050;
	s6 =	smul.u32 $0x14000, s6;
	s10 =	sshrl.u32 s31, $0x1  }
0xc: {  	s7 =	sadd.s32 s8, s7;
	s10 =	ssub.s32 s31, s10;
	s12 =	sadd.s32 s12, s11  }
0xd: {  	s26 =	sadd.s32 s9, s4;
	s7 =	sshrl.u32 s7, $0x3;
	s9 =	sshrl.u32 s30, $0x2  }
0xe: {  	s6 =	sadd.s32 s14, s6;
	s8 =	smax.u32 s10, $0x1;
	s15 =	sshll.u32 s12, $0xB  }
.Ltmp0:
0xf: {  	s7 =	sadd.s32 s7, s4;
	s4 =	sadd.s32 s9, s2;
	(pc) =	sbr.rel .LBB2_1-.Ltmp0, $4  }
0x10: {  	s5 =	sadd.s32 $0xEE00, s26;
	s13 =	sadd.s32 $0x800, s6;
	s16 =	sadd.s32 s15, s14  }
0x11: {  	s14 =	sadd.s32 $0x1000, s6;
	s26 =	simm.s32 $0x4;
	s7 =	sadd.s32 $0x63E00, s7  }
0x12: {  	s9 =	sadd.s32 $0x4000, s4;
	s10 =	sadd.s32 $0x8000, s4;
	s11 =	sadd.s32 $0xC000, s4  }
0x13: {  	v0 =	vimm.f32 $0.0e+00;
	s12 =	sadd.s32 $0x10000, s4;
	s15 =	sadd.s32 $0x2000, s16;
	s16 =	sadd.s32 $0x1800, s16  }
.LBB2_6:
0x14: {  	[spmem:s2] =	stream.indirect.scatter.add.f32 [tilespmem:s21], [sflag:$0x4], $0x80, s28, s22, $0xb8;
	[tilespmem:$0x1D400] =	vst v63  }
0x15: {  	_ =	swait.ge [sflag:s26], $0x4000  }
0x16: {  	s0 =	sshll.u32 s1, $0x6;
	s29 =	sadd.s32 $0x1, s29;
	[sflag:s26] =	ssyncset.done $0x0  }
0x17: {  	s30 =	sshrl.u32 s4, $0x3;
	p0 =	sne.s32 s29, s8;
	[sflag:s26] =	ssyncadd.s32 $0xFFFFC000  }
.Ltmp1:
0x18: {  	s0 =	sor.u32 $0x1C05, s0;
	[bflag:$0x0] =	sbarrier.arrive $0xFFFF;
	(pc) =	sbr.rel @!p0 .LBB2_7-.Ltmp1, $4  }
0x19: {  	[hbm:s7], [sflag:s0] =	dma.local [spmem:s30], $0x2800  }
0x1a: {  	_ =	swait.ge [sflag:s18], $0x2800  }
0x1b: {  	[sflag:s18] =	ssyncset.done $0x0  }
0x1c: {  	[sflag:s18] =	ssyncadd.s32 $0xFFFFD800  }
.LBB2_1:
0x1d: {  	s30 =	simm.s32 $0x0;
	s31 =	simm.s32 $0x200  }
.LBB2_2:
0x1e: {  	p0 =	sne.s32 s31, $0xFE00;
	[tilespmem:s30+$0x15470] =	vst v0  }
0x1f: {  	[tilespmem:s30+$0x15400] =	vst v0  }
0x20: {  	[tilespmem:s30+$0x15410] =	vst v0  }
.Ltmp2:
0x21: {  	[tilespmem:s30+$0x15420] =	vst v0;
	(pc) =	sbr.rel @p0 .LBB2_2-.Ltmp2, $4  }
0x22: {  	[tilespmem:s30+$0x15430] =	vst v0  }
0x23: {  	[tilespmem:s30+$0x15440] =	vst v0  }
0x24: {  	[tilespmem:s30+$0x15450] =	vst v0  }
0x25: {  	[tilespmem:s30+$0x15460] =	vst v0;
	s30 =	sshra.s32 s31, $0x2;
	s31 =	sadd.s32 $0x200, s31  }
0x26: {  	[tilespmem:s30+$0x15470] =	vst v0  }
0x27: {  	[tilespmem:s30+$0x15400] =	vst v0  }
0x28: {  	[tilespmem:s30+$0x15410] =	vst v0  }
0x29: {  	[tilespmem:s30+$0x15420] =	vst v0  }
0x2a: {  	[tilespmem:s30+$0x15430] =	vst v0  }
0x2b: {  	[tilespmem:s30+$0x15440] =	vst v0  }
0x2c: {  	[tilespmem:s30+$0x15450] =	vst v0  }
0x2d: {  	[tilespmem:s30+$0x15460] =	vst v0  }
0x2e: {  	[spmem:s4] =	stream.linear.scatter [tilespmem:s17], [sflag:$0x5], $0x4000, $0x38;
	[tilespmem:$0x1D400] =	vst v63  }
0x2f: {  	_ =	swait.ge [sflag:s18], $0x4000  }
0x30: {  	[sflag:s18] =	ssyncset.done $0x0  }
0x31: {  	[sflag:s18] =	ssyncadd.s32 $0xFFFFC000  }
0x32: {  	[spmem:s9] =	stream.linear.scatter [tilespmem:s17], [sflag:$0x5], $0x4000, $0x38;
	[tilespmem:$0x1D400] =	vst v63  }
0x33: {  	_ =	swait.ge [sflag:s18], $0x4000  }
0x34: {  	[sflag:s18] =	ssyncset.done $0x0  }
0x35: {  	[sflag:s18] =	ssyncadd.s32 $0xFFFFC000  }
0x36: {  	[spmem:s10] =	stream.linear.scatter [tilespmem:s17], [sflag:$0x5], $0x4000, $0x38;
	[tilespmem:$0x1D400] =	vst v63  }
0x37: {  	_ =	swait.ge [sflag:s18], $0x4000  }
0x38: {  	[sflag:s18] =	ssyncset.done $0x0  }
0x39: {  	[sflag:s18] =	ssyncadd.s32 $0xFFFFC000  }
0x3a: {  	[spmem:s11] =	stream.linear.scatter [tilespmem:s17], [sflag:$0x5], $0x4000, $0x38;
	[tilespmem:$0x1D400] =	vst v63  }
0x3b: {  	_ =	swait.ge [sflag:s18], $0x4000  }
0x3c: {  	[sflag:s18] =	ssyncset.done $0x0  }
0x3d: {  	[sflag:s18] =	ssyncadd.s32 $0xFFFFC000  }
0x3e: {  	[spmem:s12] =	stream.linear.scatter [tilespmem:s17], [sflag:$0x5], $0x4000, $0x38;
	[tilespmem:$0x1D400] =	vst v63  }
0x3f: {  	_ =	swait.ge [sflag:s18], $0x4000  }
0x40: {  	[sflag:s18] =	ssyncset.done $0x0  }
0x41: {  	s30 =	simm.s32 $0x0;
	[sflag:s18] =	ssyncadd.s32 $0xFFFFC000  }
0x42: {  	[tilespmem:s19], [sflag:$0x5] =	stream.linear.gather [hbm4b:s5+s30], $0x1400, $0x38;
	[tilespmem:$0x1D400] =	vst v63  }
0x43: {  	_ =	swait.ge [sflag:s18], $0x1400  }
0x44: {  	[sflag:s18] =	ssyncset.done $0x0  }
0x45: {  	[sflag:s18] =	ssyncadd.s32 $0xFFFFEC00  }
0x46: {  	[bflag:$0x0] =	sbarrier.arrive $0xFFFF  }
0x47: {  	[tilespmem:s17], [sflag:$0x1] =	stream.linear.gather [hbm4b:s6+s30], $0x4000, $0x38;
	[tilespmem:$0x1D400] =	vst v63  }
0x48: {  	_ =	swait.ge [sflag:s20], $0x4000  }
0x49: {  	[sflag:s20] =	ssyncset.done $0x0  }
0x4a: {  	[sflag:s20] =	ssyncadd.s32 $0xFFFFC000  }
0x4b: {  	[tilespmem:s21], [sflag:$0x2] =	stream.linear.gather [hbm4b:s13+s30], $0x4000, $0x38;
	[tilespmem:$0x1D400] =	vst v63  }
0x4c: {  	_ = 	snop  }
0x4d: {  	[spmem:s2] =	stream.indirect.scatter.add.f32 [tilespmem:s17], [sflag:$0x3], $0x80, s19, s22, $0xb8;
	[tilespmem:$0x1D400] =	vst v63  }
0x4e: {  	_ =	swait.ge [sflag:s23], $0x4000  }
0x4f: {  	[sflag:s23] =	ssyncset.done $0x0  }
0x50: {  	[sflag:s23] =	ssyncadd.s32 $0xFFFFC000  }
0x51: {  	_ =	swait.ge [sflag:s24], $0x4000  }
0x52: {  	[sflag:s24] =	ssyncset.done $0x0  }
0x53: {  	[sflag:s24] =	ssyncadd.s32 $0xFFFFC000  }
0x54: {  	[tilespmem:s17], [sflag:$0x1] =	stream.linear.gather [hbm4b:s14+s30], $0x4000, $0x38;
	[tilespmem:$0x1D400] =	vst v63  }
0x55: {  	s31 =	simm.s32 $0x14100  }
0x56: {  	[spmem:s2] =	stream.indirect.scatter.add.f32 [tilespmem:s21], [sflag:$0x4], $0x80, s25, s22, $0xb8;
	[tilespmem:$0x1D400] =	vst v63  }
.LBB2_4:
0x57: {  	_ =	swait.ge [sflag:s20], $0x4000  }
0x58: {  	[sflag:s20] =	ssyncset.done $0x0  }
0x59: {  	[sflag:s20] =	ssyncadd.s32 $0xFFFFC000  }
0x5a: {  	_ =	swait.ge [sflag:s26], $0x4000  }
0x5b: {  	[sflag:s26] =	ssyncset.done $0x0  }
0x5c: {  	s0 =	sadd.s32 s30, s16;
	[sflag:s26] =	ssyncadd.s32 $0xFFFFC000  }
0x5d: {  	[tilespmem:s21], [sflag:$0x2] =	stream.linear.gather [hbm4b:s0+s3], $0x4000, $0x38;
	[tilespmem:$0x1D400] =	vst v63  }
0x5e: {  	_ = 	snop  }
0x5f: {  	[spmem:s2] =	stream.indirect.scatter.add.f32 [tilespmem:s17], [sflag:$0x3], $0x80, s31, s22, $0xb8;
	[tilespmem:$0x1D400] =	vst v63  }
0x60: {  	p0 =	seq.s32 s30, $0x12000;
	_ =	swait.ge [sflag:s23], $0x4000  }
.Ltmp3:
0x61: {  	[sflag:s23] =	ssyncset.done $0x0;
	(pc) =	sbr.rel @p0 .LBB2_6-.Ltmp3, $4  }
0x62: {  	[sflag:s23] =	ssyncadd.s32 $0xFFFFC000  }
0x63: {  	_ =	swait.ge [sflag:s24], $0x4000  }
0x64: {  	[sflag:s24] =	ssyncset.done $0x0  }
0x65: {  	[sflag:s24] =	ssyncadd.s32 $0xFFFFC000  }
.Ltmp4:
0x66: {  	(pc) =	sbr.rel .LBB2_4-.Ltmp4, $4  }
0x67: {  	s0 =	sadd.s32 s30, s15  }
0x68: {  	[tilespmem:s17], [sflag:$0x1] =	stream.linear.gather [hbm4b:s0+s3], $0x4000, $0x38;
	[tilespmem:$0x1D400] =	vst v63  }
0x69: {  	s30 =	sadd.s32 $0x1000, s30;
	s0 =	sadd.s32 $0x80, s31;
	s31 =	sadd.s32 $0x100, s31  }
0x6a: {  	[spmem:s2] =	stream.indirect.scatter.add.f32 [tilespmem:s21], [sflag:$0x4], $0x80, s0, s22, $0xb8;
	[tilespmem:$0x1D400] =	vst v63  }
.LBB2_7:
0x6b: {  	_ =	sfence.sel $0x180000  }
0x6c: {  	[bflag:$0x0] =	sbarrier.arrive $0xFFFF  }
0x6d: {  	_ =	strace $0x90000050  }
0x6e: {  	[bflag:$0x2] =	sbarrier.arrive $0xFFFF  }
0x6f: {  	p0 =	sne.s32 s1, $0x0;
	s0 =	rddreg [dreg:$0x2]  }
0x70: {  	s0 =	sadd.s32 @!p0 $0x100000, s0  }
0x71: {  	[sflag:s0] =	ssyncadd.tile.s32 @!p0 $0x1;
	_ =	shalt  }
.Lfunc_end2:
_tile_overlayer_lowered:
.L_overlay_start_2:
0x72: {  	(tag) =	ssettag $0x2  }
0x73: {  	s0 =	rddreg [dreg:$0x0];
	s2 =	stileid.u32  }
0x74: {  	s1 =	rddreg [dreg:$0x1];
	p0 =	sne.s32 s2, $0x0  }
0x75: {  	s3 =	rddreg [dreg:$0x2];
	[bflag:$0x3] =	sbarrier.arrive $0xFFFF;
	s2 =	simm.s32 @!p0 $0x1C05  }
0x76: {  	[timem:s3], [sflag:s2] =	dma.local @!p0 [hbm:s0], s1  }
0x77: {  	s0 =	simm.s32 @!p0 $0x5  }
0x78: {  	_ =	swait.ge @!p0 [sflag:s0], s1  }
0x79: {  	s1 =	ssub.s32 @!p0 $0x0, s1;
	[sflag:s0] =	ssyncset.done @!p0 $0x0  }
0x7a: {  	[sflag:s0] =	ssyncadd.s32 @!p0 s1  }
0x7b: {  	[bflag:$0x3] =	sbarrier.arrive $0xFFFF  }
0x7c: {  	_ =	shalt  }

// kernel: kernel.36.cloned.1.call-start
scs
__scs_entry_jumppad:
0x0: {  	(pc) =	sbr.rel $0x88, $3  }
0x1: {  	(tag) =	ssettag $0x0;
	lr =	simm.s32 $0x1  }
0x2: {  	[smem:$0x3F70] =	sst lr;
	_ =	strace $0xD0000000  }
0x3: {  	_ = 	snop  }
0x4: {  	_ = 	snop  }
0x5: {  	_ = 	snop  }
0x6: {  	_ = 	snop  }
0x7: {  	_ = 	snop  }
__scs_overlays_trampoline_lowered:
0x8: {  	[smem:$0x3F7F] =	sst s0  }
0x9: {  	[smem:$0x3F80] =	sst s1  }
0xa: {  	[smem:$0x3F81] =	sst s2  }
0xb: {  	[smem:$0x3F82] =	sst s3  }
0xc: {  	[smem:$0x3F83] =	sst s4  }
0xd: {  	[smem:$0x3F84] =	sst s5  }
0xe: {  	[smem:$0x3F85] =	sst s6  }
0xf: {  	[smem:$0x3F86] =	sst s7  }
0x10: {  	[smem:$0x3F87] =	sst s8  }
0x11: {  	[smem:$0x3F88] =	sst s9;
	s0 =	simm.s32 @!p0 $0x0  }
0x12: {  	s1 =	sld [smem:$0x3F6E];
	s0 =	simm.s32 @p0 $0x1  }
0x13: {  	[smem:$0x3F89] =	sst s0;
	s0 =	simm.s32 @!p1 $0x0  }
0x14: {  	s2 =	sld [smem:$0x3F6D];
	s0 =	simm.s32 @p1 $0x1  }
0x15: {  	[smem:$0x3F8A] =	sst s0;
	s0 =	simm.s32 @!p2 $0x0  }
0x16: {  	s3 =	sld [smem:$0x3FDB];
	s0 =	simm.s32 @p2 $0x1  }
0x17: {  	s4 =	simm.s32 $0x1BF5;
	[smem:$0x3F8C] =	sst s0  }
0x18: {  	s0 =	sld [smem:$0x3F6F];
	_ =	swait.ge [sflag:s4], $0x0  }
0x19: {  	s7 =	sld [smem:$0x3F70]  }
0x1a: {  	s8 =	sadd.s32 $0xFFFFE003, lr  }
0x1b: {  	s9 =	sadd.s32 $0xFFFFFEF7, lr;
	s5 =	simm.s32 $0xFFFFFFFF;
	p2 =	slt.u32 s8, $0xFFFFF086  }
0x1c: {  	p1 =	slt.u32 s9, $0xF7A;
	s5 =	simm.s32 @!p2 $0x0  }
0x1d: {  	s5 =	simm.s32 @p1 $0x1;
	p0 =	seq.s32 s7, s2  }
0x1e: {  	s7 =	smul.u32 @!p0 $0xF7A, s2;
	p2 =	seq.s32 @!p0 s5, $0x0  }
0x1f: {  	s9 =	smul.u32 $0xF7A, s1;
	s8 =	simm.s32 @!p0 $0x1BF5;
	p2 =	por !p2, p0  }
0x20: {  	[sflag:s8] =	ssyncset.s32 @!p0 $0xFFFFF086;
	s6 =	sadd.s32 @!p0 s3, s7;
	s7 =	simm.s32 @!p0 $0x108  }
0x21: {  	s3 =	sadd.s32 s3, s9;
	s6 =	sadd.s32 @!p0 $0x88, s6;
	s7 =	simm.s32 @p2 $0x1082  }
0x22: {  	[simem:s7], [sflag:s8] =	dma.local @!p0 [hbm:s6], $0xF7A  }
0x23: {  	s9 =	sor.u32 $0xD0000000, s2;
	s6 =	simm.s32 $0x108;
	_ =	swait.ge @!p0 [sflag:s8], $0x0  }
0x24: {  	s3 =	sadd.s32 $0x88, s3;
	s6 =	simm.s32 @!p1 $0x1082;
	[sflag:s4] =	ssyncset.s32 $0xFFFFF086  }
0x25: {  	[simem:s6], [sflag:s4] =	dma.local [hbm:s3], $0xF7A  }
0x26: {  	[smem:$0x3F70] =	sst s1;
	(tag) =	ssettag s2;
	_ =	strace s9  }
0x27: {  	s1 =	sld [smem:$0x3F80]  }
0x28: {  	s2 =	sld [smem:$0x3F81]  }
0x29: {  	s4 =	sld [smem:$0x3F83]  }
0x2a: {  	p0 =	seq.s32 s5, $0x0;
	s5 =	sld [smem:$0x3F84]  }
0x2b: {  	s6 =	sld [smem:$0x3F85]  }
0x2c: {  	s7 =	sld [smem:$0x3F86]  }
0x2d: {  	s3 =	simm.s32 $0x108;
	s8 =	sld [smem:$0x3F87]  }
0x2e: {  	s3 =	simm.s32 @!p0 $0x1082;
	s9 =	sld [smem:$0x3F88]  }
0x2f: {  	lr =	sadd.s32 s0, s3;
	s0 =	sld [smem:$0x3F7F]  }
0x30: {  	s3 =	sld [smem:$0x3F82]  }
0x31: {  	[smem:$0x3F8B] =	sst s10  }
0x32: {  	s10 =	sld [smem:$0x3F89];
	_ =	sdelay $0x3  }
0x33: {  	p0 =	seq.s32 s10, $0x1;
	s10 =	sld [smem:$0x3F8B];
	_ =	sdelay $0x3  }
0x34: {  	[smem:$0x3F8B] =	sst s10  }
0x35: {  	s10 =	sld [smem:$0x3F8A];
	_ =	sdelay $0x3  }
0x36: {  	p1 =	seq.s32 s10, $0x1;
	s10 =	sld [smem:$0x3F8B];
	_ =	sdelay $0x3  }
0x37: {  	[smem:$0x3F8B] =	sst s10  }
0x38: {  	s10 =	sld [smem:$0x3F8C]  }
0x39: {  	_ = 	snop;
	(pc) =	sbr.ind lr, $3  }
0x3a: {  	_ = 	snop  }
0x3b: {  	_ = 	snop  }
0x3c: {  	p2 =	seq.s32 s10, $0x1;
	s10 =	sld [smem:$0x3F8B]  }
0x3d: {  	_ =	shalt  }
0x3e: {  	_ =	shalt  }
0x3f: {  	_ =	shalt  }
0x40: {  	_ =	shalt  }
0x41: {  	_ =	shalt  }
0x42: {  	_ =	shalt  }
0x43: {  	_ =	shalt  }
0x44: {  	_ =	shalt  }
0x45: {  	_ =	shalt  }
0x46: {  	_ =	shalt  }
0x47: {  	_ =	shalt  }
0x48: {  	_ =	shalt  }
0x49: {  	_ =	shalt  }
0x4a: {  	_ =	shalt  }
0x4b: {  	_ =	shalt  }
0x4c: {  	_ =	shalt  }
0x4d: {  	_ =	shalt  }
0x4e: {  	_ =	shalt  }
0x4f: {  	_ =	shalt  }
0x50: {  	_ =	shalt  }
0x51: {  	_ =	shalt  }
0x52: {  	_ =	shalt  }
0x53: {  	_ =	shalt  }
0x54: {  	_ =	shalt  }
0x55: {  	_ =	shalt  }
0x56: {  	_ =	shalt  }
0x57: {  	_ =	shalt  }
0x58: {  	_ =	shalt  }
0x59: {  	_ =	shalt  }
0x5a: {  	_ =	shalt  }
0x5b: {  	_ =	shalt  }
0x5c: {  	_ =	shalt  }
0x5d: {  	_ =	shalt  }
0x5e: {  	_ =	shalt  }
0x5f: {  	_ =	shalt  }
0x60: {  	_ =	shalt  }
0x61: {  	_ =	shalt  }
0x62: {  	_ =	shalt  }
0x63: {  	_ =	shalt  }
0x64: {  	_ =	shalt  }
0x65: {  	_ =	shalt  }
0x66: {  	_ =	shalt  }
0x67: {  	_ =	shalt  }
0x68: {  	_ =	shalt  }
0x69: {  	_ =	shalt  }
0x6a: {  	_ =	shalt  }
0x6b: {  	_ =	shalt  }
0x6c: {  	_ =	shalt  }
0x6d: {  	_ =	shalt  }
0x6e: {  	_ =	shalt  }
0x6f: {  	_ =	shalt  }
0x70: {  	_ =	shalt  }
0x71: {  	_ =	shalt  }
0x72: {  	_ =	shalt  }
0x73: {  	_ =	shalt  }
0x74: {  	_ =	shalt  }
0x75: {  	_ =	shalt  }
0x76: {  	_ =	shalt  }
0x77: {  	_ =	shalt  }
0x78: {  	_ =	shalt  }
0x79: {  	_ =	shalt  }
0x7a: {  	_ =	shalt  }
0x7b: {  	_ =	shalt  }
0x7c: {  	_ =	shalt  }
0x7d: {  	_ =	shalt  }
0x7e: {  	_ =	shalt  }
0x7f: {  	_ =	shalt  }
0x80: {  	_ =	shalt  }
0x81: {  	_ =	shalt  }
0x82: {  	_ =	shalt  }
0x83: {  	_ =	shalt  }
0x84: {  	_ =	shalt  }
0x85: {  	_ =	shalt  }
0x86: {  	_ =	shalt  }
0x87: {  	_ =	shalt  }
.Lfunc_end0:
.L_simem_size_0:
called_computation.5_lowered:
.L_overlay_start_0:
0x88: {  	s2 =	sld [smem:$0x3FD9]  }
0x89: {  	s3 =	sld [smem:$0x3FFE];
	_ =	sdelay $0x1  }
0x8a: {  	s1 =	srdreg.scid  }
0x8b: {  	s0 =	sand.u32 $0x1, s1  }
0x8c: {  	s16 =	sshll.u32 s0, $0xA;
	s2 =	sadd.s32 s3, s2  }
0x8d: {  	s2 =	sadd.s32 s2, s16  }
0x8e: {  	[smem:$0x3F97] =	sst s2  }
0x8f: {  	_ = 	snop  }
0x90: {  	(tm) =	ssettm $0x1  }
0x91: {  	s17 =	sld [smem:$0x3FFB];
	_ =	sdelay $0x3  }
0x92: {  	_ =	strace s17  }
0x93: {  	s2 =	sld [smem:$0x3FFC];
	_ =	sdelay $0x3  }
0x94: {  	_ =	strace s2  }
0x95: {  	s2 =	sld [smem:$0x3FFD];
	_ =	sdelay $0x3  }
0x96: {  	_ =	strace s2  }
0x97: {  	_ =	strace $0x8FFFFFFF  }
0x98: {  	s18 =	sld [smem:$0x3FDB];
	_ =	sdelay $0x1  }
0x99: {  	s19 =	simm.s32 $_scs_section_size  }
0x9a: {  	s4 =	simm.s32 $_size__tile_overlayer_lowered;
	s5 =	simm.s32 $_tile_overlayer_lowered  }
0x9b: {  	s22 =	simm.s32 $0x1BFF;
	s21 =	sshll.u32 s5, $0x1;
	s2 =	sadd.s32 s19, s18  }
0x9c: {  	s6 =	simm.s32 $0x0;
	s20 =	sshll.u32 s4, $0x1;
	s4 =	sadd.s32 s21, s2  }
0x9d: {  	[timem:s6], [sflag:s22] =	dma.local [hbm:s4], s20  }
0x9e: {  	_ =	swait.ge [sflag:s22], s20  }
0x9f: {  	s3 =	ssub.s32 $0x0, s20;
	[sflag:s22] =	ssyncset.done $0x0  }
0xa0: {  	[sflag:s22] =	ssyncadd.s32 s3;
	_ =	sdelay $0x1  }
0xa1: {  	s23 =	simm.s32 $0x1B8B  }
0xa2: {  	_ =	swait.ge [sflag:s23], $0x1  }
0xa3: {  	[sflag:s23] =	ssyncset.done $0x0  }
0xa4: {  	s25 =	simm.s32 $0x1B8E;
	s24 =	sld [smem:$0x3FFE];
	[sflag:s23] =	ssyncadd.s32 $0xFFFFFFFF  }
0xa5: {  	s26 =	simm.s32 $execute0_lowered;
	[smem:$0x3FD2] =	sst s25  }
0xa6: {  	s4 =	sshll.u32 s26, $0x1;
	_ =	strace $0x80000052;
	[dreg:$0x1] =	wrdreg $0xFFFFFFFF  }
0xa7: {  	s28 =	simm.s32 $_size_execute0_lowered;
	s2 =	sadd.s32 s2, s4;
	[dreg:$0x0] =	wrdreg $0x0  }
0xa8: {  	s4 =	sshll.u32 s28, $0x1;
	[dreg:$0x2] =	wrdreg s2  }
0xa9: {  	[dreg:$0x3] =	wrdreg s4  }
0xaa: {  	[dreg:$0x4] =	wrdreg $0xC0  }
0xab: {  	_ =	task [dreg:s6], $0x5FFFF  }
0xac: {  	[dreg:$0x1] =	wrdreg $0xFFFFFFFF  }
0xad: {  	[dreg:$0x0] =	wrdreg $0x60  }
0xae: {  	[dreg:$0x2] =	wrdreg s24  }
0xaf: {  	[dreg:$0x3] =	wrdreg $0x9  }
0xb0: {  	_ =	task.clear_ibuf [dreg:s6], $0x4FFFF;
	_ =	strace $0x90000052  }
0xb1: {  	s29 =	simm.s32 $0x9;
	_ =	strace $0x80000054  }
0xb2: {  	_ =	swait.ge [sflag:s29], $0x1  }
0xb3: {  	[sflag:s29] =	ssyncadd.s32 $0xFFFFFFFF  }
0xb4: {  	_ =	strace $0x90000054  }
0xb5: {  	_ =	sfence  }
0xb6: {  	s30 =	sld [smem:$0x0];
	_ =	sdelay $0x2  }
0xb7: {  	s31 =	sshll.u32 s1, $0xD;
	s1 =	sshrl.u32 s1, $0x2  }
0xb8: {  	s3 =	sand.u32 $0x4000, s31;
	s1 =	sadd.s32 s1, s30  }
0xb9: {  	s0 =	sor.u32 s3, s0;
	s1 =	sshll.u32 s1, $0x11  }
0xba: {  	s0 =	sor.u32 s1, s0  }
0xbb: {  	s0 =	sadd.s32 $0x8F2B, s0  }
0xbc: {  	[sflag:s0] =	ssyncadd.remote.s32 $0x1  }
0xbd: {  	_ =	sfence.sel $0xFFFF  }
0xbe: {  	[dreg:$0x0] =	wrdreg $0xFFFFFFFF;
	(pc) =	sbr.abs _section_cstart, $3  }
0xbf: {  	[dreg:$0x1] =	wrdreg $0xFFFFFFFF  }
0xc0: {  	_ =	task.clear_ibuf [dreg:s6], $0x2FFFF;
	_ =	strace $0x9FFFFFFF  }
0xc1: {  	(tm) =	ssettm $0x7FFFFFFF  }
tec
execute0_lowered:
.L_overlay_start_1:
0x0: {  	(tag) =	ssettag $0x1  }
0x1: {  	s4 =	rddreg [dreg:$0x0]  }
0x2: {  	s0 =	rddreg [dreg:$0x1]  }
0x3: {  	s3 =	srdreg.scid;
	s1 =	stileid.u32;
	s2 =	simm.s32 $0x0  }
0x4: {  	s13 =	simm.s32 $0x5400;
	s14 =	simm.s32 $0x1;
	s15 =	simm.s32 $0x2  }
0x5: {  	s16 =	simm.s32 $0x1380;
	s17 =	simm.s32 $0x0;
	s9 =	smul.u32 $0x50, s1  }
0x6: {  	s7 =	sand.u32 $0x1, s3;
	s24 =	sshll.u32 s1, $0x1;
	s29 =	smul.u32 $0x28000, s1  }
0x7: {  	[smem:$0x7FF] =	sst s2;
	s3 =	sadd.s32 $0x13E00, s4;
	s11 =	smul.u32 $0x28, s7  }
0x8: {  	s12 =	sadd.s32 $0x63E00, s4;
	s5 =	sor.u32 s7, s24;
	s30 =	smul.u32 $0x14000, s7  }
0x9: {  	_ =	strace $0x80000053;
	s8 =	ssub.s32 $0x2, s7;
	s6 =	smul.u32 $0x280, s5  }
0xa: {  	s10 =	sshrl.u32 s8, $0x1;
	s25 =	smul.u32 $0x14000, s5;
	s31 =	sadd.s32 s29, s12  }
0xb: {  	s8 =	ssub.s32 s8, s10;
	s26 =	sadd.s32 s11, s9;
	s10 =	simm.s32 $0x3  }
0xc: {  	s11 =	simm.s32 $0x1400;
	s6 =	sadd.s32 s6, s4;
	s5 =	smax.u32 s8, $0x1  }
0xd: {  	s28 =	sadd.s32 s12, s25;
	s9 =	sshll.u32 s26, $0xB;
	s4 =	sadd.s32 $0x9E00, s6  }
0xe: {  	s6 =	sadd.s32 $0x13000, s28;
	s9 =	sadd.s32 s9, s12;
	s7 =	sadd.s32 $0x13800, s28  }
0xf: {  	s12 =	simm.s32 $0x80;
	s8 =	sadd.s32 $0x800, s9;
	s9 =	sadd.s32 s30, s31  }
.LBB2_1:
0x10: {  	[tilespmem:s2], [sflag:$0x3] =	stream.linear.gather [hbm4b:s4+s2], $0x1400, $0x38;
	[tilespmem:$0x9400] =	vst v63  }
0x11: {  	_ =	swait.ge [sflag:s10], $0x1400  }
0x12: {  	[sflag:s10] =	ssyncset.done $0x0  }
0x13: {  	[sflag:s10] =	ssyncadd.s32 $0xFFFFEC00  }
0x14: {  	[tilespmem:s11], [sflag:$0x1] =	stream.indirect.gather [hbm4b:s3+s12], $0x80, s2, s12, $0xb8;
	[tilespmem:$0x9400] =	vst v63  }
0x15: {  	_ = 	snop  }
0x16: {  	[tilespmem:s13], [sflag:$0x2] =	stream.indirect.gather [hbm4b:s3+s12], $0x80, s12, s12, $0xb8;
	[tilespmem:$0x9400] =	vst v63  }
0x17: {  	_ =	swait.ge [sflag:s14], $0x4000  }
0x18: {  	[sflag:s14] =	ssyncset.done $0x0  }
0x19: {  	s18 =	sadd.s32 $0x0, s9;
	[sflag:s14] =	ssyncadd.s32 $0xFFFFC000  }
0x1a: {  	[hbm4b:s18+s2] =	stream.linear.scatter [tilespmem:s11], [sflag:$0x3], $0x4000, $0x38;
	[tilespmem:$0x9400] =	vst v63  }
0x1b: {  	_ =	swait.ge [sflag:s10], $0x4000  }
0x1c: {  	[sflag:s10] =	ssyncset.done $0x0  }
0x1d: {  	s30 =	simm.s32 $0x100;
	[sflag:s10] =	ssyncadd.s32 $0xFFFFC000  }
0x1e: {  	[tilespmem:s11], [sflag:$0x1] =	stream.indirect.gather [hbm4b:s3+s12], $0x80, s30, s12, $0xb8;
	[tilespmem:$0x9400] =	vst v63  }
0x1f: {  	_ =	swait.ge [sflag:s15], $0x4000  }
0x20: {  	[sflag:s15] =	ssyncset.done $0x0  }
0x21: {  	s31 =	sadd.s32 $0x0, s8;
	[sflag:s15] =	ssyncadd.s32 $0xFFFFC000  }
0x22: {  	[hbm4b:s31+s2] =	stream.linear.scatter [tilespmem:s13], [sflag:$0x3], $0x4000, $0x38;
	[tilespmem:$0x9400] =	vst v63  }
0x23: {  	_ =	swait.ge [sflag:s10], $0x4000  }
0x24: {  	s19 =	simm.s32 $0x80;
	s18 =	simm.s32 $0x1000;
	[sflag:s10] =	ssyncset.done $0x0  }
.LBB2_2:
0x25: {  	p0 =	sne.s32 s18, $0x12000;
	[sflag:s10] =	ssyncadd.s32 $0xFFFFC000;
	s19 =	sadd.s32 $0x100, s19  }
0x26: {  	[tilespmem:s13], [sflag:$0x2] =	stream.indirect.gather [hbm4b:s3+s12], $0x80, s19, s12, $0xb8;
	[tilespmem:$0x9400] =	vst v63  }
0x27: {  	s20 =	smov.u32 s18;
	s18 =	sadd.s32 $0x1000, s18;
	_ =	swait.ge [sflag:s14], $0x4000  }
0x28: {  	[sflag:s14] =	ssyncset.done $0x0  }
0x29: {  	s21 =	sadd.s32 s20, s9;
	[sflag:s14] =	ssyncadd.s32 $0xFFFFC000  }
0x2a: {  	[hbm4b:s21+s2] =	stream.linear.scatter [tilespmem:s11], [sflag:$0x3], $0x4000, $0x38;
	[tilespmem:$0x9400] =	vst v63  }
0x2b: {  	_ =	swait.ge [sflag:s10], $0x4000  }
0x2c: {  	[sflag:s10] =	ssyncset.done $0x0  }
0x2d: {  	s21 =	sadd.s32 $0x80, s19;
	[sflag:s10] =	ssyncadd.s32 $0xFFFFC000  }
0x2e: {  	[tilespmem:s11], [sflag:$0x1] =	stream.indirect.gather [hbm4b:s3+s12], $0x80, s21, s12, $0xb8;
	[tilespmem:$0x9400] =	vst v63  }
0x2f: {  	_ =	swait.ge [sflag:s15], $0x4000  }
.Ltmp0:
0x30: {  	[sflag:s15] =	ssyncset.done $0x0;
	(pc) =	sbr.rel @p0 .LBB2_2-.Ltmp0, $4  }
0x31: {  	s20 =	sadd.s32 s20, s8;
	[sflag:s15] =	ssyncadd.s32 $0xFFFFC000  }
0x32: {  	[hbm4b:s20+s2] =	stream.linear.scatter [tilespmem:s13], [sflag:$0x3], $0x4000, $0x38;
	[tilespmem:$0x9400] =	vst v63  }
0x33: {  	_ =	swait.ge [sflag:s10], $0x4000  }
0x34: {  	[sflag:s10] =	ssyncset.done $0x0  }
0x35: {  	[sflag:s10] =	ssyncadd.s32 $0xFFFFC000  }
0x36: {  	[tilespmem:s13], [sflag:$0x2] =	stream.indirect.gather [hbm4b:s3+s12], $0x80, s16, s12, $0xb8;
	[tilespmem:$0x9400] =	vst v63  }
0x37: {  	_ =	swait.ge [sflag:s14], $0x4000  }
0x38: {  	[sflag:s14] =	ssyncset.done $0x0  }
0x39: {  	[sflag:s14] =	ssyncadd.s32 $0xFFFFC000  }
0x3a: {  	[hbm4b:s6+s2] =	stream.linear.scatter [tilespmem:s11], [sflag:$0x3], $0x4000, $0x38;
	[tilespmem:$0x9400] =	vst v63  }
0x3b: {  	_ =	swait.ge [sflag:s10], $0x4000  }
0x3c: {  	[sflag:s10] =	ssyncset.done $0x0  }
0x3d: {  	[sflag:s10] =	ssyncadd.s32 $0xFFFFC000  }
0x3e: {  	s17 =	sadd.s32 $0x1, s17;
	_ =	swait.ge [sflag:s15], $0x4000  }
0x3f: {  	p0 =	sne.s32 s17, s5;
	[sflag:s15] =	ssyncset.done $0x0  }
.Ltmp1:
0x40: {  	[sflag:s15] =	ssyncadd.s32 $0xFFFFC000;
	(pc) =	sbr.rel @p0 .LBB2_1-.Ltmp1, $4  }
0x41: {  	[hbm4b:s7+s2] =	stream.linear.scatter [tilespmem:s13], [sflag:$0x3], $0x4000, $0x38;
	[tilespmem:$0x9400] =	vst v63  }
0x42: {  	_ =	swait.ge [sflag:s10], $0x4000  }
0x43: {  	[sflag:s10] =	ssyncset.done $0x0  }
0x44: {  	[sflag:s10] =	ssyncadd.s32 $0xFFFFC000  }
0x45: {  	_ =	sfence.sel $0x180000  }
0x46: {  	[bflag:$0x0] =	sbarrier.arrive $0xFFFF  }
0x47: {  	p0 =	sne.s32 s1, $0x0;
	_ =	strace $0x90000053  }
0x48: {  	s0 =	sadd.s32 @!p0 $0x100000, s0;
	[bflag:$0x2] =	sbarrier.arrive $0xFFFF  }
0x49: {  	[sflag:s0] =	ssyncadd.tile.s32 @!p0 $0x1;
	_ =	shalt  }
.Lfunc_end2:
_tile_overlayer_lowered:
.L_overlay_start_2:
0x4a: {  	(tag) =	ssettag $0x2  }
0x4b: {  	s0 =	rddreg [dreg:$0x0];
	s2 =	stileid.u32  }
0x4c: {  	s1 =	rddreg [dreg:$0x1];
	p0 =	sne.s32 s2, $0x0  }
0x4d: {  	s3 =	rddreg [dreg:$0x2];
	[bflag:$0x3] =	sbarrier.arrive $0xFFFF;
	s2 =	simm.s32 @!p0 $0x1C03  }
0x4e: {  	[timem:s3], [sflag:s2] =	dma.local @!p0 [hbm:s0], s1  }
0x4f: {  	s0 =	simm.s32 @!p0 $0x3  }
0x50: {  	_ =	swait.ge @!p0 [sflag:s0], s1  }
0x51: {  	s1 =	ssub.s32 @!p0 $0x0, s1;
	[sflag:s0] =	ssyncset.done @!p0 $0x0  }
0x52: {  	[sflag:s0] =	ssyncadd.s32 @!p0 s1  }
0x53: {  	[bflag:$0x3] =	sbarrier.arrive $0xFFFF  }
0x54: {  	_ =	shalt  }

// kernel: kernel.39.cloned.1.call-start
scs
__scs_entry_jumppad:
0x0: {  	(pc) =	sbr.rel $0x88, $3  }
0x1: {  	(tag) =	ssettag $0x0;
	lr =	simm.s32 $0x1  }
0x2: {  	[smem:$0x3F70] =	sst lr;
	_ =	strace $0xD0000000  }
0x3: {  	_ = 	snop  }
0x4: {  	_ = 	snop  }
0x5: {  	_ = 	snop  }
0x6: {  	_ = 	snop  }
0x7: {  	_ = 	snop  }
__scs_overlays_trampoline_lowered:
0x8: {  	[smem:$0x3F7F] =	sst s0  }
0x9: {  	[smem:$0x3F80] =	sst s1  }
0xa: {  	[smem:$0x3F81] =	sst s2  }
0xb: {  	[smem:$0x3F82] =	sst s3  }
0xc: {  	[smem:$0x3F83] =	sst s4  }
0xd: {  	[smem:$0x3F84] =	sst s5  }
0xe: {  	[smem:$0x3F85] =	sst s6  }
0xf: {  	[smem:$0x3F86] =	sst s7  }
0x10: {  	[smem:$0x3F87] =	sst s8  }
0x11: {  	[smem:$0x3F88] =	sst s9;
	s0 =	simm.s32 @!p0 $0x0  }
0x12: {  	s1 =	sld [smem:$0x3F6E];
	s0 =	simm.s32 @p0 $0x1  }
0x13: {  	[smem:$0x3F89] =	sst s0;
	s0 =	simm.s32 @!p1 $0x0  }
0x14: {  	s2 =	sld [smem:$0x3F6D];
	s0 =	simm.s32 @p1 $0x1  }
0x15: {  	[smem:$0x3F8A] =	sst s0;
	s0 =	simm.s32 @!p2 $0x0  }
0x16: {  	s3 =	sld [smem:$0x3FDB];
	s0 =	simm.s32 @p2 $0x1  }
0x17: {  	s4 =	simm.s32 $0x1BF5;
	[smem:$0x3F8C] =	sst s0  }
0x18: {  	s0 =	sld [smem:$0x3F6F];
	_ =	swait.ge [sflag:s4], $0x0  }
0x19: {  	s7 =	sld [smem:$0x3F70]  }
0x1a: {  	s8 =	sadd.s32 $0xFFFFE003, lr  }
0x1b: {  	s9 =	sadd.s32 $0xFFFFFEF7, lr;
	s5 =	simm.s32 $0xFFFFFFFF;
	p2 =	slt.u32 s8, $0xFFFFF086  }
0x1c: {  	p1 =	slt.u32 s9, $0xF7A;
	s5 =	simm.s32 @!p2 $0x0  }
0x1d: {  	s5 =	simm.s32 @p1 $0x1;
	p0 =	seq.s32 s7, s2  }
0x1e: {  	s7 =	smul.u32 @!p0 $0xF7A, s2;
	p2 =	seq.s32 @!p0 s5, $0x0  }
0x1f: {  	s9 =	smul.u32 $0xF7A, s1;
	s8 =	simm.s32 @!p0 $0x1BF5;
	p2 =	por !p2, p0  }
0x20: {  	[sflag:s8] =	ssyncset.s32 @!p0 $0xFFFFF086;
	s6 =	sadd.s32 @!p0 s3, s7;
	s7 =	simm.s32 @!p0 $0x108  }
0x21: {  	s3 =	sadd.s32 s3, s9;
	s6 =	sadd.s32 @!p0 $0x88, s6;
	s7 =	simm.s32 @p2 $0x1082  }
0x22: {  	[simem:s7], [sflag:s8] =	dma.local @!p0 [hbm:s6], $0xF7A  }
0x23: {  	s9 =	sor.u32 $0xD0000000, s2;
	s6 =	simm.s32 $0x108;
	_ =	swait.ge @!p0 [sflag:s8], $0x0  }
0x24: {  	s3 =	sadd.s32 $0x88, s3;
	s6 =	simm.s32 @!p1 $0x1082;
	[sflag:s4] =	ssyncset.s32 $0xFFFFF086  }
0x25: {  	[simem:s6], [sflag:s4] =	dma.local [hbm:s3], $0xF7A  }
0x26: {  	[smem:$0x3F70] =	sst s1;
	(tag) =	ssettag s2;
	_ =	strace s9  }
0x27: {  	s1 =	sld [smem:$0x3F80]  }
0x28: {  	s2 =	sld [smem:$0x3F81]  }
0x29: {  	s4 =	sld [smem:$0x3F83]  }
0x2a: {  	p0 =	seq.s32 s5, $0x0;
	s5 =	sld [smem:$0x3F84]  }
0x2b: {  	s6 =	sld [smem:$0x3F85]  }
0x2c: {  	s7 =	sld [smem:$0x3F86]  }
0x2d: {  	s3 =	simm.s32 $0x108;
	s8 =	sld [smem:$0x3F87]  }
0x2e: {  	s3 =	simm.s32 @!p0 $0x1082;
	s9 =	sld [smem:$0x3F88]  }
0x2f: {  	lr =	sadd.s32 s0, s3;
	s0 =	sld [smem:$0x3F7F]  }
0x30: {  	s3 =	sld [smem:$0x3F82]  }
0x31: {  	[smem:$0x3F8B] =	sst s10  }
0x32: {  	s10 =	sld [smem:$0x3F89];
	_ =	sdelay $0x3  }
0x33: {  	p0 =	seq.s32 s10, $0x1;
	s10 =	sld [smem:$0x3F8B];
	_ =	sdelay $0x3  }
0x34: {  	[smem:$0x3F8B] =	sst s10  }
0x35: {  	s10 =	sld [smem:$0x3F8A];
	_ =	sdelay $0x3  }
0x36: {  	p1 =	seq.s32 s10, $0x1;
	s10 =	sld [smem:$0x3F8B];
	_ =	sdelay $0x3  }
0x37: {  	[smem:$0x3F8B] =	sst s10  }
0x38: {  	s10 =	sld [smem:$0x3F8C]  }
0x39: {  	_ = 	snop;
	(pc) =	sbr.ind lr, $3  }
0x3a: {  	_ = 	snop  }
0x3b: {  	_ = 	snop  }
0x3c: {  	p2 =	seq.s32 s10, $0x1;
	s10 =	sld [smem:$0x3F8B]  }
0x3d: {  	_ =	shalt  }
0x3e: {  	_ =	shalt  }
0x3f: {  	_ =	shalt  }
0x40: {  	_ =	shalt  }
0x41: {  	_ =	shalt  }
0x42: {  	_ =	shalt  }
0x43: {  	_ =	shalt  }
0x44: {  	_ =	shalt  }
0x45: {  	_ =	shalt  }
0x46: {  	_ =	shalt  }
0x47: {  	_ =	shalt  }
0x48: {  	_ =	shalt  }
0x49: {  	_ =	shalt  }
0x4a: {  	_ =	shalt  }
0x4b: {  	_ =	shalt  }
0x4c: {  	_ =	shalt  }
0x4d: {  	_ =	shalt  }
0x4e: {  	_ =	shalt  }
0x4f: {  	_ =	shalt  }
0x50: {  	_ =	shalt  }
0x51: {  	_ =	shalt  }
0x52: {  	_ =	shalt  }
0x53: {  	_ =	shalt  }
0x54: {  	_ =	shalt  }
0x55: {  	_ =	shalt  }
0x56: {  	_ =	shalt  }
0x57: {  	_ =	shalt  }
0x58: {  	_ =	shalt  }
0x59: {  	_ =	shalt  }
0x5a: {  	_ =	shalt  }
0x5b: {  	_ =	shalt  }
0x5c: {  	_ =	shalt  }
0x5d: {  	_ =	shalt  }
0x5e: {  	_ =	shalt  }
0x5f: {  	_ =	shalt  }
0x60: {  	_ =	shalt  }
0x61: {  	_ =	shalt  }
0x62: {  	_ =	shalt  }
0x63: {  	_ =	shalt  }
0x64: {  	_ =	shalt  }
0x65: {  	_ =	shalt  }
0x66: {  	_ =	shalt  }
0x67: {  	_ =	shalt  }
0x68: {  	_ =	shalt  }
0x69: {  	_ =	shalt  }
0x6a: {  	_ =	shalt  }
0x6b: {  	_ =	shalt  }
0x6c: {  	_ =	shalt  }
0x6d: {  	_ =	shalt  }
0x6e: {  	_ =	shalt  }
0x6f: {  	_ =	shalt  }
0x70: {  	_ =	shalt  }
0x71: {  	_ =	shalt  }
0x72: {  	_ =	shalt  }
0x73: {  	_ =	shalt  }
0x74: {  	_ =	shalt  }
0x75: {  	_ =	shalt  }
0x76: {  	_ =	shalt  }
0x77: {  	_ =	shalt  }
0x78: {  	_ =	shalt  }
0x79: {  	_ =	shalt  }
0x7a: {  	_ =	shalt  }
0x7b: {  	_ =	shalt  }
0x7c: {  	_ =	shalt  }
0x7d: {  	_ =	shalt  }
0x7e: {  	_ =	shalt  }
0x7f: {  	_ =	shalt  }
0x80: {  	_ =	shalt  }
0x81: {  	_ =	shalt  }
0x82: {  	_ =	shalt  }
0x83: {  	_ =	shalt  }
0x84: {  	_ =	shalt  }
0x85: {  	_ =	shalt  }
0x86: {  	_ =	shalt  }
0x87: {  	_ =	shalt  }
.Lfunc_end0:
.L_simem_size_0:
called_computation.6_lowered:
.L_overlay_start_0:
0x88: {  	s2 =	sld [smem:$0x3FD9]  }
0x89: {  	s3 =	sld [smem:$0x3FFE];
	_ =	sdelay $0x1  }
0x8a: {  	s1 =	srdreg.scid  }
0x8b: {  	s0 =	sand.u32 $0x1, s1  }
0x8c: {  	s16 =	sshll.u32 s0, $0xA;
	s2 =	sadd.s32 s3, s2  }
0x8d: {  	s2 =	sadd.s32 s2, s16  }
0x8e: {  	[smem:$0x3F97] =	sst s2  }
0x8f: {  	_ = 	snop  }
0x90: {  	(tm) =	ssettm $0x1  }
0x91: {  	s17 =	sld [smem:$0x3FFB];
	_ =	sdelay $0x3  }
0x92: {  	_ =	strace s17  }
0x93: {  	s2 =	sld [smem:$0x3FFC];
	_ =	sdelay $0x3  }
0x94: {  	_ =	strace s2  }
0x95: {  	s2 =	sld [smem:$0x3FFD];
	_ =	sdelay $0x3  }
0x96: {  	_ =	strace s2  }
0x97: {  	_ =	strace $0x8FFFFFFF  }
0x98: {  	s18 =	sld [smem:$0x3FDB];
	_ =	sdelay $0x1  }
0x99: {  	s19 =	simm.s32 $_scs_section_size  }
0x9a: {  	s4 =	simm.s32 $_size__tile_overlayer_lowered;
	s5 =	simm.s32 $_tile_overlayer_lowered  }
0x9b: {  	s22 =	simm.s32 $0x1BFF;
	s21 =	sshll.u32 s5, $0x1;
	s2 =	sadd.s32 s19, s18  }
0x9c: {  	s6 =	simm.s32 $0x0;
	s20 =	sshll.u32 s4, $0x1;
	s4 =	sadd.s32 s21, s2  }
0x9d: {  	[timem:s6], [sflag:s22] =	dma.local [hbm:s4], s20  }
0x9e: {  	_ =	swait.ge [sflag:s22], s20  }
0x9f: {  	s3 =	ssub.s32 $0x0, s20;
	[sflag:s22] =	ssyncset.done $0x0  }
0xa0: {  	[sflag:s22] =	ssyncadd.s32 s3;
	_ =	sdelay $0x1  }
0xa1: {  	s23 =	simm.s32 $0x1B8B  }
0xa2: {  	_ =	swait.ge [sflag:s23], $0x1  }
0xa3: {  	[sflag:s23] =	ssyncset.done $0x0  }
0xa4: {  	s25 =	simm.s32 $0x1B8E;
	s24 =	sld [smem:$0x3FFE];
	[sflag:s23] =	ssyncadd.s32 $0xFFFFFFFF  }
0xa5: {  	s26 =	simm.s32 $execute0_lowered;
	[smem:$0x3FD2] =	sst s25  }
0xa6: {  	s4 =	sshll.u32 s26, $0x1;
	_ =	strace $0x80000055;
	[dreg:$0x1] =	wrdreg $0xFFFFFFFF  }
0xa7: {  	s28 =	simm.s32 $_size_execute0_lowered;
	s2 =	sadd.s32 s2, s4;
	[dreg:$0x0] =	wrdreg $0x0  }
0xa8: {  	s4 =	sshll.u32 s28, $0x1;
	[dreg:$0x2] =	wrdreg s2  }
0xa9: {  	[dreg:$0x3] =	wrdreg s4  }
0xaa: {  	[dreg:$0x4] =	wrdreg $0xC0  }
0xab: {  	_ =	task [dreg:s6], $0x5FFFF  }
0xac: {  	[dreg:$0x1] =	wrdreg $0xFFFFFFFF  }
0xad: {  	[dreg:$0x0] =	wrdreg $0x60  }
0xae: {  	[dreg:$0x2] =	wrdreg s24  }
0xaf: {  	[dreg:$0x3] =	wrdreg $0x0  }
0xb0: {  	[dreg:$0x4] =	wrdreg $0x9  }
0xb1: {  	_ =	task.clear_ibuf [dreg:s6], $0x5FFFF;
	_ =	strace $0x90000055  }
0xb2: {  	s29 =	simm.s32 $0x9;
	_ =	strace $0x80000057  }
0xb3: {  	_ =	swait.ge [sflag:s29], $0x1  }
0xb4: {  	[sflag:s29] =	ssyncadd.s32 $0xFFFFFFFF  }
0xb5: {  	_ =	strace $0x90000057  }
0xb6: {  	_ =	sfence  }
0xb7: {  	s30 =	sld [smem:$0x0];
	_ =	sdelay $0x2  }
0xb8: {  	s31 =	sshll.u32 s1, $0xD;
	s1 =	sshrl.u32 s1, $0x2  }
0xb9: {  	s3 =	sand.u32 $0x4000, s31;
	s1 =	sadd.s32 s1, s30  }
0xba: {  	s0 =	sor.u32 s3, s0;
	s1 =	sshll.u32 s1, $0x11  }
0xbb: {  	s0 =	sor.u32 s1, s0  }
0xbc: {  	s0 =	sadd.s32 $0x8F2B, s0  }
0xbd: {  	[sflag:s0] =	ssyncadd.remote.s32 $0x1  }
0xbe: {  	_ =	sfence.sel $0xFFFF  }
0xbf: {  	[dreg:$0x0] =	wrdreg $0xFFFFFFFF;
	(pc) =	sbr.abs _section_cstart, $3  }
0xc0: {  	[dreg:$0x1] =	wrdreg $0xFFFFFFFF  }
0xc1: {  	_ =	task.clear_ibuf [dreg:s6], $0x2FFFF;
	_ =	strace $0x9FFFFFFF  }
0xc2: {  	(tm) =	ssettm $0x7FFFFFFF  }
0xc3: {  	_ =	shalt  }
tec
execute0_lowered:
.L_overlay_start_1:
0x0: {  	(tag) =	ssettag $0x1  }
0x1: {  	s4 =	rddreg [dreg:$0x0];
	s0 =	srdreg.scid  }
0x2: {  	s2 =	rddreg [dreg:$0x1];
	s1 =	stileid.u32  }
0x3: {  	s3 =	simm.s32 $0x0;
	s17 =	simm.s32 $0x15400;
	s18 =	simm.s32 $0x5  }
0x4: {  	s19 =	simm.s32 $0x14000;
	s20 =	simm.s32 $0x1;
	s21 =	simm.s32 $0x19400  }
0x5: {  	s22 =	simm.s32 $0x80;
	s23 =	simm.s32 $0x2;
	s8 =	smul.u32 $0x14000, s1  }
0x6: {  	s24 =	simm.s32 $0x3;
	s25 =	simm.s32 $0x14080;
	s30 =	smul.u32 $0x50000, s1  }
0x7: {  	s28 =	simm.s32 $0x15380;
	s5 =	sand.u32 $0x1, s0;
	s11 =	smul.u32 $0x50, s1  }
0x8: {  	s29 =	simm.s32 $0x0;
	s6 =	sshll.u32 s1, $0x1;
	s7 =	smul.u32 $0x140000, s5  }
0x9: {  	[smem:$0x7FF] =	sst s3;
	s6 =	sor.u32 s5, s6;
	s12 =	smul.u32 $0x28, s5  }
0xa: {  	s14 =	sadd.s32 $0x2E3E00, s4;
	s31 =	ssub.s32 $0x2, s5;
	s9 =	smul.u32 $0x280, s6  }
0xb: {  	_ =	strace $0x80000056;
	s6 =	smul.u32 $0x14000, s6;
	s10 =	sshrl.u32 s31, $0x1  }
0xc: {  	s7 =	sadd.s32 s8, s7;
	s10 =	ssub.s32 s31, s10;
	s12 =	sadd.s32 s12, s11  }
0xd: {  	s26 =	sadd.s32 s9, s4;
	s7 =	sshrl.u32 s7, $0x3;
	s9 =	sshrl.u32 s30, $0x2  }
0xe: {  	s6 =	sadd.s32 s14, s6;
	s8 =	smax.u32 s10, $0x1;
	s15 =	sshll.u32 s12, $0xB  }
.Ltmp0:
0xf: {  	s7 =	sadd.s32 s7, s4;
	s4 =	sadd.s32 s9, s2;
	(pc) =	sbr.rel .LBB2_1-.Ltmp0, $4  }
0x10: {  	s5 =	sadd.s32 $0xEE00, s26;
	s13 =	sadd.s32 $0x800, s6;
	s16 =	sadd.s32 s15, s14  }
0x11: {  	s14 =	sadd.s32 $0x1000, s6;
	s26 =	simm.s32 $0x4;
	s7 =	sadd.s32 $0x63E00, s7  }
0x12: {  	s9 =	sadd.s32 $0x4000, s4;
	s10 =	sadd.s32 $0x8000, s4;
	s11 =	sadd.s32 $0xC000, s4  }
0x13: {  	v0 =	vimm.f32 $0.0e+00;
	s12 =	sadd.s32 $0x10000, s4;
	s15 =	sadd.s32 $0x2000, s16;
	s16 =	sadd.s32 $0x1800, s16  }
.LBB2_6:
0x14: {  	[spmem:s2] =	stream.indirect.scatter.add.f32 [tilespmem:s21], [sflag:$0x4], $0x80, s28, s22, $0xb8;
	[tilespmem:$0x1D400] =	vst v63  }
0x15: {  	_ =	swait.ge [sflag:s26], $0x4000  }
0x16: {  	s0 =	sshll.u32 s1, $0x6;
	s29 =	sadd.s32 $0x1, s29;
	[sflag:s26] =	ssyncset.done $0x0  }
0x17: {  	s30 =	sshrl.u32 s4, $0x3;
	p0 =	sne.s32 s29, s8;
	[sflag:s26] =	ssyncadd.s32 $0xFFFFC000  }
.Ltmp1:
0x18: {  	s0 =	sor.u32 $0x1C05, s0;
	[bflag:$0x0] =	sbarrier.arrive $0xFFFF;
	(pc) =	sbr.rel @!p0 .LBB2_7-.Ltmp1, $4  }
0x19: {  	[hbm:s7], [sflag:s0] =	dma.local [spmem:s30], $0x2800  }
0x1a: {  	_ =	swait.ge [sflag:s18], $0x2800  }
0x1b: {  	[sflag:s18] =	ssyncset.done $0x0  }
0x1c: {  	[sflag:s18] =	ssyncadd.s32 $0xFFFFD800  }
.LBB2_1:
0x1d: {  	s30 =	simm.s32 $0x0;
	s31 =	simm.s32 $0x200  }
.LBB2_2:
0x1e: {  	p0 =	sne.s32 s31, $0xFE00;
	[tilespmem:s30+$0x15470] =	vst v0  }
0x1f: {  	[tilespmem:s30+$0x15400] =	vst v0  }
0x20: {  	[tilespmem:s30+$0x15410] =	vst v0  }
.Ltmp2:
0x21: {  	[tilespmem:s30+$0x15420] =	vst v0;
	(pc) =	sbr.rel @p0 .LBB2_2-.Ltmp2, $4  }
0x22: {  	[tilespmem:s30+$0x15430] =	vst v0  }
0x23: {  	[tilespmem:s30+$0x15440] =	vst v0  }
0x24: {  	[tilespmem:s30+$0x15450] =	vst v0  }
0x25: {  	[tilespmem:s30+$0x15460] =	vst v0;
	s30 =	sshra.s32 s31, $0x2;
	s31 =	sadd.s32 $0x200, s31  }
0x26: {  	[tilespmem:s30+$0x15470] =	vst v0  }
0x27: {  	[tilespmem:s30+$0x15400] =	vst v0  }
0x28: {  	[tilespmem:s30+$0x15410] =	vst v0  }
0x29: {  	[tilespmem:s30+$0x15420] =	vst v0  }
0x2a: {  	[tilespmem:s30+$0x15430] =	vst v0  }
0x2b: {  	[tilespmem:s30+$0x15440] =	vst v0  }
0x2c: {  	[tilespmem:s30+$0x15450] =	vst v0  }
0x2d: {  	[tilespmem:s30+$0x15460] =	vst v0  }
0x2e: {  	[spmem:s4] =	stream.linear.scatter [tilespmem:s17], [sflag:$0x5], $0x4000, $0x38;
	[tilespmem:$0x1D400] =	vst v63  }
0x2f: {  	_ =	swait.ge [sflag:s18], $0x4000  }
0x30: {  	[sflag:s18] =	ssyncset.done $0x0  }
0x31: {  	[sflag:s18] =	ssyncadd.s32 $0xFFFFC000  }
0x32: {  	[spmem:s9] =	stream.linear.scatter [tilespmem:s17], [sflag:$0x5], $0x4000, $0x38;
	[tilespmem:$0x1D400] =	vst v63  }
0x33: {  	_ =	swait.ge [sflag:s18], $0x4000  }
0x34: {  	[sflag:s18] =	ssyncset.done $0x0  }
0x35: {  	[sflag:s18] =	ssyncadd.s32 $0xFFFFC000  }
0x36: {  	[spmem:s10] =	stream.linear.scatter [tilespmem:s17], [sflag:$0x5], $0x4000, $0x38;
	[tilespmem:$0x1D400] =	vst v63  }
0x37: {  	_ =	swait.ge [sflag:s18], $0x4000  }
0x38: {  	[sflag:s18] =	ssyncset.done $0x0  }
0x39: {  	[sflag:s18] =	ssyncadd.s32 $0xFFFFC000  }
0x3a: {  	[spmem:s11] =	stream.linear.scatter [tilespmem:s17], [sflag:$0x5], $0x4000, $0x38;
	[tilespmem:$0x1D400] =	vst v63  }
0x3b: {  	_ =	swait.ge [sflag:s18], $0x4000  }
0x3c: {  	[sflag:s18] =	ssyncset.done $0x0  }
0x3d: {  	[sflag:s18] =	ssyncadd.s32 $0xFFFFC000  }
0x3e: {  	[spmem:s12] =	stream.linear.scatter [tilespmem:s17], [sflag:$0x5], $0x4000, $0x38;
	[tilespmem:$0x1D400] =	vst v63  }
0x3f: {  	_ =	swait.ge [sflag:s18], $0x4000  }
0x40: {  	[sflag:s18] =	ssyncset.done $0x0  }
0x41: {  	s30 =	simm.s32 $0x0;
	[sflag:s18] =	ssyncadd.s32 $0xFFFFC000  }
0x42: {  	[tilespmem:s19], [sflag:$0x5] =	stream.linear.gather [hbm4b:s5+s30], $0x1400, $0x38;
	[tilespmem:$0x1D400] =	vst v63  }
0x43: {  	_ =	swait.ge [sflag:s18], $0x1400  }
0x44: {  	[sflag:s18] =	ssyncset.done $0x0  }
0x45: {  	[sflag:s18] =	ssyncadd.s32 $0xFFFFEC00  }
0x46: {  	[bflag:$0x0] =	sbarrier.arrive $0xFFFF  }
0x47: {  	[tilespmem:s17], [sflag:$0x1] =	stream.linear.gather [hbm4b:s6+s30], $0x4000, $0x38;
	[tilespmem:$0x1D400] =	vst v63  }
0x48: {  	_ =	swait.ge [sflag:s20], $0x4000  }
0x49: {  	[sflag:s20] =	ssyncset.done $0x0  }
0x4a: {  	[sflag:s20] =	ssyncadd.s32 $0xFFFFC000  }
0x4b: {  	[tilespmem:s21], [sflag:$0x2] =	stream.linear.gather [hbm4b:s13+s30], $0x4000, $0x38;
	[tilespmem:$0x1D400] =	vst v63  }
0x4c: {  	_ = 	snop  }
0x4d: {  	[spmem:s2] =	stream.indirect.scatter.add.f32 [tilespmem:s17], [sflag:$0x3], $0x80, s19, s22, $0xb8;
	[tilespmem:$0x1D400] =	vst v63  }
0x4e: {  	_ =	swait.ge [sflag:s23], $0x4000  }
0x4f: {  	[sflag:s23] =	ssyncset.done $0x0  }
0x50: {  	[sflag:s23] =	ssyncadd.s32 $0xFFFFC000  }
0x51: {  	_ =	swait.ge [sflag:s24], $0x4000  }
0x52: {  	[sflag:s24] =	ssyncset.done $0x0  }
0x53: {  	[sflag:s24] =	ssyncadd.s32 $0xFFFFC000  }
0x54: {  	[tilespmem:s17], [sflag:$0x1] =	stream.linear.gather [hbm4b:s14+s30], $0x4000, $0x38;
	[tilespmem:$0x1D400] =	vst v63  }
0x55: {  	s31 =	simm.s32 $0x14100  }
0x56: {  	[spmem:s2] =	stream.indirect.scatter.add.f32 [tilespmem:s21], [sflag:$0x4], $0x80, s25, s22, $0xb8;
	[tilespmem:$0x1D400] =	vst v63  }
.LBB2_4:
0x57: {  	_ =	swait.ge [sflag:s20], $0x4000  }
0x58: {  	[sflag:s20] =	ssyncset.done $0x0  }
0x59: {  	[sflag:s20] =	ssyncadd.s32 $0xFFFFC000  }
0x5a: {  	_ =	swait.ge [sflag:s26], $0x4000  }
0x5b: {  	[sflag:s26] =	ssyncset.done $0x0  }
0x5c: {  	s0 =	sadd.s32 s30, s16;
	[sflag:s26] =	ssyncadd.s32 $0xFFFFC000  }
0x5d: {  	[tilespmem:s21], [sflag:$0x2] =	stream.linear.gather [hbm4b:s0+s3], $0x4000, $0x38;
	[tilespmem:$0x1D400] =	vst v63  }
0x5e: {  	_ = 	snop  }
0x5f: {  	[spmem:s2] =	stream.indirect.scatter.add.f32 [tilespmem:s17], [sflag:$0x3], $0x80, s31, s22, $0xb8;
	[tilespmem:$0x1D400] =	vst v63  }
0x60: {  	p0 =	seq.s32 s30, $0x12000;
	_ =	swait.ge [sflag:s23], $0x4000  }
.Ltmp3:
0x61: {  	[sflag:s23] =	ssyncset.done $0x0;
	(pc) =	sbr.rel @p0 .LBB2_6-.Ltmp3, $4  }
0x62: {  	[sflag:s23] =	ssyncadd.s32 $0xFFFFC000  }
0x63: {  	_ =	swait.ge [sflag:s24], $0x4000  }
0x64: {  	[sflag:s24] =	ssyncset.done $0x0  }
0x65: {  	[sflag:s24] =	ssyncadd.s32 $0xFFFFC000  }
.Ltmp4:
0x66: {  	(pc) =	sbr.rel .LBB2_4-.Ltmp4, $4  }
0x67: {  	s0 =	sadd.s32 s30, s15  }
0x68: {  	[tilespmem:s17], [sflag:$0x1] =	stream.linear.gather [hbm4b:s0+s3], $0x4000, $0x38;
	[tilespmem:$0x1D400] =	vst v63  }
0x69: {  	s30 =	sadd.s32 $0x1000, s30;
	s0 =	sadd.s32 $0x80, s31;
	s31 =	sadd.s32 $0x100, s31  }
0x6a: {  	[spmem:s2] =	stream.indirect.scatter.add.f32 [tilespmem:s21], [sflag:$0x4], $0x80, s0, s22, $0xb8;
	[tilespmem:$0x1D400] =	vst v63  }
.LBB2_7:
0x6b: {  	_ =	sfence.sel $0x180000  }
0x6c: {  	[bflag:$0x0] =	sbarrier.arrive $0xFFFF  }
0x6d: {  	_ =	strace $0x90000056  }
0x6e: {  	[bflag:$0x2] =	sbarrier.arrive $0xFFFF  }
0x6f: {  	p0 =	sne.s32 s1, $0x0;
	s0 =	rddreg [dreg:$0x2]  }
0x70: {  	s0 =	sadd.s32 @!p0 $0x100000, s0  }
0x71: {  	[sflag:s0] =	ssyncadd.tile.s32 @!p0 $0x1;
	_ =	shalt  }
.Lfunc_end2:
_tile_overlayer_lowered:
.L_overlay_start_2:
0x72: {  	(tag) =	ssettag $0x2  }
0x73: {  	s0 =	rddreg [dreg:$0x0];
	s2 =	stileid.u32  }
0x74: {  	s1 =	rddreg [dreg:$0x1];
	p0 =	sne.s32 s2, $0x0  }
0x75: {  	s3 =	rddreg [dreg:$0x2];
	[bflag:$0x3] =	sbarrier.arrive $0xFFFF;
	s2 =	simm.s32 @!p0 $0x1C05  }
0x76: {  	[timem:s3], [sflag:s2] =	dma.local @!p0 [hbm:s0], s1  }
0x77: {  	s0 =	simm.s32 @!p0 $0x5  }
0x78: {  	_ =	swait.ge @!p0 [sflag:s0], s1  }
0x79: {  	s1 =	ssub.s32 @!p0 $0x0, s1;
	[sflag:s0] =	ssyncset.done @!p0 $0x0  }
0x7a: {  	[sflag:s0] =	ssyncadd.s32 @!p0 s1  }
0x7b: {  	[bflag:$0x3] =	sbarrier.arrive $0xFFFF  }
0x7c: {  	_ =	shalt  }

// kernel: kernel.42.cloned.1.call-start
scs
__scs_entry_jumppad:
0x0: {  	(pc) =	sbr.rel $0x88, $3  }
0x1: {  	(tag) =	ssettag $0x0;
	lr =	simm.s32 $0x1  }
0x2: {  	[smem:$0x3F70] =	sst lr;
	_ =	strace $0xD0000000  }
0x3: {  	_ = 	snop  }
0x4: {  	_ = 	snop  }
0x5: {  	_ = 	snop  }
0x6: {  	_ = 	snop  }
0x7: {  	_ = 	snop  }
__scs_overlays_trampoline_lowered:
0x8: {  	[smem:$0x3F7F] =	sst s0  }
0x9: {  	[smem:$0x3F80] =	sst s1  }
0xa: {  	[smem:$0x3F81] =	sst s2  }
0xb: {  	[smem:$0x3F82] =	sst s3  }
0xc: {  	[smem:$0x3F83] =	sst s4  }
0xd: {  	[smem:$0x3F84] =	sst s5  }
0xe: {  	[smem:$0x3F85] =	sst s6  }
0xf: {  	[smem:$0x3F86] =	sst s7  }
0x10: {  	[smem:$0x3F87] =	sst s8  }
0x11: {  	[smem:$0x3F88] =	sst s9;
	s0 =	simm.s32 @!p0 $0x0  }
0x12: {  	s1 =	sld [smem:$0x3F6E];
	s0 =	simm.s32 @p0 $0x1  }
0x13: {  	[smem:$0x3F89] =	sst s0;
	s0 =	simm.s32 @!p1 $0x0  }
0x14: {  	s2 =	sld [smem:$0x3F6D];
	s0 =	simm.s32 @p1 $0x1  }
0x15: {  	[smem:$0x3F8A] =	sst s0;
	s0 =	simm.s32 @!p2 $0x0  }
0x16: {  	s3 =	sld [smem:$0x3FDB];
	s0 =	simm.s32 @p2 $0x1  }
0x17: {  	s4 =	simm.s32 $0x1BF5;
	[smem:$0x3F8C] =	sst s0  }
0x18: {  	s0 =	sld [smem:$0x3F6F];
	_ =	swait.ge [sflag:s4], $0x0  }
0x19: {  	s7 =	sld [smem:$0x3F70]  }
0x1a: {  	s8 =	sadd.s32 $0xFFFFE003, lr  }
0x1b: {  	s9 =	sadd.s32 $0xFFFFFEF7, lr;
	s5 =	simm.s32 $0xFFFFFFFF;
	p2 =	slt.u32 s8, $0xFFFFF086  }
0x1c: {  	p1 =	slt.u32 s9, $0xF7A;
	s5 =	simm.s32 @!p2 $0x0  }
0x1d: {  	s5 =	simm.s32 @p1 $0x1;
	p0 =	seq.s32 s7, s2  }
0x1e: {  	s7 =	smul.u32 @!p0 $0xF7A, s2;
	p2 =	seq.s32 @!p0 s5, $0x0  }
0x1f: {  	s9 =	smul.u32 $0xF7A, s1;
	s8 =	simm.s32 @!p0 $0x1BF5;
	p2 =	por !p2, p0  }
0x20: {  	[sflag:s8] =	ssyncset.s32 @!p0 $0xFFFFF086;
	s6 =	sadd.s32 @!p0 s3, s7;
	s7 =	simm.s32 @!p0 $0x108  }
0x21: {  	s3 =	sadd.s32 s3, s9;
	s6 =	sadd.s32 @!p0 $0x88, s6;
	s7 =	simm.s32 @p2 $0x1082  }
0x22: {  	[simem:s7], [sflag:s8] =	dma.local @!p0 [hbm:s6], $0xF7A  }
0x23: {  	s9 =	sor.u32 $0xD0000000, s2;
	s6 =	simm.s32 $0x108;
	_ =	swait.ge @!p0 [sflag:s8], $0x0  }
0x24: {  	s3 =	sadd.s32 $0x88, s3;
	s6 =	simm.s32 @!p1 $0x1082;
	[sflag:s4] =	ssyncset.s32 $0xFFFFF086  }
0x25: {  	[simem:s6], [sflag:s4] =	dma.local [hbm:s3], $0xF7A  }
0x26: {  	[smem:$0x3F70] =	sst s1;
	(tag) =	ssettag s2;
	_ =	strace s9  }
0x27: {  	s1 =	sld [smem:$0x3F80]  }
0x28: {  	s2 =	sld [smem:$0x3F81]  }
0x29: {  	s4 =	sld [smem:$0x3F83]  }
0x2a: {  	p0 =	seq.s32 s5, $0x0;
	s5 =	sld [smem:$0x3F84]  }
0x2b: {  	s6 =	sld [smem:$0x3F85]  }
0x2c: {  	s7 =	sld [smem:$0x3F86]  }
0x2d: {  	s3 =	simm.s32 $0x108;
	s8 =	sld [smem:$0x3F87]  }
0x2e: {  	s3 =	simm.s32 @!p0 $0x1082;
	s9 =	sld [smem:$0x3F88]  }
0x2f: {  	lr =	sadd.s32 s0, s3;
	s0 =	sld [smem:$0x3F7F]  }
0x30: {  	s3 =	sld [smem:$0x3F82]  }
0x31: {  	[smem:$0x3F8B] =	sst s10  }
0x32: {  	s10 =	sld [smem:$0x3F89];
	_ =	sdelay $0x3  }
0x33: {  	p0 =	seq.s32 s10, $0x1;
	s10 =	sld [smem:$0x3F8B];
	_ =	sdelay $0x3  }
0x34: {  	[smem:$0x3F8B] =	sst s10  }
0x35: {  	s10 =	sld [smem:$0x3F8A];
	_ =	sdelay $0x3  }
0x36: {  	p1 =	seq.s32 s10, $0x1;
	s10 =	sld [smem:$0x3F8B];
	_ =	sdelay $0x3  }
0x37: {  	[smem:$0x3F8B] =	sst s10  }
0x38: {  	s10 =	sld [smem:$0x3F8C]  }
0x39: {  	_ = 	snop;
	(pc) =	sbr.ind lr, $3  }
0x3a: {  	_ = 	snop  }
0x3b: {  	_ = 	snop  }
0x3c: {  	p2 =	seq.s32 s10, $0x1;
	s10 =	sld [smem:$0x3F8B]  }
0x3d: {  	_ =	shalt  }
0x3e: {  	_ =	shalt  }
0x3f: {  	_ =	shalt  }
0x40: {  	_ =	shalt  }
0x41: {  	_ =	shalt  }
0x42: {  	_ =	shalt  }
0x43: {  	_ =	shalt  }
0x44: {  	_ =	shalt  }
0x45: {  	_ =	shalt  }
0x46: {  	_ =	shalt  }
0x47: {  	_ =	shalt  }
0x48: {  	_ =	shalt  }
0x49: {  	_ =	shalt  }
0x4a: {  	_ =	shalt  }
0x4b: {  	_ =	shalt  }
0x4c: {  	_ =	shalt  }
0x4d: {  	_ =	shalt  }
0x4e: {  	_ =	shalt  }
0x4f: {  	_ =	shalt  }
0x50: {  	_ =	shalt  }
0x51: {  	_ =	shalt  }
0x52: {  	_ =	shalt  }
0x53: {  	_ =	shalt  }
0x54: {  	_ =	shalt  }
0x55: {  	_ =	shalt  }
0x56: {  	_ =	shalt  }
0x57: {  	_ =	shalt  }
0x58: {  	_ =	shalt  }
0x59: {  	_ =	shalt  }
0x5a: {  	_ =	shalt  }
0x5b: {  	_ =	shalt  }
0x5c: {  	_ =	shalt  }
0x5d: {  	_ =	shalt  }
0x5e: {  	_ =	shalt  }
0x5f: {  	_ =	shalt  }
0x60: {  	_ =	shalt  }
0x61: {  	_ =	shalt  }
0x62: {  	_ =	shalt  }
0x63: {  	_ =	shalt  }
0x64: {  	_ =	shalt  }
0x65: {  	_ =	shalt  }
0x66: {  	_ =	shalt  }
0x67: {  	_ =	shalt  }
0x68: {  	_ =	shalt  }
0x69: {  	_ =	shalt  }
0x6a: {  	_ =	shalt  }
0x6b: {  	_ =	shalt  }
0x6c: {  	_ =	shalt  }
0x6d: {  	_ =	shalt  }
0x6e: {  	_ =	shalt  }
0x6f: {  	_ =	shalt  }
0x70: {  	_ =	shalt  }
0x71: {  	_ =	shalt  }
0x72: {  	_ =	shalt  }
0x73: {  	_ =	shalt  }
0x74: {  	_ =	shalt  }
0x75: {  	_ =	shalt  }
0x76: {  	_ =	shalt  }
0x77: {  	_ =	shalt  }
0x78: {  	_ =	shalt  }
0x79: {  	_ =	shalt  }
0x7a: {  	_ =	shalt  }
0x7b: {  	_ =	shalt  }
0x7c: {  	_ =	shalt  }
0x7d: {  	_ =	shalt  }
0x7e: {  	_ =	shalt  }
0x7f: {  	_ =	shalt  }
0x80: {  	_ =	shalt  }
0x81: {  	_ =	shalt  }
0x82: {  	_ =	shalt  }
0x83: {  	_ =	shalt  }
0x84: {  	_ =	shalt  }
0x85: {  	_ =	shalt  }
0x86: {  	_ =	shalt  }
0x87: {  	_ =	shalt  }
.Lfunc_end0:
.L_simem_size_0:
called_computation.7_lowered:
.L_overlay_start_0:
0x88: {  	s2 =	sld [smem:$0x3FD9]  }
0x89: {  	s3 =	sld [smem:$0x3FFE];
	_ =	sdelay $0x1  }
0x8a: {  	s1 =	srdreg.scid  }
0x8b: {  	s0 =	sand.u32 $0x1, s1  }
0x8c: {  	s16 =	sshll.u32 s0, $0xA;
	s2 =	sadd.s32 s3, s2  }
0x8d: {  	s2 =	sadd.s32 s2, s16  }
0x8e: {  	[smem:$0x3F97] =	sst s2  }
0x8f: {  	_ = 	snop  }
0x90: {  	(tm) =	ssettm $0x1  }
0x91: {  	s17 =	sld [smem:$0x3FFB];
	_ =	sdelay $0x3  }
0x92: {  	_ =	strace s17  }
0x93: {  	s2 =	sld [smem:$0x3FFC];
	_ =	sdelay $0x3  }
0x94: {  	_ =	strace s2  }
0x95: {  	s2 =	sld [smem:$0x3FFD];
	_ =	sdelay $0x3  }
0x96: {  	_ =	strace s2  }
0x97: {  	_ =	strace $0x8FFFFFFF  }
0x98: {  	s18 =	sld [smem:$0x3FDB];
	_ =	sdelay $0x1  }
0x99: {  	s19 =	simm.s32 $_scs_section_size  }
0x9a: {  	s4 =	simm.s32 $_size__tile_overlayer_lowered;
	s5 =	simm.s32 $_tile_overlayer_lowered  }
0x9b: {  	s22 =	simm.s32 $0x1BFF;
	s21 =	sshll.u32 s5, $0x1;
	s2 =	sadd.s32 s19, s18  }
0x9c: {  	s6 =	simm.s32 $0x0;
	s20 =	sshll.u32 s4, $0x1;
	s4 =	sadd.s32 s21, s2  }
0x9d: {  	[timem:s6], [sflag:s22] =	dma.local [hbm:s4], s20  }
0x9e: {  	_ =	swait.ge [sflag:s22], s20  }
0x9f: {  	s3 =	ssub.s32 $0x0, s20;
	[sflag:s22] =	ssyncset.done $0x0  }
0xa0: {  	[sflag:s22] =	ssyncadd.s32 s3;
	_ =	sdelay $0x1  }
0xa1: {  	s23 =	simm.s32 $0x1B8B  }
0xa2: {  	_ =	swait.ge [sflag:s23], $0x1  }
0xa3: {  	[sflag:s23] =	ssyncset.done $0x0  }
0xa4: {  	s25 =	simm.s32 $0x1B8E;
	s24 =	sld [smem:$0x3FFE];
	[sflag:s23] =	ssyncadd.s32 $0xFFFFFFFF  }
0xa5: {  	s26 =	simm.s32 $execute0_lowered;
	[smem:$0x3FD2] =	sst s25  }
0xa6: {  	s4 =	sshll.u32 s26, $0x1;
	_ =	strace $0x80000058;
	[dreg:$0x1] =	wrdreg $0xFFFFFFFF  }
0xa7: {  	s28 =	simm.s32 $_size_execute0_lowered;
	s2 =	sadd.s32 s2, s4;
	[dreg:$0x0] =	wrdreg $0x0  }
0xa8: {  	s4 =	sshll.u32 s28, $0x1;
	[dreg:$0x2] =	wrdreg s2  }
0xa9: {  	[dreg:$0x3] =	wrdreg s4  }
0xaa: {  	[dreg:$0x4] =	wrdreg $0xC0  }
0xab: {  	_ =	task [dreg:s6], $0x5FFFF  }
0xac: {  	[dreg:$0x1] =	wrdreg $0xFFFFFFFF  }
0xad: {  	[dreg:$0x0] =	wrdreg $0x60  }
0xae: {  	[dreg:$0x2] =	wrdreg s24  }
0xaf: {  	[dreg:$0x3] =	wrdreg $0xA  }
0xb0: {  	_ =	task.clear_ibuf [dreg:s6], $0x4FFFF;
	_ =	strace $0x90000058  }
0xb1: {  	s29 =	simm.s32 $0xA;
	_ =	strace $0x8000005A  }
0xb2: {  	_ =	swait.ge [sflag:s29], $0x1  }
0xb3: {  	[sflag:s29] =	ssyncadd.s32 $0xFFFFFFFF  }
0xb4: {  	_ =	strace $0x9000005A  }
0xb5: {  	_ =	sfence  }
0xb6: {  	s30 =	sld [smem:$0x0];
	_ =	sdelay $0x2  }
0xb7: {  	s31 =	sshll.u32 s1, $0xD;
	s1 =	sshrl.u32 s1, $0x2  }
0xb8: {  	s3 =	sand.u32 $0x4000, s31;
	s1 =	sadd.s32 s1, s30  }
0xb9: {  	s0 =	sor.u32 s3, s0;
	s1 =	sshll.u32 s1, $0x11  }
0xba: {  	s0 =	sor.u32 s1, s0  }
0xbb: {  	s0 =	sadd.s32 $0x8F2B, s0  }
0xbc: {  	[sflag:s0] =	ssyncadd.remote.s32 $0x1  }
0xbd: {  	_ =	sfence.sel $0xFFFF  }
0xbe: {  	[dreg:$0x0] =	wrdreg $0xFFFFFFFF;
	(pc) =	sbr.abs _section_cstart, $3  }
0xbf: {  	[dreg:$0x1] =	wrdreg $0xFFFFFFFF  }
0xc0: {  	_ =	task.clear_ibuf [dreg:s6], $0x2FFFF;
	_ =	strace $0x9FFFFFFF  }
0xc1: {  	(tm) =	ssettm $0x7FFFFFFF  }
tec
execute0_lowered:
.L_overlay_start_1:
0x0: {  	(tag) =	ssettag $0x1  }
0x1: {  	s4 =	rddreg [dreg:$0x0]  }
0x2: {  	s0 =	rddreg [dreg:$0x1]  }
0x3: {  	s3 =	srdreg.scid;
	s1 =	stileid.u32;
	s2 =	simm.s32 $0x0  }
0x4: {  	s13 =	simm.s32 $0x5400;
	s14 =	simm.s32 $0x1;
	s15 =	simm.s32 $0x2  }
0x5: {  	s16 =	simm.s32 $0x1380;
	s17 =	simm.s32 $0x0;
	s9 =	smul.u32 $0x50, s1  }
0x6: {  	s7 =	sand.u32 $0x1, s3;
	s24 =	sshll.u32 s1, $0x1;
	s29 =	smul.u32 $0x28000, s1  }
0x7: {  	[smem:$0x7FF] =	sst s2;
	s3 =	sadd.s32 $0x13E00, s4;
	s11 =	smul.u32 $0x28, s7  }
0x8: {  	s12 =	sadd.s32 $0x63E00, s4;
	s5 =	sor.u32 s7, s24;
	s30 =	smul.u32 $0x14000, s7  }
0x9: {  	_ =	strace $0x80000059;
	s8 =	ssub.s32 $0x2, s7;
	s6 =	smul.u32 $0x280, s5  }
0xa: {  	s10 =	sshrl.u32 s8, $0x1;
	s25 =	smul.u32 $0x14000, s5;
	s31 =	sadd.s32 s29, s12  }
0xb: {  	s8 =	ssub.s32 s8, s10;
	s26 =	sadd.s32 s11, s9;
	s10 =	simm.s32 $0x3  }
0xc: {  	s11 =	simm.s32 $0x1400;
	s6 =	sadd.s32 s6, s4;
	s5 =	smax.u32 s8, $0x1  }
0xd: {  	s28 =	sadd.s32 s12, s25;
	s9 =	sshll.u32 s26, $0xB;
	s4 =	sadd.s32 $0x9E00, s6  }
0xe: {  	s6 =	sadd.s32 $0x13000, s28;
	s9 =	sadd.s32 s9, s12;
	s7 =	sadd.s32 $0x13800, s28  }
0xf: {  	s12 =	simm.s32 $0x80;
	s8 =	sadd.s32 $0x800, s9;
	s9 =	sadd.s32 s30, s31  }
.LBB2_1:
0x10: {  	[tilespmem:s2], [sflag:$0x3] =	stream.linear.gather [hbm4b:s4+s2], $0x1400, $0x38;
	[tilespmem:$0x9400] =	vst v63  }
0x11: {  	_ =	swait.ge [sflag:s10], $0x1400  }
0x12: {  	[sflag:s10] =	ssyncset.done $0x0  }
0x13: {  	[sflag:s10] =	ssyncadd.s32 $0xFFFFEC00  }
0x14: {  	[tilespmem:s11], [sflag:$0x1] =	stream.indirect.gather [hbm4b:s3+s12], $0x80, s2, s12, $0xb8;
	[tilespmem:$0x9400] =	vst v63  }
0x15: {  	_ = 	snop  }
0x16: {  	[tilespmem:s13], [sflag:$0x2] =	stream.indirect.gather [hbm4b:s3+s12], $0x80, s12, s12, $0xb8;
	[tilespmem:$0x9400] =	vst v63  }
0x17: {  	_ =	swait.ge [sflag:s14], $0x4000  }
0x18: {  	[sflag:s14] =	ssyncset.done $0x0  }
0x19: {  	s18 =	sadd.s32 $0x0, s9;
	[sflag:s14] =	ssyncadd.s32 $0xFFFFC000  }
0x1a: {  	[hbm4b:s18+s2] =	stream.linear.scatter [tilespmem:s11], [sflag:$0x3], $0x4000, $0x38;
	[tilespmem:$0x9400] =	vst v63  }
0x1b: {  	_ =	swait.ge [sflag:s10], $0x4000  }
0x1c: {  	[sflag:s10] =	ssyncset.done $0x0  }
0x1d: {  	s30 =	simm.s32 $0x100;
	[sflag:s10] =	ssyncadd.s32 $0xFFFFC000  }
0x1e: {  	[tilespmem:s11], [sflag:$0x1] =	stream.indirect.gather [hbm4b:s3+s12], $0x80, s30, s12, $0xb8;
	[tilespmem:$0x9400] =	vst v63  }
0x1f: {  	_ =	swait.ge [sflag:s15], $0x4000  }
0x20: {  	[sflag:s15] =	ssyncset.done $0x0  }
0x21: {  	s31 =	sadd.s32 $0x0, s8;
	[sflag:s15] =	ssyncadd.s32 $0xFFFFC000  }
0x22: {  	[hbm4b:s31+s2] =	stream.linear.scatter [tilespmem:s13], [sflag:$0x3], $0x4000, $0x38;
	[tilespmem:$0x9400] =	vst v63  }
0x23: {  	_ =	swait.ge [sflag:s10], $0x4000  }
0x24: {  	s19 =	simm.s32 $0x80;
	s18 =	simm.s32 $0x1000;
	[sflag:s10] =	ssyncset.done $0x0  }
.LBB2_2:
0x25: {  	p0 =	sne.s32 s18, $0x12000;
	[sflag:s10] =	ssyncadd.s32 $0xFFFFC000;
	s19 =	sadd.s32 $0x100, s19  }
0x26: {  	[tilespmem:s13], [sflag:$0x2] =	stream.indirect.gather [hbm4b:s3+s12], $0x80, s19, s12, $0xb8;
	[tilespmem:$0x9400] =	vst v63  }
0x27: {  	s20 =	smov.u32 s18;
	s18 =	sadd.s32 $0x1000, s18;
	_ =	swait.ge [sflag:s14], $0x4000  }
0x28: {  	[sflag:s14] =	ssyncset.done $0x0  }
0x29: {  	s21 =	sadd.s32 s20, s9;
	[sflag:s14] =	ssyncadd.s32 $0xFFFFC000  }
0x2a: {  	[hbm4b:s21+s2] =	stream.linear.scatter [tilespmem:s11], [sflag:$0x3], $0x4000, $0x38;
	[tilespmem:$0x9400] =	vst v63  }
0x2b: {  	_ =	swait.ge [sflag:s10], $0x4000  }
0x2c: {  	[sflag:s10] =	ssyncset.done $0x0  }
0x2d: {  	s21 =	sadd.s32 $0x80, s19;
	[sflag:s10] =	ssyncadd.s32 $0xFFFFC000  }
0x2e: {  	[tilespmem:s11], [sflag:$0x1] =	stream.indirect.gather [hbm4b:s3+s12], $0x80, s21, s12, $0xb8;
	[tilespmem:$0x9400] =	vst v63  }
0x2f: {  	_ =	swait.ge [sflag:s15], $0x4000  }
.Ltmp0:
0x30: {  	[sflag:s15] =	ssyncset.done $0x0;
	(pc) =	sbr.rel @p0 .LBB2_2-.Ltmp0, $4  }
0x31: {  	s20 =	sadd.s32 s20, s8;
	[sflag:s15] =	ssyncadd.s32 $0xFFFFC000  }
0x32: {  	[hbm4b:s20+s2] =	stream.linear.scatter [tilespmem:s13], [sflag:$0x3], $0x4000, $0x38;
	[tilespmem:$0x9400] =	vst v63  }
0x33: {  	_ =	swait.ge [sflag:s10], $0x4000  }
0x34: {  	[sflag:s10] =	ssyncset.done $0x0  }
0x35: {  	[sflag:s10] =	ssyncadd.s32 $0xFFFFC000  }
0x36: {  	[tilespmem:s13], [sflag:$0x2] =	stream.indirect.gather [hbm4b:s3+s12], $0x80, s16, s12, $0xb8;
	[tilespmem:$0x9400] =	vst v63  }
0x37: {  	_ =	swait.ge [sflag:s14], $0x4000  }
0x38: {  	[sflag:s14] =	ssyncset.done $0x0  }
0x39: {  	[sflag:s14] =	ssyncadd.s32 $0xFFFFC000  }
0x3a: {  	[hbm4b:s6+s2] =	stream.linear.scatter [tilespmem:s11], [sflag:$0x3], $0x4000, $0x38;
	[tilespmem:$0x9400] =	vst v63  }
0x3b: {  	_ =	swait.ge [sflag:s10], $0x4000  }
0x3c: {  	[sflag:s10] =	ssyncset.done $0x0  }
0x3d: {  	[sflag:s10] =	ssyncadd.s32 $0xFFFFC000  }
0x3e: {  	s17 =	sadd.s32 $0x1, s17;
	_ =	swait.ge [sflag:s15], $0x4000  }
0x3f: {  	p0 =	sne.s32 s17, s5;
	[sflag:s15] =	ssyncset.done $0x0  }
.Ltmp1:
0x40: {  	[sflag:s15] =	ssyncadd.s32 $0xFFFFC000;
	(pc) =	sbr.rel @p0 .LBB2_1-.Ltmp1, $4  }
0x41: {  	[hbm4b:s7+s2] =	stream.linear.scatter [tilespmem:s13], [sflag:$0x3], $0x4000, $0x38;
	[tilespmem:$0x9400] =	vst v63  }
0x42: {  	_ =	swait.ge [sflag:s10], $0x4000  }
0x43: {  	[sflag:s10] =	ssyncset.done $0x0  }
0x44: {  	[sflag:s10] =	ssyncadd.s32 $0xFFFFC000  }
0x45: {  	_ =	sfence.sel $0x180000  }
0x46: {  	[bflag:$0x0] =	sbarrier.arrive $0xFFFF  }
0x47: {  	p0 =	sne.s32 s1, $0x0;
	_ =	strace $0x90000059  }
0x48: {  	s0 =	sadd.s32 @!p0 $0x100000, s0;
	[bflag:$0x2] =	sbarrier.arrive $0xFFFF  }
0x49: {  	[sflag:s0] =	ssyncadd.tile.s32 @!p0 $0x1;
	_ =	shalt  }
.Lfunc_end2:
_tile_overlayer_lowered:
.L_overlay_start_2:
0x4a: {  	(tag) =	ssettag $0x2  }
0x4b: {  	s0 =	rddreg [dreg:$0x0];
	s2 =	stileid.u32  }
0x4c: {  	s1 =	rddreg [dreg:$0x1];
	p0 =	sne.s32 s2, $0x0  }
0x4d: {  	s3 =	rddreg [dreg:$0x2];
	[bflag:$0x3] =	sbarrier.arrive $0xFFFF;
	s2 =	simm.s32 @!p0 $0x1C03  }
0x4e: {  	[timem:s3], [sflag:s2] =	dma.local @!p0 [hbm:s0], s1  }
0x4f: {  	s0 =	simm.s32 @!p0 $0x3  }
0x50: {  	_ =	swait.ge @!p0 [sflag:s0], s1  }
0x51: {  	s1 =	ssub.s32 @!p0 $0x0, s1;
	[sflag:s0] =	ssyncset.done @!p0 $0x0  }
0x52: {  	[sflag:s0] =	ssyncadd.s32 @!p0 s1  }
0x53: {  	[bflag:$0x3] =	sbarrier.arrive $0xFFFF  }
0x54: {  	_ =	shalt  }

// kernel: kernel.45.cloned.1.call-start
scs
__scs_entry_jumppad:
0x0: {  	(pc) =	sbr.rel $0x88, $3  }
0x1: {  	(tag) =	ssettag $0x0;
	lr =	simm.s32 $0x1  }
0x2: {  	[smem:$0x3F70] =	sst lr;
	_ =	strace $0xD0000000  }
0x3: {  	_ = 	snop  }
0x4: {  	_ = 	snop  }
0x5: {  	_ = 	snop  }
0x6: {  	_ = 	snop  }
0x7: {  	_ = 	snop  }
__scs_overlays_trampoline_lowered:
0x8: {  	[smem:$0x3F7F] =	sst s0  }
0x9: {  	[smem:$0x3F80] =	sst s1  }
0xa: {  	[smem:$0x3F81] =	sst s2  }
0xb: {  	[smem:$0x3F82] =	sst s3  }
0xc: {  	[smem:$0x3F83] =	sst s4  }
0xd: {  	[smem:$0x3F84] =	sst s5  }
0xe: {  	[smem:$0x3F85] =	sst s6  }
0xf: {  	[smem:$0x3F86] =	sst s7  }
0x10: {  	[smem:$0x3F87] =	sst s8  }
0x11: {  	[smem:$0x3F88] =	sst s9;
	s0 =	simm.s32 @!p0 $0x0  }
0x12: {  	s1 =	sld [smem:$0x3F6E];
	s0 =	simm.s32 @p0 $0x1  }
0x13: {  	[smem:$0x3F89] =	sst s0;
	s0 =	simm.s32 @!p1 $0x0  }
0x14: {  	s2 =	sld [smem:$0x3F6D];
	s0 =	simm.s32 @p1 $0x1  }
0x15: {  	[smem:$0x3F8A] =	sst s0;
	s0 =	simm.s32 @!p2 $0x0  }
0x16: {  	s3 =	sld [smem:$0x3FDB];
	s0 =	simm.s32 @p2 $0x1  }
0x17: {  	s4 =	simm.s32 $0x1BF5;
	[smem:$0x3F8C] =	sst s0  }
0x18: {  	s0 =	sld [smem:$0x3F6F];
	_ =	swait.ge [sflag:s4], $0x0  }
0x19: {  	s7 =	sld [smem:$0x3F70]  }
0x1a: {  	s8 =	sadd.s32 $0xFFFFE003, lr  }
0x1b: {  	s9 =	sadd.s32 $0xFFFFFEF7, lr;
	s5 =	simm.s32 $0xFFFFFFFF;
	p2 =	slt.u32 s8, $0xFFFFF086  }
0x1c: {  	p1 =	slt.u32 s9, $0xF7A;
	s5 =	simm.s32 @!p2 $0x0  }
0x1d: {  	s5 =	simm.s32 @p1 $0x1;
	p0 =	seq.s32 s7, s2  }
0x1e: {  	s7 =	smul.u32 @!p0 $0xF7A, s2;
	p2 =	seq.s32 @!p0 s5, $0x0  }
0x1f: {  	s9 =	smul.u32 $0xF7A, s1;
	s8 =	simm.s32 @!p0 $0x1BF5;
	p2 =	por !p2, p0  }
0x20: {  	[sflag:s8] =	ssyncset.s32 @!p0 $0xFFFFF086;
	s6 =	sadd.s32 @!p0 s3, s7;
	s7 =	simm.s32 @!p0 $0x108  }
0x21: {  	s3 =	sadd.s32 s3, s9;
	s6 =	sadd.s32 @!p0 $0x88, s6;
	s7 =	simm.s32 @p2 $0x1082  }
0x22: {  	[simem:s7], [sflag:s8] =	dma.local @!p0 [hbm:s6], $0xF7A  }
0x23: {  	s9 =	sor.u32 $0xD0000000, s2;
	s6 =	simm.s32 $0x108;
	_ =	swait.ge @!p0 [sflag:s8], $0x0  }
0x24: {  	s3 =	sadd.s32 $0x88, s3;
	s6 =	simm.s32 @!p1 $0x1082;
	[sflag:s4] =	ssyncset.s32 $0xFFFFF086  }
0x25: {  	[simem:s6], [sflag:s4] =	dma.local [hbm:s3], $0xF7A  }
0x26: {  	[smem:$0x3F70] =	sst s1;
	(tag) =	ssettag s2;
	_ =	strace s9  }
0x27: {  	s1 =	sld [smem:$0x3F80]  }
0x28: {  	s2 =	sld [smem:$0x3F81]  }
0x29: {  	s4 =	sld [smem:$0x3F83]  }
0x2a: {  	p0 =	seq.s32 s5, $0x0;
	s5 =	sld [smem:$0x3F84]  }
0x2b: {  	s6 =	sld [smem:$0x3F85]  }
0x2c: {  	s7 =	sld [smem:$0x3F86]  }
0x2d: {  	s3 =	simm.s32 $0x108;
	s8 =	sld [smem:$0x3F87]  }
0x2e: {  	s3 =	simm.s32 @!p0 $0x1082;
	s9 =	sld [smem:$0x3F88]  }
0x2f: {  	lr =	sadd.s32 s0, s3;
	s0 =	sld [smem:$0x3F7F]  }
0x30: {  	s3 =	sld [smem:$0x3F82]  }
0x31: {  	[smem:$0x3F8B] =	sst s10  }
0x32: {  	s10 =	sld [smem:$0x3F89];
	_ =	sdelay $0x3  }
0x33: {  	p0 =	seq.s32 s10, $0x1;
	s10 =	sld [smem:$0x3F8B];
	_ =	sdelay $0x3  }
0x34: {  	[smem:$0x3F8B] =	sst s10  }
0x35: {  	s10 =	sld [smem:$0x3F8A];
	_ =	sdelay $0x3  }
0x36: {  	p1 =	seq.s32 s10, $0x1;
	s10 =	sld [smem:$0x3F8B];
	_ =	sdelay $0x3  }
0x37: {  	[smem:$0x3F8B] =	sst s10  }
0x38: {  	s10 =	sld [smem:$0x3F8C]  }
0x39: {  	_ = 	snop;
	(pc) =	sbr.ind lr, $3  }
0x3a: {  	_ = 	snop  }
0x3b: {  	_ = 	snop  }
0x3c: {  	p2 =	seq.s32 s10, $0x1;
	s10 =	sld [smem:$0x3F8B]  }
0x3d: {  	_ =	shalt  }
0x3e: {  	_ =	shalt  }
0x3f: {  	_ =	shalt  }
0x40: {  	_ =	shalt  }
0x41: {  	_ =	shalt  }
0x42: {  	_ =	shalt  }
0x43: {  	_ =	shalt  }
0x44: {  	_ =	shalt  }
0x45: {  	_ =	shalt  }
0x46: {  	_ =	shalt  }
0x47: {  	_ =	shalt  }
0x48: {  	_ =	shalt  }
0x49: {  	_ =	shalt  }
0x4a: {  	_ =	shalt  }
0x4b: {  	_ =	shalt  }
0x4c: {  	_ =	shalt  }
0x4d: {  	_ =	shalt  }
0x4e: {  	_ =	shalt  }
0x4f: {  	_ =	shalt  }
0x50: {  	_ =	shalt  }
0x51: {  	_ =	shalt  }
0x52: {  	_ =	shalt  }
0x53: {  	_ =	shalt  }
0x54: {  	_ =	shalt  }
0x55: {  	_ =	shalt  }
0x56: {  	_ =	shalt  }
0x57: {  	_ =	shalt  }
0x58: {  	_ =	shalt  }
0x59: {  	_ =	shalt  }
0x5a: {  	_ =	shalt  }
0x5b: {  	_ =	shalt  }
0x5c: {  	_ =	shalt  }
0x5d: {  	_ =	shalt  }
0x5e: {  	_ =	shalt  }
0x5f: {  	_ =	shalt  }
0x60: {  	_ =	shalt  }
0x61: {  	_ =	shalt  }
0x62: {  	_ =	shalt  }
0x63: {  	_ =	shalt  }
0x64: {  	_ =	shalt  }
0x65: {  	_ =	shalt  }
0x66: {  	_ =	shalt  }
0x67: {  	_ =	shalt  }
0x68: {  	_ =	shalt  }
0x69: {  	_ =	shalt  }
0x6a: {  	_ =	shalt  }
0x6b: {  	_ =	shalt  }
0x6c: {  	_ =	shalt  }
0x6d: {  	_ =	shalt  }
0x6e: {  	_ =	shalt  }
0x6f: {  	_ =	shalt  }
0x70: {  	_ =	shalt  }
0x71: {  	_ =	shalt  }
0x72: {  	_ =	shalt  }
0x73: {  	_ =	shalt  }
0x74: {  	_ =	shalt  }
0x75: {  	_ =	shalt  }
0x76: {  	_ =	shalt  }
0x77: {  	_ =	shalt  }
0x78: {  	_ =	shalt  }
0x79: {  	_ =	shalt  }
0x7a: {  	_ =	shalt  }
0x7b: {  	_ =	shalt  }
0x7c: {  	_ =	shalt  }
0x7d: {  	_ =	shalt  }
0x7e: {  	_ =	shalt  }
0x7f: {  	_ =	shalt  }
0x80: {  	_ =	shalt  }
0x81: {  	_ =	shalt  }
0x82: {  	_ =	shalt  }
0x83: {  	_ =	shalt  }
0x84: {  	_ =	shalt  }
0x85: {  	_ =	shalt  }
0x86: {  	_ =	shalt  }
0x87: {  	_ =	shalt  }
.Lfunc_end0:
.L_simem_size_0:
called_computation.8_lowered:
.L_overlay_start_0:
0x88: {  	s2 =	sld [smem:$0x3FD9]  }
0x89: {  	s3 =	sld [smem:$0x3FFE];
	_ =	sdelay $0x1  }
0x8a: {  	s1 =	srdreg.scid  }
0x8b: {  	s0 =	sand.u32 $0x1, s1  }
0x8c: {  	s17 =	sshll.u32 s0, $0xA;
	s2 =	sadd.s32 s3, s2  }
0x8d: {  	s2 =	sadd.s32 s2, s17  }
0x8e: {  	[smem:$0x3F97] =	sst s2  }
0x8f: {  	_ = 	snop  }
0x90: {  	(tm) =	ssettm $0x1  }
0x91: {  	s18 =	sld [smem:$0x3FFB];
	_ =	sdelay $0x3  }
0x92: {  	_ =	strace s18  }
0x93: {  	s2 =	sld [smem:$0x3FFC];
	_ =	sdelay $0x3  }
0x94: {  	_ =	strace s2  }
0x95: {  	s2 =	sld [smem:$0x3FFD];
	_ =	sdelay $0x3  }
0x96: {  	_ =	strace s2  }
0x97: {  	_ =	strace $0x8FFFFFFF  }
0x98: {  	s19 =	sld [smem:$0x3FDB];
	_ =	sdelay $0x1  }
0x99: {  	s20 =	simm.s32 $_scs_section_size  }
0x9a: {  	s4 =	simm.s32 $_size__tile_overlayer_lowered;
	s5 =	simm.s32 $_tile_overlayer_lowered  }
0x9b: {  	s6 =	simm.s32 $0x1BFF;
	s21 =	sshll.u32 s5, $0x1;
	s3 =	sadd.s32 s20, s19  }
0x9c: {  	s22 =	simm.s32 $0x0;
	s4 =	sshll.u32 s4, $0x1;
	s5 =	sadd.s32 s21, s3  }
0x9d: {  	[timem:s22], [sflag:s6] =	dma.local [hbm:s5], s4  }
0x9e: {  	_ =	swait.ge [sflag:s6], s4  }
0x9f: {  	s4 =	ssub.s32 $0x0, s4;
	[sflag:s6] =	ssyncset.done $0x0  }
0xa0: {  	[sflag:s6] =	ssyncadd.s32 s4;
	_ =	sdelay $0x1  }
0xa1: {  	s23 =	simm.s32 $0x1B8B  }
0xa2: {  	_ =	swait.ge [sflag:s23], $0x1  }
0xa3: {  	[sflag:s23] =	ssyncset.done $0x0  }
0xa4: {  	[sflag:s23] =	ssyncadd.s32 $0xFFFFFFFF  }
0xa5: {  	s4 =	sld [smem:$0x0]  }
0xa6: {  	s5 =	sand.u32 $0xFFFFFFFE, s1  }
0xa7: {  	p0 =	sne.s32 s1, s5  }
0xa8: {  	s5 =	sshll.u32 @p0 s5, $0xE  }
0xa9: {  	s5 =	sadd.s32 @p0 $0x11B8D, s5;
	s6 =	sshll.u32 @p0 s4, $0x11  }
0xaa: {  	s5 =	sor.u32 @p0 s6, s5  }
0xab: {  	[sflag:s5] =	ssyncadd.remote.s32 @p0 $0x1;
	_ =	sdelay $0x1  }
0xac: {  	s5 =	simm.s32 @p0 $0x1B8D  }
0xad: {  	_ =	swait.eq @p0 [sflag:s5], $0x1  }
0xae: {  	[sflag:s5] =	ssyncadd.s32 @p0 $0xFFFFFFFF  }
0xaf: {  	s6 =	sshll.u32 @!p0 s1, $0xE  }
0xb0: {  	s6 =	sor.u32 @!p0 $0x4000, s6;
	s5 =	simm.s32 @!p0 $0x1B8D  }
0xb1: {  	s4 =	sshll.u32 @!p0 s4, $0x11;
	s6 =	sadd.s32 @!p0 $0x11B8D, s6;
	_ =	swait.eq @!p0 [sflag:s5], $0x1  }
0xb2: {  	s4 =	sor.u32 @!p0 s4, s6;
	[sflag:s5] =	ssyncadd.s32 @!p0 $0xFFFFFFFF  }
0xb3: {  	s25 =	simm.s32 $0x1B8E;
	s24 =	sld [smem:$0x3FFE];
	[sflag:s4] =	ssyncadd.remote.s32 @!p0 $0x1  }
0xb4: {  	s26 =	simm.s32 $execute0_lowered;
	[smem:$0x3FD2] =	sst s25  }
0xb5: {  	s5 =	sshll.u32 s26, $0x1;
	_ =	strace $0x8000005E;
	[dreg:$0x1] =	wrdreg $0xFFFFFFFF  }
0xb6: {  	s28 =	simm.s32 $_size_execute0_lowered;
	s3 =	sadd.s32 s3, s5;
	[dreg:$0x0] =	wrdreg $0x0  }
0xb7: {  	s5 =	sshll.u32 s28, $0x1;
	[dreg:$0x2] =	wrdreg s3  }
0xb8: {  	[dreg:$0x3] =	wrdreg s5  }
0xb9: {  	[dreg:$0x4] =	wrdreg $0xC0  }
0xba: {  	_ =	task [dreg:s22], $0x5FFFF  }
0xbb: {  	[dreg:$0x1] =	wrdreg $0xFFFFFFFF  }
0xbc: {  	[dreg:$0x0] =	wrdreg $0x60  }
0xbd: {  	[dreg:$0x2] =	wrdreg s24  }
0xbe: {  	[dreg:$0x3] =	wrdreg $0x0  }
0xbf: {  	[dreg:$0x4] =	wrdreg $0xA  }
0xc0: {  	_ =	task.clear_ibuf [dreg:s22], $0x5FFFF;
	_ =	strace $0x9000005E  }
0xc1: {  	s29 =	simm.s32 $0xA;
	_ =	strace $0x80000060  }
0xc2: {  	_ =	swait.ge [sflag:s29], $0x1  }
0xc3: {  	[sflag:s29] =	ssyncadd.s32 $0xFFFFFFFF  }
0xc4: {  	_ =	strace $0x90000060  }
0xc5: {  	_ =	sfence  }
0xc6: {  	s30 =	sld [smem:$0x0];
	_ =	sdelay $0x2  }
0xc7: {  	s31 =	sshll.u32 s1, $0xD;
	s1 =	sshrl.u32 s1, $0x2  }
0xc8: {  	s4 =	sand.u32 $0x4000, s31;
	s1 =	sadd.s32 s1, s30  }
0xc9: {  	s0 =	sor.u32 s4, s0;
	s1 =	sshll.u32 s1, $0x11  }
0xca: {  	s0 =	sor.u32 s1, s0  }
0xcb: {  	s0 =	sadd.s32 $0x8F2B, s0  }
0xcc: {  	[sflag:s0] =	ssyncadd.remote.s32 $0x1  }
0xcd: {  	_ =	sfence.sel $0xFFFF  }
0xce: {  	[dreg:$0x0] =	wrdreg $0xFFFFFFFF;
	(pc) =	sbr.abs _section_cstart, $3  }
0xcf: {  	[dreg:$0x1] =	wrdreg $0xFFFFFFFF  }
0xd0: {  	_ =	task.clear_ibuf [dreg:s22], $0x2FFFF;
	_ =	strace $0x9FFFFFFF  }
0xd1: {  	(tm) =	ssettm $0x7FFFFFFF  }
tec
execute0_lowered:
.L_overlay_start_1:
0x0: {  	(tag) =	ssettag $0x1  }
0x1: {  	s4 =	rddreg [dreg:$0x0];
	s0 =	srdreg.scid  }
0x2: {  	s2 =	rddreg [dreg:$0x1];
	s1 =	stileid.u32  }
0x3: {  	s3 =	simm.s32 $0x0;
	s17 =	simm.s32 $0x15400;
	s18 =	simm.s32 $0x5  }
0x4: {  	s19 =	simm.s32 $0x14000;
	s20 =	simm.s32 $0x1;
	s21 =	simm.s32 $0x19400  }
0x5: {  	s22 =	simm.s32 $0x80;
	s23 =	simm.s32 $0x2;
	s8 =	smul.u32 $0x14000, s1  }
0x6: {  	s24 =	simm.s32 $0x3;
	s25 =	simm.s32 $0x14080;
	s30 =	smul.u32 $0x50000, s1  }
0x7: {  	s28 =	simm.s32 $0x15380;
	s5 =	sand.u32 $0x1, s0;
	s11 =	smul.u32 $0x50, s1  }
0x8: {  	s29 =	simm.s32 $0x0;
	s6 =	sshll.u32 s1, $0x1;
	s7 =	smul.u32 $0x140000, s5  }
0x9: {  	[smem:$0x7FF] =	sst s3;
	s6 =	sor.u32 s5, s6;
	s12 =	smul.u32 $0x28, s5  }
0xa: {  	s14 =	sadd.s32 $0x2E4200, s4;
	s31 =	ssub.s32 $0x2, s5;
	s9 =	smul.u32 $0x280, s6  }
0xb: {  	_ =	strace $0x8000005F;
	s6 =	smul.u32 $0x14000, s6;
	s10 =	sshrl.u32 s31, $0x1  }
0xc: {  	s7 =	sadd.s32 s8, s7;
	s10 =	ssub.s32 s31, s10;
	s12 =	sadd.s32 s12, s11  }
0xd: {  	s26 =	sadd.s32 s9, s4;
	s7 =	sshrl.u32 s7, $0x3;
	s9 =	sshrl.u32 s30, $0x2  }
0xe: {  	s6 =	sadd.s32 s14, s6;
	s8 =	smax.u32 s10, $0x1;
	s15 =	sshll.u32 s12, $0xB  }
.Ltmp0:
0xf: {  	s7 =	sadd.s32 s7, s4;
	s4 =	sadd.s32 s9, s2;
	(pc) =	sbr.rel .LBB2_1-.Ltmp0, $4  }
0x10: {  	s5 =	sadd.s32 $0xEE00, s26;
	s13 =	sadd.s32 $0x800, s6;
	s16 =	sadd.s32 s15, s14  }
0x11: {  	s14 =	sadd.s32 $0x1000, s6;
	s26 =	simm.s32 $0x4;
	s7 =	sadd.s32 $0x63E00, s7  }
0x12: {  	s9 =	sadd.s32 $0x4000, s4;
	s10 =	sadd.s32 $0x8000, s4;
	s11 =	sadd.s32 $0xC000, s4  }
0x13: {  	v0 =	vimm.f32 $0.0e+00;
	s12 =	sadd.s32 $0x10000, s4;
	s15 =	sadd.s32 $0x2000, s16;
	s16 =	sadd.s32 $0x1800, s16  }
.LBB2_6:
0x14: {  	[spmem:s2] =	stream.indirect.scatter.add.f32 [tilespmem:s21], [sflag:$0x4], $0x80, s28, s22, $0xb8;
	[tilespmem:$0x1D400] =	vst v63  }
0x15: {  	_ =	swait.ge [sflag:s26], $0x4000  }
0x16: {  	s0 =	sshll.u32 s1, $0x6;
	s29 =	sadd.s32 $0x1, s29;
	[sflag:s26] =	ssyncset.done $0x0  }
0x17: {  	s30 =	sshrl.u32 s4, $0x3;
	p0 =	sne.s32 s29, s8;
	[sflag:s26] =	ssyncadd.s32 $0xFFFFC000  }
.Ltmp1:
0x18: {  	s0 =	sor.u32 $0x1C05, s0;
	[bflag:$0x0] =	sbarrier.arrive $0xFFFF;
	(pc) =	sbr.rel @!p0 .LBB2_7-.Ltmp1, $4  }
0x19: {  	[hbm:s7], [sflag:s0] =	dma.local [spmem:s30], $0x2800  }
0x1a: {  	_ =	swait.ge [sflag:s18], $0x2800  }
0x1b: {  	[sflag:s18] =	ssyncset.done $0x0  }
0x1c: {  	[sflag:s18] =	ssyncadd.s32 $0xFFFFD800  }
.LBB2_1:
0x1d: {  	s30 =	simm.s32 $0x0;
	s31 =	simm.s32 $0x200  }
.LBB2_2:
0x1e: {  	p0 =	sne.s32 s31, $0xFE00;
	[tilespmem:s30+$0x15470] =	vst v0  }
0x1f: {  	[tilespmem:s30+$0x15400] =	vst v0  }
0x20: {  	[tilespmem:s30+$0x15410] =	vst v0  }
.Ltmp2:
0x21: {  	[tilespmem:s30+$0x15420] =	vst v0;
	(pc) =	sbr.rel @p0 .LBB2_2-.Ltmp2, $4  }
0x22: {  	[tilespmem:s30+$0x15430] =	vst v0  }
0x23: {  	[tilespmem:s30+$0x15440] =	vst v0  }
0x24: {  	[tilespmem:s30+$0x15450] =	vst v0  }
0x25: {  	[tilespmem:s30+$0x15460] =	vst v0;
	s30 =	sshra.s32 s31, $0x2;
	s31 =	sadd.s32 $0x200, s31  }
0x26: {  	[tilespmem:s30+$0x15470] =	vst v0  }
0x27: {  	[tilespmem:s30+$0x15400] =	vst v0  }
0x28: {  	[tilespmem:s30+$0x15410] =	vst v0  }
0x29: {  	[tilespmem:s30+$0x15420] =	vst v0  }
0x2a: {  	[tilespmem:s30+$0x15430] =	vst v0  }
0x2b: {  	[tilespmem:s30+$0x15440] =	vst v0  }
0x2c: {  	[tilespmem:s30+$0x15450] =	vst v0  }
0x2d: {  	[tilespmem:s30+$0x15460] =	vst v0  }
0x2e: {  	[spmem:s4] =	stream.linear.scatter [tilespmem:s17], [sflag:$0x5], $0x4000, $0x38;
	[tilespmem:$0x1D400] =	vst v63  }
0x2f: {  	_ =	swait.ge [sflag:s18], $0x4000  }
0x30: {  	[sflag:s18] =	ssyncset.done $0x0  }
0x31: {  	[sflag:s18] =	ssyncadd.s32 $0xFFFFC000  }
0x32: {  	[spmem:s9] =	stream.linear.scatter [tilespmem:s17], [sflag:$0x5], $0x4000, $0x38;
	[tilespmem:$0x1D400] =	vst v63  }
0x33: {  	_ =	swait.ge [sflag:s18], $0x4000  }
0x34: {  	[sflag:s18] =	ssyncset.done $0x0  }
0x35: {  	[sflag:s18] =	ssyncadd.s32 $0xFFFFC000  }
0x36: {  	[spmem:s10] =	stream.linear.scatter [tilespmem:s17], [sflag:$0x5], $0x4000, $0x38;
	[tilespmem:$0x1D400] =	vst v63  }
0x37: {  	_ =	swait.ge [sflag:s18], $0x4000  }
0x38: {  	[sflag:s18] =	ssyncset.done $0x0  }
0x39: {  	[sflag:s18] =	ssyncadd.s32 $0xFFFFC000  }
0x3a: {  	[spmem:s11] =	stream.linear.scatter [tilespmem:s17], [sflag:$0x5], $0x4000, $0x38;
	[tilespmem:$0x1D400] =	vst v63  }
0x3b: {  	_ =	swait.ge [sflag:s18], $0x4000  }
0x3c: {  	[sflag:s18] =	ssyncset.done $0x0  }
0x3d: {  	[sflag:s18] =	ssyncadd.s32 $0xFFFFC000  }
0x3e: {  	[spmem:s12] =	stream.linear.scatter [tilespmem:s17], [sflag:$0x5], $0x4000, $0x38;
	[tilespmem:$0x1D400] =	vst v63  }
0x3f: {  	_ =	swait.ge [sflag:s18], $0x4000  }
0x40: {  	[sflag:s18] =	ssyncset.done $0x0  }
0x41: {  	s30 =	simm.s32 $0x0;
	[sflag:s18] =	ssyncadd.s32 $0xFFFFC000  }
0x42: {  	[tilespmem:s19], [sflag:$0x5] =	stream.linear.gather [hbm4b:s5+s30], $0x1400, $0x38;
	[tilespmem:$0x1D400] =	vst v63  }
0x43: {  	_ =	swait.ge [sflag:s18], $0x1400  }
0x44: {  	[sflag:s18] =	ssyncset.done $0x0  }
0x45: {  	[sflag:s18] =	ssyncadd.s32 $0xFFFFEC00  }
0x46: {  	[bflag:$0x0] =	sbarrier.arrive $0xFFFF  }
0x47: {  	[tilespmem:s17], [sflag:$0x1] =	stream.linear.gather [hbm4b:s6+s30], $0x4000, $0x38;
	[tilespmem:$0x1D400] =	vst v63  }
0x48: {  	_ =	swait.ge [sflag:s20], $0x4000  }
0x49: {  	[sflag:s20] =	ssyncset.done $0x0  }
0x4a: {  	[sflag:s20] =	ssyncadd.s32 $0xFFFFC000  }
0x4b: {  	[tilespmem:s21], [sflag:$0x2] =	stream.linear.gather [hbm4b:s13+s30], $0x4000, $0x38;
	[tilespmem:$0x1D400] =	vst v63  }
0x4c: {  	_ = 	snop  }
0x4d: {  	[spmem:s2] =	stream.indirect.scatter.add.f32 [tilespmem:s17], [sflag:$0x3], $0x80, s19, s22, $0xb8;
	[tilespmem:$0x1D400] =	vst v63  }
0x4e: {  	_ =	swait.ge [sflag:s23], $0x4000  }
0x4f: {  	[sflag:s23] =	ssyncset.done $0x0  }
0x50: {  	[sflag:s23] =	ssyncadd.s32 $0xFFFFC000  }
0x51: {  	_ =	swait.ge [sflag:s24], $0x4000  }
0x52: {  	[sflag:s24] =	ssyncset.done $0x0  }
0x53: {  	[sflag:s24] =	ssyncadd.s32 $0xFFFFC000  }
0x54: {  	[tilespmem:s17], [sflag:$0x1] =	stream.linear.gather [hbm4b:s14+s30], $0x4000, $0x38;
	[tilespmem:$0x1D400] =	vst v63  }
0x55: {  	s31 =	simm.s32 $0x14100  }
0x56: {  	[spmem:s2] =	stream.indirect.scatter.add.f32 [tilespmem:s21], [sflag:$0x4], $0x80, s25, s22, $0xb8;
	[tilespmem:$0x1D400] =	vst v63  }
.LBB2_4:
0x57: {  	_ =	swait.ge [sflag:s20], $0x4000  }
0x58: {  	[sflag:s20] =	ssyncset.done $0x0  }
0x59: {  	[sflag:s20] =	ssyncadd.s32 $0xFFFFC000  }
0x5a: {  	_ =	swait.ge [sflag:s26], $0x4000  }
0x5b: {  	[sflag:s26] =	ssyncset.done $0x0  }
0x5c: {  	s0 =	sadd.s32 s30, s16;
	[sflag:s26] =	ssyncadd.s32 $0xFFFFC000  }
0x5d: {  	[tilespmem:s21], [sflag:$0x2] =	stream.linear.gather [hbm4b:s0+s3], $0x4000, $0x38;
	[tilespmem:$0x1D400] =	vst v63  }
0x5e: {  	_ = 	snop  }
0x5f: {  	[spmem:s2] =	stream.indirect.scatter.add.f32 [tilespmem:s17], [sflag:$0x3], $0x80, s31, s22, $0xb8;
	[tilespmem:$0x1D400] =	vst v63  }
0x60: {  	p0 =	seq.s32 s30, $0x12000;
	_ =	swait.ge [sflag:s23], $0x4000  }
.Ltmp3:
0x61: {  	[sflag:s23] =	ssyncset.done $0x0;
	(pc) =	sbr.rel @p0 .LBB2_6-.Ltmp3, $4  }
0x62: {  	[sflag:s23] =	ssyncadd.s32 $0xFFFFC000  }
0x63: {  	_ =	swait.ge [sflag:s24], $0x4000  }
0x64: {  	[sflag:s24] =	ssyncset.done $0x0  }
0x65: {  	[sflag:s24] =	ssyncadd.s32 $0xFFFFC000  }
.Ltmp4:
0x66: {  	(pc) =	sbr.rel .LBB2_4-.Ltmp4, $4  }
0x67: {  	s0 =	sadd.s32 s30, s15  }
0x68: {  	[tilespmem:s17], [sflag:$0x1] =	stream.linear.gather [hbm4b:s0+s3], $0x4000, $0x38;
	[tilespmem:$0x1D400] =	vst v63  }
0x69: {  	s30 =	sadd.s32 $0x1000, s30;
	s0 =	sadd.s32 $0x80, s31;
	s31 =	sadd.s32 $0x100, s31  }
0x6a: {  	[spmem:s2] =	stream.indirect.scatter.add.f32 [tilespmem:s21], [sflag:$0x4], $0x80, s0, s22, $0xb8;
	[tilespmem:$0x1D400] =	vst v63  }
.LBB2_7:
0x6b: {  	_ =	sfence.sel $0x180000  }
0x6c: {  	[bflag:$0x0] =	sbarrier.arrive $0xFFFF  }
0x6d: {  	_ =	strace $0x9000005F  }
0x6e: {  	[bflag:$0x2] =	sbarrier.arrive $0xFFFF  }
0x6f: {  	p0 =	sne.s32 s1, $0x0;
	s0 =	rddreg [dreg:$0x2]  }
0x70: {  	s0 =	sadd.s32 @!p0 $0x100000, s0  }
0x71: {  	[sflag:s0] =	ssyncadd.tile.s32 @!p0 $0x1;
	_ =	shalt  }
.Lfunc_end2:
_tile_overlayer_lowered:
.L_overlay_start_2:
0x72: {  	(tag) =	ssettag $0x2  }
0x73: {  	s0 =	rddreg [dreg:$0x0];
	s2 =	stileid.u32  }
0x74: {  	s1 =	rddreg [dreg:$0x1];
	p0 =	sne.s32 s2, $0x0  }
0x75: {  	s3 =	rddreg [dreg:$0x2];
	[bflag:$0x3] =	sbarrier.arrive $0xFFFF;
	s2 =	simm.s32 @!p0 $0x1C05  }
0x76: {  	[timem:s3], [sflag:s2] =	dma.local @!p0 [hbm:s0], s1  }
0x77: {  	s0 =	simm.s32 @!p0 $0x5  }
0x78: {  	_ =	swait.ge @!p0 [sflag:s0], s1  }
0x79: {  	s1 =	ssub.s32 @!p0 $0x0, s1;
	[sflag:s0] =	ssyncset.done @!p0 $0x0  }
0x7a: {  	[sflag:s0] =	ssyncadd.s32 @!p0 s1  }
0x7b: {  	[bflag:$0x3] =	sbarrier.arrive $0xFFFF  }
0x7c: {  	_ =	shalt  }

</sc_bundles>
